<compile_context>
chip_gen: v7x
topology: tpu7x:2x2x1
jax: 0.10.2.dev20260603
libtpu: 0.0.44.dev20260713+nightly
codegen_flags: <defaults>
</compile_context>

<pallas_src>
import jax
import jax.numpy as jnp
from jax import lax
from jax.experimental import pallas as pl
from jax.experimental.pallas import tpu as pltpu
from jax.experimental.pallas import tpu_sc as plsc

_NC = 2
_NS = 16
_NW = _NC * _NS
_L = 16
_BINS = 10

_N = 2_000_000
_BLK = 128
_VPB = _BLK // _L
_NBLK = _N // _BLK
_BPT = _NBLK // _NW
_RBLK = _NBLK - _BPT * _NW
_CHUNK_B = 122
_NCHUNK = _BPT // _CHUNK_B
_CHUNK_S = _CHUNK_B * _BLK


def _sc_body(feat_hbm, lab_hbm, out_hbm,
             lab0_v, lab1_v, feat0_v, feat1_v,
             cnt_t, sf0_t, sf1_t, ssq_t, fold_t,
             rlab_v, rfeat_v, sem0, sem1):
    wid = lax.axis_index("s") * _NC + lax.axis_index("c")

    iota = lax.iota(jnp.int32, _L)
    ones_i = jnp.ones((_L,), jnp.int32)
    ones_f = jnp.ones((_L,), jnp.float32)
    zeros_f = jnp.zeros((_L,), jnp.float32)

    for i in range(_BINS * _VPB):
        cnt_t[pl.ds(i * _L, _L)] = zeros_f
        sf0_t[pl.ds(i * _L, _L)] = zeros_f
        sf1_t[pl.ds(i * _L, _L)] = zeros_f
        ssq_t[pl.ds(i * _L, _L)] = zeros_f

    labs = (lab0_v, lab1_v)
    feats = (feat0_v, feat1_v)
    sems = (sem0, sem1)

    def vec_body(sbase, p0, rep, lab_ref, feat_ref):
        lab = lab_ref[pl.ds(sbase, _L)]
        li = lab.astype(jnp.int32)
        f0 = feat_ref[pl.ds(p0, _L)]
        f1 = feat_ref[pl.ds(p0 + _BLK, _L)]
        sq = f0 * f0 + f1 * f1
        idx = li * _L + iota + (rep * _BINS * _L)
        plsc.addupdate_scatter(cnt_t, [idx], ones_f)
        plsc.addupdate_scatter(sf0_t, [idx], f0)
        plsc.addupdate_scatter(sf1_t, [idx], f1)
        plsc.addupdate_scatter(ssq_t, [idx], sq)

    tile_base = wid * (_BPT * _BLK)

    def start_chunk(b, ci):
        s0 = pl.multiple_of(tile_base + ci * _CHUNK_S, _BLK)
        return (
            pltpu.async_copy(lab_hbm.at[pl.ds(s0, _CHUNK_S)], labs[b], sems[b]),
            pltpu.async_copy(
                feat_hbm.at[pl.ds(2 * s0, 2 * _CHUNK_S)], feats[b], sems[b]),
        )

    def block_loop(lab_ref, feat_ref, nblk):
        @plsc.parallel_loop(0, nblk, carry=jnp.int32(0))
        def blk(q, c):
            qb = pl.multiple_of(q * _BLK, _BLK)
            q2 = pl.multiple_of(q * (2 * _BLK), 2 * _BLK)
            for r in range(_VPB):
                vec_body(qb + r * _L, q2 + r * _L, r, lab_ref, feat_ref)
            return c

    pending = start_chunk(0, 0)
    for ci in range(_NCHUNK):
        b = ci % 2
        for d in pending:
            d.wait()
        if ci + 1 < _NCHUNK:
            pending = start_chunk(1 - b, ci + 1)
        block_loop(labs[b], feats[b], _CHUNK_B)

    @pl.when(wid < _RBLK)
    def _():
        r0 = pl.multiple_of((_BPT * _NW + wid) * _BLK, _BLK)
        pltpu.sync_copy(lab_hbm.at[pl.ds(r0, _BLK)], rlab_v)
        pltpu.sync_copy(feat_hbm.at[pl.ds(2 * r0, 2 * _BLK)], rfeat_v)
        for r in range(_VPB):
            vec_body(r * _L, r * _L, r, rlab_v, rfeat_v)

    for t, tab in enumerate((cnt_t, sf0_t, sf1_t, ssq_t)):
        for i in range(_BINS):
            acc = tab[pl.ds(i * _L, _L)]
            for rep in range(1, _VPB):
                acc = acc + tab[pl.ds(rep * _BINS * _L + i * _L, _L)]
            fold_t[pl.ds(t * _BINS * _L + i * _L, _L)] = acc
    pltpu.sync_copy(fold_t, out_hbm.at[wid])


@jax.jit
def _centerloss(feature, label, lambdas, center):
    feat_flat = feature.reshape(_NBLK, _BLK, 2).transpose(0, 2, 1).reshape(-1)
    mesh = plsc.VectorSubcoreMesh(core_axis_name="c", subcore_axis_name="s")
    part = pl.kernel(
        _sc_body,
        out_type=jax.ShapeDtypeStruct((_NW, 4 * _BINS * _L), jnp.float32),
        mesh=mesh,
        scratch_types=[
            pltpu.VMEM((_CHUNK_S,), jnp.float32),
            pltpu.VMEM((_CHUNK_S,), jnp.float32),
            pltpu.VMEM((2 * _CHUNK_S,), jnp.float32),
            pltpu.VMEM((2 * _CHUNK_S,), jnp.float32),
            pltpu.VMEM((_VPB * _BINS * _L,), jnp.float32),
            pltpu.VMEM((_VPB * _BINS * _L,), jnp.float32),
            pltpu.VMEM((_VPB * _BINS * _L,), jnp.float32),
            pltpu.VMEM((_VPB * _BINS * _L,), jnp.float32),
            pltpu.VMEM((4 * _BINS * _L,), jnp.float32),
            pltpu.VMEM((_BLK,), jnp.float32),
            pltpu.VMEM((2 * _BLK,), jnp.float32),
            pltpu.SemaphoreType.DMA,
            pltpu.SemaphoreType.DMA,
        ],
        compiler_params=pltpu.CompilerParams(needs_layout_passes=False),
    )(feat_flat, label)

    sub = part.reshape(_NW, 4, _BINS, _L).sum(axis=(0, 3))
    cnt, sf0, sf1, ssq = sub[0], sub[1], sub[2], sub[3]
    c0 = center[:, 0]
    c1 = center[:, 1]
    s_c = ssq - 2.0 * (c0 * sf0 + c1 * sf1) + cnt * (c0 * c0 + c1 * c1)
    per_class = jnp.where(cnt > 0, s_c / cnt, jnp.float32(0))
    return lambdas * 0.5 * jnp.sum(per_class) / jnp.float32(_N)


def kernel(feature, label, lambdas, center):
    return _centerloss(feature, label, lambdas, center)

# --- scband reference (transcript-rebuilt; emitter-appended) ---
"""Pipeline reference for scband-centerloss-net-9242769621384 (READ-ONLY COPY).

The authoritative reference and input builder live on the scoring server;
editing this copy changes nothing except your own understanding.
"""

import jax, jax.numpy as jnp
import numpy as np


def setup_inputs(seed: int = 0) -> dict:
    key = jax.random.key(seed)
    k1, k2, k3 = jax.random.split(key, 3)
    N = 2000000
    feature = jax.random.normal(k1, (N, 2), dtype=jnp.float32)
    label = jax.random.randint(k2, (N,), 0, 10).astype(jnp.float32)
    lambdas = jnp.array(1.0, dtype=jnp.float32)
    center = jax.random.normal(k3, (10, 2), dtype=jnp.float32)
    return {"feature": feature, "label": label, "lambdas": lambdas, "center": center}


def reference(feature, label, lambdas, center):
    label_int = label.astype(jnp.int32)
    # center.index_select(0, label)
    center_exp = jnp.take(center, label_int, axis=0)
    # torch.histc(label, bins=max(label)+1, min=0, max=max(label)) for integer-valued
    # float labels is equivalent to a bincount over [0, max].
    bins = center.shape[0]
    count = jnp.bincount(label_int, length=bins).astype(feature.dtype)
    count_exp = jnp.take(count, label_int, axis=0)
    sq = jnp.sum(jnp.power(feature - center_exp, 2), axis=1)
    center_loss = lambdas / 2 * jnp.mean(jnp.divide(sq, count_exp))
    return center_loss

if __name__ == "__main__":
    import jax
    _d = setup_inputs()
    print(jax.jit(kernel)(*tuple(_d.values())))

</pallas_src>

<mosaic_0001>
#map = affine_map<(d0, d1) -> (0)>
#map1 = affine_map<(d0, d1) -> (0, 0)>
module attributes {stable_mosaic.version = 14 : i64} {
  func.func @_sc_body(%arg0: i32, %arg1: i32, %arg2: memref<4000000xf32, #tpu.memory_space<hbm>>, %arg3: memref<2000000xf32, #tpu.memory_space<hbm>>, %arg4: memref<32x640xf32, #tpu.memory_space<hbm>>, %arg5: memref<15616xf32, #tpu.memory_space<vmem>>, %arg6: memref<15616xf32, #tpu.memory_space<vmem>>, %arg7: memref<31232xf32, #tpu.memory_space<vmem>>, %arg8: memref<31232xf32, #tpu.memory_space<vmem>>, %arg9: memref<1280xf32, #tpu.memory_space<vmem>>, %arg10: memref<1280xf32, #tpu.memory_space<vmem>>, %arg11: memref<1280xf32, #tpu.memory_space<vmem>>, %arg12: memref<1280xf32, #tpu.memory_space<vmem>>, %arg13: memref<640xf32, #tpu.memory_space<vmem>>, %arg14: memref<128xf32, #tpu.memory_space<vmem>>, %arg15: memref<256xf32, #tpu.memory_space<vmem>>, %arg16: memref<!tpu.dma_semaphore, #tpu.memory_space<semaphore_mem>>, %arg17: memref<!tpu.dma_semaphore, #tpu.memory_space<semaphore_mem>>) attributes {dimension_semantics = [#tpu.dimension_semantics<core_parallel>, #tpu.dimension_semantics<subcore_parallel>], iteration_bounds = array<i64: 2, 16>, scalar_prefetch = 0 : i64, scratch_operands = 13 : i64, tpu.core_type = #tpu.core_type<sc_vector_subcore>, window_params = [{transform_indices = #map}, {transform_indices = #map}, {transform_indices = #map1}]} {
    %mul3A = arith.constant 2 : i32
    %mul3A_0 = arith.muli %arg1, %mul3A : i32
    %add3A = arith.addi %mul3A_0, %arg0 : i32
    %iota3A = tpu.iota {dimensions = array<i32: 0>} : vector<16xi32>
    %broadcast_in_dim3A = arith.constant 1 : i32
    %broadcast_in_dim3A_1 = vector.broadcast %broadcast_in_dim3A : i32 to vector<16xi32>
    %broadcast_in_dim3A_2 = arith.constant 1.000000e+00 : f32
    %broadcast_in_dim3A_3 = vector.broadcast %broadcast_in_dim3A_2 : f32 to vector<16xf32>
    %broadcast_in_dim3A_4 = arith.constant 0.000000e+00 : f32
    %broadcast_in_dim3A_5 = vector.broadcast %broadcast_in_dim3A_4 : f32 to vector<16xf32>
    %swap3A = arith.constant 0 : index
    %swap3A_6 = tpu.vector_load %arg9[%swap3A] {strides = array<i32>} : memref<1280xf32, #tpu.memory_space<vmem>>, vector<16xf32>,
    tpu.vector_store %arg9[%swap3A], %broadcast_in_dim3A_5 {strides = array<i32>} : memref<1280xf32, #tpu.memory_space<vmem>>, vector<16xf32>,
    %swap3A_7 = arith.constant 0 : index
    %swap3A_8 = tpu.vector_load %arg10[%swap3A_7] {strides = array<i32>} : memref<1280xf32, #tpu.memory_space<vmem>>, vector<16xf32>,
    tpu.vector_store %arg10[%swap3A_7], %broadcast_in_dim3A_5 {strides = array<i32>} : memref<1280xf32, #tpu.memory_space<vmem>>, vector<16xf32>,
    %swap3A_9 = arith.constant 0 : index
    %swap3A_10 = tpu.vector_load %arg11[%swap3A_9] {strides = array<i32>} : memref<1280xf32, #tpu.memory_space<vmem>>, vector<16xf32>,
    tpu.vector_store %arg11[%swap3A_9], %broadcast_in_dim3A_5 {strides = array<i32>} : memref<1280xf32, #tpu.memory_space<vmem>>, vector<16xf32>,
    %swap3A_11 = arith.constant 0 : index
    %swap3A_12 = tpu.vector_load %arg12[%swap3A_11] {strides = array<i32>} : memref<1280xf32, #tpu.memory_space<vmem>>, vector<16xf32>,
    tpu.vector_store %arg12[%swap3A_11], %broadcast_in_dim3A_5 {strides = array<i32>} : memref<1280xf32, #tpu.memory_space<vmem>>, vector<16xf32>,
    %swap3A_13 = arith.constant 16 : index
    %swap3A_14 = tpu.vector_load %arg9[%swap3A_13] {strides = array<i32>} : memref<1280xf32, #tpu.memory_space<vmem>>, vector<16xf32>,
    tpu.vector_store %arg9[%swap3A_13], %broadcast_in_dim3A_5 {strides = array<i32>} : memref<1280xf32, #tpu.memory_space<vmem>>, vector<16xf32>,
    %swap3A_15 = arith.constant 16 : index
    %swap3A_16 = tpu.vector_load %arg10[%swap3A_15] {strides = array<i32>} : memref<1280xf32, #tpu.memory_space<vmem>>, vector<16xf32>,
    tpu.vector_store %arg10[%swap3A_15], %broadcast_in_dim3A_5 {strides = array<i32>} : memref<1280xf32, #tpu.memory_space<vmem>>, vector<16xf32>,
    %swap3A_17 = arith.constant 16 : index
    %swap3A_18 = tpu.vector_load %arg11[%swap3A_17] {strides = array<i32>} : memref<1280xf32, #tpu.memory_space<vmem>>, vector<16xf32>,
    tpu.vector_store %arg11[%swap3A_17], %broadcast_in_dim3A_5 {strides = array<i32>} : memref<1280xf32, #tpu.memory_space<vmem>>, vector<16xf32>,
    %swap3A_19 = arith.constant 16 : index
    %swap3A_20 = tpu.vector_load %arg12[%swap3A_19] {strides = array<i32>} : memref<1280xf32, #tpu.memory_space<vmem>>, vector<16xf32>,
    tpu.vector_store %arg12[%swap3A_19], %broadcast_in_dim3A_5 {strides = array<i32>} : memref<1280xf32, #tpu.memory_space<vmem>>, vector<16xf32>,
    %swap3A_21 = arith.constant 32 : index
    %swap3A_22 = tpu.vector_load %arg9[%swap3A_21] {strides = array<i32>} : memref<1280xf32, #tpu.memory_space<vmem>>, vector<16xf32>,
    tpu.vector_store %arg9[%swap3A_21], %broadcast_in_dim3A_5 {strides = array<i32>} : memref<1280xf32, #tpu.memory_space<vmem>>, vector<16xf32>,
    %swap3A_23 = arith.constant 32 : index
    %swap3A_24 = tpu.vector_load %arg10[%swap3A_23] {strides = array<i32>} : memref<1280xf32, #tpu.memory_space<vmem>>, vector<16xf32>,
    tpu.vector_store %arg10[%swap3A_23], %broadcast_in_dim3A_5 {strides = array<i32>} : memref<1280xf32, #tpu.memory_space<vmem>>, vector<16xf32>,
    %swap3A_25 = arith.constant 32 : index
    %swap3A_26 = tpu.vector_load %arg11[%swap3A_25] {strides = array<i32>} : memref<1280xf32, #tpu.memory_space<vmem>>, vector<16xf32>,
    tpu.vector_store %arg11[%swap3A_25], %broadcast_in_dim3A_5 {strides = array<i32>} : memref<1280xf32, #tpu.memory_space<vmem>>, vector<16xf32>,
    %swap3A_27 = arith.constant 32 : index
    %swap3A_28 = tpu.vector_load %arg12[%swap3A_27] {strides = array<i32>} : memref<1280xf32, #tpu.memory_space<vmem>>, vector<16xf32>,
    tpu.vector_store %arg12[%swap3A_27], %broadcast_in_dim3A_5 {strides = array<i32>} : memref<1280xf32, #tpu.memory_space<vmem>>, vector<16xf32>,
    %swap3A_29 = arith.constant 48 : index
    %swap3A_30 = tpu.vector_load %arg9[%swap3A_29] {strides = array<i32>} : memref<1280xf32, #tpu.memory_space<vmem>>, vector<16xf32>,
    tpu.vector_store %arg9[%swap3A_29], %broadcast_in_dim3A_5 {strides = array<i32>} : memref<1280xf32, #tpu.memory_space<vmem>>, vector<16xf32>,
    %swap3A_31 = arith.constant 48 : index
    %swap3A_32 = tpu.vector_load %arg10[%swap3A_31] {strides = array<i32>} : memref<1280xf32, #tpu.memory_space<vmem>>, vector<16xf32>,
    tpu.vector_store %arg10[%swap3A_31], %broadcast_in_dim3A_5 {strides = array<i32>} : memref<1280xf32, #tpu.memory_space<vmem>>, vector<16xf32>,
    %swap3A_33 = arith.constant 48 : index
    %swap3A_34 = tpu.vector_load %arg11[%swap3A_33] {strides = array<i32>} : memref<1280xf32, #tpu.memory_space<vmem>>, vector<16xf32>,
    tpu.vector_store %arg11[%swap3A_33], %broadcast_in_dim3A_5 {strides = array<i32>} : memref<1280xf32, #tpu.memory_space<vmem>>, vector<16xf32>,
    %swap3A_35 = arith.constant 48 : index
    %swap3A_36 = tpu.vector_load %arg12[%swap3A_35] {strides = array<i32>} : memref<1280xf32, #tpu.memory_space<vmem>>, vector<16xf32>,
    tpu.vector_store %arg12[%swap3A_35], %broadcast_in_dim3A_5 {strides = array<i32>} : memref<1280xf32, #tpu.memory_space<vmem>>, vector<16xf32>,
    %swap3A_37 = arith.constant 64 : index
    %swap3A_38 = tpu.vector_load %arg9[%swap3A_37] {strides = array<i32>} : memref<1280xf32, #tpu.memory_space<vmem>>, vector<16xf32>,
    tpu.vector_store %arg9[%swap3A_37], %broadcast_in_dim3A_5 {strides = array<i32>} : memref<1280xf32, #tpu.memory_space<vmem>>, vector<16xf32>,
    %swap3A_39 = arith.constant 64 : index
    %swap3A_40 = tpu.vector_load %arg10[%swap3A_39] {strides = array<i32>} : memref<1280xf32, #tpu.memory_space<vmem>>, vector<16xf32>,
    tpu.vector_store %arg10[%swap3A_39], %broadcast_in_dim3A_5 {strides = array<i32>} : memref<1280xf32, #tpu.memory_space<vmem>>, vector<16xf32>,
    %swap3A_41 = arith.constant 64 : index
    %swap3A_42 = tpu.vector_load %arg11[%swap3A_41] {strides = array<i32>} : memref<1280xf32, #tpu.memory_space<vmem>>, vector<16xf32>,
    tpu.vector_store %arg11[%swap3A_41], %broadcast_in_dim3A_5 {strides = array<i32>} : memref<1280xf32, #tpu.memory_space<vmem>>, vector<16xf32>,
    %swap3A_43 = arith.constant 64 : index
    %swap3A_44 = tpu.vector_load %arg12[%swap3A_43] {strides = array<i32>} : memref<1280xf32, #tpu.memory_space<vmem>>, vector<16xf32>,
    tpu.vector_store %arg12[%swap3A_43], %broadcast_in_dim3A_5 {strides = array<i32>} : memref<1280xf32, #tpu.memory_space<vmem>>, vector<16xf32>,
    %swap3A_45 = arith.constant 80 : index
    %swap3A_46 = tpu.vector_load %arg9[%swap3A_45] {strides = array<i32>} : memref<1280xf32, #tpu.memory_space<vmem>>, vector<16xf32>,
    tpu.vector_store %arg9[%swap3A_45], %broadcast_in_dim3A_5 {strides = array<i32>} : memref<1280xf32, #tpu.memory_space<vmem>>, vector<16xf32>,
    %swap3A_47 = arith.constant 80 : index
    %swap3A_48 = tpu.vector_load %arg10[%swap3A_47] {strides = array<i32>} : memref<1280xf32, #tpu.memory_space<vmem>>, vector<16xf32>,
    tpu.vector_store %arg10[%swap3A_47], %broadcast_in_dim3A_5 {strides = array<i32>} : memref<1280xf32, #tpu.memory_space<vmem>>, vector<16xf32>,
    %swap3A_49 = arith.constant 80 : index
    %swap3A_50 = tpu.vector_load %arg11[%swap3A_49] {strides = array<i32>} : memref<1280xf32, #tpu.memory_space<vmem>>, vector<16xf32>,
    tpu.vector_store %arg11[%swap3A_49], %broadcast_in_dim3A_5 {strides = array<i32>} : memref<1280xf32, #tpu.memory_space<vmem>>, vector<16xf32>,
    %swap3A_51 = arith.constant 80 : index
    %swap3A_52 = tpu.vector_load %arg12[%swap3A_51] {strides = array<i32>} : memref<1280xf32, #tpu.memory_space<vmem>>, vector<16xf32>,
    tpu.vector_store %arg12[%swap3A_51], %broadcast_in_dim3A_5 {strides = array<i32>} : memref<1280xf32, #tpu.memory_space<vmem>>, vector<16xf32>,
    %swap3A_53 = arith.constant 96 : index
    %swap3A_54 = tpu.vector_load %arg9[%swap3A_53] {strides = array<i32>} : memref<1280xf32, #tpu.memory_space<vmem>>, vector<16xf32>,
    tpu.vector_store %arg9[%swap3A_53], %broadcast_in_dim3A_5 {strides = array<i32>} : memref<1280xf32, #tpu.memory_space<vmem>>, vector<16xf32>,
    %swap3A_55 = arith.constant 96 : index
    %swap3A_56 = tpu.vector_load %arg10[%swap3A_55] {strides = array<i32>} : memref<1280xf32, #tpu.memory_space<vmem>>, vector<16xf32>,
    tpu.vector_store %arg10[%swap3A_55], %broadcast_in_dim3A_5 {strides = array<i32>} : memref<1280xf32, #tpu.memory_space<vmem>>, vector<16xf32>,
    %swap3A_57 = arith.constant 96 : index
    %swap3A_58 = tpu.vector_load %arg11[%swap3A_57] {strides = array<i32>} : memref<1280xf32, #tpu.memory_space<vmem>>, vector<16xf32>,
    tpu.vector_store %arg11[%swap3A_57], %broadcast_in_dim3A_5 {strides = array<i32>} : memref<1280xf32, #tpu.memory_space<vmem>>, vector<16xf32>,
    %swap3A_59 = arith.constant 96 : index
    %swap3A_60 = tpu.vector_load %arg12[%swap3A_59] {strides = array<i32>} : memref<1280xf32, #tpu.memory_space<vmem>>, vector<16xf32>,
    tpu.vector_store %arg12[%swap3A_59], %broadcast_in_dim3A_5 {strides = array<i32>} : memref<1280xf32, #tpu.memory_space<vmem>>, vector<16xf32>,
    %swap3A_61 = arith.constant 112 : index
    %swap3A_62 = tpu.vector_load %arg9[%swap3A_61] {strides = array<i32>} : memref<1280xf32, #tpu.memory_space<vmem>>, vector<16xf32>,
    tpu.vector_store %arg9[%swap3A_61], %broadcast_in_dim3A_5 {strides = array<i32>} : memref<1280xf32, #tpu.memory_space<vmem>>, vector<16xf32>,
    %swap3A_63 = arith.constant 112 : index
    %swap3A_64 = tpu.vector_load %arg10[%swap3A_63] {strides = array<i32>} : memref<1280xf32, #tpu.memory_space<vmem>>, vector<16xf32>,
    tpu.vector_store %arg10[%swap3A_63], %broadcast_in_dim3A_5 {strides = array<i32>} : memref<1280xf32, #tpu.memory_space<vmem>>, vector<16xf32>,
    %swap3A_65 = arith.constant 112 : index
    %swap3A_66 = tpu.vector_load %arg11[%swap3A_65] {strides = array<i32>} : memref<1280xf32, #tpu.memory_space<vmem>>, vector<16xf32>,
    tpu.vector_store %arg11[%swap3A_65], %broadcast_in_dim3A_5 {strides = array<i32>} : memref<1280xf32, #tpu.memory_space<vmem>>, vector<16xf32>,
    %swap3A_67 = arith.constant 112 : index
    %swap3A_68 = tpu.vector_load %arg12[%swap3A_67] {strides = array<i32>} : memref<1280xf32, #tpu.memory_space<vmem>>, vector<16xf32>,
    tpu.vector_store %arg12[%swap3A_67], %broadcast_in_dim3A_5 {strides = array<i32>} : memref<1280xf32, #tpu.memory_space<vmem>>, vector<16xf32>,
    %swap3A_69 = arith.constant 128 : index
    %swap3A_70 = tpu.vector_load %arg9[%swap3A_69] {strides = array<i32>} : memref<1280xf32, #tpu.memory_space<vmem>>, vector<16xf32>,
    tpu.vector_store %arg9[%swap3A_69], %broadcast_in_dim3A_5 {strides = array<i32>} : memref<1280xf32, #tpu.memory_space<vmem>>, vector<16xf32>,
    %swap3A_71 = arith.constant 128 : index
    %swap3A_72 = tpu.vector_load %arg10[%swap3A_71] {strides = array<i32>} : memref<1280xf32, #tpu.memory_space<vmem>>, vector<16xf32>,
    tpu.vector_store %arg10[%swap3A_71], %broadcast_in_dim3A_5 {strides = array<i32>} : memref<1280xf32, #tpu.memory_space<vmem>>, vector<16xf32>,
    %swap3A_73 = arith.constant 128 : index
    %swap3A_74 = tpu.vector_load %arg11[%swap3A_73] {strides = array<i32>} : memref<1280xf32, #tpu.memory_space<vmem>>, vector<16xf32>,
    tpu.vector_store %arg11[%swap3A_73], %broadcast_in_dim3A_5 {strides = array<i32>} : memref<1280xf32, #tpu.memory_space<vmem>>, vector<16xf32>,
    %swap3A_75 = arith.constant 128 : index
    %swap3A_76 = tpu.vector_load %arg12[%swap3A_75] {strides = array<i32>} : memref<1280xf32, #tpu.memory_space<vmem>>, vector<16xf32>,
    tpu.vector_store %arg12[%swap3A_75], %broadcast_in_dim3A_5 {strides = array<i32>} : memref<1280xf32, #tpu.memory_space<vmem>>, vector<16xf32>,
    %swap3A_77 = arith.constant 144 : index
    %swap3A_78 = tpu.vector_load %arg9[%swap3A_77] {strides = array<i32>} : memref<1280xf32, #tpu.memory_space<vmem>>, vector<16xf32>,
    tpu.vector_store %arg9[%swap3A_77], %broadcast_in_dim3A_5 {strides = array<i32>} : memref<1280xf32, #tpu.memory_space<vmem>>, vector<16xf32>,
    %swap3A_79 = arith.constant 144 : index
    %swap3A_80 = tpu.vector_load %arg10[%swap3A_79] {strides = array<i32>} : memref<1280xf32, #tpu.memory_space<vmem>>, vector<16xf32>,
    tpu.vector_store %arg10[%swap3A_79], %broadcast_in_dim3A_5 {strides = array<i32>} : memref<1280xf32, #tpu.memory_space<vmem>>, vector<16xf32>,
    %swap3A_81 = arith.constant 144 : index
    %swap3A_82 = tpu.vector_load %arg11[%swap3A_81] {strides = array<i32>} : memref<1280xf32, #tpu.memory_space<vmem>>, vector<16xf32>,
    tpu.vector_store %arg11[%swap3A_81], %broadcast_in_dim3A_5 {strides = array<i32>} : memref<1280xf32, #tpu.memory_space<vmem>>, vector<16xf32>,
    %swap3A_83 = arith.constant 144 : index
    %swap3A_84 = tpu.vector_load %arg12[%swap3A_83] {strides = array<i32>} : memref<1280xf32, #tpu.memory_space<vmem>>, vector<16xf32>,
    tpu.vector_store %arg12[%swap3A_83], %broadcast_in_dim3A_5 {strides = array<i32>} : memref<1280xf32, #tpu.memory_space<vmem>>, vector<16xf32>,
    %swap3A_85 = arith.constant 160 : index
    %swap3A_86 = tpu.vector_load %arg9[%swap3A_85] {strides = array<i32>} : memref<1280xf32, #tpu.memory_space<vmem>>, vector<16xf32>,
    tpu.vector_store %arg9[%swap3A_85], %broadcast_in_dim3A_5 {strides = array<i32>} : memref<1280xf32, #tpu.memory_space<vmem>>, vector<16xf32>,
    %swap3A_87 = arith.constant 160 : index
    %swap3A_88 = tpu.vector_load %arg10[%swap3A_87] {strides = array<i32>} : memref<1280xf32, #tpu.memory_space<vmem>>, vector<16xf32>,
    tpu.vector_store %arg10[%swap3A_87], %broadcast_in_dim3A_5 {strides = array<i32>} : memref<1280xf32, #tpu.memory_space<vmem>>, vector<16xf32>,
    %swap3A_89 = arith.constant 160 : index
    %swap3A_90 = tpu.vector_load %arg11[%swap3A_89] {strides = array<i32>} : memref<1280xf32, #tpu.memory_space<vmem>>, vector<16xf32>,
    tpu.vector_store %arg11[%swap3A_89], %broadcast_in_dim3A_5 {strides = array<i32>} : memref<1280xf32, #tpu.memory_space<vmem>>, vector<16xf32>,
    %swap3A_91 = arith.constant 160 : index
    %swap3A_92 = tpu.vector_load %arg12[%swap3A_91] {strides = array<i32>} : memref<1280xf32, #tpu.memory_space<vmem>>, vector<16xf32>,
    tpu.vector_store %arg12[%swap3A_91], %broadcast_in_dim3A_5 {strides = array<i32>} : memref<1280xf32, #tpu.memory_space<vmem>>, vector<16xf32>,
    %swap3A_93 = arith.constant 176 : index
    %swap3A_94 = tpu.vector_load %arg9[%swap3A_93] {strides = array<i32>} : memref<1280xf32, #tpu.memory_space<vmem>>, vector<16xf32>,
    tpu.vector_store %arg9[%swap3A_93], %broadcast_in_dim3A_5 {strides = array<i32>} : memref<1280xf32, #tpu.memory_space<vmem>>, vector<16xf32>,
    %swap3A_95 = arith.constant 176 : index
    %swap3A_96 = tpu.vector_load %arg10[%swap3A_95] {strides = array<i32>} : memref<1280xf32, #tpu.memory_space<vmem>>, vector<16xf32>,
    tpu.vector_store %arg10[%swap3A_95], %broadcast_in_dim3A_5 {strides = array<i32>} : memref<1280xf32, #tpu.memory_space<vmem>>, vector<16xf32>,
    %swap3A_97 = arith.constant 176 : index
    %swap3A_98 = tpu.vector_load %arg11[%swap3A_97] {strides = array<i32>} : memref<1280xf32, #tpu.memory_space<vmem>>, vector<16xf32>,
    tpu.vector_store %arg11[%swap3A_97], %broadcast_in_dim3A_5 {strides = array<i32>} : memref<1280xf32, #tpu.memory_space<vmem>>, vector<16xf32>,
    %swap3A_99 = arith.constant 176 : index
    %swap3A_100 = tpu.vector_load %arg12[%swap3A_99] {strides = array<i32>} : memref<1280xf32, #tpu.memory_space<vmem>>, vector<16xf32>,
    tpu.vector_store %arg12[%swap3A_99], %broadcast_in_dim3A_5 {strides = array<i32>} : memref<1280xf32, #tpu.memory_space<vmem>>, vector<16xf32>,
    %swap3A_101 = arith.constant 192 : index
    %swap3A_102 = tpu.vector_load %arg9[%swap3A_101] {strides = array<i32>} : memref<1280xf32, #tpu.memory_space<vmem>>, vector<16xf32>,
    tpu.vector_store %arg9[%swap3A_101], %broadcast_in_dim3A_5 {strides = array<i32>} : memref<1280xf32, #tpu.memory_space<vmem>>, vector<16xf32>,
    %swap3A_103 = arith.constant 192 : index
    %swap3A_104 = tpu.vector_load %arg10[%swap3A_103] {strides = array<i32>} : memref<1280xf32, #tpu.memory_space<vmem>>, vector<16xf32>,
    tpu.vector_store %arg10[%swap3A_103], %broadcast_in_dim3A_5 {strides = array<i32>} : memref<1280xf32, #tpu.memory_space<vmem>>, vector<16xf32>,
    %swap3A_105 = arith.constant 192 : index
    %swap3A_106 = tpu.vector_load %arg11[%swap3A_105] {strides = array<i32>} : memref<1280xf32, #tpu.memory_space<vmem>>, vector<16xf32>,
    tpu.vector_store %arg11[%swap3A_105], %broadcast_in_dim3A_5 {strides = array<i32>} : memref<1280xf32, #tpu.memory_space<vmem>>, vector<16xf32>,
    %swap3A_107 = arith.constant 192 : index
    %swap3A_108 = tpu.vector_load %arg12[%swap3A_107] {strides = array<i32>} : memref<1280xf32, #tpu.memory_space<vmem>>, vector<16xf32>,
    tpu.vector_store %arg12[%swap3A_107], %broadcast_in_dim3A_5 {strides = array<i32>} : memref<1280xf32, #tpu.memory_space<vmem>>, vector<16xf32>,
    %swap3A_109 = arith.constant 208 : index
    %swap3A_110 = tpu.vector_load %arg9[%swap3A_109] {strides = array<i32>} : memref<1280xf32, #tpu.memory_space<vmem>>, vector<16xf32>,
    tpu.vector_store %arg9[%swap3A_109], %broadcast_in_dim3A_5 {strides = array<i32>} : memref<1280xf32, #tpu.memory_space<vmem>>, vector<16xf32>,
    %swap3A_111 = arith.constant 208 : index
    %swap3A_112 = tpu.vector_load %arg10[%swap3A_111] {strides = array<i32>} : memref<1280xf32, #tpu.memory_space<vmem>>, vector<16xf32>,
    tpu.vector_store %arg10[%swap3A_111], %broadcast_in_dim3A_5 {strides = array<i32>} : memref<1280xf32, #tpu.memory_space<vmem>>, vector<16xf32>,
    %swap3A_113 = arith.constant 208 : index
    %swap3A_114 = tpu.vector_load %arg11[%swap3A_113] {strides = array<i32>} : memref<1280xf32, #tpu.memory_space<vmem>>, vector<16xf32>,
    tpu.vector_store %arg11[%swap3A_113], %broadcast_in_dim3A_5 {strides = array<i32>} : memref<1280xf32, #tpu.memory_space<vmem>>, vector<16xf32>,
    %swap3A_115 = arith.constant 208 : index
    %swap3A_116 = tpu.vector_load %arg12[%swap3A_115] {strides = array<i32>} : memref<1280xf32, #tpu.memory_space<vmem>>, vector<16xf32>,
    tpu.vector_store %arg12[%swap3A_115], %broadcast_in_dim3A_5 {strides = array<i32>} : memref<1280xf32, #tpu.memory_space<vmem>>, vector<16xf32>,
    %swap3A_117 = arith.constant 224 : index
    %swap3A_118 = tpu.vector_load %arg9[%swap3A_117] {strides = array<i32>} : memref<1280xf32, #tpu.memory_space<vmem>>, vector<16xf32>,
    tpu.vector_store %arg9[%swap3A_117], %broadcast_in_dim3A_5 {strides = array<i32>} : memref<1280xf32, #tpu.memory_space<vmem>>, vector<16xf32>,
    %swap3A_119 = arith.constant 224 : index
    %swap3A_120 = tpu.vector_load %arg10[%swap3A_119] {strides = array<i32>} : memref<1280xf32, #tpu.memory_space<vmem>>, vector<16xf32>,
    tpu.vector_store %arg10[%swap3A_119], %broadcast_in_dim3A_5 {strides = array<i32>} : memref<1280xf32, #tpu.memory_space<vmem>>, vector<16xf32>,
    %swap3A_121 = arith.constant 224 : index
    %swap3A_122 = tpu.vector_load %arg11[%swap3A_121] {strides = array<i32>} : memref<1280xf32, #tpu.memory_space<vmem>>, vector<16xf32>,
    tpu.vector_store %arg11[%swap3A_121], %broadcast_in_dim3A_5 {strides = array<i32>} : memref<1280xf32, #tpu.memory_space<vmem>>, vector<16xf32>,
    %swap3A_123 = arith.constant 224 : index
    %swap3A_124 = tpu.vector_load %arg12[%swap3A_123] {strides = array<i32>} : memref<1280xf32, #tpu.memory_space<vmem>>, vector<16xf32>,
    tpu.vector_store %arg12[%swap3A_123], %broadcast_in_dim3A_5 {strides = array<i32>} : memref<1280xf32, #tpu.memory_space<vmem>>, vector<16xf32>,
    %swap3A_125 = arith.constant 240 : index
    %swap3A_126 = tpu.vector_load %arg9[%swap3A_125] {strides = array<i32>} : memref<1280xf32, #tpu.memory_space<vmem>>, vector<16xf32>,
    tpu.vector_store %arg9[%swap3A_125], %broadcast_in_dim3A_5 {strides = array<i32>} : memref<1280xf32, #tpu.memory_space<vmem>>, vector<16xf32>,
    %swap3A_127 = arith.constant 240 : index
    %swap3A_128 = tpu.vector_load %arg10[%swap3A_127] {strides = array<i32>} : memref<1280xf32, #tpu.memory_space<vmem>>, vector<16xf32>,
    tpu.vector_store %arg10[%swap3A_127], %broadcast_in_dim3A_5 {strides = array<i32>} : memref<1280xf32, #tpu.memory_space<vmem>>, vector<16xf32>,
    %swap3A_129 = arith.constant 240 : index
    %swap3A_130 = tpu.vector_load %arg11[%swap3A_129] {strides = array<i32>} : memref<1280xf32, #tpu.memory_space<vmem>>, vector<16xf32>,
    tpu.vector_store %arg11[%swap3A_129], %broadcast_in_dim3A_5 {strides = array<i32>} : memref<1280xf32, #tpu.memory_space<vmem>>, vector<16xf32>,
    %swap3A_131 = arith.constant 240 : index
    %swap3A_132 = tpu.vector_load %arg12[%swap3A_131] {strides = array<i32>} : memref<1280xf32, #tpu.memory_space<vmem>>, vector<16xf32>,
    tpu.vector_store %arg12[%swap3A_131], %broadcast_in_dim3A_5 {strides = array<i32>} : memref<1280xf32, #tpu.memory_space<vmem>>, vector<16xf32>,
    %swap3A_133 = arith.constant 256 : index
    %swap3A_134 = tpu.vector_load %arg9[%swap3A_133] {strides = array<i32>} : memref<1280xf32, #tpu.memory_space<vmem>>, vector<16xf32>,
    tpu.vector_store %arg9[%swap3A_133], %broadcast_in_dim3A_5 {strides = array<i32>} : memref<1280xf32, #tpu.memory_space<vmem>>, vector<16xf32>,
    %swap3A_135 = arith.constant 256 : index
    %swap3A_136 = tpu.vector_load %arg10[%swap3A_135] {strides = array<i32>} : memref<1280xf32, #tpu.memory_space<vmem>>, vector<16xf32>,
    tpu.vector_store %arg10[%swap3A_135], %broadcast_in_dim3A_5 {strides = array<i32>} : memref<1280xf32, #tpu.memory_space<vmem>>, vector<16xf32>,
    %swap3A_137 = arith.constant 256 : index
    %swap3A_138 = tpu.vector_load %arg11[%swap3A_137] {strides = array<i32>} : memref<1280xf32, #tpu.memory_space<vmem>>, vector<16xf32>,
    tpu.vector_store %arg11[%swap3A_137], %broadcast_in_dim3A_5 {strides = array<i32>} : memref<1280xf32, #tpu.memory_space<vmem>>, vector<16xf32>,
    %swap3A_139 = arith.constant 256 : index
    %swap3A_140 = tpu.vector_load %arg12[%swap3A_139] {strides = array<i32>} : memref<1280xf32, #tpu.memory_space<vmem>>, vector<16xf32>,
    tpu.vector_store %arg12[%swap3A_139], %broadcast_in_dim3A_5 {strides = array<i32>} : memref<1280xf32, #tpu.memory_space<vmem>>, vector<16xf32>,
    %swap3A_141 = arith.constant 272 : index
    %swap3A_142 = tpu.vector_load %arg9[%swap3A_141] {strides = array<i32>} : memref<1280xf32, #tpu.memory_space<vmem>>, vector<16xf32>,
    tpu.vector_store %arg9[%swap3A_141], %broadcast_in_dim3A_5 {strides = array<i32>} : memref<1280xf32, #tpu.memory_space<vmem>>, vector<16xf32>,
    %swap3A_143 = arith.constant 272 : index
    %swap3A_144 = tpu.vector_load %arg10[%swap3A_143] {strides = array<i32>} : memref<1280xf32, #tpu.memory_space<vmem>>, vector<16xf32>,
    tpu.vector_store %arg10[%swap3A_143], %broadcast_in_dim3A_5 {strides = array<i32>} : memref<1280xf32, #tpu.memory_space<vmem>>, vector<16xf32>,
    %swap3A_145 = arith.constant 272 : index
    %swap3A_146 = tpu.vector_load %arg11[%swap3A_145] {strides = array<i32>} : memref<1280xf32, #tpu.memory_space<vmem>>, vector<16xf32>,
    tpu.vector_store %arg11[%swap3A_145], %broadcast_in_dim3A_5 {strides = array<i32>} : memref<1280xf32, #tpu.memory_space<vmem>>, vector<16xf32>,
    %swap3A_147 = arith.constant 272 : index
    %swap3A_148 = tpu.vector_load %arg12[%swap3A_147] {strides = array<i32>} : memref<1280xf32, #tpu.memory_space<vmem>>, vector<16xf32>,
    tpu.vector_store %arg12[%swap3A_147], %broadcast_in_dim3A_5 {strides = array<i32>} : memref<1280xf32, #tpu.memory_space<vmem>>, vector<16xf32>,
    %swap3A_149 = arith.constant 288 : index
    %swap3A_150 = tpu.vector_load %arg9[%swap3A_149] {strides = array<i32>} : memref<1280xf32, #tpu.memory_space<vmem>>, vector<16xf32>,
    tpu.vector_store %arg9[%swap3A_149], %broadcast_in_dim3A_5 {strides = array<i32>} : memref<1280xf32, #tpu.memory_space<vmem>>, vector<16xf32>,
    %swap3A_151 = arith.constant 288 : index
    %swap3A_152 = tpu.vector_load %arg10[%swap3A_151] {strides = array<i32>} : memref<1280xf32, #tpu.memory_space<vmem>>, vector<16xf32>,
    tpu.vector_store %arg10[%swap3A_151], %broadcast_in_dim3A_5 {strides = array<i32>} : memref<1280xf32, #tpu.memory_space<vmem>>, vector<16xf32>,
    %swap3A_153 = arith.constant 288 : index
    %swap3A_154 = tpu.vector_load %arg11[%swap3A_153] {strides = array<i32>} : memref<1280xf32, #tpu.memory_space<vmem>>, vector<16xf32>,
    tpu.vector_store %arg11[%swap3A_153], %broadcast_in_dim3A_5 {strides = array<i32>} : memref<1280xf32, #tpu.memory_space<vmem>>, vector<16xf32>,
    %swap3A_155 = arith.constant 288 : index
    %swap3A_156 = tpu.vector_load %arg12[%swap3A_155] {strides = array<i32>} : memref<1280xf32, #tpu.memory_space<vmem>>, vector<16xf32>,
    tpu.vector_store %arg12[%swap3A_155], %broadcast_in_dim3A_5 {strides = array<i32>} : memref<1280xf32, #tpu.memory_space<vmem>>, vector<16xf32>,
    %swap3A_157 = arith.constant 304 : index
    %swap3A_158 = tpu.vector_load %arg9[%swap3A_157] {strides = array<i32>} : memref<1280xf32, #tpu.memory_space<vmem>>, vector<16xf32>,
    tpu.vector_store %arg9[%swap3A_157], %broadcast_in_dim3A_5 {strides = array<i32>} : memref<1280xf32, #tpu.memory_space<vmem>>, vector<16xf32>,
    %swap3A_159 = arith.constant 304 : index
    %swap3A_160 = tpu.vector_load %arg10[%swap3A_159] {strides = array<i32>} : memref<1280xf32, #tpu.memory_space<vmem>>, vector<16xf32>,
    tpu.vector_store %arg10[%swap3A_159], %broadcast_in_dim3A_5 {strides = array<i32>} : memref<1280xf32, #tpu.memory_space<vmem>>, vector<16xf32>,
    %swap3A_161 = arith.constant 304 : index
    %swap3A_162 = tpu.vector_load %arg11[%swap3A_161] {strides = array<i32>} : memref<1280xf32, #tpu.memory_space<vmem>>, vector<16xf32>,
    tpu.vector_store %arg11[%swap3A_161], %broadcast_in_dim3A_5 {strides = array<i32>} : memref<1280xf32, #tpu.memory_space<vmem>>, vector<16xf32>,
    %swap3A_163 = arith.constant 304 : index
    %swap3A_164 = tpu.vector_load %arg12[%swap3A_163] {strides = array<i32>} : memref<1280xf32, #tpu.memory_space<vmem>>, vector<16xf32>,
    tpu.vector_store %arg12[%swap3A_163], %broadcast_in_dim3A_5 {strides = array<i32>} : memref<1280xf32, #tpu.memory_space<vmem>>, vector<16xf32>,
    %swap3A_165 = arith.constant 320 : index
    %swap3A_166 = tpu.vector_load %arg9[%swap3A_165] {strides = array<i32>} : memref<1280xf32, #tpu.memory_space<vmem>>, vector<16xf32>,
    tpu.vector_store %arg9[%swap3A_165], %broadcast_in_dim3A_5 {strides = array<i32>} : memref<1280xf32, #tpu.memory_space<vmem>>, vector<16xf32>,
    %swap3A_167 = arith.constant 320 : index
    %swap3A_168 = tpu.vector_load %arg10[%swap3A_167] {strides = array<i32>} : memref<1280xf32, #tpu.memory_space<vmem>>, vector<16xf32>,
    tpu.vector_store %arg10[%swap3A_167], %broadcast_in_dim3A_5 {strides = array<i32>} : memref<1280xf32, #tpu.memory_space<vmem>>, vector<16xf32>,
    %swap3A_169 = arith.constant 320 : index
    %swap3A_170 = tpu.vector_load %arg11[%swap3A_169] {strides = array<i32>} : memref<1280xf32, #tpu.memory_space<vmem>>, vector<16xf32>,
    tpu.vector_store %arg11[%swap3A_169], %broadcast_in_dim3A_5 {strides = array<i32>} : memref<1280xf32, #tpu.memory_space<vmem>>, vector<16xf32>,
    %swap3A_171 = arith.constant 320 : index
    %swap3A_172 = tpu.vector_load %arg12[%swap3A_171] {strides = array<i32>} : memref<1280xf32, #tpu.memory_space<vmem>>, vector<16xf32>,
    tpu.vector_store %arg12[%swap3A_171], %broadcast_in_dim3A_5 {strides = array<i32>} : memref<1280xf32, #tpu.memory_space<vmem>>, vector<16xf32>,
    %swap3A_173 = arith.constant 336 : index
    %swap3A_174 = tpu.vector_load %arg9[%swap3A_173] {strides = array<i32>} : memref<1280xf32, #tpu.memory_space<vmem>>, vector<16xf32>,
    tpu.vector_store %arg9[%swap3A_173], %broadcast_in_dim3A_5 {strides = array<i32>} : memref<1280xf32, #tpu.memory_space<vmem>>, vector<16xf32>,
    %swap3A_175 = arith.constant 336 : index
    %swap3A_176 = tpu.vector_load %arg10[%swap3A_175] {strides = array<i32>} : memref<1280xf32, #tpu.memory_space<vmem>>, vector<16xf32>,
    tpu.vector_store %arg10[%swap3A_175], %broadcast_in_dim3A_5 {strides = array<i32>} : memref<1280xf32, #tpu.memory_space<vmem>>, vector<16xf32>,
    %swap3A_177 = arith.constant 336 : index
    %swap3A_178 = tpu.vector_load %arg11[%swap3A_177] {strides = array<i32>} : memref<1280xf32, #tpu.memory_space<vmem>>, vector<16xf32>,
    tpu.vector_store %arg11[%swap3A_177], %broadcast_in_dim3A_5 {strides = array<i32>} : memref<1280xf32, #tpu.memory_space<vmem>>, vector<16xf32>,
    %swap3A_179 = arith.constant 336 : index
    %swap3A_180 = tpu.vector_load %arg12[%swap3A_179] {strides = array<i32>} : memref<1280xf32, #tpu.memory_space<vmem>>, vector<16xf32>,
    tpu.vector_store %arg12[%swap3A_179], %broadcast_in_dim3A_5 {strides = array<i32>} : memref<1280xf32, #tpu.memory_space<vmem>>, vector<16xf32>,
    %swap3A_181 = arith.constant 352 : index
    %swap3A_182 = tpu.vector_load %arg9[%swap3A_181] {strides = array<i32>} : memref<1280xf32, #tpu.memory_space<vmem>>, vector<16xf32>,
    tpu.vector_store %arg9[%swap3A_181], %broadcast_in_dim3A_5 {strides = array<i32>} : memref<1280xf32, #tpu.memory_space<vmem>>, vector<16xf32>,
    %swap3A_183 = arith.constant 352 : index
    %swap3A_184 = tpu.vector_load %arg10[%swap3A_183] {strides = array<i32>} : memref<1280xf32, #tpu.memory_space<vmem>>, vector<16xf32>,
    tpu.vector_store %arg10[%swap3A_183], %broadcast_in_dim3A_5 {strides = array<i32>} : memref<1280xf32, #tpu.memory_space<vmem>>, vector<16xf32>,
    %swap3A_185 = arith.constant 352 : index
    %swap3A_186 = tpu.vector_load %arg11[%swap3A_185] {strides = array<i32>} : memref<1280xf32, #tpu.memory_space<vmem>>, vector<16xf32>,
    tpu.vector_store %arg11[%swap3A_185], %broadcast_in_dim3A_5 {strides = array<i32>} : memref<1280xf32, #tpu.memory_space<vmem>>, vector<16xf32>,
    %swap3A_187 = arith.constant 352 : index
    %swap3A_188 = tpu.vector_load %arg12[%swap3A_187] {strides = array<i32>} : memref<1280xf32, #tpu.memory_space<vmem>>, vector<16xf32>,
    tpu.vector_store %arg12[%swap3A_187], %broadcast_in_dim3A_5 {strides = array<i32>} : memref<1280xf32, #tpu.memory_space<vmem>>, vector<16xf32>,
    %swap3A_189 = arith.constant 368 : index
    %swap3A_190 = tpu.vector_load %arg9[%swap3A_189] {strides = array<i32>} : memref<1280xf32, #tpu.memory_space<vmem>>, vector<16xf32>,
    tpu.vector_store %arg9[%swap3A_189], %broadcast_in_dim3A_5 {strides = array<i32>} : memref<1280xf32, #tpu.memory_space<vmem>>, vector<16xf32>,
    %swap3A_191 = arith.constant 368 : index
    %swap3A_192 = tpu.vector_load %arg10[%swap3A_191] {strides = array<i32>} : memref<1280xf32, #tpu.memory_space<vmem>>, vector<16xf32>,
    tpu.vector_store %arg10[%swap3A_191], %broadcast_in_dim3A_5 {strides = array<i32>} : memref<1280xf32, #tpu.memory_space<vmem>>, vector<16xf32>,
    %swap3A_193 = arith.constant 368 : index
    %swap3A_194 = tpu.vector_load %arg11[%swap3A_193] {strides = array<i32>} : memref<1280xf32, #tpu.memory_space<vmem>>, vector<16xf32>,
    tpu.vector_store %arg11[%swap3A_193], %broadcast_in_dim3A_5 {strides = array<i32>} : memref<1280xf32, #tpu.memory_space<vmem>>, vector<16xf32>,
    %swap3A_195 = arith.constant 368 : index
    %swap3A_196 = tpu.vector_load %arg12[%swap3A_195] {strides = array<i32>} : memref<1280xf32, #tpu.memory_space<vmem>>, vector<16xf32>,
    tpu.vector_store %arg12[%swap3A_195], %broadcast_in_dim3A_5 {strides = array<i32>} : memref<1280xf32, #tpu.memory_space<vmem>>, vector<16xf32>,
    %swap3A_197 = arith.constant 384 : index
    %swap3A_198 = tpu.vector_load %arg9[%swap3A_197] {strides = array<i32>} : memref<1280xf32, #tpu.memory_space<vmem>>, vector<16xf32>,
    tpu.vector_store %arg9[%swap3A_197], %broadcast_in_dim3A_5 {strides = array<i32>} : memref<1280xf32, #tpu.memory_space<vmem>>, vector<16xf32>,
    %swap3A_199 = arith.constant 384 : index
    %swap3A_200 = tpu.vector_load %arg10[%swap3A_199] {strides = array<i32>} : memref<1280xf32, #tpu.memory_space<vmem>>, vector<16xf32>,
    tpu.vector_store %arg10[%swap3A_199], %broadcast_in_dim3A_5 {strides = array<i32>} : memref<1280xf32, #tpu.memory_space<vmem>>, vector<16xf32>,
    %swap3A_201 = arith.constant 384 : index
    %swap3A_202 = tpu.vector_load %arg11[%swap3A_201] {strides = array<i32>} : memref<1280xf32, #tpu.memory_space<vmem>>, vector<16xf32>,
    tpu.vector_store %arg11[%swap3A_201], %broadcast_in_dim3A_5 {strides = array<i32>} : memref<1280xf32, #tpu.memory_space<vmem>>, vector<16xf32>,
    %swap3A_203 = arith.constant 384 : index
    %swap3A_204 = tpu.vector_load %arg12[%swap3A_203] {strides = array<i32>} : memref<1280xf32, #tpu.memory_space<vmem>>, vector<16xf32>,
    tpu.vector_store %arg12[%swap3A_203], %broadcast_in_dim3A_5 {strides = array<i32>} : memref<1280xf32, #tpu.memory_space<vmem>>, vector<16xf32>,
    %swap3A_205 = arith.constant 400 : index
    %swap3A_206 = tpu.vector_load %arg9[%swap3A_205] {strides = array<i32>} : memref<1280xf32, #tpu.memory_space<vmem>>, vector<16xf32>,
    tpu.vector_store %arg9[%swap3A_205], %broadcast_in_dim3A_5 {strides = array<i32>} : memref<1280xf32, #tpu.memory_space<vmem>>, vector<16xf32>,
    %swap3A_207 = arith.constant 400 : index
    %swap3A_208 = tpu.vector_load %arg10[%swap3A_207] {strides = array<i32>} : memref<1280xf32, #tpu.memory_space<vmem>>, vector<16xf32>,
    tpu.vector_store %arg10[%swap3A_207], %broadcast_in_dim3A_5 {strides = array<i32>} : memref<1280xf32, #tpu.memory_space<vmem>>, vector<16xf32>,
    %swap3A_209 = arith.constant 400 : index
    %swap3A_210 = tpu.vector_load %arg11[%swap3A_209] {strides = array<i32>} : memref<1280xf32, #tpu.memory_space<vmem>>, vector<16xf32>,
    tpu.vector_store %arg11[%swap3A_209], %broadcast_in_dim3A_5 {strides = array<i32>} : memref<1280xf32, #tpu.memory_space<vmem>>, vector<16xf32>,
    %swap3A_211 = arith.constant 400 : index
    %swap3A_212 = tpu.vector_load %arg12[%swap3A_211] {strides = array<i32>} : memref<1280xf32, #tpu.memory_space<vmem>>, vector<16xf32>,
    tpu.vector_store %arg12[%swap3A_211], %broadcast_in_dim3A_5 {strides = array<i32>} : memref<1280xf32, #tpu.memory_space<vmem>>, vector<16xf32>,
    %swap3A_213 = arith.constant 416 : index
    %swap3A_214 = tpu.vector_load %arg9[%swap3A_213] {strides = array<i32>} : memref<1280xf32, #tpu.memory_space<vmem>>, vector<16xf32>,
    tpu.vector_store %arg9[%swap3A_213], %broadcast_in_dim3A_5 {strides = array<i32>} : memref<1280xf32, #tpu.memory_space<vmem>>, vector<16xf32>,
    %swap3A_215 = arith.constant 416 : index
    %swap3A_216 = tpu.vector_load %arg10[%swap3A_215] {strides = array<i32>} : memref<1280xf32, #tpu.memory_space<vmem>>, vector<16xf32>,
    tpu.vector_store %arg10[%swap3A_215], %broadcast_in_dim3A_5 {strides = array<i32>} : memref<1280xf32, #tpu.memory_space<vmem>>, vector<16xf32>,
    %swap3A_217 = arith.constant 416 : index
    %swap3A_218 = tpu.vector_load %arg11[%swap3A_217] {strides = array<i32>} : memref<1280xf32, #tpu.memory_space<vmem>>, vector<16xf32>,
    tpu.vector_store %arg11[%swap3A_217], %broadcast_in_dim3A_5 {strides = array<i32>} : memref<1280xf32, #tpu.memory_space<vmem>>, vector<16xf32>,
    %swap3A_219 = arith.constant 416 : index
    %swap3A_220 = tpu.vector_load %arg12[%swap3A_219] {strides = array<i32>} : memref<1280xf32, #tpu.memory_space<vmem>>, vector<16xf32>,
    tpu.vector_store %arg12[%swap3A_219], %broadcast_in_dim3A_5 {strides = array<i32>} : memref<1280xf32, #tpu.memory_space<vmem>>, vector<16xf32>,
    %swap3A_221 = arith.constant 432 : index
    %swap3A_222 = tpu.vector_load %arg9[%swap3A_221] {strides = array<i32>} : memref<1280xf32, #tpu.memory_space<vmem>>, vector<16xf32>,
    tpu.vector_store %arg9[%swap3A_221], %broadcast_in_dim3A_5 {strides = array<i32>} : memref<1280xf32, #tpu.memory_space<vmem>>, vector<16xf32>,
    %swap3A_223 = arith.constant 432 : index
    %swap3A_224 = tpu.vector_load %arg10[%swap3A_223] {strides = array<i32>} : memref<1280xf32, #tpu.memory_space<vmem>>, vector<16xf32>,
    tpu.vector_store %arg10[%swap3A_223], %broadcast_in_dim3A_5 {strides = array<i32>} : memref<1280xf32, #tpu.memory_space<vmem>>, vector<16xf32>,
    %swap3A_225 = arith.constant 432 : index
    %swap3A_226 = tpu.vector_load %arg11[%swap3A_225] {strides = array<i32>} : memref<1280xf32, #tpu.memory_space<vmem>>, vector<16xf32>,
    tpu.vector_store %arg11[%swap3A_225], %broadcast_in_dim3A_5 {strides = array<i32>} : memref<1280xf32, #tpu.memory_space<vmem>>, vector<16xf32>,
    %swap3A_227 = arith.constant 432 : index
    %swap3A_228 = tpu.vector_load %arg12[%swap3A_227] {strides = array<i32>} : memref<1280xf32, #tpu.memory_space<vmem>>, vector<16xf32>,
    tpu.vector_store %arg12[%swap3A_227], %broadcast_in_dim3A_5 {strides = array<i32>} : memref<1280xf32, #tpu.memory_space<vmem>>, vector<16xf32>,
    %swap3A_229 = arith.constant 448 : index
    %swap3A_230 = tpu.vector_load %arg9[%swap3A_229] {strides = array<i32>} : memref<1280xf32, #tpu.memory_space<vmem>>, vector<16xf32>,
    tpu.vector_store %arg9[%swap3A_229], %broadcast_in_dim3A_5 {strides = array<i32>} : memref<1280xf32, #tpu.memory_space<vmem>>, vector<16xf32>,
    %swap3A_231 = arith.constant 448 : index
    %swap3A_232 = tpu.vector_load %arg10[%swap3A_231] {strides = array<i32>} : memref<1280xf32, #tpu.memory_space<vmem>>, vector<16xf32>,
    tpu.vector_store %arg10[%swap3A_231], %broadcast_in_dim3A_5 {strides = array<i32>} : memref<1280xf32, #tpu.memory_space<vmem>>, vector<16xf32>,
    %swap3A_233 = arith.constant 448 : index
    %swap3A_234 = tpu.vector_load %arg11[%swap3A_233] {strides = array<i32>} : memref<1280xf32, #tpu.memory_space<vmem>>, vector<16xf32>,
    tpu.vector_store %arg11[%swap3A_233], %broadcast_in_dim3A_5 {strides = array<i32>} : memref<1280xf32, #tpu.memory_space<vmem>>, vector<16xf32>,
    %swap3A_235 = arith.constant 448 : index
    %swap3A_236 = tpu.vector_load %arg12[%swap3A_235] {strides = array<i32>} : memref<1280xf32, #tpu.memory_space<vmem>>, vector<16xf32>,
    tpu.vector_store %arg12[%swap3A_235], %broadcast_in_dim3A_5 {strides = array<i32>} : memref<1280xf32, #tpu.memory_space<vmem>>, vector<16xf32>,
    %swap3A_237 = arith.constant 464 : index
    %swap3A_238 = tpu.vector_load %arg9[%swap3A_237] {strides = array<i32>} : memref<1280xf32, #tpu.memory_space<vmem>>, vector<16xf32>,
    tpu.vector_store %arg9[%swap3A_237], %broadcast_in_dim3A_5 {strides = array<i32>} : memref<1280xf32, #tpu.memory_space<vmem>>, vector<16xf32>,
    %swap3A_239 = arith.constant 464 : index
    %swap3A_240 = tpu.vector_load %arg10[%swap3A_239] {strides = array<i32>} : memref<1280xf32, #tpu.memory_space<vmem>>, vector<16xf32>,
    tpu.vector_store %arg10[%swap3A_239], %broadcast_in_dim3A_5 {strides = array<i32>} : memref<1280xf32, #tpu.memory_space<vmem>>, vector<16xf32>,
    %swap3A_241 = arith.constant 464 : index
    %swap3A_242 = tpu.vector_load %arg11[%swap3A_241] {strides = array<i32>} : memref<1280xf32, #tpu.memory_space<vmem>>, vector<16xf32>,
    tpu.vector_store %arg11[%swap3A_241], %broadcast_in_dim3A_5 {strides = array<i32>} : memref<1280xf32, #tpu.memory_space<vmem>>, vector<16xf32>,
    %swap3A_243 = arith.constant 464 : index
    %swap3A_244 = tpu.vector_load %arg12[%swap3A_243] {strides = array<i32>} : memref<1280xf32, #tpu.memory_space<vmem>>, vector<16xf32>,
    tpu.vector_store %arg12[%swap3A_243], %broadcast_in_dim3A_5 {strides = array<i32>} : memref<1280xf32, #tpu.memory_space<vmem>>, vector<16xf32>,
    %swap3A_245 = arith.constant 480 : index
    %swap3A_246 = tpu.vector_load %arg9[%swap3A_245] {strides = array<i32>} : memref<1280xf32, #tpu.memory_space<vmem>>, vector<16xf32>,
    tpu.vector_store %arg9[%swap3A_245], %broadcast_in_dim3A_5 {strides = array<i32>} : memref<1280xf32, #tpu.memory_space<vmem>>, vector<16xf32>,
    %swap3A_247 = arith.constant 480 : index
    %swap3A_248 = tpu.vector_load %arg10[%swap3A_247] {strides = array<i32>} : memref<1280xf32, #tpu.memory_space<vmem>>, vector<16xf32>,
    tpu.vector_store %arg10[%swap3A_247], %broadcast_in_dim3A_5 {strides = array<i32>} : memref<1280xf32, #tpu.memory_space<vmem>>, vector<16xf32>,
    %swap3A_249 = arith.constant 480 : index
    %swap3A_250 = tpu.vector_load %arg11[%swap3A_249] {strides = array<i32>} : memref<1280xf32, #tpu.memory_space<vmem>>, vector<16xf32>,
    tpu.vector_store %arg11[%swap3A_249], %broadcast_in_dim3A_5 {strides = array<i32>} : memref<1280xf32, #tpu.memory_space<vmem>>, vector<16xf32>,
    %swap3A_251 = arith.constant 480 : index
    %swap3A_252 = tpu.vector_load %arg12[%swap3A_251] {strides = array<i32>} : memref<1280xf32, #tpu.memory_space<vmem>>, vector<16xf32>,
    tpu.vector_store %arg12[%swap3A_251], %broadcast_in_dim3A_5 {strides = array<i32>} : memref<1280xf32, #tpu.memory_space<vmem>>, vector<16xf32>,
    %swap3A_253 = arith.constant 496 : index
    %swap3A_254 = tpu.vector_load %arg9[%swap3A_253] {strides = array<i32>} : memref<1280xf32, #tpu.memory_space<vmem>>, vector<16xf32>,
    tpu.vector_store %arg9[%swap3A_253], %broadcast_in_dim3A_5 {strides = array<i32>} : memref<1280xf32, #tpu.memory_space<vmem>>, vector<16xf32>,
    %swap3A_255 = arith.constant 496 : index
    %swap3A_256 = tpu.vector_load %arg10[%swap3A_255] {strides = array<i32>} : memref<1280xf32, #tpu.memory_space<vmem>>, vector<16xf32>,
    tpu.vector_store %arg10[%swap3A_255], %broadcast_in_dim3A_5 {strides = array<i32>} : memref<1280xf32, #tpu.memory_space<vmem>>, vector<16xf32>,
    %swap3A_257 = arith.constant 496 : index
    %swap3A_258 = tpu.vector_load %arg11[%swap3A_257] {strides = array<i32>} : memref<1280xf32, #tpu.memory_space<vmem>>, vector<16xf32>,
    tpu.vector_store %arg11[%swap3A_257], %broadcast_in_dim3A_5 {strides = array<i32>} : memref<1280xf32, #tpu.memory_space<vmem>>, vector<16xf32>,
    %swap3A_259 = arith.constant 496 : index
    %swap3A_260 = tpu.vector_load %arg12[%swap3A_259] {strides = array<i32>} : memref<1280xf32, #tpu.memory_space<vmem>>, vector<16xf32>,
    tpu.vector_store %arg12[%swap3A_259], %broadcast_in_dim3A_5 {strides = array<i32>} : memref<1280xf32, #tpu.memory_space<vmem>>, vector<16xf32>,
    %swap3A_261 = arith.constant 512 : index
    %swap3A_262 = tpu.vector_load %arg9[%swap3A_261] {strides = array<i32>} : memref<1280xf32, #tpu.memory_space<vmem>>, vector<16xf32>,
    tpu.vector_store %arg9[%swap3A_261], %broadcast_in_dim3A_5 {strides = array<i32>} : memref<1280xf32, #tpu.memory_space<vmem>>, vector<16xf32>,
    %swap3A_263 = arith.constant 512 : index
    %swap3A_264 = tpu.vector_load %arg10[%swap3A_263] {strides = array<i32>} : memref<1280xf32, #tpu.memory_space<vmem>>, vector<16xf32>,
    tpu.vector_store %arg10[%swap3A_263], %broadcast_in_dim3A_5 {strides = array<i32>} : memref<1280xf32, #tpu.memory_space<vmem>>, vector<16xf32>,
    %swap3A_265 = arith.constant 512 : index
    %swap3A_266 = tpu.vector_load %arg11[%swap3A_265] {strides = array<i32>} : memref<1280xf32, #tpu.memory_space<vmem>>, vector<16xf32>,
    tpu.vector_store %arg11[%swap3A_265], %broadcast_in_dim3A_5 {strides = array<i32>} : memref<1280xf32, #tpu.memory_space<vmem>>, vector<16xf32>,
    %swap3A_267 = arith.constant 512 : index
    %swap3A_268 = tpu.vector_load %arg12[%swap3A_267] {strides = array<i32>} : memref<1280xf32, #tpu.memory_space<vmem>>, vector<16xf32>,
    tpu.vector_store %arg12[%swap3A_267], %broadcast_in_dim3A_5 {strides = array<i32>} : memref<1280xf32, #tpu.memory_space<vmem>>, vector<16xf32>,
    %swap3A_269 = arith.constant 528 : index
    %swap3A_270 = tpu.vector_load %arg9[%swap3A_269] {strides = array<i32>} : memref<1280xf32, #tpu.memory_space<vmem>>, vector<16xf32>,
    tpu.vector_store %arg9[%swap3A_269], %broadcast_in_dim3A_5 {strides = array<i32>} : memref<1280xf32, #tpu.memory_space<vmem>>, vector<16xf32>,
    %swap3A_271 = arith.constant 528 : index
    %swap3A_272 = tpu.vector_load %arg10[%swap3A_271] {strides = array<i32>} : memref<1280xf32, #tpu.memory_space<vmem>>, vector<16xf32>,
    tpu.vector_store %arg10[%swap3A_271], %broadcast_in_dim3A_5 {strides = array<i32>} : memref<1280xf32, #tpu.memory_space<vmem>>, vector<16xf32>,
    %swap3A_273 = arith.constant 528 : index
    %swap3A_274 = tpu.vector_load %arg11[%swap3A_273] {strides = array<i32>} : memref<1280xf32, #tpu.memory_space<vmem>>, vector<16xf32>,
    tpu.vector_store %arg11[%swap3A_273], %broadcast_in_dim3A_5 {strides = array<i32>} : memref<1280xf32, #tpu.memory_space<vmem>>, vector<16xf32>,
    %swap3A_275 = arith.constant 528 : index
    %swap3A_276 = tpu.vector_load %arg12[%swap3A_275] {strides = array<i32>} : memref<1280xf32, #tpu.memory_space<vmem>>, vector<16xf32>,
    tpu.vector_store %arg12[%swap3A_275], %broadcast_in_dim3A_5 {strides = array<i32>} : memref<1280xf32, #tpu.memory_space<vmem>>, vector<16xf32>,
    %swap3A_277 = arith.constant 544 : index
    %swap3A_278 = tpu.vector_load %arg9[%swap3A_277] {strides = array<i32>} : memref<1280xf32, #tpu.memory_space<vmem>>, vector<16xf32>,
    tpu.vector_store %arg9[%swap3A_277], %broadcast_in_dim3A_5 {strides = array<i32>} : memref<1280xf32, #tpu.memory_space<vmem>>, vector<16xf32>,
    %swap3A_279 = arith.constant 544 : index
    %swap3A_280 = tpu.vector_load %arg10[%swap3A_279] {strides = array<i32>} : memref<1280xf32, #tpu.memory_space<vmem>>, vector<16xf32>,
    tpu.vector_store %arg10[%swap3A_279], %broadcast_in_dim3A_5 {strides = array<i32>} : memref<1280xf32, #tpu.memory_space<vmem>>, vector<16xf32>,
    %swap3A_281 = arith.constant 544 : index
    %swap3A_282 = tpu.vector_load %arg11[%swap3A_281] {strides = array<i32>} : memref<1280xf32, #tpu.memory_space<vmem>>, vector<16xf32>,
    tpu.vector_store %arg11[%swap3A_281], %broadcast_in_dim3A_5 {strides = array<i32>} : memref<1280xf32, #tpu.memory_space<vmem>>, vector<16xf32>,
    %swap3A_283 = arith.constant 544 : index
    %swap3A_284 = tpu.vector_load %arg12[%swap3A_283] {strides = array<i32>} : memref<1280xf32, #tpu.memory_space<vmem>>, vector<16xf32>,
    tpu.vector_store %arg12[%swap3A_283], %broadcast_in_dim3A_5 {strides = array<i32>} : memref<1280xf32, #tpu.memory_space<vmem>>, vector<16xf32>,
    %swap3A_285 = arith.constant 560 : index
    %swap3A_286 = tpu.vector_load %arg9[%swap3A_285] {strides = array<i32>} : memref<1280xf32, #tpu.memory_space<vmem>>, vector<16xf32>,
    tpu.vector_store %arg9[%swap3A_285], %broadcast_in_dim3A_5 {strides = array<i32>} : memref<1280xf32, #tpu.memory_space<vmem>>, vector<16xf32>,
    %swap3A_287 = arith.constant 560 : index
    %swap3A_288 = tpu.vector_load %arg10[%swap3A_287] {strides = array<i32>} : memref<1280xf32, #tpu.memory_space<vmem>>, vector<16xf32>,
    tpu.vector_store %arg10[%swap3A_287], %broadcast_in_dim3A_5 {strides = array<i32>} : memref<1280xf32, #tpu.memory_space<vmem>>, vector<16xf32>,
    %swap3A_289 = arith.constant 560 : index
    %swap3A_290 = tpu.vector_load %arg11[%swap3A_289] {strides = array<i32>} : memref<1280xf32, #tpu.memory_space<vmem>>, vector<16xf32>,
    tpu.vector_store %arg11[%swap3A_289], %broadcast_in_dim3A_5 {strides = array<i32>} : memref<1280xf32, #tpu.memory_space<vmem>>, vector<16xf32>,
    %swap3A_291 = arith.constant 560 : index
    %swap3A_292 = tpu.vector_load %arg12[%swap3A_291] {strides = array<i32>} : memref<1280xf32, #tpu.memory_space<vmem>>, vector<16xf32>,
    tpu.vector_store %arg12[%swap3A_291], %broadcast_in_dim3A_5 {strides = array<i32>} : memref<1280xf32, #tpu.memory_space<vmem>>, vector<16xf32>,
    %swap3A_293 = arith.constant 576 : index
    %swap3A_294 = tpu.vector_load %arg9[%swap3A_293] {strides = array<i32>} : memref<1280xf32, #tpu.memory_space<vmem>>, vector<16xf32>,
    tpu.vector_store %arg9[%swap3A_293], %broadcast_in_dim3A_5 {strides = array<i32>} : memref<1280xf32, #tpu.memory_space<vmem>>, vector<16xf32>,
    %swap3A_295 = arith.constant 576 : index
    %swap3A_296 = tpu.vector_load %arg10[%swap3A_295] {strides = array<i32>} : memref<1280xf32, #tpu.memory_space<vmem>>, vector<16xf32>,
    tpu.vector_store %arg10[%swap3A_295], %broadcast_in_dim3A_5 {strides = array<i32>} : memref<1280xf32, #tpu.memory_space<vmem>>, vector<16xf32>,
    %swap3A_297 = arith.constant 576 : index
    %swap3A_298 = tpu.vector_load %arg11[%swap3A_297] {strides = array<i32>} : memref<1280xf32, #tpu.memory_space<vmem>>, vector<16xf32>,
    tpu.vector_store %arg11[%swap3A_297], %broadcast_in_dim3A_5 {strides = array<i32>} : memref<1280xf32, #tpu.memory_space<vmem>>, vector<16xf32>,
    %swap3A_299 = arith.constant 576 : index
    %swap3A_300 = tpu.vector_load %arg12[%swap3A_299] {strides = array<i32>} : memref<1280xf32, #tpu.memory_space<vmem>>, vector<16xf32>,
    tpu.vector_store %arg12[%swap3A_299], %broadcast_in_dim3A_5 {strides = array<i32>} : memref<1280xf32, #tpu.memory_space<vmem>>, vector<16xf32>,
    %swap3A_301 = arith.constant 592 : index
    %swap3A_302 = tpu.vector_load %arg9[%swap3A_301] {strides = array<i32>} : memref<1280xf32, #tpu.memory_space<vmem>>, vector<16xf32>,
    tpu.vector_store %arg9[%swap3A_301], %broadcast_in_dim3A_5 {strides = array<i32>} : memref<1280xf32, #tpu.memory_space<vmem>>, vector<16xf32>,
    %swap3A_303 = arith.constant 592 : index
    %swap3A_304 = tpu.vector_load %arg10[%swap3A_303] {strides = array<i32>} : memref<1280xf32, #tpu.memory_space<vmem>>, vector<16xf32>,
    tpu.vector_store %arg10[%swap3A_303], %broadcast_in_dim3A_5 {strides = array<i32>} : memref<1280xf32, #tpu.memory_space<vmem>>, vector<16xf32>,
    %swap3A_305 = arith.constant 592 : index
    %swap3A_306 = tpu.vector_load %arg11[%swap3A_305] {strides = array<i32>} : memref<1280xf32, #tpu.memory_space<vmem>>, vector<16xf32>,
    tpu.vector_store %arg11[%swap3A_305], %broadcast_in_dim3A_5 {strides = array<i32>} : memref<1280xf32, #tpu.memory_space<vmem>>, vector<16xf32>,
    %swap3A_307 = arith.constant 592 : index
    %swap3A_308 = tpu.vector_load %arg12[%swap3A_307] {strides = array<i32>} : memref<1280xf32, #tpu.memory_space<vmem>>, vector<16xf32>,
    tpu.vector_store %arg12[%swap3A_307], %broadcast_in_dim3A_5 {strides = array<i32>} : memref<1280xf32, #tpu.memory_space<vmem>>, vector<16xf32>,
    %swap3A_309 = arith.constant 608 : index
    %swap3A_310 = tpu.vector_load %arg9[%swap3A_309] {strides = array<i32>} : memref<1280xf32, #tpu.memory_space<vmem>>, vector<16xf32>,
    tpu.vector_store %arg9[%swap3A_309], %broadcast_in_dim3A_5 {strides = array<i32>} : memref<1280xf32, #tpu.memory_space<vmem>>, vector<16xf32>,
    %swap3A_311 = arith.constant 608 : index
    %swap3A_312 = tpu.vector_load %arg10[%swap3A_311] {strides = array<i32>} : memref<1280xf32, #tpu.memory_space<vmem>>, vector<16xf32>,
    tpu.vector_store %arg10[%swap3A_311], %broadcast_in_dim3A_5 {strides = array<i32>} : memref<1280xf32, #tpu.memory_space<vmem>>, vector<16xf32>,
    %swap3A_313 = arith.constant 608 : index
    %swap3A_314 = tpu.vector_load %arg11[%swap3A_313] {strides = array<i32>} : memref<1280xf32, #tpu.memory_space<vmem>>, vector<16xf32>,
    tpu.vector_store %arg11[%swap3A_313], %broadcast_in_dim3A_5 {strides = array<i32>} : memref<1280xf32, #tpu.memory_space<vmem>>, vector<16xf32>,
    %swap3A_315 = arith.constant 608 : index
    %swap3A_316 = tpu.vector_load %arg12[%swap3A_315] {strides = array<i32>} : memref<1280xf32, #tpu.memory_space<vmem>>, vector<16xf32>,
    tpu.vector_store %arg12[%swap3A_315], %broadcast_in_dim3A_5 {strides = array<i32>} : memref<1280xf32, #tpu.memory_space<vmem>>, vector<16xf32>,
    %swap3A_317 = arith.constant 624 : index
    %swap3A_318 = tpu.vector_load %arg9[%swap3A_317] {strides = array<i32>} : memref<1280xf32, #tpu.memory_space<vmem>>, vector<16xf32>,
    tpu.vector_store %arg9[%swap3A_317], %broadcast_in_dim3A_5 {strides = array<i32>} : memref<1280xf32, #tpu.memory_space<vmem>>, vector<16xf32>,
    %swap3A_319 = arith.constant 624 : index
    %swap3A_320 = tpu.vector_load %arg10[%swap3A_319] {strides = array<i32>} : memref<1280xf32, #tpu.memory_space<vmem>>, vector<16xf32>,
    tpu.vector_store %arg10[%swap3A_319], %broadcast_in_dim3A_5 {strides = array<i32>} : memref<1280xf32, #tpu.memory_space<vmem>>, vector<16xf32>,
    %swap3A_321 = arith.constant 624 : index
    %swap3A_322 = tpu.vector_load %arg11[%swap3A_321] {strides = array<i32>} : memref<1280xf32, #tpu.memory_space<vmem>>, vector<16xf32>,
    tpu.vector_store %arg11[%swap3A_321], %broadcast_in_dim3A_5 {strides = array<i32>} : memref<1280xf32, #tpu.memory_space<vmem>>, vector<16xf32>,
    %swap3A_323 = arith.constant 624 : index
    %swap3A_324 = tpu.vector_load %arg12[%swap3A_323] {strides = array<i32>} : memref<1280xf32, #tpu.memory_space<vmem>>, vector<16xf32>,
    tpu.vector_store %arg12[%swap3A_323], %broadcast_in_dim3A_5 {strides = array<i32>} : memref<1280xf32, #tpu.memory_space<vmem>>, vector<16xf32>,
    %swap3A_325 = arith.constant 640 : index
    %swap3A_326 = tpu.vector_load %arg9[%swap3A_325] {strides = array<i32>} : memref<1280xf32, #tpu.memory_space<vmem>>, vector<16xf32>,
    tpu.vector_store %arg9[%swap3A_325], %broadcast_in_dim3A_5 {strides = array<i32>} : memref<1280xf32, #tpu.memory_space<vmem>>, vector<16xf32>,
    %swap3A_327 = arith.constant 640 : index
    %swap3A_328 = tpu.vector_load %arg10[%swap3A_327] {strides = array<i32>} : memref<1280xf32, #tpu.memory_space<vmem>>, vector<16xf32>,
    tpu.vector_store %arg10[%swap3A_327], %broadcast_in_dim3A_5 {strides = array<i32>} : memref<1280xf32, #tpu.memory_space<vmem>>, vector<16xf32>,
    %swap3A_329 = arith.constant 640 : index
    %swap3A_330 = tpu.vector_load %arg11[%swap3A_329] {strides = array<i32>} : memref<1280xf32, #tpu.memory_space<vmem>>, vector<16xf32>,
    tpu.vector_store %arg11[%swap3A_329], %broadcast_in_dim3A_5 {strides = array<i32>} : memref<1280xf32, #tpu.memory_space<vmem>>, vector<16xf32>,
    %swap3A_331 = arith.constant 640 : index
    %swap3A_332 = tpu.vector_load %arg12[%swap3A_331] {strides = array<i32>} : memref<1280xf32, #tpu.memory_space<vmem>>, vector<16xf32>,
    tpu.vector_store %arg12[%swap3A_331], %broadcast_in_dim3A_5 {strides = array<i32>} : memref<1280xf32, #tpu.memory_space<vmem>>, vector<16xf32>,
    %swap3A_333 = arith.constant 656 : index
    %swap3A_334 = tpu.vector_load %arg9[%swap3A_333] {strides = array<i32>} : memref<1280xf32, #tpu.memory_space<vmem>>, vector<16xf32>,
    tpu.vector_store %arg9[%swap3A_333], %broadcast_in_dim3A_5 {strides = array<i32>} : memref<1280xf32, #tpu.memory_space<vmem>>, vector<16xf32>,
    %swap3A_335 = arith.constant 656 : index
    %swap3A_336 = tpu.vector_load %arg10[%swap3A_335] {strides = array<i32>} : memref<1280xf32, #tpu.memory_space<vmem>>, vector<16xf32>,
    tpu.vector_store %arg10[%swap3A_335], %broadcast_in_dim3A_5 {strides = array<i32>} : memref<1280xf32, #tpu.memory_space<vmem>>, vector<16xf32>,
    %swap3A_337 = arith.constant 656 : index
    %swap3A_338 = tpu.vector_load %arg11[%swap3A_337] {strides = array<i32>} : memref<1280xf32, #tpu.memory_space<vmem>>, vector<16xf32>,
    tpu.vector_store %arg11[%swap3A_337], %broadcast_in_dim3A_5 {strides = array<i32>} : memref<1280xf32, #tpu.memory_space<vmem>>, vector<16xf32>,
    %swap3A_339 = arith.constant 656 : index
    %swap3A_340 = tpu.vector_load %arg12[%swap3A_339] {strides = array<i32>} : memref<1280xf32, #tpu.memory_space<vmem>>, vector<16xf32>,
    tpu.vector_store %arg12[%swap3A_339], %broadcast_in_dim3A_5 {strides = array<i32>} : memref<1280xf32, #tpu.memory_space<vmem>>, vector<16xf32>,
    %swap3A_341 = arith.constant 672 : index
    %swap3A_342 = tpu.vector_load %arg9[%swap3A_341] {strides = array<i32>} : memref<1280xf32, #tpu.memory_space<vmem>>, vector<16xf32>,
    tpu.vector_store %arg9[%swap3A_341], %broadcast_in_dim3A_5 {strides = array<i32>} : memref<1280xf32, #tpu.memory_space<vmem>>, vector<16xf32>,
    %swap3A_343 = arith.constant 672 : index
    %swap3A_344 = tpu.vector_load %arg10[%swap3A_343] {strides = array<i32>} : memref<1280xf32, #tpu.memory_space<vmem>>, vector<16xf32>,
    tpu.vector_store %arg10[%swap3A_343], %broadcast_in_dim3A_5 {strides = array<i32>} : memref<1280xf32, #tpu.memory_space<vmem>>, vector<16xf32>,
    %swap3A_345 = arith.constant 672 : index
    %swap3A_346 = tpu.vector_load %arg11[%swap3A_345] {strides = array<i32>} : memref<1280xf32, #tpu.memory_space<vmem>>, vector<16xf32>,
    tpu.vector_store %arg11[%swap3A_345], %broadcast_in_dim3A_5 {strides = array<i32>} : memref<1280xf32, #tpu.memory_space<vmem>>, vector<16xf32>,
    %swap3A_347 = arith.constant 672 : index
    %swap3A_348 = tpu.vector_load %arg12[%swap3A_347] {strides = array<i32>} : memref<1280xf32, #tpu.memory_space<vmem>>, vector<16xf32>,
    tpu.vector_store %arg12[%swap3A_347], %broadcast_in_dim3A_5 {strides = array<i32>} : memref<1280xf32, #tpu.memory_space<vmem>>, vector<16xf32>,
    %swap3A_349 = arith.constant 688 : index
    %swap3A_350 = tpu.vector_load %arg9[%swap3A_349] {strides = array<i32>} : memref<1280xf32, #tpu.memory_space<vmem>>, vector<16xf32>,
    tpu.vector_store %arg9[%swap3A_349], %broadcast_in_dim3A_5 {strides = array<i32>} : memref<1280xf32, #tpu.memory_space<vmem>>, vector<16xf32>,
    %swap3A_351 = arith.constant 688 : index
    %swap3A_352 = tpu.vector_load %arg10[%swap3A_351] {strides = array<i32>} : memref<1280xf32, #tpu.memory_space<vmem>>, vector<16xf32>,
    tpu.vector_store %arg10[%swap3A_351], %broadcast_in_dim3A_5 {strides = array<i32>} : memref<1280xf32, #tpu.memory_space<vmem>>, vector<16xf32>,
    %swap3A_353 = arith.constant 688 : index
    %swap3A_354 = tpu.vector_load %arg11[%swap3A_353] {strides = array<i32>} : memref<1280xf32, #tpu.memory_space<vmem>>, vector<16xf32>,
    tpu.vector_store %arg11[%swap3A_353], %broadcast_in_dim3A_5 {strides = array<i32>} : memref<1280xf32, #tpu.memory_space<vmem>>, vector<16xf32>,
    %swap3A_355 = arith.constant 688 : index
    %swap3A_356 = tpu.vector_load %arg12[%swap3A_355] {strides = array<i32>} : memref<1280xf32, #tpu.memory_space<vmem>>, vector<16xf32>,
    tpu.vector_store %arg12[%swap3A_355], %broadcast_in_dim3A_5 {strides = array<i32>} : memref<1280xf32, #tpu.memory_space<vmem>>, vector<16xf32>,
    %swap3A_357 = arith.constant 704 : index
    %swap3A_358 = tpu.vector_load %arg9[%swap3A_357] {strides = array<i32>} : memref<1280xf32, #tpu.memory_space<vmem>>, vector<16xf32>,
    tpu.vector_store %arg9[%swap3A_357], %broadcast_in_dim3A_5 {strides = array<i32>} : memref<1280xf32, #tpu.memory_space<vmem>>, vector<16xf32>,
    %swap3A_359 = arith.constant 704 : index
    %swap3A_360 = tpu.vector_load %arg10[%swap3A_359] {strides = array<i32>} : memref<1280xf32, #tpu.memory_space<vmem>>, vector<16xf32>,
    tpu.vector_store %arg10[%swap3A_359], %broadcast_in_dim3A_5 {strides = array<i32>} : memref<1280xf32, #tpu.memory_space<vmem>>, vector<16xf32>,
    %swap3A_361 = arith.constant 704 : index
    %swap3A_362 = tpu.vector_load %arg11[%swap3A_361] {strides = array<i32>} : memref<1280xf32, #tpu.memory_space<vmem>>, vector<16xf32>,
    tpu.vector_store %arg11[%swap3A_361], %broadcast_in_dim3A_5 {strides = array<i32>} : memref<1280xf32, #tpu.memory_space<vmem>>, vector<16xf32>,
    %swap3A_363 = arith.constant 704 : index
    %swap3A_364 = tpu.vector_load %arg12[%swap3A_363] {strides = array<i32>} : memref<1280xf32, #tpu.memory_space<vmem>>, vector<16xf32>,
    tpu.vector_store %arg12[%swap3A_363], %broadcast_in_dim3A_5 {strides = array<i32>} : memref<1280xf32, #tpu.memory_space<vmem>>, vector<16xf32>,
    %swap3A_365 = arith.constant 720 : index
    %swap3A_366 = tpu.vector_load %arg9[%swap3A_365] {strides = array<i32>} : memref<1280xf32, #tpu.memory_space<vmem>>, vector<16xf32>,
    tpu.vector_store %arg9[%swap3A_365], %broadcast_in_dim3A_5 {strides = array<i32>} : memref<1280xf32, #tpu.memory_space<vmem>>, vector<16xf32>,
    %swap3A_367 = arith.constant 720 : index
    %swap3A_368 = tpu.vector_load %arg10[%swap3A_367] {strides = array<i32>} : memref<1280xf32, #tpu.memory_space<vmem>>, vector<16xf32>,
    tpu.vector_store %arg10[%swap3A_367], %broadcast_in_dim3A_5 {strides = array<i32>} : memref<1280xf32, #tpu.memory_space<vmem>>, vector<16xf32>,
    %swap3A_369 = arith.constant 720 : index
    %swap3A_370 = tpu.vector_load %arg11[%swap3A_369] {strides = array<i32>} : memref<1280xf32, #tpu.memory_space<vmem>>, vector<16xf32>,
    tpu.vector_store %arg11[%swap3A_369], %broadcast_in_dim3A_5 {strides = array<i32>} : memref<1280xf32, #tpu.memory_space<vmem>>, vector<16xf32>,
    %swap3A_371 = arith.constant 720 : index
    %swap3A_372 = tpu.vector_load %arg12[%swap3A_371] {strides = array<i32>} : memref<1280xf32, #tpu.memory_space<vmem>>, vector<16xf32>,
    tpu.vector_store %arg12[%swap3A_371], %broadcast_in_dim3A_5 {strides = array<i32>} : memref<1280xf32, #tpu.memory_space<vmem>>, vector<16xf32>,
    %swap3A_373 = arith.constant 736 : index
    %swap3A_374 = tpu.vector_load %arg9[%swap3A_373] {strides = array<i32>} : memref<1280xf32, #tpu.memory_space<vmem>>, vector<16xf32>,
    tpu.vector_store %arg9[%swap3A_373], %broadcast_in_dim3A_5 {strides = array<i32>} : memref<1280xf32, #tpu.memory_space<vmem>>, vector<16xf32>,
    %swap3A_375 = arith.constant 736 : index
    %swap3A_376 = tpu.vector_load %arg10[%swap3A_375] {strides = array<i32>} : memref<1280xf32, #tpu.memory_space<vmem>>, vector<16xf32>,
    tpu.vector_store %arg10[%swap3A_375], %broadcast_in_dim3A_5 {strides = array<i32>} : memref<1280xf32, #tpu.memory_space<vmem>>, vector<16xf32>,
    %swap3A_377 = arith.constant 736 : index
    %swap3A_378 = tpu.vector_load %arg11[%swap3A_377] {strides = array<i32>} : memref<1280xf32, #tpu.memory_space<vmem>>, vector<16xf32>,
    tpu.vector_store %arg11[%swap3A_377], %broadcast_in_dim3A_5 {strides = array<i32>} : memref<1280xf32, #tpu.memory_space<vmem>>, vector<16xf32>,
    %swap3A_379 = arith.constant 736 : index
    %swap3A_380 = tpu.vector_load %arg12[%swap3A_379] {strides = array<i32>} : memref<1280xf32, #tpu.memory_space<vmem>>, vector<16xf32>,
    tpu.vector_store %arg12[%swap3A_379], %broadcast_in_dim3A_5 {strides = array<i32>} : memref<1280xf32, #tpu.memory_space<vmem>>, vector<16xf32>,
    %swap3A_381 = arith.constant 752 : index
    %swap3A_382 = tpu.vector_load %arg9[%swap3A_381] {strides = array<i32>} : memref<1280xf32, #tpu.memory_space<vmem>>, vector<16xf32>,
    tpu.vector_store %arg9[%swap3A_381], %broadcast_in_dim3A_5 {strides = array<i32>} : memref<1280xf32, #tpu.memory_space<vmem>>, vector<16xf32>,
    %swap3A_383 = arith.constant 752 : index
    %swap3A_384 = tpu.vector_load %arg10[%swap3A_383] {strides = array<i32>} : memref<1280xf32, #tpu.memory_space<vmem>>, vector<16xf32>,
    tpu.vector_store %arg10[%swap3A_383], %broadcast_in_dim3A_5 {strides = array<i32>} : memref<1280xf32, #tpu.memory_space<vmem>>, vector<16xf32>,
    %swap3A_385 = arith.constant 752 : index
    %swap3A_386 = tpu.vector_load %arg11[%swap3A_385] {strides = array<i32>} : memref<1280xf32, #tpu.memory_space<vmem>>, vector<16xf32>,
    tpu.vector_store %arg11[%swap3A_385], %broadcast_in_dim3A_5 {strides = array<i32>} : memref<1280xf32, #tpu.memory_space<vmem>>, vector<16xf32>,
    %swap3A_387 = arith.constant 752 : index
    %swap3A_388 = tpu.vector_load %arg12[%swap3A_387] {strides = array<i32>} : memref<1280xf32, #tpu.memory_space<vmem>>, vector<16xf32>,
    tpu.vector_store %arg12[%swap3A_387], %broadcast_in_dim3A_5 {strides = array<i32>} : memref<1280xf32, #tpu.memory_space<vmem>>, vector<16xf32>,
    %swap3A_389 = arith.constant 768 : index
    %swap3A_390 = tpu.vector_load %arg9[%swap3A_389] {strides = array<i32>} : memref<1280xf32, #tpu.memory_space<vmem>>, vector<16xf32>,
    tpu.vector_store %arg9[%swap3A_389], %broadcast_in_dim3A_5 {strides = array<i32>} : memref<1280xf32, #tpu.memory_space<vmem>>, vector<16xf32>,
    %swap3A_391 = arith.constant 768 : index
    %swap3A_392 = tpu.vector_load %arg10[%swap3A_391] {strides = array<i32>} : memref<1280xf32, #tpu.memory_space<vmem>>, vector<16xf32>,
    tpu.vector_store %arg10[%swap3A_391], %broadcast_in_dim3A_5 {strides = array<i32>} : memref<1280xf32, #tpu.memory_space<vmem>>, vector<16xf32>,
    %swap3A_393 = arith.constant 768 : index
    %swap3A_394 = tpu.vector_load %arg11[%swap3A_393] {strides = array<i32>} : memref<1280xf32, #tpu.memory_space<vmem>>, vector<16xf32>,
    tpu.vector_store %arg11[%swap3A_393], %broadcast_in_dim3A_5 {strides = array<i32>} : memref<1280xf32, #tpu.memory_space<vmem>>, vector<16xf32>,
    %swap3A_395 = arith.constant 768 : index
    %swap3A_396 = tpu.vector_load %arg12[%swap3A_395] {strides = array<i32>} : memref<1280xf32, #tpu.memory_space<vmem>>, vector<16xf32>,
    tpu.vector_store %arg12[%swap3A_395], %broadcast_in_dim3A_5 {strides = array<i32>} : memref<1280xf32, #tpu.memory_space<vmem>>, vector<16xf32>,
    %swap3A_397 = arith.constant 784 : index
    %swap3A_398 = tpu.vector_load %arg9[%swap3A_397] {strides = array<i32>} : memref<1280xf32, #tpu.memory_space<vmem>>, vector<16xf32>,
    tpu.vector_store %arg9[%swap3A_397], %broadcast_in_dim3A_5 {strides = array<i32>} : memref<1280xf32, #tpu.memory_space<vmem>>, vector<16xf32>,
    %swap3A_399 = arith.constant 784 : index
    %swap3A_400 = tpu.vector_load %arg10[%swap3A_399] {strides = array<i32>} : memref<1280xf32, #tpu.memory_space<vmem>>, vector<16xf32>,
    tpu.vector_store %arg10[%swap3A_399], %broadcast_in_dim3A_5 {strides = array<i32>} : memref<1280xf32, #tpu.memory_space<vmem>>, vector<16xf32>,
    %swap3A_401 = arith.constant 784 : index
    %swap3A_402 = tpu.vector_load %arg11[%swap3A_401] {strides = array<i32>} : memref<1280xf32, #tpu.memory_space<vmem>>, vector<16xf32>,
    tpu.vector_store %arg11[%swap3A_401], %broadcast_in_dim3A_5 {strides = array<i32>} : memref<1280xf32, #tpu.memory_space<vmem>>, vector<16xf32>,
    %swap3A_403 = arith.constant 784 : index
    %swap3A_404 = tpu.vector_load %arg12[%swap3A_403] {strides = array<i32>} : memref<1280xf32, #tpu.memory_space<vmem>>, vector<16xf32>,
    tpu.vector_store %arg12[%swap3A_403], %broadcast_in_dim3A_5 {strides = array<i32>} : memref<1280xf32, #tpu.memory_space<vmem>>, vector<16xf32>,
    %swap3A_405 = arith.constant 800 : index
    %swap3A_406 = tpu.vector_load %arg9[%swap3A_405] {strides = array<i32>} : memref<1280xf32, #tpu.memory_space<vmem>>, vector<16xf32>,
    tpu.vector_store %arg9[%swap3A_405], %broadcast_in_dim3A_5 {strides = array<i32>} : memref<1280xf32, #tpu.memory_space<vmem>>, vector<16xf32>,
    %swap3A_407 = arith.constant 800 : index
    %swap3A_408 = tpu.vector_load %arg10[%swap3A_407] {strides = array<i32>} : memref<1280xf32, #tpu.memory_space<vmem>>, vector<16xf32>,
    tpu.vector_store %arg10[%swap3A_407], %broadcast_in_dim3A_5 {strides = array<i32>} : memref<1280xf32, #tpu.memory_space<vmem>>, vector<16xf32>,
    %swap3A_409 = arith.constant 800 : index
    %swap3A_410 = tpu.vector_load %arg11[%swap3A_409] {strides = array<i32>} : memref<1280xf32, #tpu.memory_space<vmem>>, vector<16xf32>,
    tpu.vector_store %arg11[%swap3A_409], %broadcast_in_dim3A_5 {strides = array<i32>} : memref<1280xf32, #tpu.memory_space<vmem>>, vector<16xf32>,
    %swap3A_411 = arith.constant 800 : index
    %swap3A_412 = tpu.vector_load %arg12[%swap3A_411] {strides = array<i32>} : memref<1280xf32, #tpu.memory_space<vmem>>, vector<16xf32>,
    tpu.vector_store %arg12[%swap3A_411], %broadcast_in_dim3A_5 {strides = array<i32>} : memref<1280xf32, #tpu.memory_space<vmem>>, vector<16xf32>,
    %swap3A_413 = arith.constant 816 : index
    %swap3A_414 = tpu.vector_load %arg9[%swap3A_413] {strides = array<i32>} : memref<1280xf32, #tpu.memory_space<vmem>>, vector<16xf32>,
    tpu.vector_store %arg9[%swap3A_413], %broadcast_in_dim3A_5 {strides = array<i32>} : memref<1280xf32, #tpu.memory_space<vmem>>, vector<16xf32>,
    %swap3A_415 = arith.constant 816 : index
    %swap3A_416 = tpu.vector_load %arg10[%swap3A_415] {strides = array<i32>} : memref<1280xf32, #tpu.memory_space<vmem>>, vector<16xf32>,
    tpu.vector_store %arg10[%swap3A_415], %broadcast_in_dim3A_5 {strides = array<i32>} : memref<1280xf32, #tpu.memory_space<vmem>>, vector<16xf32>,
    %swap3A_417 = arith.constant 816 : index
    %swap3A_418 = tpu.vector_load %arg11[%swap3A_417] {strides = array<i32>} : memref<1280xf32, #tpu.memory_space<vmem>>, vector<16xf32>,
    tpu.vector_store %arg11[%swap3A_417], %broadcast_in_dim3A_5 {strides = array<i32>} : memref<1280xf32, #tpu.memory_space<vmem>>, vector<16xf32>,
    %swap3A_419 = arith.constant 816 : index
    %swap3A_420 = tpu.vector_load %arg12[%swap3A_419] {strides = array<i32>} : memref<1280xf32, #tpu.memory_space<vmem>>, vector<16xf32>,
    tpu.vector_store %arg12[%swap3A_419], %broadcast_in_dim3A_5 {strides = array<i32>} : memref<1280xf32, #tpu.memory_space<vmem>>, vector<16xf32>,
    %swap3A_421 = arith.constant 832 : index
    %swap3A_422 = tpu.vector_load %arg9[%swap3A_421] {strides = array<i32>} : memref<1280xf32, #tpu.memory_space<vmem>>, vector<16xf32>,
    tpu.vector_store %arg9[%swap3A_421], %broadcast_in_dim3A_5 {strides = array<i32>} : memref<1280xf32, #tpu.memory_space<vmem>>, vector<16xf32>,
    %swap3A_423 = arith.constant 832 : index
    %swap3A_424 = tpu.vector_load %arg10[%swap3A_423] {strides = array<i32>} : memref<1280xf32, #tpu.memory_space<vmem>>, vector<16xf32>,
    tpu.vector_store %arg10[%swap3A_423], %broadcast_in_dim3A_5 {strides = array<i32>} : memref<1280xf32, #tpu.memory_space<vmem>>, vector<16xf32>,
    %swap3A_425 = arith.constant 832 : index
    %swap3A_426 = tpu.vector_load %arg11[%swap3A_425] {strides = array<i32>} : memref<1280xf32, #tpu.memory_space<vmem>>, vector<16xf32>,
    tpu.vector_store %arg11[%swap3A_425], %broadcast_in_dim3A_5 {strides = array<i32>} : memref<1280xf32, #tpu.memory_space<vmem>>, vector<16xf32>,
    %swap3A_427 = arith.constant 832 : index
    %swap3A_428 = tpu.vector_load %arg12[%swap3A_427] {strides = array<i32>} : memref<1280xf32, #tpu.memory_space<vmem>>, vector<16xf32>,
    tpu.vector_store %arg12[%swap3A_427], %broadcast_in_dim3A_5 {strides = array<i32>} : memref<1280xf32, #tpu.memory_space<vmem>>, vector<16xf32>,
    %swap3A_429 = arith.constant 848 : index
    %swap3A_430 = tpu.vector_load %arg9[%swap3A_429] {strides = array<i32>} : memref<1280xf32, #tpu.memory_space<vmem>>, vector<16xf32>,
    tpu.vector_store %arg9[%swap3A_429], %broadcast_in_dim3A_5 {strides = array<i32>} : memref<1280xf32, #tpu.memory_space<vmem>>, vector<16xf32>,
    %swap3A_431 = arith.constant 848 : index
    %swap3A_432 = tpu.vector_load %arg10[%swap3A_431] {strides = array<i32>} : memref<1280xf32, #tpu.memory_space<vmem>>, vector<16xf32>,
    tpu.vector_store %arg10[%swap3A_431], %broadcast_in_dim3A_5 {strides = array<i32>} : memref<1280xf32, #tpu.memory_space<vmem>>, vector<16xf32>,
    %swap3A_433 = arith.constant 848 : index
    %swap3A_434 = tpu.vector_load %arg11[%swap3A_433] {strides = array<i32>} : memref<1280xf32, #tpu.memory_space<vmem>>, vector<16xf32>,
    tpu.vector_store %arg11[%swap3A_433], %broadcast_in_dim3A_5 {strides = array<i32>} : memref<1280xf32, #tpu.memory_space<vmem>>, vector<16xf32>,
    %swap3A_435 = arith.constant 848 : index
    %swap3A_436 = tpu.vector_load %arg12[%swap3A_435] {strides = array<i32>} : memref<1280xf32, #tpu.memory_space<vmem>>, vector<16xf32>,
    tpu.vector_store %arg12[%swap3A_435], %broadcast_in_dim3A_5 {strides = array<i32>} : memref<1280xf32, #tpu.memory_space<vmem>>, vector<16xf32>,
    %swap3A_437 = arith.constant 864 : index
    %swap3A_438 = tpu.vector_load %arg9[%swap3A_437] {strides = array<i32>} : memref<1280xf32, #tpu.memory_space<vmem>>, vector<16xf32>,
    tpu.vector_store %arg9[%swap3A_437], %broadcast_in_dim3A_5 {strides = array<i32>} : memref<1280xf32, #tpu.memory_space<vmem>>, vector<16xf32>,
    %swap3A_439 = arith.constant 864 : index
    %swap3A_440 = tpu.vector_load %arg10[%swap3A_439] {strides = array<i32>} : memref<1280xf32, #tpu.memory_space<vmem>>, vector<16xf32>,
    tpu.vector_store %arg10[%swap3A_439], %broadcast_in_dim3A_5 {strides = array<i32>} : memref<1280xf32, #tpu.memory_space<vmem>>, vector<16xf32>,
    %swap3A_441 = arith.constant 864 : index
    %swap3A_442 = tpu.vector_load %arg11[%swap3A_441] {strides = array<i32>} : memref<1280xf32, #tpu.memory_space<vmem>>, vector<16xf32>,
    tpu.vector_store %arg11[%swap3A_441], %broadcast_in_dim3A_5 {strides = array<i32>} : memref<1280xf32, #tpu.memory_space<vmem>>, vector<16xf32>,
    %swap3A_443 = arith.constant 864 : index
    %swap3A_444 = tpu.vector_load %arg12[%swap3A_443] {strides = array<i32>} : memref<1280xf32, #tpu.memory_space<vmem>>, vector<16xf32>,
    tpu.vector_store %arg12[%swap3A_443], %broadcast_in_dim3A_5 {strides = array<i32>} : memref<1280xf32, #tpu.memory_space<vmem>>, vector<16xf32>,
    %swap3A_445 = arith.constant 880 : index
    %swap3A_446 = tpu.vector_load %arg9[%swap3A_445] {strides = array<i32>} : memref<1280xf32, #tpu.memory_space<vmem>>, vector<16xf32>,
    tpu.vector_store %arg9[%swap3A_445], %broadcast_in_dim3A_5 {strides = array<i32>} : memref<1280xf32, #tpu.memory_space<vmem>>, vector<16xf32>,
    %swap3A_447 = arith.constant 880 : index
    %swap3A_448 = tpu.vector_load %arg10[%swap3A_447] {strides = array<i32>} : memref<1280xf32, #tpu.memory_space<vmem>>, vector<16xf32>,
    tpu.vector_store %arg10[%swap3A_447], %broadcast_in_dim3A_5 {strides = array<i32>} : memref<1280xf32, #tpu.memory_space<vmem>>, vector<16xf32>,
    %swap3A_449 = arith.constant 880 : index
    %swap3A_450 = tpu.vector_load %arg11[%swap3A_449] {strides = array<i32>} : memref<1280xf32, #tpu.memory_space<vmem>>, vector<16xf32>,
    tpu.vector_store %arg11[%swap3A_449], %broadcast_in_dim3A_5 {strides = array<i32>} : memref<1280xf32, #tpu.memory_space<vmem>>, vector<16xf32>,
    %swap3A_451 = arith.constant 880 : index
    %swap3A_452 = tpu.vector_load %arg12[%swap3A_451] {strides = array<i32>} : memref<1280xf32, #tpu.memory_space<vmem>>, vector<16xf32>,
    tpu.vector_store %arg12[%swap3A_451], %broadcast_in_dim3A_5 {strides = array<i32>} : memref<1280xf32, #tpu.memory_space<vmem>>, vector<16xf32>,
    %swap3A_453 = arith.constant 896 : index
    %swap3A_454 = tpu.vector_load %arg9[%swap3A_453] {strides = array<i32>} : memref<1280xf32, #tpu.memory_space<vmem>>, vector<16xf32>,
    tpu.vector_store %arg9[%swap3A_453], %broadcast_in_dim3A_5 {strides = array<i32>} : memref<1280xf32, #tpu.memory_space<vmem>>, vector<16xf32>,
    %swap3A_455 = arith.constant 896 : index
    %swap3A_456 = tpu.vector_load %arg10[%swap3A_455] {strides = array<i32>} : memref<1280xf32, #tpu.memory_space<vmem>>, vector<16xf32>,
    tpu.vector_store %arg10[%swap3A_455], %broadcast_in_dim3A_5 {strides = array<i32>} : memref<1280xf32, #tpu.memory_space<vmem>>, vector<16xf32>,
    %swap3A_457 = arith.constant 896 : index
    %swap3A_458 = tpu.vector_load %arg11[%swap3A_457] {strides = array<i32>} : memref<1280xf32, #tpu.memory_space<vmem>>, vector<16xf32>,
    tpu.vector_store %arg11[%swap3A_457], %broadcast_in_dim3A_5 {strides = array<i32>} : memref<1280xf32, #tpu.memory_space<vmem>>, vector<16xf32>,
    %swap3A_459 = arith.constant 896 : index
    %swap3A_460 = tpu.vector_load %arg12[%swap3A_459] {strides = array<i32>} : memref<1280xf32, #tpu.memory_space<vmem>>, vector<16xf32>,
    tpu.vector_store %arg12[%swap3A_459], %broadcast_in_dim3A_5 {strides = array<i32>} : memref<1280xf32, #tpu.memory_space<vmem>>, vector<16xf32>,
    %swap3A_461 = arith.constant 912 : index
    %swap3A_462 = tpu.vector_load %arg9[%swap3A_461] {strides = array<i32>} : memref<1280xf32, #tpu.memory_space<vmem>>, vector<16xf32>,
    tpu.vector_store %arg9[%swap3A_461], %broadcast_in_dim3A_5 {strides = array<i32>} : memref<1280xf32, #tpu.memory_space<vmem>>, vector<16xf32>,
    %swap3A_463 = arith.constant 912 : index
    %swap3A_464 = tpu.vector_load %arg10[%swap3A_463] {strides = array<i32>} : memref<1280xf32, #tpu.memory_space<vmem>>, vector<16xf32>,
    tpu.vector_store %arg10[%swap3A_463], %broadcast_in_dim3A_5 {strides = array<i32>} : memref<1280xf32, #tpu.memory_space<vmem>>, vector<16xf32>,
    %swap3A_465 = arith.constant 912 : index
    %swap3A_466 = tpu.vector_load %arg11[%swap3A_465] {strides = array<i32>} : memref<1280xf32, #tpu.memory_space<vmem>>, vector<16xf32>,
    tpu.vector_store %arg11[%swap3A_465], %broadcast_in_dim3A_5 {strides = array<i32>} : memref<1280xf32, #tpu.memory_space<vmem>>, vector<16xf32>,
    %swap3A_467 = arith.constant 912 : index
    %swap3A_468 = tpu.vector_load %arg12[%swap3A_467] {strides = array<i32>} : memref<1280xf32, #tpu.memory_space<vmem>>, vector<16xf32>,
    tpu.vector_store %arg12[%swap3A_467], %broadcast_in_dim3A_5 {strides = array<i32>} : memref<1280xf32, #tpu.memory_space<vmem>>, vector<16xf32>,
    %swap3A_469 = arith.constant 928 : index
    %swap3A_470 = tpu.vector_load %arg9[%swap3A_469] {strides = array<i32>} : memref<1280xf32, #tpu.memory_space<vmem>>, vector<16xf32>,
    tpu.vector_store %arg9[%swap3A_469], %broadcast_in_dim3A_5 {strides = array<i32>} : memref<1280xf32, #tpu.memory_space<vmem>>, vector<16xf32>,
    %swap3A_471 = arith.constant 928 : index
    %swap3A_472 = tpu.vector_load %arg10[%swap3A_471] {strides = array<i32>} : memref<1280xf32, #tpu.memory_space<vmem>>, vector<16xf32>,
    tpu.vector_store %arg10[%swap3A_471], %broadcast_in_dim3A_5 {strides = array<i32>} : memref<1280xf32, #tpu.memory_space<vmem>>, vector<16xf32>,
    %swap3A_473 = arith.constant 928 : index
    %swap3A_474 = tpu.vector_load %arg11[%swap3A_473] {strides = array<i32>} : memref<1280xf32, #tpu.memory_space<vmem>>, vector<16xf32>,
    tpu.vector_store %arg11[%swap3A_473], %broadcast_in_dim3A_5 {strides = array<i32>} : memref<1280xf32, #tpu.memory_space<vmem>>, vector<16xf32>,
    %swap3A_475 = arith.constant 928 : index
    %swap3A_476 = tpu.vector_load %arg12[%swap3A_475] {strides = array<i32>} : memref<1280xf32, #tpu.memory_space<vmem>>, vector<16xf32>,
    tpu.vector_store %arg12[%swap3A_475], %broadcast_in_dim3A_5 {strides = array<i32>} : memref<1280xf32, #tpu.memory_space<vmem>>, vector<16xf32>,
    %swap3A_477 = arith.constant 944 : index
    %swap3A_478 = tpu.vector_load %arg9[%swap3A_477] {strides = array<i32>} : memref<1280xf32, #tpu.memory_space<vmem>>, vector<16xf32>,
    tpu.vector_store %arg9[%swap3A_477], %broadcast_in_dim3A_5 {strides = array<i32>} : memref<1280xf32, #tpu.memory_space<vmem>>, vector<16xf32>,
    %swap3A_479 = arith.constant 944 : index
    %swap3A_480 = tpu.vector_load %arg10[%swap3A_479] {strides = array<i32>} : memref<1280xf32, #tpu.memory_space<vmem>>, vector<16xf32>,
    tpu.vector_store %arg10[%swap3A_479], %broadcast_in_dim3A_5 {strides = array<i32>} : memref<1280xf32, #tpu.memory_space<vmem>>, vector<16xf32>,
    %swap3A_481 = arith.constant 944 : index
    %swap3A_482 = tpu.vector_load %arg11[%swap3A_481] {strides = array<i32>} : memref<1280xf32, #tpu.memory_space<vmem>>, vector<16xf32>,
    tpu.vector_store %arg11[%swap3A_481], %broadcast_in_dim3A_5 {strides = array<i32>} : memref<1280xf32, #tpu.memory_space<vmem>>, vector<16xf32>,
    %swap3A_483 = arith.constant 944 : index
    %swap3A_484 = tpu.vector_load %arg12[%swap3A_483] {strides = array<i32>} : memref<1280xf32, #tpu.memory_space<vmem>>, vector<16xf32>,
    tpu.vector_store %arg12[%swap3A_483], %broadcast_in_dim3A_5 {strides = array<i32>} : memref<1280xf32, #tpu.memory_space<vmem>>, vector<16xf32>,
    %swap3A_485 = arith.constant 960 : index
    %swap3A_486 = tpu.vector_load %arg9[%swap3A_485] {strides = array<i32>} : memref<1280xf32, #tpu.memory_space<vmem>>, vector<16xf32>,
    tpu.vector_store %arg9[%swap3A_485], %broadcast_in_dim3A_5 {strides = array<i32>} : memref<1280xf32, #tpu.memory_space<vmem>>, vector<16xf32>,
    %swap3A_487 = arith.constant 960 : index
    %swap3A_488 = tpu.vector_load %arg10[%swap3A_487] {strides = array<i32>} : memref<1280xf32, #tpu.memory_space<vmem>>, vector<16xf32>,
    tpu.vector_store %arg10[%swap3A_487], %broadcast_in_dim3A_5 {strides = array<i32>} : memref<1280xf32, #tpu.memory_space<vmem>>, vector<16xf32>,
    %swap3A_489 = arith.constant 960 : index
    %swap3A_490 = tpu.vector_load %arg11[%swap3A_489] {strides = array<i32>} : memref<1280xf32, #tpu.memory_space<vmem>>, vector<16xf32>,
    tpu.vector_store %arg11[%swap3A_489], %broadcast_in_dim3A_5 {strides = array<i32>} : memref<1280xf32, #tpu.memory_space<vmem>>, vector<16xf32>,
    %swap3A_491 = arith.constant 960 : index
    %swap3A_492 = tpu.vector_load %arg12[%swap3A_491] {strides = array<i32>} : memref<1280xf32, #tpu.memory_space<vmem>>, vector<16xf32>,
    tpu.vector_store %arg12[%swap3A_491], %broadcast_in_dim3A_5 {strides = array<i32>} : memref<1280xf32, #tpu.memory_space<vmem>>, vector<16xf32>,
    %swap3A_493 = arith.constant 976 : index
    %swap3A_494 = tpu.vector_load %arg9[%swap3A_493] {strides = array<i32>} : memref<1280xf32, #tpu.memory_space<vmem>>, vector<16xf32>,
    tpu.vector_store %arg9[%swap3A_493], %broadcast_in_dim3A_5 {strides = array<i32>} : memref<1280xf32, #tpu.memory_space<vmem>>, vector<16xf32>,
    %swap3A_495 = arith.constant 976 : index
    %swap3A_496 = tpu.vector_load %arg10[%swap3A_495] {strides = array<i32>} : memref<1280xf32, #tpu.memory_space<vmem>>, vector<16xf32>,
    tpu.vector_store %arg10[%swap3A_495], %broadcast_in_dim3A_5 {strides = array<i32>} : memref<1280xf32, #tpu.memory_space<vmem>>, vector<16xf32>,
    %swap3A_497 = arith.constant 976 : index
    %swap3A_498 = tpu.vector_load %arg11[%swap3A_497] {strides = array<i32>} : memref<1280xf32, #tpu.memory_space<vmem>>, vector<16xf32>,
    tpu.vector_store %arg11[%swap3A_497], %broadcast_in_dim3A_5 {strides = array<i32>} : memref<1280xf32, #tpu.memory_space<vmem>>, vector<16xf32>,
    %swap3A_499 = arith.constant 976 : index
    %swap3A_500 = tpu.vector_load %arg12[%swap3A_499] {strides = array<i32>} : memref<1280xf32, #tpu.memory_space<vmem>>, vector<16xf32>,
    tpu.vector_store %arg12[%swap3A_499], %broadcast_in_dim3A_5 {strides = array<i32>} : memref<1280xf32, #tpu.memory_space<vmem>>, vector<16xf32>,
    %swap3A_501 = arith.constant 992 : index
    %swap3A_502 = tpu.vector_load %arg9[%swap3A_501] {strides = array<i32>} : memref<1280xf32, #tpu.memory_space<vmem>>, vector<16xf32>,
    tpu.vector_store %arg9[%swap3A_501], %broadcast_in_dim3A_5 {strides = array<i32>} : memref<1280xf32, #tpu.memory_space<vmem>>, vector<16xf32>,
    %swap3A_503 = arith.constant 992 : index
    %swap3A_504 = tpu.vector_load %arg10[%swap3A_503] {strides = array<i32>} : memref<1280xf32, #tpu.memory_space<vmem>>, vector<16xf32>,
    tpu.vector_store %arg10[%swap3A_503], %broadcast_in_dim3A_5 {strides = array<i32>} : memref<1280xf32, #tpu.memory_space<vmem>>, vector<16xf32>,
    %swap3A_505 = arith.constant 992 : index
    %swap3A_506 = tpu.vector_load %arg11[%swap3A_505] {strides = array<i32>} : memref<1280xf32, #tpu.memory_space<vmem>>, vector<16xf32>,
    tpu.vector_store %arg11[%swap3A_505], %broadcast_in_dim3A_5 {strides = array<i32>} : memref<1280xf32, #tpu.memory_space<vmem>>, vector<16xf32>,
    %swap3A_507 = arith.constant 992 : index
    %swap3A_508 = tpu.vector_load %arg12[%swap3A_507] {strides = array<i32>} : memref<1280xf32, #tpu.memory_space<vmem>>, vector<16xf32>,
    tpu.vector_store %arg12[%swap3A_507], %broadcast_in_dim3A_5 {strides = array<i32>} : memref<1280xf32, #tpu.memory_space<vmem>>, vector<16xf32>,
    %swap3A_509 = arith.constant 1008 : index
    %swap3A_510 = tpu.vector_load %arg9[%swap3A_509] {strides = array<i32>} : memref<1280xf32, #tpu.memory_space<vmem>>, vector<16xf32>,
    tpu.vector_store %arg9[%swap3A_509], %broadcast_in_dim3A_5 {strides = array<i32>} : memref<1280xf32, #tpu.memory_space<vmem>>, vector<16xf32>,
    %swap3A_511 = arith.constant 1008 : index
    %swap3A_512 = tpu.vector_load %arg10[%swap3A_511] {strides = array<i32>} : memref<1280xf32, #tpu.memory_space<vmem>>, vector<16xf32>,
    tpu.vector_store %arg10[%swap3A_511], %broadcast_in_dim3A_5 {strides = array<i32>} : memref<1280xf32, #tpu.memory_space<vmem>>, vector<16xf32>,
    %swap3A_513 = arith.constant 1008 : index
    %swap3A_514 = tpu.vector_load %arg11[%swap3A_513] {strides = array<i32>} : memref<1280xf32, #tpu.memory_space<vmem>>, vector<16xf32>,
    tpu.vector_store %arg11[%swap3A_513], %broadcast_in_dim3A_5 {strides = array<i32>} : memref<1280xf32, #tpu.memory_space<vmem>>, vector<16xf32>,
    %swap3A_515 = arith.constant 1008 : index
    %swap3A_516 = tpu.vector_load %arg12[%swap3A_515] {strides = array<i32>} : memref<1280xf32, #tpu.memory_space<vmem>>, vector<16xf32>,
    tpu.vector_store %arg12[%swap3A_515], %broadcast_in_dim3A_5 {strides = array<i32>} : memref<1280xf32, #tpu.memory_space<vmem>>, vector<16xf32>,
    %swap3A_517 = arith.constant 1024 : index
    %swap3A_518 = tpu.vector_load %arg9[%swap3A_517] {strides = array<i32>} : memref<1280xf32, #tpu.memory_space<vmem>>, vector<16xf32>,
    tpu.vector_store %arg9[%swap3A_517], %broadcast_in_dim3A_5 {strides = array<i32>} : memref<1280xf32, #tpu.memory_space<vmem>>, vector<16xf32>,
    %swap3A_519 = arith.constant 1024 : index
    %swap3A_520 = tpu.vector_load %arg10[%swap3A_519] {strides = array<i32>} : memref<1280xf32, #tpu.memory_space<vmem>>, vector<16xf32>,
    tpu.vector_store %arg10[%swap3A_519], %broadcast_in_dim3A_5 {strides = array<i32>} : memref<1280xf32, #tpu.memory_space<vmem>>, vector<16xf32>,
    %swap3A_521 = arith.constant 1024 : index
    %swap3A_522 = tpu.vector_load %arg11[%swap3A_521] {strides = array<i32>} : memref<1280xf32, #tpu.memory_space<vmem>>, vector<16xf32>,
    tpu.vector_store %arg11[%swap3A_521], %broadcast_in_dim3A_5 {strides = array<i32>} : memref<1280xf32, #tpu.memory_space<vmem>>, vector<16xf32>,
    %swap3A_523 = arith.constant 1024 : index
    %swap3A_524 = tpu.vector_load %arg12[%swap3A_523] {strides = array<i32>} : memref<1280xf32, #tpu.memory_space<vmem>>, vector<16xf32>,
    tpu.vector_store %arg12[%swap3A_523], %broadcast_in_dim3A_5 {strides = array<i32>} : memref<1280xf32, #tpu.memory_space<vmem>>, vector<16xf32>,
    %swap3A_525 = arith.constant 1040 : index
    %swap3A_526 = tpu.vector_load %arg9[%swap3A_525] {strides = array<i32>} : memref<1280xf32, #tpu.memory_space<vmem>>, vector<16xf32>,
    tpu.vector_store %arg9[%swap3A_525], %broadcast_in_dim3A_5 {strides = array<i32>} : memref<1280xf32, #tpu.memory_space<vmem>>, vector<16xf32>,
    %swap3A_527 = arith.constant 1040 : index
    %swap3A_528 = tpu.vector_load %arg10[%swap3A_527] {strides = array<i32>} : memref<1280xf32, #tpu.memory_space<vmem>>, vector<16xf32>,
    tpu.vector_store %arg10[%swap3A_527], %broadcast_in_dim3A_5 {strides = array<i32>} : memref<1280xf32, #tpu.memory_space<vmem>>, vector<16xf32>,
    %swap3A_529 = arith.constant 1040 : index
    %swap3A_530 = tpu.vector_load %arg11[%swap3A_529] {strides = array<i32>} : memref<1280xf32, #tpu.memory_space<vmem>>, vector<16xf32>,
    tpu.vector_store %arg11[%swap3A_529], %broadcast_in_dim3A_5 {strides = array<i32>} : memref<1280xf32, #tpu.memory_space<vmem>>, vector<16xf32>,
    %swap3A_531 = arith.constant 1040 : index
    %swap3A_532 = tpu.vector_load %arg12[%swap3A_531] {strides = array<i32>} : memref<1280xf32, #tpu.memory_space<vmem>>, vector<16xf32>,
    tpu.vector_store %arg12[%swap3A_531], %broadcast_in_dim3A_5 {strides = array<i32>} : memref<1280xf32, #tpu.memory_space<vmem>>, vector<16xf32>,
    %swap3A_533 = arith.constant 1056 : index
    %swap3A_534 = tpu.vector_load %arg9[%swap3A_533] {strides = array<i32>} : memref<1280xf32, #tpu.memory_space<vmem>>, vector<16xf32>,
    tpu.vector_store %arg9[%swap3A_533], %broadcast_in_dim3A_5 {strides = array<i32>} : memref<1280xf32, #tpu.memory_space<vmem>>, vector<16xf32>,
    %swap3A_535 = arith.constant 1056 : index
    %swap3A_536 = tpu.vector_load %arg10[%swap3A_535] {strides = array<i32>} : memref<1280xf32, #tpu.memory_space<vmem>>, vector<16xf32>,
    tpu.vector_store %arg10[%swap3A_535], %broadcast_in_dim3A_5 {strides = array<i32>} : memref<1280xf32, #tpu.memory_space<vmem>>, vector<16xf32>,
    %swap3A_537 = arith.constant 1056 : index
    %swap3A_538 = tpu.vector_load %arg11[%swap3A_537] {strides = array<i32>} : memref<1280xf32, #tpu.memory_space<vmem>>, vector<16xf32>,
    tpu.vector_store %arg11[%swap3A_537], %broadcast_in_dim3A_5 {strides = array<i32>} : memref<1280xf32, #tpu.memory_space<vmem>>, vector<16xf32>,
    %swap3A_539 = arith.constant 1056 : index
    %swap3A_540 = tpu.vector_load %arg12[%swap3A_539] {strides = array<i32>} : memref<1280xf32, #tpu.memory_space<vmem>>, vector<16xf32>,
    tpu.vector_store %arg12[%swap3A_539], %broadcast_in_dim3A_5 {strides = array<i32>} : memref<1280xf32, #tpu.memory_space<vmem>>, vector<16xf32>,
    %swap3A_541 = arith.constant 1072 : index
    %swap3A_542 = tpu.vector_load %arg9[%swap3A_541] {strides = array<i32>} : memref<1280xf32, #tpu.memory_space<vmem>>, vector<16xf32>,
    tpu.vector_store %arg9[%swap3A_541], %broadcast_in_dim3A_5 {strides = array<i32>} : memref<1280xf32, #tpu.memory_space<vmem>>, vector<16xf32>,
    %swap3A_543 = arith.constant 1072 : index
    %swap3A_544 = tpu.vector_load %arg10[%swap3A_543] {strides = array<i32>} : memref<1280xf32, #tpu.memory_space<vmem>>, vector<16xf32>,
    tpu.vector_store %arg10[%swap3A_543], %broadcast_in_dim3A_5 {strides = array<i32>} : memref<1280xf32, #tpu.memory_space<vmem>>, vector<16xf32>,
    %swap3A_545 = arith.constant 1072 : index
    %swap3A_546 = tpu.vector_load %arg11[%swap3A_545] {strides = array<i32>} : memref<1280xf32, #tpu.memory_space<vmem>>, vector<16xf32>,
    tpu.vector_store %arg11[%swap3A_545], %broadcast_in_dim3A_5 {strides = array<i32>} : memref<1280xf32, #tpu.memory_space<vmem>>, vector<16xf32>,
    %swap3A_547 = arith.constant 1072 : index
    %swap3A_548 = tpu.vector_load %arg12[%swap3A_547] {strides = array<i32>} : memref<1280xf32, #tpu.memory_space<vmem>>, vector<16xf32>,
    tpu.vector_store %arg12[%swap3A_547], %broadcast_in_dim3A_5 {strides = array<i32>} : memref<1280xf32, #tpu.memory_space<vmem>>, vector<16xf32>,
    %swap3A_549 = arith.constant 1088 : index
    %swap3A_550 = tpu.vector_load %arg9[%swap3A_549] {strides = array<i32>} : memref<1280xf32, #tpu.memory_space<vmem>>, vector<16xf32>,
    tpu.vector_store %arg9[%swap3A_549], %broadcast_in_dim3A_5 {strides = array<i32>} : memref<1280xf32, #tpu.memory_space<vmem>>, vector<16xf32>,
    %swap3A_551 = arith.constant 1088 : index
    %swap3A_552 = tpu.vector_load %arg10[%swap3A_551] {strides = array<i32>} : memref<1280xf32, #tpu.memory_space<vmem>>, vector<16xf32>,
    tpu.vector_store %arg10[%swap3A_551], %broadcast_in_dim3A_5 {strides = array<i32>} : memref<1280xf32, #tpu.memory_space<vmem>>, vector<16xf32>,
    %swap3A_553 = arith.constant 1088 : index
    %swap3A_554 = tpu.vector_load %arg11[%swap3A_553] {strides = array<i32>} : memref<1280xf32, #tpu.memory_space<vmem>>, vector<16xf32>,
    tpu.vector_store %arg11[%swap3A_553], %broadcast_in_dim3A_5 {strides = array<i32>} : memref<1280xf32, #tpu.memory_space<vmem>>, vector<16xf32>,
    %swap3A_555 = arith.constant 1088 : index
    %swap3A_556 = tpu.vector_load %arg12[%swap3A_555] {strides = array<i32>} : memref<1280xf32, #tpu.memory_space<vmem>>, vector<16xf32>,
    tpu.vector_store %arg12[%swap3A_555], %broadcast_in_dim3A_5 {strides = array<i32>} : memref<1280xf32, #tpu.memory_space<vmem>>, vector<16xf32>,
    %swap3A_557 = arith.constant 1104 : index
    %swap3A_558 = tpu.vector_load %arg9[%swap3A_557] {strides = array<i32>} : memref<1280xf32, #tpu.memory_space<vmem>>, vector<16xf32>,
    tpu.vector_store %arg9[%swap3A_557], %broadcast_in_dim3A_5 {strides = array<i32>} : memref<1280xf32, #tpu.memory_space<vmem>>, vector<16xf32>,
    %swap3A_559 = arith.constant 1104 : index
    %swap3A_560 = tpu.vector_load %arg10[%swap3A_559] {strides = array<i32>} : memref<1280xf32, #tpu.memory_space<vmem>>, vector<16xf32>,
    tpu.vector_store %arg10[%swap3A_559], %broadcast_in_dim3A_5 {strides = array<i32>} : memref<1280xf32, #tpu.memory_space<vmem>>, vector<16xf32>,
    %swap3A_561 = arith.constant 1104 : index
    %swap3A_562 = tpu.vector_load %arg11[%swap3A_561] {strides = array<i32>} : memref<1280xf32, #tpu.memory_space<vmem>>, vector<16xf32>,
    tpu.vector_store %arg11[%swap3A_561], %broadcast_in_dim3A_5 {strides = array<i32>} : memref<1280xf32, #tpu.memory_space<vmem>>, vector<16xf32>,
    %swap3A_563 = arith.constant 1104 : index
    %swap3A_564 = tpu.vector_load %arg12[%swap3A_563] {strides = array<i32>} : memref<1280xf32, #tpu.memory_space<vmem>>, vector<16xf32>,
    tpu.vector_store %arg12[%swap3A_563], %broadcast_in_dim3A_5 {strides = array<i32>} : memref<1280xf32, #tpu.memory_space<vmem>>, vector<16xf32>,
    %swap3A_565 = arith.constant 1120 : index
    %swap3A_566 = tpu.vector_load %arg9[%swap3A_565] {strides = array<i32>} : memref<1280xf32, #tpu.memory_space<vmem>>, vector<16xf32>,
    tpu.vector_store %arg9[%swap3A_565], %broadcast_in_dim3A_5 {strides = array<i32>} : memref<1280xf32, #tpu.memory_space<vmem>>, vector<16xf32>,
    %swap3A_567 = arith.constant 1120 : index
    %swap3A_568 = tpu.vector_load %arg10[%swap3A_567] {strides = array<i32>} : memref<1280xf32, #tpu.memory_space<vmem>>, vector<16xf32>,
    tpu.vector_store %arg10[%swap3A_567], %broadcast_in_dim3A_5 {strides = array<i32>} : memref<1280xf32, #tpu.memory_space<vmem>>, vector<16xf32>,
    %swap3A_569 = arith.constant 1120 : index
    %swap3A_570 = tpu.vector_load %arg11[%swap3A_569] {strides = array<i32>} : memref<1280xf32, #tpu.memory_space<vmem>>, vector<16xf32>,
    tpu.vector_store %arg11[%swap3A_569], %broadcast_in_dim3A_5 {strides = array<i32>} : memref<1280xf32, #tpu.memory_space<vmem>>, vector<16xf32>,
    %swap3A_571 = arith.constant 1120 : index
    %swap3A_572 = tpu.vector_load %arg12[%swap3A_571] {strides = array<i32>} : memref<1280xf32, #tpu.memory_space<vmem>>, vector<16xf32>,
    tpu.vector_store %arg12[%swap3A_571], %broadcast_in_dim3A_5 {strides = array<i32>} : memref<1280xf32, #tpu.memory_space<vmem>>, vector<16xf32>,
    %swap3A_573 = arith.constant 1136 : index
    %swap3A_574 = tpu.vector_load %arg9[%swap3A_573] {strides = array<i32>} : memref<1280xf32, #tpu.memory_space<vmem>>, vector<16xf32>,
    tpu.vector_store %arg9[%swap3A_573], %broadcast_in_dim3A_5 {strides = array<i32>} : memref<1280xf32, #tpu.memory_space<vmem>>, vector<16xf32>,
    %swap3A_575 = arith.constant 1136 : index
    %swap3A_576 = tpu.vector_load %arg10[%swap3A_575] {strides = array<i32>} : memref<1280xf32, #tpu.memory_space<vmem>>, vector<16xf32>,
    tpu.vector_store %arg10[%swap3A_575], %broadcast_in_dim3A_5 {strides = array<i32>} : memref<1280xf32, #tpu.memory_space<vmem>>, vector<16xf32>,
    %swap3A_577 = arith.constant 1136 : index
    %swap3A_578 = tpu.vector_load %arg11[%swap3A_577] {strides = array<i32>} : memref<1280xf32, #tpu.memory_space<vmem>>, vector<16xf32>,
    tpu.vector_store %arg11[%swap3A_577], %broadcast_in_dim3A_5 {strides = array<i32>} : memref<1280xf32, #tpu.memory_space<vmem>>, vector<16xf32>,
    %swap3A_579 = arith.constant 1136 : index
    %swap3A_580 = tpu.vector_load %arg12[%swap3A_579] {strides = array<i32>} : memref<1280xf32, #tpu.memory_space<vmem>>, vector<16xf32>,
    tpu.vector_store %arg12[%swap3A_579], %broadcast_in_dim3A_5 {strides = array<i32>} : memref<1280xf32, #tpu.memory_space<vmem>>, vector<16xf32>,
    %swap3A_581 = arith.constant 1152 : index
    %swap3A_582 = tpu.vector_load %arg9[%swap3A_581] {strides = array<i32>} : memref<1280xf32, #tpu.memory_space<vmem>>, vector<16xf32>,
    tpu.vector_store %arg9[%swap3A_581], %broadcast_in_dim3A_5 {strides = array<i32>} : memref<1280xf32, #tpu.memory_space<vmem>>, vector<16xf32>,
    %swap3A_583 = arith.constant 1152 : index
    %swap3A_584 = tpu.vector_load %arg10[%swap3A_583] {strides = array<i32>} : memref<1280xf32, #tpu.memory_space<vmem>>, vector<16xf32>,
    tpu.vector_store %arg10[%swap3A_583], %broadcast_in_dim3A_5 {strides = array<i32>} : memref<1280xf32, #tpu.memory_space<vmem>>, vector<16xf32>,
    %swap3A_585 = arith.constant 1152 : index
    %swap3A_586 = tpu.vector_load %arg11[%swap3A_585] {strides = array<i32>} : memref<1280xf32, #tpu.memory_space<vmem>>, vector<16xf32>,
    tpu.vector_store %arg11[%swap3A_585], %broadcast_in_dim3A_5 {strides = array<i32>} : memref<1280xf32, #tpu.memory_space<vmem>>, vector<16xf32>,
    %swap3A_587 = arith.constant 1152 : index
    %swap3A_588 = tpu.vector_load %arg12[%swap3A_587] {strides = array<i32>} : memref<1280xf32, #tpu.memory_space<vmem>>, vector<16xf32>,
    tpu.vector_store %arg12[%swap3A_587], %broadcast_in_dim3A_5 {strides = array<i32>} : memref<1280xf32, #tpu.memory_space<vmem>>, vector<16xf32>,
    %swap3A_589 = arith.constant 1168 : index
    %swap3A_590 = tpu.vector_load %arg9[%swap3A_589] {strides = array<i32>} : memref<1280xf32, #tpu.memory_space<vmem>>, vector<16xf32>,
    tpu.vector_store %arg9[%swap3A_589], %broadcast_in_dim3A_5 {strides = array<i32>} : memref<1280xf32, #tpu.memory_space<vmem>>, vector<16xf32>,
    %swap3A_591 = arith.constant 1168 : index
    %swap3A_592 = tpu.vector_load %arg10[%swap3A_591] {strides = array<i32>} : memref<1280xf32, #tpu.memory_space<vmem>>, vector<16xf32>,
    tpu.vector_store %arg10[%swap3A_591], %broadcast_in_dim3A_5 {strides = array<i32>} : memref<1280xf32, #tpu.memory_space<vmem>>, vector<16xf32>,
    %swap3A_593 = arith.constant 1168 : index
    %swap3A_594 = tpu.vector_load %arg11[%swap3A_593] {strides = array<i32>} : memref<1280xf32, #tpu.memory_space<vmem>>, vector<16xf32>,
    tpu.vector_store %arg11[%swap3A_593], %broadcast_in_dim3A_5 {strides = array<i32>} : memref<1280xf32, #tpu.memory_space<vmem>>, vector<16xf32>,
    %swap3A_595 = arith.constant 1168 : index
    %swap3A_596 = tpu.vector_load %arg12[%swap3A_595] {strides = array<i32>} : memref<1280xf32, #tpu.memory_space<vmem>>, vector<16xf32>,
    tpu.vector_store %arg12[%swap3A_595], %broadcast_in_dim3A_5 {strides = array<i32>} : memref<1280xf32, #tpu.memory_space<vmem>>, vector<16xf32>,
    %swap3A_597 = arith.constant 1184 : index
    %swap3A_598 = tpu.vector_load %arg9[%swap3A_597] {strides = array<i32>} : memref<1280xf32, #tpu.memory_space<vmem>>, vector<16xf32>,
    tpu.vector_store %arg9[%swap3A_597], %broadcast_in_dim3A_5 {strides = array<i32>} : memref<1280xf32, #tpu.memory_space<vmem>>, vector<16xf32>,
    %swap3A_599 = arith.constant 1184 : index
    %swap3A_600 = tpu.vector_load %arg10[%swap3A_599] {strides = array<i32>} : memref<1280xf32, #tpu.memory_space<vmem>>, vector<16xf32>,
    tpu.vector_store %arg10[%swap3A_599], %broadcast_in_dim3A_5 {strides = array<i32>} : memref<1280xf32, #tpu.memory_space<vmem>>, vector<16xf32>,
    %swap3A_601 = arith.constant 1184 : index
    %swap3A_602 = tpu.vector_load %arg11[%swap3A_601] {strides = array<i32>} : memref<1280xf32, #tpu.memory_space<vmem>>, vector<16xf32>,
    tpu.vector_store %arg11[%swap3A_601], %broadcast_in_dim3A_5 {strides = array<i32>} : memref<1280xf32, #tpu.memory_space<vmem>>, vector<16xf32>,
    %swap3A_603 = arith.constant 1184 : index
    %swap3A_604 = tpu.vector_load %arg12[%swap3A_603] {strides = array<i32>} : memref<1280xf32, #tpu.memory_space<vmem>>, vector<16xf32>,
    tpu.vector_store %arg12[%swap3A_603], %broadcast_in_dim3A_5 {strides = array<i32>} : memref<1280xf32, #tpu.memory_space<vmem>>, vector<16xf32>,
    %swap3A_605 = arith.constant 1200 : index
    %swap3A_606 = tpu.vector_load %arg9[%swap3A_605] {strides = array<i32>} : memref<1280xf32, #tpu.memory_space<vmem>>, vector<16xf32>,
    tpu.vector_store %arg9[%swap3A_605], %broadcast_in_dim3A_5 {strides = array<i32>} : memref<1280xf32, #tpu.memory_space<vmem>>, vector<16xf32>,
    %swap3A_607 = arith.constant 1200 : index
    %swap3A_608 = tpu.vector_load %arg10[%swap3A_607] {strides = array<i32>} : memref<1280xf32, #tpu.memory_space<vmem>>, vector<16xf32>,
    tpu.vector_store %arg10[%swap3A_607], %broadcast_in_dim3A_5 {strides = array<i32>} : memref<1280xf32, #tpu.memory_space<vmem>>, vector<16xf32>,
    %swap3A_609 = arith.constant 1200 : index
    %swap3A_610 = tpu.vector_load %arg11[%swap3A_609] {strides = array<i32>} : memref<1280xf32, #tpu.memory_space<vmem>>, vector<16xf32>,
    tpu.vector_store %arg11[%swap3A_609], %broadcast_in_dim3A_5 {strides = array<i32>} : memref<1280xf32, #tpu.memory_space<vmem>>, vector<16xf32>,
    %swap3A_611 = arith.constant 1200 : index
    %swap3A_612 = tpu.vector_load %arg12[%swap3A_611] {strides = array<i32>} : memref<1280xf32, #tpu.memory_space<vmem>>, vector<16xf32>,
    tpu.vector_store %arg12[%swap3A_611], %broadcast_in_dim3A_5 {strides = array<i32>} : memref<1280xf32, #tpu.memory_space<vmem>>, vector<16xf32>,
    %swap3A_613 = arith.constant 1216 : index
    %swap3A_614 = tpu.vector_load %arg9[%swap3A_613] {strides = array<i32>} : memref<1280xf32, #tpu.memory_space<vmem>>, vector<16xf32>,
    tpu.vector_store %arg9[%swap3A_613], %broadcast_in_dim3A_5 {strides = array<i32>} : memref<1280xf32, #tpu.memory_space<vmem>>, vector<16xf32>,
    %swap3A_615 = arith.constant 1216 : index
    %swap3A_616 = tpu.vector_load %arg10[%swap3A_615] {strides = array<i32>} : memref<1280xf32, #tpu.memory_space<vmem>>, vector<16xf32>,
    tpu.vector_store %arg10[%swap3A_615], %broadcast_in_dim3A_5 {strides = array<i32>} : memref<1280xf32, #tpu.memory_space<vmem>>, vector<16xf32>,
    %swap3A_617 = arith.constant 1216 : index
    %swap3A_618 = tpu.vector_load %arg11[%swap3A_617] {strides = array<i32>} : memref<1280xf32, #tpu.memory_space<vmem>>, vector<16xf32>,
    tpu.vector_store %arg11[%swap3A_617], %broadcast_in_dim3A_5 {strides = array<i32>} : memref<1280xf32, #tpu.memory_space<vmem>>, vector<16xf32>,
    %swap3A_619 = arith.constant 1216 : index
    %swap3A_620 = tpu.vector_load %arg12[%swap3A_619] {strides = array<i32>} : memref<1280xf32, #tpu.memory_space<vmem>>, vector<16xf32>,
    tpu.vector_store %arg12[%swap3A_619], %broadcast_in_dim3A_5 {strides = array<i32>} : memref<1280xf32, #tpu.memory_space<vmem>>, vector<16xf32>,
    %swap3A_621 = arith.constant 1232 : index
    %swap3A_622 = tpu.vector_load %arg9[%swap3A_621] {strides = array<i32>} : memref<1280xf32, #tpu.memory_space<vmem>>, vector<16xf32>,
    tpu.vector_store %arg9[%swap3A_621], %broadcast_in_dim3A_5 {strides = array<i32>} : memref<1280xf32, #tpu.memory_space<vmem>>, vector<16xf32>,
    %swap3A_623 = arith.constant 1232 : index
    %swap3A_624 = tpu.vector_load %arg10[%swap3A_623] {strides = array<i32>} : memref<1280xf32, #tpu.memory_space<vmem>>, vector<16xf32>,
    tpu.vector_store %arg10[%swap3A_623], %broadcast_in_dim3A_5 {strides = array<i32>} : memref<1280xf32, #tpu.memory_space<vmem>>, vector<16xf32>,
    %swap3A_625 = arith.constant 1232 : index
    %swap3A_626 = tpu.vector_load %arg11[%swap3A_625] {strides = array<i32>} : memref<1280xf32, #tpu.memory_space<vmem>>, vector<16xf32>,
    tpu.vector_store %arg11[%swap3A_625], %broadcast_in_dim3A_5 {strides = array<i32>} : memref<1280xf32, #tpu.memory_space<vmem>>, vector<16xf32>,
    %swap3A_627 = arith.constant 1232 : index
    %swap3A_628 = tpu.vector_load %arg12[%swap3A_627] {strides = array<i32>} : memref<1280xf32, #tpu.memory_space<vmem>>, vector<16xf32>,
    tpu.vector_store %arg12[%swap3A_627], %broadcast_in_dim3A_5 {strides = array<i32>} : memref<1280xf32, #tpu.memory_space<vmem>>, vector<16xf32>,
    %swap3A_629 = arith.constant 1248 : index
    %swap3A_630 = tpu.vector_load %arg9[%swap3A_629] {strides = array<i32>} : memref<1280xf32, #tpu.memory_space<vmem>>, vector<16xf32>,
    tpu.vector_store %arg9[%swap3A_629], %broadcast_in_dim3A_5 {strides = array<i32>} : memref<1280xf32, #tpu.memory_space<vmem>>, vector<16xf32>,
    %swap3A_631 = arith.constant 1248 : index
    %swap3A_632 = tpu.vector_load %arg10[%swap3A_631] {strides = array<i32>} : memref<1280xf32, #tpu.memory_space<vmem>>, vector<16xf32>,
    tpu.vector_store %arg10[%swap3A_631], %broadcast_in_dim3A_5 {strides = array<i32>} : memref<1280xf32, #tpu.memory_space<vmem>>, vector<16xf32>,
    %swap3A_633 = arith.constant 1248 : index
    %swap3A_634 = tpu.vector_load %arg11[%swap3A_633] {strides = array<i32>} : memref<1280xf32, #tpu.memory_space<vmem>>, vector<16xf32>,
    tpu.vector_store %arg11[%swap3A_633], %broadcast_in_dim3A_5 {strides = array<i32>} : memref<1280xf32, #tpu.memory_space<vmem>>, vector<16xf32>,
    %swap3A_635 = arith.constant 1248 : index
    %swap3A_636 = tpu.vector_load %arg12[%swap3A_635] {strides = array<i32>} : memref<1280xf32, #tpu.memory_space<vmem>>, vector<16xf32>,
    tpu.vector_store %arg12[%swap3A_635], %broadcast_in_dim3A_5 {strides = array<i32>} : memref<1280xf32, #tpu.memory_space<vmem>>, vector<16xf32>,
    %swap3A_637 = arith.constant 1264 : index
    %swap3A_638 = tpu.vector_load %arg9[%swap3A_637] {strides = array<i32>} : memref<1280xf32, #tpu.memory_space<vmem>>, vector<16xf32>,
    tpu.vector_store %arg9[%swap3A_637], %broadcast_in_dim3A_5 {strides = array<i32>} : memref<1280xf32, #tpu.memory_space<vmem>>, vector<16xf32>,
    %swap3A_639 = arith.constant 1264 : index
    %swap3A_640 = tpu.vector_load %arg10[%swap3A_639] {strides = array<i32>} : memref<1280xf32, #tpu.memory_space<vmem>>, vector<16xf32>,
    tpu.vector_store %arg10[%swap3A_639], %broadcast_in_dim3A_5 {strides = array<i32>} : memref<1280xf32, #tpu.memory_space<vmem>>, vector<16xf32>,
    %swap3A_641 = arith.constant 1264 : index
    %swap3A_642 = tpu.vector_load %arg11[%swap3A_641] {strides = array<i32>} : memref<1280xf32, #tpu.memory_space<vmem>>, vector<16xf32>,
    tpu.vector_store %arg11[%swap3A_641], %broadcast_in_dim3A_5 {strides = array<i32>} : memref<1280xf32, #tpu.memory_space<vmem>>, vector<16xf32>,
    %swap3A_643 = arith.constant 1264 : index
    %swap3A_644 = tpu.vector_load %arg12[%swap3A_643] {strides = array<i32>} : memref<1280xf32, #tpu.memory_space<vmem>>, vector<16xf32>,
    tpu.vector_store %arg12[%swap3A_643], %broadcast_in_dim3A_5 {strides = array<i32>} : memref<1280xf32, #tpu.memory_space<vmem>>, vector<16xf32>,
    %mul3A_645 = arith.constant 62464 : i32
    %mul3A_646 = arith.muli %add3A, %mul3A_645 : i32
    %add3A_647 = arith.constant 0 : i32
    %add3A_648 = arith.addi %mul3A_646, %add3A_647 : i32
    %multiple_of3A = tpu.assume_multiple %add3A_648, 128 : i32
    %dma_start3A = tpu.memref_slice %arg3[%multiple_of3A] : memref<2000000xf32, #tpu.memory_space<hbm>> -> memref<15616xf32, #tpu.memory_space<hbm>>
    %dma_start3A_649 = tpu.memref_slice %arg3[%multiple_of3A] : memref<2000000xf32, #tpu.memory_space<hbm>> -> memref<15616xf32, #tpu.memory_space<hbm>>
    tpu.enqueue_dma source(%dma_start3A_649 : memref<15616xf32, #tpu.memory_space<hbm>>) target(%arg5 : memref<15616xf32, #tpu.memory_space<vmem>>) target_semaphore(%arg16 : memref<!tpu.dma_semaphore, #tpu.memory_space<semaphore_mem>>)
    %mul3A_650 = arith.constant 2 : i32
    %mul3A_651 = arith.muli %mul3A_650, %multiple_of3A : i32
    %dma_start3A_652 = tpu.memref_slice %arg2[%mul3A_651] : memref<4000000xf32, #tpu.memory_space<hbm>> -> memref<31232xf32, #tpu.memory_space<hbm>>
    %dma_start3A_653 = tpu.memref_slice %arg2[%mul3A_651] : memref<4000000xf32, #tpu.memory_space<hbm>> -> memref<31232xf32, #tpu.memory_space<hbm>>
    tpu.enqueue_dma source(%dma_start3A_653 : memref<31232xf32, #tpu.memory_space<hbm>>) target(%arg7 : memref<31232xf32, #tpu.memory_space<vmem>>) target_semaphore(%arg16 : memref<!tpu.dma_semaphore, #tpu.memory_space<semaphore_mem>>)
    %dma_wait3A = tpu.memref_slice %arg3[%multiple_of3A] : memref<2000000xf32, #tpu.memory_space<hbm>> -> memref<15616xf32, #tpu.memory_space<hbm>>
    %dma_wait3A_654 = tpu.memref_slice %arg3[%multiple_of3A] : memref<2000000xf32, #tpu.memory_space<hbm>> -> memref<15616xf32, #tpu.memory_space<hbm>>
    tpu.wait_dma2 semaphore(%arg16 : memref<!tpu.dma_semaphore, #tpu.memory_space<semaphore_mem>>) src(%dma_wait3A_654 : memref<15616xf32, #tpu.memory_space<hbm>>) dst(%arg5 : memref<15616xf32, #tpu.memory_space<vmem>>)
    %dma_wait3A_655 = tpu.memref_slice %arg2[%mul3A_651] : memref<4000000xf32, #tpu.memory_space<hbm>> -> memref<31232xf32, #tpu.memory_space<hbm>>
    %dma_wait3A_656 = tpu.memref_slice %arg2[%mul3A_651] : memref<4000000xf32, #tpu.memory_space<hbm>> -> memref<31232xf32, #tpu.memory_space<hbm>>
    tpu.wait_dma2 semaphore(%arg16 : memref<!tpu.dma_semaphore, #tpu.memory_space<semaphore_mem>>) src(%dma_wait3A_656 : memref<31232xf32, #tpu.memory_space<hbm>>) dst(%arg7 : memref<31232xf32, #tpu.memory_space<vmem>>)
    %add3A_657 = arith.constant 15616 : i32
    %add3A_658 = arith.addi %mul3A_646, %add3A_657 : i32
    %multiple_of3A_659 = tpu.assume_multiple %add3A_658, 128 : i32
    %dma_start3A_660 = tpu.memref_slice %arg3[%multiple_of3A_659] : memref<2000000xf32, #tpu.memory_space<hbm>> -> memref<15616xf32, #tpu.memory_space<hbm>>
    %dma_start3A_661 = tpu.memref_slice %arg3[%multiple_of3A_659] : memref<2000000xf32, #tpu.memory_space<hbm>> -> memref<15616xf32, #tpu.memory_space<hbm>>
    tpu.enqueue_dma source(%dma_start3A_661 : memref<15616xf32, #tpu.memory_space<hbm>>) target(%arg6 : memref<15616xf32, #tpu.memory_space<vmem>>) target_semaphore(%arg17 : memref<!tpu.dma_semaphore, #tpu.memory_space<semaphore_mem>>)
    %mul3A_662 = arith.constant 2 : i32
    %mul3A_663 = arith.muli %mul3A_662, %multiple_of3A_659 : i32
    %dma_start3A_664 = tpu.memref_slice %arg2[%mul3A_663] : memref<4000000xf32, #tpu.memory_space<hbm>> -> memref<31232xf32, #tpu.memory_space<hbm>>
    %dma_start3A_665 = tpu.memref_slice %arg2[%mul3A_663] : memref<4000000xf32, #tpu.memory_space<hbm>> -> memref<31232xf32, #tpu.memory_space<hbm>>
    tpu.enqueue_dma source(%dma_start3A_665 : memref<31232xf32, #tpu.memory_space<hbm>>) target(%arg8 : memref<31232xf32, #tpu.memory_space<vmem>>) target_semaphore(%arg17 : memref<!tpu.dma_semaphore, #tpu.memory_space<semaphore_mem>>)
    %parallel_loop3A = arith.constant 0 : i32
    %parallel_loop3A_666 = arith.constant 122 : i32
    %parallel_loop3A_667 = arith.constant 1 : i32
    %parallel_loop3A_668 = arith.constant 0 : i32
    %parallel_loop3A_669 = scf.for %parallel_loop3A_1716 = %parallel_loop3A to %parallel_loop3A_666 step %parallel_loop3A_667 iter_args(%parallel_loop3A_1717 = %parallel_loop3A_668) -> (i32)  : i32 {
      %parallel_loop3A_1718 = arith.constant 128 : i32
      %parallel_loop3A_1719 = arith.muli %parallel_loop3A_1716, %parallel_loop3A_1718 : i32
      %parallel_loop3A_1720 = tpu.assume_multiple %parallel_loop3A_1719, 128 : i32
      %parallel_loop3A_1721 = arith.constant 256 : i32
      %parallel_loop3A_1722 = arith.muli %parallel_loop3A_1716, %parallel_loop3A_1721 : i32
      %parallel_loop3A_1723 = tpu.assume_multiple %parallel_loop3A_1722, 256 : i32
      %parallel_loop3A_1724 = arith.constant 0 : i32
      %parallel_loop3A_1725 = arith.addi %parallel_loop3A_1720, %parallel_loop3A_1724 : i32
      %parallel_loop3A_1726 = arith.constant 0 : i32
      %parallel_loop3A_1727 = arith.addi %parallel_loop3A_1723, %parallel_loop3A_1726 : i32
      %parallel_loop3A_1728 = arith.index_cast %parallel_loop3A_1725 : i32 to index
      %parallel_loop3A_1729 = tpu.vector_load %arg5[%parallel_loop3A_1728] {strides = array<i32>} : memref<15616xf32, #tpu.memory_space<vmem>>, vector<16xf32>,
      %parallel_loop3A_1730 = arith.fptosi %parallel_loop3A_1729 : vector<16xf32> to vector<16xi32>
      %parallel_loop3A_1731 = arith.index_cast %parallel_loop3A_1727 : i32 to index
      %parallel_loop3A_1732 = tpu.vector_load %arg7[%parallel_loop3A_1731] {strides = array<i32>} : memref<31232xf32, #tpu.memory_space<vmem>>, vector<16xf32>,
      %parallel_loop3A_1733 = arith.constant 128 : i32
      %parallel_loop3A_1734 = arith.addi %parallel_loop3A_1727, %parallel_loop3A_1733 : i32
      %parallel_loop3A_1735 = arith.index_cast %parallel_loop3A_1734 : i32 to index
      %parallel_loop3A_1736 = tpu.vector_load %arg7[%parallel_loop3A_1735] {strides = array<i32>} : memref<31232xf32, #tpu.memory_space<vmem>>, vector<16xf32>,
      %parallel_loop3A_1737 = arith.mulf %parallel_loop3A_1732, %parallel_loop3A_1732 : vector<16xf32>
      %parallel_loop3A_1738 = arith.mulf %parallel_loop3A_1736, %parallel_loop3A_1736 : vector<16xf32>
      %parallel_loop3A_1739 = arith.addf %parallel_loop3A_1737, %parallel_loop3A_1738 : vector<16xf32>
      %parallel_loop3A_1740 = arith.constant 16 : i32
      %parallel_loop3A_1741 = vector.broadcast %parallel_loop3A_1740 : i32 to vector<16xi32>
      %parallel_loop3A_1742 = arith.muli %parallel_loop3A_1730, %parallel_loop3A_1741 : vector<16xi32>
      %parallel_loop3A_1743 = arith.addi %parallel_loop3A_1742, %iota3A : vector<16xi32>
      %parallel_loop3A_1744 = arith.constant 0 : i32
      %parallel_loop3A_1745 = vector.broadcast %parallel_loop3A_1744 : i32 to vector<16xi32>
      %parallel_loop3A_1746 = arith.addi %parallel_loop3A_1743, %parallel_loop3A_1745 : vector<16xi32>
      tpu.vector_store_idx %arg9[%parallel_loop3A_1746], %broadcast_in_dim3A_3 {add = true} : memref<1280xf32, #tpu.memory_space<vmem>>[vector<16xi32>], vector<16xf32>,
      tpu.vector_store_idx %arg10[%parallel_loop3A_1746], %parallel_loop3A_1732 {add = true} : memref<1280xf32, #tpu.memory_space<vmem>>[vector<16xi32>], vector<16xf32>,
      tpu.vector_store_idx %arg11[%parallel_loop3A_1746], %parallel_loop3A_1736 {add = true} : memref<1280xf32, #tpu.memory_space<vmem>>[vector<16xi32>], vector<16xf32>,
      tpu.vector_store_idx %arg12[%parallel_loop3A_1746], %parallel_loop3A_1739 {add = true} : memref<1280xf32, #tpu.memory_space<vmem>>[vector<16xi32>], vector<16xf32>,
      %parallel_loop3A_1747 = arith.constant 16 : i32
      %parallel_loop3A_1748 = arith.addi %parallel_loop3A_1720, %parallel_loop3A_1747 : i32
      %parallel_loop3A_1749 = arith.constant 16 : i32
      %parallel_loop3A_1750 = arith.addi %parallel_loop3A_1723, %parallel_loop3A_1749 : i32
      %parallel_loop3A_1751 = arith.index_cast %parallel_loop3A_1748 : i32 to index
      %parallel_loop3A_1752 = tpu.vector_load %arg5[%parallel_loop3A_1751] {strides = array<i32>} : memref<15616xf32, #tpu.memory_space<vmem>>, vector<16xf32>,
      %parallel_loop3A_1753 = arith.fptosi %parallel_loop3A_1752 : vector<16xf32> to vector<16xi32>
      %parallel_loop3A_1754 = arith.index_cast %parallel_loop3A_1750 : i32 to index
      %parallel_loop3A_1755 = tpu.vector_load %arg7[%parallel_loop3A_1754] {strides = array<i32>} : memref<31232xf32, #tpu.memory_space<vmem>>, vector<16xf32>,
      %parallel_loop3A_1756 = arith.constant 128 : i32
      %parallel_loop3A_1757 = arith.addi %parallel_loop3A_1750, %parallel_loop3A_1756 : i32
      %parallel_loop3A_1758 = arith.index_cast %parallel_loop3A_1757 : i32 to index
      %parallel_loop3A_1759 = tpu.vector_load %arg7[%parallel_loop3A_1758] {strides = array<i32>} : memref<31232xf32, #tpu.memory_space<vmem>>, vector<16xf32>,
      %parallel_loop3A_1760 = arith.mulf %parallel_loop3A_1755, %parallel_loop3A_1755 : vector<16xf32>
      %parallel_loop3A_1761 = arith.mulf %parallel_loop3A_1759, %parallel_loop3A_1759 : vector<16xf32>
      %parallel_loop3A_1762 = arith.addf %parallel_loop3A_1760, %parallel_loop3A_1761 : vector<16xf32>
      %parallel_loop3A_1763 = arith.constant 16 : i32
      %parallel_loop3A_1764 = vector.broadcast %parallel_loop3A_1763 : i32 to vector<16xi32>
      %parallel_loop3A_1765 = arith.muli %parallel_loop3A_1753, %parallel_loop3A_1764 : vector<16xi32>
      %parallel_loop3A_1766 = arith.addi %parallel_loop3A_1765, %iota3A : vector<16xi32>
      %parallel_loop3A_1767 = arith.constant 160 : i32
      %parallel_loop3A_1768 = vector.broadcast %parallel_loop3A_1767 : i32 to vector<16xi32>
      %parallel_loop3A_1769 = arith.addi %parallel_loop3A_1766, %parallel_loop3A_1768 : vector<16xi32>
      tpu.vector_store_idx %arg9[%parallel_loop3A_1769], %broadcast_in_dim3A_3 {add = true} : memref<1280xf32, #tpu.memory_space<vmem>>[vector<16xi32>], vector<16xf32>,
      tpu.vector_store_idx %arg10[%parallel_loop3A_1769], %parallel_loop3A_1755 {add = true} : memref<1280xf32, #tpu.memory_space<vmem>>[vector<16xi32>], vector<16xf32>,
      tpu.vector_store_idx %arg11[%parallel_loop3A_1769], %parallel_loop3A_1759 {add = true} : memref<1280xf32, #tpu.memory_space<vmem>>[vector<16xi32>], vector<16xf32>,
      tpu.vector_store_idx %arg12[%parallel_loop3A_1769], %parallel_loop3A_1762 {add = true} : memref<1280xf32, #tpu.memory_space<vmem>>[vector<16xi32>], vector<16xf32>,
      %parallel_loop3A_1770 = arith.constant 32 : i32
      %parallel_loop3A_1771 = arith.addi %parallel_loop3A_1720, %parallel_loop3A_1770 : i32
      %parallel_loop3A_1772 = arith.constant 32 : i32
      %parallel_loop3A_1773 = arith.addi %parallel_loop3A_1723, %parallel_loop3A_1772 : i32
      %parallel_loop3A_1774 = arith.index_cast %parallel_loop3A_1771 : i32 to index
      %parallel_loop3A_1775 = tpu.vector_load %arg5[%parallel_loop3A_1774] {strides = array<i32>} : memref<15616xf32, #tpu.memory_space<vmem>>, vector<16xf32>,
      %parallel_loop3A_1776 = arith.fptosi %parallel_loop3A_1775 : vector<16xf32> to vector<16xi32>
      %parallel_loop3A_1777 = arith.index_cast %parallel_loop3A_1773 : i32 to index
      %parallel_loop3A_1778 = tpu.vector_load %arg7[%parallel_loop3A_1777] {strides = array<i32>} : memref<31232xf32, #tpu.memory_space<vmem>>, vector<16xf32>,
      %parallel_loop3A_1779 = arith.constant 128 : i32
      %parallel_loop3A_1780 = arith.addi %parallel_loop3A_1773, %parallel_loop3A_1779 : i32
      %parallel_loop3A_1781 = arith.index_cast %parallel_loop3A_1780 : i32 to index
      %parallel_loop3A_1782 = tpu.vector_load %arg7[%parallel_loop3A_1781] {strides = array<i32>} : memref<31232xf32, #tpu.memory_space<vmem>>, vector<16xf32>,
      %parallel_loop3A_1783 = arith.mulf %parallel_loop3A_1778, %parallel_loop3A_1778 : vector<16xf32>
      %parallel_loop3A_1784 = arith.mulf %parallel_loop3A_1782, %parallel_loop3A_1782 : vector<16xf32>
      %parallel_loop3A_1785 = arith.addf %parallel_loop3A_1783, %parallel_loop3A_1784 : vector<16xf32>
      %parallel_loop3A_1786 = arith.constant 16 : i32
      %parallel_loop3A_1787 = vector.broadcast %parallel_loop3A_1786 : i32 to vector<16xi32>
      %parallel_loop3A_1788 = arith.muli %parallel_loop3A_1776, %parallel_loop3A_1787 : vector<16xi32>
      %parallel_loop3A_1789 = arith.addi %parallel_loop3A_1788, %iota3A : vector<16xi32>
      %parallel_loop3A_1790 = arith.constant 320 : i32
      %parallel_loop3A_1791 = vector.broadcast %parallel_loop3A_1790 : i32 to vector<16xi32>
      %parallel_loop3A_1792 = arith.addi %parallel_loop3A_1789, %parallel_loop3A_1791 : vector<16xi32>
      tpu.vector_store_idx %arg9[%parallel_loop3A_1792], %broadcast_in_dim3A_3 {add = true} : memref<1280xf32, #tpu.memory_space<vmem>>[vector<16xi32>], vector<16xf32>,
      tpu.vector_store_idx %arg10[%parallel_loop3A_1792], %parallel_loop3A_1778 {add = true} : memref<1280xf32, #tpu.memory_space<vmem>>[vector<16xi32>], vector<16xf32>,
      tpu.vector_store_idx %arg11[%parallel_loop3A_1792], %parallel_loop3A_1782 {add = true} : memref<1280xf32, #tpu.memory_space<vmem>>[vector<16xi32>], vector<16xf32>,
      tpu.vector_store_idx %arg12[%parallel_loop3A_1792], %parallel_loop3A_1785 {add = true} : memref<1280xf32, #tpu.memory_space<vmem>>[vector<16xi32>], vector<16xf32>,
      %parallel_loop3A_1793 = arith.constant 48 : i32
      %parallel_loop3A_1794 = arith.addi %parallel_loop3A_1720, %parallel_loop3A_1793 : i32
      %parallel_loop3A_1795 = arith.constant 48 : i32
      %parallel_loop3A_1796 = arith.addi %parallel_loop3A_1723, %parallel_loop3A_1795 : i32
      %parallel_loop3A_1797 = arith.index_cast %parallel_loop3A_1794 : i32 to index
      %parallel_loop3A_1798 = tpu.vector_load %arg5[%parallel_loop3A_1797] {strides = array<i32>} : memref<15616xf32, #tpu.memory_space<vmem>>, vector<16xf32>,
      %parallel_loop3A_1799 = arith.fptosi %parallel_loop3A_1798 : vector<16xf32> to vector<16xi32>
      %parallel_loop3A_1800 = arith.index_cast %parallel_loop3A_1796 : i32 to index
      %parallel_loop3A_1801 = tpu.vector_load %arg7[%parallel_loop3A_1800] {strides = array<i32>} : memref<31232xf32, #tpu.memory_space<vmem>>, vector<16xf32>,
      %parallel_loop3A_1802 = arith.constant 128 : i32
      %parallel_loop3A_1803 = arith.addi %parallel_loop3A_1796, %parallel_loop3A_1802 : i32
      %parallel_loop3A_1804 = arith.index_cast %parallel_loop3A_1803 : i32 to index
      %parallel_loop3A_1805 = tpu.vector_load %arg7[%parallel_loop3A_1804] {strides = array<i32>} : memref<31232xf32, #tpu.memory_space<vmem>>, vector<16xf32>,
      %parallel_loop3A_1806 = arith.mulf %parallel_loop3A_1801, %parallel_loop3A_1801 : vector<16xf32>
      %parallel_loop3A_1807 = arith.mulf %parallel_loop3A_1805, %parallel_loop3A_1805 : vector<16xf32>
      %parallel_loop3A_1808 = arith.addf %parallel_loop3A_1806, %parallel_loop3A_1807 : vector<16xf32>
      %parallel_loop3A_1809 = arith.constant 16 : i32
      %parallel_loop3A_1810 = vector.broadcast %parallel_loop3A_1809 : i32 to vector<16xi32>
      %parallel_loop3A_1811 = arith.muli %parallel_loop3A_1799, %parallel_loop3A_1810 : vector<16xi32>
      %parallel_loop3A_1812 = arith.addi %parallel_loop3A_1811, %iota3A : vector<16xi32>
      %parallel_loop3A_1813 = arith.constant 480 : i32
      %parallel_loop3A_1814 = vector.broadcast %parallel_loop3A_1813 : i32 to vector<16xi32>
      %parallel_loop3A_1815 = arith.addi %parallel_loop3A_1812, %parallel_loop3A_1814 : vector<16xi32>
      tpu.vector_store_idx %arg9[%parallel_loop3A_1815], %broadcast_in_dim3A_3 {add = true} : memref<1280xf32, #tpu.memory_space<vmem>>[vector<16xi32>], vector<16xf32>,
      tpu.vector_store_idx %arg10[%parallel_loop3A_1815], %parallel_loop3A_1801 {add = true} : memref<1280xf32, #tpu.memory_space<vmem>>[vector<16xi32>], vector<16xf32>,
      tpu.vector_store_idx %arg11[%parallel_loop3A_1815], %parallel_loop3A_1805 {add = true} : memref<1280xf32, #tpu.memory_space<vmem>>[vector<16xi32>], vector<16xf32>,
      tpu.vector_store_idx %arg12[%parallel_loop3A_1815], %parallel_loop3A_1808 {add = true} : memref<1280xf32, #tpu.memory_space<vmem>>[vector<16xi32>], vector<16xf32>,
      %parallel_loop3A_1816 = arith.constant 64 : i32
      %parallel_loop3A_1817 = arith.addi %parallel_loop3A_1720, %parallel_loop3A_1816 : i32
      %parallel_loop3A_1818 = arith.constant 64 : i32
      %parallel_loop3A_1819 = arith.addi %parallel_loop3A_1723, %parallel_loop3A_1818 : i32
      %parallel_loop3A_1820 = arith.index_cast %parallel_loop3A_1817 : i32 to index
      %parallel_loop3A_1821 = tpu.vector_load %arg5[%parallel_loop3A_1820] {strides = array<i32>} : memref<15616xf32, #tpu.memory_space<vmem>>, vector<16xf32>,
      %parallel_loop3A_1822 = arith.fptosi %parallel_loop3A_1821 : vector<16xf32> to vector<16xi32>
      %parallel_loop3A_1823 = arith.index_cast %parallel_loop3A_1819 : i32 to index
      %parallel_loop3A_1824 = tpu.vector_load %arg7[%parallel_loop3A_1823] {strides = array<i32>} : memref<31232xf32, #tpu.memory_space<vmem>>, vector<16xf32>,
      %parallel_loop3A_1825 = arith.constant 128 : i32
      %parallel_loop3A_1826 = arith.addi %parallel_loop3A_1819, %parallel_loop3A_1825 : i32
      %parallel_loop3A_1827 = arith.index_cast %parallel_loop3A_1826 : i32 to index
      %parallel_loop3A_1828 = tpu.vector_load %arg7[%parallel_loop3A_1827] {strides = array<i32>} : memref<31232xf32, #tpu.memory_space<vmem>>, vector<16xf32>,
      %parallel_loop3A_1829 = arith.mulf %parallel_loop3A_1824, %parallel_loop3A_1824 : vector<16xf32>
      %parallel_loop3A_1830 = arith.mulf %parallel_loop3A_1828, %parallel_loop3A_1828 : vector<16xf32>
      %parallel_loop3A_1831 = arith.addf %parallel_loop3A_1829, %parallel_loop3A_1830 : vector<16xf32>
      %parallel_loop3A_1832 = arith.constant 16 : i32
      %parallel_loop3A_1833 = vector.broadcast %parallel_loop3A_1832 : i32 to vector<16xi32>
      %parallel_loop3A_1834 = arith.muli %parallel_loop3A_1822, %parallel_loop3A_1833 : vector<16xi32>
      %parallel_loop3A_1835 = arith.addi %parallel_loop3A_1834, %iota3A : vector<16xi32>
      %parallel_loop3A_1836 = arith.constant 640 : i32
      %parallel_loop3A_1837 = vector.broadcast %parallel_loop3A_1836 : i32 to vector<16xi32>
      %parallel_loop3A_1838 = arith.addi %parallel_loop3A_1835, %parallel_loop3A_1837 : vector<16xi32>
      tpu.vector_store_idx %arg9[%parallel_loop3A_1838], %broadcast_in_dim3A_3 {add = true} : memref<1280xf32, #tpu.memory_space<vmem>>[vector<16xi32>], vector<16xf32>,
      tpu.vector_store_idx %arg10[%parallel_loop3A_1838], %parallel_loop3A_1824 {add = true} : memref<1280xf32, #tpu.memory_space<vmem>>[vector<16xi32>], vector<16xf32>,
      tpu.vector_store_idx %arg11[%parallel_loop3A_1838], %parallel_loop3A_1828 {add = true} : memref<1280xf32, #tpu.memory_space<vmem>>[vector<16xi32>], vector<16xf32>,
      tpu.vector_store_idx %arg12[%parallel_loop3A_1838], %parallel_loop3A_1831 {add = true} : memref<1280xf32, #tpu.memory_space<vmem>>[vector<16xi32>], vector<16xf32>,
      %parallel_loop3A_1839 = arith.constant 80 : i32
      %parallel_loop3A_1840 = arith.addi %parallel_loop3A_1720, %parallel_loop3A_1839 : i32
      %parallel_loop3A_1841 = arith.constant 80 : i32
      %parallel_loop3A_1842 = arith.addi %parallel_loop3A_1723, %parallel_loop3A_1841 : i32
      %parallel_loop3A_1843 = arith.index_cast %parallel_loop3A_1840 : i32 to index
      %parallel_loop3A_1844 = tpu.vector_load %arg5[%parallel_loop3A_1843] {strides = array<i32>} : memref<15616xf32, #tpu.memory_space<vmem>>, vector<16xf32>,
      %parallel_loop3A_1845 = arith.fptosi %parallel_loop3A_1844 : vector<16xf32> to vector<16xi32>
      %parallel_loop3A_1846 = arith.index_cast %parallel_loop3A_1842 : i32 to index
      %parallel_loop3A_1847 = tpu.vector_load %arg7[%parallel_loop3A_1846] {strides = array<i32>} : memref<31232xf32, #tpu.memory_space<vmem>>, vector<16xf32>,
      %parallel_loop3A_1848 = arith.constant 128 : i32
      %parallel_loop3A_1849 = arith.addi %parallel_loop3A_1842, %parallel_loop3A_1848 : i32
      %parallel_loop3A_1850 = arith.index_cast %parallel_loop3A_1849 : i32 to index
      %parallel_loop3A_1851 = tpu.vector_load %arg7[%parallel_loop3A_1850] {strides = array<i32>} : memref<31232xf32, #tpu.memory_space<vmem>>, vector<16xf32>,
      %parallel_loop3A_1852 = arith.mulf %parallel_loop3A_1847, %parallel_loop3A_1847 : vector<16xf32>
      %parallel_loop3A_1853 = arith.mulf %parallel_loop3A_1851, %parallel_loop3A_1851 : vector<16xf32>
      %parallel_loop3A_1854 = arith.addf %parallel_loop3A_1852, %parallel_loop3A_1853 : vector<16xf32>
      %parallel_loop3A_1855 = arith.constant 16 : i32
      %parallel_loop3A_1856 = vector.broadcast %parallel_loop3A_1855 : i32 to vector<16xi32>
      %parallel_loop3A_1857 = arith.muli %parallel_loop3A_1845, %parallel_loop3A_1856 : vector<16xi32>
      %parallel_loop3A_1858 = arith.addi %parallel_loop3A_1857, %iota3A : vector<16xi32>
      %parallel_loop3A_1859 = arith.constant 800 : i32
      %parallel_loop3A_1860 = vector.broadcast %parallel_loop3A_1859 : i32 to vector<16xi32>
      %parallel_loop3A_1861 = arith.addi %parallel_loop3A_1858, %parallel_loop3A_1860 : vector<16xi32>
      tpu.vector_store_idx %arg9[%parallel_loop3A_1861], %broadcast_in_dim3A_3 {add = true} : memref<1280xf32, #tpu.memory_space<vmem>>[vector<16xi32>], vector<16xf32>,
      tpu.vector_store_idx %arg10[%parallel_loop3A_1861], %parallel_loop3A_1847 {add = true} : memref<1280xf32, #tpu.memory_space<vmem>>[vector<16xi32>], vector<16xf32>,
      tpu.vector_store_idx %arg11[%parallel_loop3A_1861], %parallel_loop3A_1851 {add = true} : memref<1280xf32, #tpu.memory_space<vmem>>[vector<16xi32>], vector<16xf32>,
      tpu.vector_store_idx %arg12[%parallel_loop3A_1861], %parallel_loop3A_1854 {add = true} : memref<1280xf32, #tpu.memory_space<vmem>>[vector<16xi32>], vector<16xf32>,
      %parallel_loop3A_1862 = arith.constant 96 : i32
      %parallel_loop3A_1863 = arith.addi %parallel_loop3A_1720, %parallel_loop3A_1862 : i32
      %parallel_loop3A_1864 = arith.constant 96 : i32
      %parallel_loop3A_1865 = arith.addi %parallel_loop3A_1723, %parallel_loop3A_1864 : i32
      %parallel_loop3A_1866 = arith.index_cast %parallel_loop3A_1863 : i32 to index
      %parallel_loop3A_1867 = tpu.vector_load %arg5[%parallel_loop3A_1866] {strides = array<i32>} : memref<15616xf32, #tpu.memory_space<vmem>>, vector<16xf32>,
      %parallel_loop3A_1868 = arith.fptosi %parallel_loop3A_1867 : vector<16xf32> to vector<16xi32>
      %parallel_loop3A_1869 = arith.index_cast %parallel_loop3A_1865 : i32 to index
      %parallel_loop3A_1870 = tpu.vector_load %arg7[%parallel_loop3A_1869] {strides = array<i32>} : memref<31232xf32, #tpu.memory_space<vmem>>, vector<16xf32>,
      %parallel_loop3A_1871 = arith.constant 128 : i32
      %parallel_loop3A_1872 = arith.addi %parallel_loop3A_1865, %parallel_loop3A_1871 : i32
      %parallel_loop3A_1873 = arith.index_cast %parallel_loop3A_1872 : i32 to index
      %parallel_loop3A_1874 = tpu.vector_load %arg7[%parallel_loop3A_1873] {strides = array<i32>} : memref<31232xf32, #tpu.memory_space<vmem>>, vector<16xf32>,
      %parallel_loop3A_1875 = arith.mulf %parallel_loop3A_1870, %parallel_loop3A_1870 : vector<16xf32>
      %parallel_loop3A_1876 = arith.mulf %parallel_loop3A_1874, %parallel_loop3A_1874 : vector<16xf32>
      %parallel_loop3A_1877 = arith.addf %parallel_loop3A_1875, %parallel_loop3A_1876 : vector<16xf32>
      %parallel_loop3A_1878 = arith.constant 16 : i32
      %parallel_loop3A_1879 = vector.broadcast %parallel_loop3A_1878 : i32 to vector<16xi32>
      %parallel_loop3A_1880 = arith.muli %parallel_loop3A_1868, %parallel_loop3A_1879 : vector<16xi32>
      %parallel_loop3A_1881 = arith.addi %parallel_loop3A_1880, %iota3A : vector<16xi32>
      %parallel_loop3A_1882 = arith.constant 960 : i32
      %parallel_loop3A_1883 = vector.broadcast %parallel_loop3A_1882 : i32 to vector<16xi32>
      %parallel_loop3A_1884 = arith.addi %parallel_loop3A_1881, %parallel_loop3A_1883 : vector<16xi32>
      tpu.vector_store_idx %arg9[%parallel_loop3A_1884], %broadcast_in_dim3A_3 {add = true} : memref<1280xf32, #tpu.memory_space<vmem>>[vector<16xi32>], vector<16xf32>,
      tpu.vector_store_idx %arg10[%parallel_loop3A_1884], %parallel_loop3A_1870 {add = true} : memref<1280xf32, #tpu.memory_space<vmem>>[vector<16xi32>], vector<16xf32>,
      tpu.vector_store_idx %arg11[%parallel_loop3A_1884], %parallel_loop3A_1874 {add = true} : memref<1280xf32, #tpu.memory_space<vmem>>[vector<16xi32>], vector<16xf32>,
      tpu.vector_store_idx %arg12[%parallel_loop3A_1884], %parallel_loop3A_1877 {add = true} : memref<1280xf32, #tpu.memory_space<vmem>>[vector<16xi32>], vector<16xf32>,
      %parallel_loop3A_1885 = arith.constant 112 : i32
      %parallel_loop3A_1886 = arith.addi %parallel_loop3A_1720, %parallel_loop3A_1885 : i32
      %parallel_loop3A_1887 = arith.constant 112 : i32
      %parallel_loop3A_1888 = arith.addi %parallel_loop3A_1723, %parallel_loop3A_1887 : i32
      %parallel_loop3A_1889 = arith.index_cast %parallel_loop3A_1886 : i32 to index
      %parallel_loop3A_1890 = tpu.vector_load %arg5[%parallel_loop3A_1889] {strides = array<i32>} : memref<15616xf32, #tpu.memory_space<vmem>>, vector<16xf32>,
      %parallel_loop3A_1891 = arith.fptosi %parallel_loop3A_1890 : vector<16xf32> to vector<16xi32>
      %parallel_loop3A_1892 = arith.index_cast %parallel_loop3A_1888 : i32 to index
      %parallel_loop3A_1893 = tpu.vector_load %arg7[%parallel_loop3A_1892] {strides = array<i32>} : memref<31232xf32, #tpu.memory_space<vmem>>, vector<16xf32>,
      %parallel_loop3A_1894 = arith.constant 128 : i32
      %parallel_loop3A_1895 = arith.addi %parallel_loop3A_1888, %parallel_loop3A_1894 : i32
      %parallel_loop3A_1896 = arith.index_cast %parallel_loop3A_1895 : i32 to index
      %parallel_loop3A_1897 = tpu.vector_load %arg7[%parallel_loop3A_1896] {strides = array<i32>} : memref<31232xf32, #tpu.memory_space<vmem>>, vector<16xf32>,
      %parallel_loop3A_1898 = arith.mulf %parallel_loop3A_1893, %parallel_loop3A_1893 : vector<16xf32>
      %parallel_loop3A_1899 = arith.mulf %parallel_loop3A_1897, %parallel_loop3A_1897 : vector<16xf32>
      %parallel_loop3A_1900 = arith.addf %parallel_loop3A_1898, %parallel_loop3A_1899 : vector<16xf32>
      %parallel_loop3A_1901 = arith.constant 16 : i32
      %parallel_loop3A_1902 = vector.broadcast %parallel_loop3A_1901 : i32 to vector<16xi32>
      %parallel_loop3A_1903 = arith.muli %parallel_loop3A_1891, %parallel_loop3A_1902 : vector<16xi32>
      %parallel_loop3A_1904 = arith.addi %parallel_loop3A_1903, %iota3A : vector<16xi32>
      %parallel_loop3A_1905 = arith.constant 1120 : i32
      %parallel_loop3A_1906 = vector.broadcast %parallel_loop3A_1905 : i32 to vector<16xi32>
      %parallel_loop3A_1907 = arith.addi %parallel_loop3A_1904, %parallel_loop3A_1906 : vector<16xi32>
      tpu.vector_store_idx %arg9[%parallel_loop3A_1907], %broadcast_in_dim3A_3 {add = true} : memref<1280xf32, #tpu.memory_space<vmem>>[vector<16xi32>], vector<16xf32>,
      tpu.vector_store_idx %arg10[%parallel_loop3A_1907], %parallel_loop3A_1893 {add = true} : memref<1280xf32, #tpu.memory_space<vmem>>[vector<16xi32>], vector<16xf32>,
      tpu.vector_store_idx %arg11[%parallel_loop3A_1907], %parallel_loop3A_1897 {add = true} : memref<1280xf32, #tpu.memory_space<vmem>>[vector<16xi32>], vector<16xf32>,
      tpu.vector_store_idx %arg12[%parallel_loop3A_1907], %parallel_loop3A_1900 {add = true} : memref<1280xf32, #tpu.memory_space<vmem>>[vector<16xi32>], vector<16xf32>,
      scf.yield %parallel_loop3A_1717 : i32
    } {sc.loop_unroll_factor = 1 : i64, sc.parallel_access}
    %dma_wait3A_670 = tpu.memref_slice %arg3[%multiple_of3A_659] : memref<2000000xf32, #tpu.memory_space<hbm>> -> memref<15616xf32, #tpu.memory_space<hbm>>
    %dma_wait3A_671 = tpu.memref_slice %arg3[%multiple_of3A_659] : memref<2000000xf32, #tpu.memory_space<hbm>> -> memref<15616xf32, #tpu.memory_space<hbm>>
    tpu.wait_dma2 semaphore(%arg17 : memref<!tpu.dma_semaphore, #tpu.memory_space<semaphore_mem>>) src(%dma_wait3A_671 : memref<15616xf32, #tpu.memory_space<hbm>>) dst(%arg6 : memref<15616xf32, #tpu.memory_space<vmem>>)
    %dma_wait3A_672 = tpu.memref_slice %arg2[%mul3A_663] : memref<4000000xf32, #tpu.memory_space<hbm>> -> memref<31232xf32, #tpu.memory_space<hbm>>
    %dma_wait3A_673 = tpu.memref_slice %arg2[%mul3A_663] : memref<4000000xf32, #tpu.memory_space<hbm>> -> memref<31232xf32, #tpu.memory_space<hbm>>
    tpu.wait_dma2 semaphore(%arg17 : memref<!tpu.dma_semaphore, #tpu.memory_space<semaphore_mem>>) src(%dma_wait3A_673 : memref<31232xf32, #tpu.memory_space<hbm>>) dst(%arg8 : memref<31232xf32, #tpu.memory_space<vmem>>)
    %add3A_674 = arith.constant 31232 : i32
    %add3A_675 = arith.addi %mul3A_646, %add3A_674 : i32
    %multiple_of3A_676 = tpu.assume_multiple %add3A_675, 128 : i32
    %dma_start3A_677 = tpu.memref_slice %arg3[%multiple_of3A_676] : memref<2000000xf32, #tpu.memory_space<hbm>> -> memref<15616xf32, #tpu.memory_space<hbm>>
    %dma_start3A_678 = tpu.memref_slice %arg3[%multiple_of3A_676] : memref<2000000xf32, #tpu.memory_space<hbm>> -> memref<15616xf32, #tpu.memory_space<hbm>>
    tpu.enqueue_dma source(%dma_start3A_678 : memref<15616xf32, #tpu.memory_space<hbm>>) target(%arg5 : memref<15616xf32, #tpu.memory_space<vmem>>) target_semaphore(%arg16 : memref<!tpu.dma_semaphore, #tpu.memory_space<semaphore_mem>>)
    %mul3A_679 = arith.constant 2 : i32
    %mul3A_680 = arith.muli %mul3A_679, %multiple_of3A_676 : i32
    %dma_start3A_681 = tpu.memref_slice %arg2[%mul3A_680] : memref<4000000xf32, #tpu.memory_space<hbm>> -> memref<31232xf32, #tpu.memory_space<hbm>>
    %dma_start3A_682 = tpu.memref_slice %arg2[%mul3A_680] : memref<4000000xf32, #tpu.memory_space<hbm>> -> memref<31232xf32, #tpu.memory_space<hbm>>
    tpu.enqueue_dma source(%dma_start3A_682 : memref<31232xf32, #tpu.memory_space<hbm>>) target(%arg7 : memref<31232xf32, #tpu.memory_space<vmem>>) target_semaphore(%arg16 : memref<!tpu.dma_semaphore, #tpu.memory_space<semaphore_mem>>)
    %parallel_loop3A_683 = arith.constant 0 : i32
    %parallel_loop3A_684 = arith.constant 122 : i32
    %parallel_loop3A_685 = arith.constant 1 : i32
    %parallel_loop3A_686 = arith.constant 0 : i32
    %parallel_loop3A_687 = scf.for %parallel_loop3A_1716 = %parallel_loop3A_683 to %parallel_loop3A_684 step %parallel_loop3A_685 iter_args(%parallel_loop3A_1717 = %parallel_loop3A_686) -> (i32)  : i32 {
      %parallel_loop3A_1718 = arith.constant 128 : i32
      %parallel_loop3A_1719 = arith.muli %parallel_loop3A_1716, %parallel_loop3A_1718 : i32
      %parallel_loop3A_1720 = tpu.assume_multiple %parallel_loop3A_1719, 128 : i32
      %parallel_loop3A_1721 = arith.constant 256 : i32
      %parallel_loop3A_1722 = arith.muli %parallel_loop3A_1716, %parallel_loop3A_1721 : i32
      %parallel_loop3A_1723 = tpu.assume_multiple %parallel_loop3A_1722, 256 : i32
      %parallel_loop3A_1724 = arith.constant 0 : i32
      %parallel_loop3A_1725 = arith.addi %parallel_loop3A_1720, %parallel_loop3A_1724 : i32
      %parallel_loop3A_1726 = arith.constant 0 : i32
      %parallel_loop3A_1727 = arith.addi %parallel_loop3A_1723, %parallel_loop3A_1726 : i32
      %parallel_loop3A_1728 = arith.index_cast %parallel_loop3A_1725 : i32 to index
      %parallel_loop3A_1729 = tpu.vector_load %arg6[%parallel_loop3A_1728] {strides = array<i32>} : memref<15616xf32, #tpu.memory_space<vmem>>, vector<16xf32>,
      %parallel_loop3A_1730 = arith.fptosi %parallel_loop3A_1729 : vector<16xf32> to vector<16xi32>
      %parallel_loop3A_1731 = arith.index_cast %parallel_loop3A_1727 : i32 to index
      %parallel_loop3A_1732 = tpu.vector_load %arg8[%parallel_loop3A_1731] {strides = array<i32>} : memref<31232xf32, #tpu.memory_space<vmem>>, vector<16xf32>,
      %parallel_loop3A_1733 = arith.constant 128 : i32
      %parallel_loop3A_1734 = arith.addi %parallel_loop3A_1727, %parallel_loop3A_1733 : i32
      %parallel_loop3A_1735 = arith.index_cast %parallel_loop3A_1734 : i32 to index
      %parallel_loop3A_1736 = tpu.vector_load %arg8[%parallel_loop3A_1735] {strides = array<i32>} : memref<31232xf32, #tpu.memory_space<vmem>>, vector<16xf32>,
      %parallel_loop3A_1737 = arith.mulf %parallel_loop3A_1732, %parallel_loop3A_1732 : vector<16xf32>
      %parallel_loop3A_1738 = arith.mulf %parallel_loop3A_1736, %parallel_loop3A_1736 : vector<16xf32>
      %parallel_loop3A_1739 = arith.addf %parallel_loop3A_1737, %parallel_loop3A_1738 : vector<16xf32>
      %parallel_loop3A_1740 = arith.constant 16 : i32
      %parallel_loop3A_1741 = vector.broadcast %parallel_loop3A_1740 : i32 to vector<16xi32>
      %parallel_loop3A_1742 = arith.muli %parallel_loop3A_1730, %parallel_loop3A_1741 : vector<16xi32>
      %parallel_loop3A_1743 = arith.addi %parallel_loop3A_1742, %iota3A : vector<16xi32>
      %parallel_loop3A_1744 = arith.constant 0 : i32
      %parallel_loop3A_1745 = vector.broadcast %parallel_loop3A_1744 : i32 to vector<16xi32>
      %parallel_loop3A_1746 = arith.addi %parallel_loop3A_1743, %parallel_loop3A_1745 : vector<16xi32>
      tpu.vector_store_idx %arg9[%parallel_loop3A_1746], %broadcast_in_dim3A_3 {add = true} : memref<1280xf32, #tpu.memory_space<vmem>>[vector<16xi32>], vector<16xf32>,
      tpu.vector_store_idx %arg10[%parallel_loop3A_1746], %parallel_loop3A_1732 {add = true} : memref<1280xf32, #tpu.memory_space<vmem>>[vector<16xi32>], vector<16xf32>,
      tpu.vector_store_idx %arg11[%parallel_loop3A_1746], %parallel_loop3A_1736 {add = true} : memref<1280xf32, #tpu.memory_space<vmem>>[vector<16xi32>], vector<16xf32>,
      tpu.vector_store_idx %arg12[%parallel_loop3A_1746], %parallel_loop3A_1739 {add = true} : memref<1280xf32, #tpu.memory_space<vmem>>[vector<16xi32>], vector<16xf32>,
      %parallel_loop3A_1747 = arith.constant 16 : i32
      %parallel_loop3A_1748 = arith.addi %parallel_loop3A_1720, %parallel_loop3A_1747 : i32
      %parallel_loop3A_1749 = arith.constant 16 : i32
      %parallel_loop3A_1750 = arith.addi %parallel_loop3A_1723, %parallel_loop3A_1749 : i32
      %parallel_loop3A_1751 = arith.index_cast %parallel_loop3A_1748 : i32 to index
      %parallel_loop3A_1752 = tpu.vector_load %arg6[%parallel_loop3A_1751] {strides = array<i32>} : memref<15616xf32, #tpu.memory_space<vmem>>, vector<16xf32>,
      %parallel_loop3A_1753 = arith.fptosi %parallel_loop3A_1752 : vector<16xf32> to vector<16xi32>
      %parallel_loop3A_1754 = arith.index_cast %parallel_loop3A_1750 : i32 to index
      %parallel_loop3A_1755 = tpu.vector_load %arg8[%parallel_loop3A_1754] {strides = array<i32>} : memref<31232xf32, #tpu.memory_space<vmem>>, vector<16xf32>,
      %parallel_loop3A_1756 = arith.constant 128 : i32
      %parallel_loop3A_1757 = arith.addi %parallel_loop3A_1750, %parallel_loop3A_1756 : i32
      %parallel_loop3A_1758 = arith.index_cast %parallel_loop3A_1757 : i32 to index
      %parallel_loop3A_1759 = tpu.vector_load %arg8[%parallel_loop3A_1758] {strides = array<i32>} : memref<31232xf32, #tpu.memory_space<vmem>>, vector<16xf32>,
      %parallel_loop3A_1760 = arith.mulf %parallel_loop3A_1755, %parallel_loop3A_1755 : vector<16xf32>
      %parallel_loop3A_1761 = arith.mulf %parallel_loop3A_1759, %parallel_loop3A_1759 : vector<16xf32>
      %parallel_loop3A_1762 = arith.addf %parallel_loop3A_1760, %parallel_loop3A_1761 : vector<16xf32>
      %parallel_loop3A_1763 = arith.constant 16 : i32
      %parallel_loop3A_1764 = vector.broadcast %parallel_loop3A_1763 : i32 to vector<16xi32>
      %parallel_loop3A_1765 = arith.muli %parallel_loop3A_1753, %parallel_loop3A_1764 : vector<16xi32>
      %parallel_loop3A_1766 = arith.addi %parallel_loop3A_1765, %iota3A : vector<16xi32>
      %parallel_loop3A_1767 = arith.constant 160 : i32
      %parallel_loop3A_1768 = vector.broadcast %parallel_loop3A_1767 : i32 to vector<16xi32>
      %parallel_loop3A_1769 = arith.addi %parallel_loop3A_1766, %parallel_loop3A_1768 : vector<16xi32>
      tpu.vector_store_idx %arg9[%parallel_loop3A_1769], %broadcast_in_dim3A_3 {add = true} : memref<1280xf32, #tpu.memory_space<vmem>>[vector<16xi32>], vector<16xf32>,
      tpu.vector_store_idx %arg10[%parallel_loop3A_1769], %parallel_loop3A_1755 {add = true} : memref<1280xf32, #tpu.memory_space<vmem>>[vector<16xi32>], vector<16xf32>,
      tpu.vector_store_idx %arg11[%parallel_loop3A_1769], %parallel_loop3A_1759 {add = true} : memref<1280xf32, #tpu.memory_space<vmem>>[vector<16xi32>], vector<16xf32>,
      tpu.vector_store_idx %arg12[%parallel_loop3A_1769], %parallel_loop3A_1762 {add = true} : memref<1280xf32, #tpu.memory_space<vmem>>[vector<16xi32>], vector<16xf32>,
      %parallel_loop3A_1770 = arith.constant 32 : i32
      %parallel_loop3A_1771 = arith.addi %parallel_loop3A_1720, %parallel_loop3A_1770 : i32
      %parallel_loop3A_1772 = arith.constant 32 : i32
      %parallel_loop3A_1773 = arith.addi %parallel_loop3A_1723, %parallel_loop3A_1772 : i32
      %parallel_loop3A_1774 = arith.index_cast %parallel_loop3A_1771 : i32 to index
      %parallel_loop3A_1775 = tpu.vector_load %arg6[%parallel_loop3A_1774] {strides = array<i32>} : memref<15616xf32, #tpu.memory_space<vmem>>, vector<16xf32>,
      %parallel_loop3A_1776 = arith.fptosi %parallel_loop3A_1775 : vector<16xf32> to vector<16xi32>
      %parallel_loop3A_1777 = arith.index_cast %parallel_loop3A_1773 : i32 to index
      %parallel_loop3A_1778 = tpu.vector_load %arg8[%parallel_loop3A_1777] {strides = array<i32>} : memref<31232xf32, #tpu.memory_space<vmem>>, vector<16xf32>,
      %parallel_loop3A_1779 = arith.constant 128 : i32
      %parallel_loop3A_1780 = arith.addi %parallel_loop3A_1773, %parallel_loop3A_1779 : i32
      %parallel_loop3A_1781 = arith.index_cast %parallel_loop3A_1780 : i32 to index
      %parallel_loop3A_1782 = tpu.vector_load %arg8[%parallel_loop3A_1781] {strides = array<i32>} : memref<31232xf32, #tpu.memory_space<vmem>>, vector<16xf32>,
      %parallel_loop3A_1783 = arith.mulf %parallel_loop3A_1778, %parallel_loop3A_1778 : vector<16xf32>
      %parallel_loop3A_1784 = arith.mulf %parallel_loop3A_1782, %parallel_loop3A_1782 : vector<16xf32>
      %parallel_loop3A_1785 = arith.addf %parallel_loop3A_1783, %parallel_loop3A_1784 : vector<16xf32>
      %parallel_loop3A_1786 = arith.constant 16 : i32
      %parallel_loop3A_1787 = vector.broadcast %parallel_loop3A_1786 : i32 to vector<16xi32>
      %parallel_loop3A_1788 = arith.muli %parallel_loop3A_1776, %parallel_loop3A_1787 : vector<16xi32>
      %parallel_loop3A_1789 = arith.addi %parallel_loop3A_1788, %iota3A : vector<16xi32>
      %parallel_loop3A_1790 = arith.constant 320 : i32
      %parallel_loop3A_1791 = vector.broadcast %parallel_loop3A_1790 : i32 to vector<16xi32>
      %parallel_loop3A_1792 = arith.addi %parallel_loop3A_1789, %parallel_loop3A_1791 : vector<16xi32>
      tpu.vector_store_idx %arg9[%parallel_loop3A_1792], %broadcast_in_dim3A_3 {add = true} : memref<1280xf32, #tpu.memory_space<vmem>>[vector<16xi32>], vector<16xf32>,
      tpu.vector_store_idx %arg10[%parallel_loop3A_1792], %parallel_loop3A_1778 {add = true} : memref<1280xf32, #tpu.memory_space<vmem>>[vector<16xi32>], vector<16xf32>,
      tpu.vector_store_idx %arg11[%parallel_loop3A_1792], %parallel_loop3A_1782 {add = true} : memref<1280xf32, #tpu.memory_space<vmem>>[vector<16xi32>], vector<16xf32>,
      tpu.vector_store_idx %arg12[%parallel_loop3A_1792], %parallel_loop3A_1785 {add = true} : memref<1280xf32, #tpu.memory_space<vmem>>[vector<16xi32>], vector<16xf32>,
      %parallel_loop3A_1793 = arith.constant 48 : i32
      %parallel_loop3A_1794 = arith.addi %parallel_loop3A_1720, %parallel_loop3A_1793 : i32
      %parallel_loop3A_1795 = arith.constant 48 : i32
      %parallel_loop3A_1796 = arith.addi %parallel_loop3A_1723, %parallel_loop3A_1795 : i32
      %parallel_loop3A_1797 = arith.index_cast %parallel_loop3A_1794 : i32 to index
      %parallel_loop3A_1798 = tpu.vector_load %arg6[%parallel_loop3A_1797] {strides = array<i32>} : memref<15616xf32, #tpu.memory_space<vmem>>, vector<16xf32>,
      %parallel_loop3A_1799 = arith.fptosi %parallel_loop3A_1798 : vector<16xf32> to vector<16xi32>
      %parallel_loop3A_1800 = arith.index_cast %parallel_loop3A_1796 : i32 to index
      %parallel_loop3A_1801 = tpu.vector_load %arg8[%parallel_loop3A_1800] {strides = array<i32>} : memref<31232xf32, #tpu.memory_space<vmem>>, vector<16xf32>,
      %parallel_loop3A_1802 = arith.constant 128 : i32
      %parallel_loop3A_1803 = arith.addi %parallel_loop3A_1796, %parallel_loop3A_1802 : i32
      %parallel_loop3A_1804 = arith.index_cast %parallel_loop3A_1803 : i32 to index
      %parallel_loop3A_1805 = tpu.vector_load %arg8[%parallel_loop3A_1804] {strides = array<i32>} : memref<31232xf32, #tpu.memory_space<vmem>>, vector<16xf32>,
      %parallel_loop3A_1806 = arith.mulf %parallel_loop3A_1801, %parallel_loop3A_1801 : vector<16xf32>
      %parallel_loop3A_1807 = arith.mulf %parallel_loop3A_1805, %parallel_loop3A_1805 : vector<16xf32>
      %parallel_loop3A_1808 = arith.addf %parallel_loop3A_1806, %parallel_loop3A_1807 : vector<16xf32>
      %parallel_loop3A_1809 = arith.constant 16 : i32
      %parallel_loop3A_1810 = vector.broadcast %parallel_loop3A_1809 : i32 to vector<16xi32>
      %parallel_loop3A_1811 = arith.muli %parallel_loop3A_1799, %parallel_loop3A_1810 : vector<16xi32>
      %parallel_loop3A_1812 = arith.addi %parallel_loop3A_1811, %iota3A : vector<16xi32>
      %parallel_loop3A_1813 = arith.constant 480 : i32
      %parallel_loop3A_1814 = vector.broadcast %parallel_loop3A_1813 : i32 to vector<16xi32>
      %parallel_loop3A_1815 = arith.addi %parallel_loop3A_1812, %parallel_loop3A_1814 : vector<16xi32>
      tpu.vector_store_idx %arg9[%parallel_loop3A_1815], %broadcast_in_dim3A_3 {add = true} : memref<1280xf32, #tpu.memory_space<vmem>>[vector<16xi32>], vector<16xf32>,
      tpu.vector_store_idx %arg10[%parallel_loop3A_1815], %parallel_loop3A_1801 {add = true} : memref<1280xf32, #tpu.memory_space<vmem>>[vector<16xi32>], vector<16xf32>,
      tpu.vector_store_idx %arg11[%parallel_loop3A_1815], %parallel_loop3A_1805 {add = true} : memref<1280xf32, #tpu.memory_space<vmem>>[vector<16xi32>], vector<16xf32>,
      tpu.vector_store_idx %arg12[%parallel_loop3A_1815], %parallel_loop3A_1808 {add = true} : memref<1280xf32, #tpu.memory_space<vmem>>[vector<16xi32>], vector<16xf32>,
      %parallel_loop3A_1816 = arith.constant 64 : i32
      %parallel_loop3A_1817 = arith.addi %parallel_loop3A_1720, %parallel_loop3A_1816 : i32
      %parallel_loop3A_1818 = arith.constant 64 : i32
      %parallel_loop3A_1819 = arith.addi %parallel_loop3A_1723, %parallel_loop3A_1818 : i32
      %parallel_loop3A_1820 = arith.index_cast %parallel_loop3A_1817 : i32 to index
      %parallel_loop3A_1821 = tpu.vector_load %arg6[%parallel_loop3A_1820] {strides = array<i32>} : memref<15616xf32, #tpu.memory_space<vmem>>, vector<16xf32>,
      %parallel_loop3A_1822 = arith.fptosi %parallel_loop3A_1821 : vector<16xf32> to vector<16xi32>
      %parallel_loop3A_1823 = arith.index_cast %parallel_loop3A_1819 : i32 to index
      %parallel_loop3A_1824 = tpu.vector_load %arg8[%parallel_loop3A_1823] {strides = array<i32>} : memref<31232xf32, #tpu.memory_space<vmem>>, vector<16xf32>,
      %parallel_loop3A_1825 = arith.constant 128 : i32
      %parallel_loop3A_1826 = arith.addi %parallel_loop3A_1819, %parallel_loop3A_1825 : i32
      %parallel_loop3A_1827 = arith.index_cast %parallel_loop3A_1826 : i32 to index
      %parallel_loop3A_1828 = tpu.vector_load %arg8[%parallel_loop3A_1827] {strides = array<i32>} : memref<31232xf32, #tpu.memory_space<vmem>>, vector<16xf32>,
      %parallel_loop3A_1829 = arith.mulf %parallel_loop3A_1824, %parallel_loop3A_1824 : vector<16xf32>
      %parallel_loop3A_1830 = arith.mulf %parallel_loop3A_1828, %parallel_loop3A_1828 : vector<16xf32>
      %parallel_loop3A_1831 = arith.addf %parallel_loop3A_1829, %parallel_loop3A_1830 : vector<16xf32>
      %parallel_loop3A_1832 = arith.constant 16 : i32
      %parallel_loop3A_1833 = vector.broadcast %parallel_loop3A_1832 : i32 to vector<16xi32>
      %parallel_loop3A_1834 = arith.muli %parallel_loop3A_1822, %parallel_loop3A_1833 : vector<16xi32>
      %parallel_loop3A_1835 = arith.addi %parallel_loop3A_1834, %iota3A : vector<16xi32>
      %parallel_loop3A_1836 = arith.constant 640 : i32
      %parallel_loop3A_1837 = vector.broadcast %parallel_loop3A_1836 : i32 to vector<16xi32>
      %parallel_loop3A_1838 = arith.addi %parallel_loop3A_1835, %parallel_loop3A_1837 : vector<16xi32>
      tpu.vector_store_idx %arg9[%parallel_loop3A_1838], %broadcast_in_dim3A_3 {add = true} : memref<1280xf32, #tpu.memory_space<vmem>>[vector<16xi32>], vector<16xf32>,
      tpu.vector_store_idx %arg10[%parallel_loop3A_1838], %parallel_loop3A_1824 {add = true} : memref<1280xf32, #tpu.memory_space<vmem>>[vector<16xi32>], vector<16xf32>,
      tpu.vector_store_idx %arg11[%parallel_loop3A_1838], %parallel_loop3A_1828 {add = true} : memref<1280xf32, #tpu.memory_space<vmem>>[vector<16xi32>], vector<16xf32>,
      tpu.vector_store_idx %arg12[%parallel_loop3A_1838], %parallel_loop3A_1831 {add = true} : memref<1280xf32, #tpu.memory_space<vmem>>[vector<16xi32>], vector<16xf32>,
      %parallel_loop3A_1839 = arith.constant 80 : i32
      %parallel_loop3A_1840 = arith.addi %parallel_loop3A_1720, %parallel_loop3A_1839 : i32
      %parallel_loop3A_1841 = arith.constant 80 : i32
      %parallel_loop3A_1842 = arith.addi %parallel_loop3A_1723, %parallel_loop3A_1841 : i32
      %parallel_loop3A_1843 = arith.index_cast %parallel_loop3A_1840 : i32 to index
      %parallel_loop3A_1844 = tpu.vector_load %arg6[%parallel_loop3A_1843] {strides = array<i32>} : memref<15616xf32, #tpu.memory_space<vmem>>, vector<16xf32>,
      %parallel_loop3A_1845 = arith.fptosi %parallel_loop3A_1844 : vector<16xf32> to vector<16xi32>
      %parallel_loop3A_1846 = arith.index_cast %parallel_loop3A_1842 : i32 to index
      %parallel_loop3A_1847 = tpu.vector_load %arg8[%parallel_loop3A_1846] {strides = array<i32>} : memref<31232xf32, #tpu.memory_space<vmem>>, vector<16xf32>,
      %parallel_loop3A_1848 = arith.constant 128 : i32
      %parallel_loop3A_1849 = arith.addi %parallel_loop3A_1842, %parallel_loop3A_1848 : i32
      %parallel_loop3A_1850 = arith.index_cast %parallel_loop3A_1849 : i32 to index
      %parallel_loop3A_1851 = tpu.vector_load %arg8[%parallel_loop3A_1850] {strides = array<i32>} : memref<31232xf32, #tpu.memory_space<vmem>>, vector<16xf32>,
      %parallel_loop3A_1852 = arith.mulf %parallel_loop3A_1847, %parallel_loop3A_1847 : vector<16xf32>
      %parallel_loop3A_1853 = arith.mulf %parallel_loop3A_1851, %parallel_loop3A_1851 : vector<16xf32>
      %parallel_loop3A_1854 = arith.addf %parallel_loop3A_1852, %parallel_loop3A_1853 : vector<16xf32>
      %parallel_loop3A_1855 = arith.constant 16 : i32
      %parallel_loop3A_1856 = vector.broadcast %parallel_loop3A_1855 : i32 to vector<16xi32>
      %parallel_loop3A_1857 = arith.muli %parallel_loop3A_1845, %parallel_loop3A_1856 : vector<16xi32>
      %parallel_loop3A_1858 = arith.addi %parallel_loop3A_1857, %iota3A : vector<16xi32>
      %parallel_loop3A_1859 = arith.constant 800 : i32
      %parallel_loop3A_1860 = vector.broadcast %parallel_loop3A_1859 : i32 to vector<16xi32>
      %parallel_loop3A_1861 = arith.addi %parallel_loop3A_1858, %parallel_loop3A_1860 : vector<16xi32>
      tpu.vector_store_idx %arg9[%parallel_loop3A_1861], %broadcast_in_dim3A_3 {add = true} : memref<1280xf32, #tpu.memory_space<vmem>>[vector<16xi32>], vector<16xf32>,
      tpu.vector_store_idx %arg10[%parallel_loop3A_1861], %parallel_loop3A_1847 {add = true} : memref<1280xf32, #tpu.memory_space<vmem>>[vector<16xi32>], vector<16xf32>,
      tpu.vector_store_idx %arg11[%parallel_loop3A_1861], %parallel_loop3A_1851 {add = true} : memref<1280xf32, #tpu.memory_space<vmem>>[vector<16xi32>], vector<16xf32>,
      tpu.vector_store_idx %arg12[%parallel_loop3A_1861], %parallel_loop3A_1854 {add = true} : memref<1280xf32, #tpu.memory_space<vmem>>[vector<16xi32>], vector<16xf32>,
      %parallel_loop3A_1862 = arith.constant 96 : i32
      %parallel_loop3A_1863 = arith.addi %parallel_loop3A_1720, %parallel_loop3A_1862 : i32
      %parallel_loop3A_1864 = arith.constant 96 : i32
      %parallel_loop3A_1865 = arith.addi %parallel_loop3A_1723, %parallel_loop3A_1864 : i32
      %parallel_loop3A_1866 = arith.index_cast %parallel_loop3A_1863 : i32 to index
      %parallel_loop3A_1867 = tpu.vector_load %arg6[%parallel_loop3A_1866] {strides = array<i32>} : memref<15616xf32, #tpu.memory_space<vmem>>, vector<16xf32>,
      %parallel_loop3A_1868 = arith.fptosi %parallel_loop3A_1867 : vector<16xf32> to vector<16xi32>
      %parallel_loop3A_1869 = arith.index_cast %parallel_loop3A_1865 : i32 to index
      %parallel_loop3A_1870 = tpu.vector_load %arg8[%parallel_loop3A_1869] {strides = array<i32>} : memref<31232xf32, #tpu.memory_space<vmem>>, vector<16xf32>,
      %parallel_loop3A_1871 = arith.constant 128 : i32
      %parallel_loop3A_1872 = arith.addi %parallel_loop3A_1865, %parallel_loop3A_1871 : i32
      %parallel_loop3A_1873 = arith.index_cast %parallel_loop3A_1872 : i32 to index
      %parallel_loop3A_1874 = tpu.vector_load %arg8[%parallel_loop3A_1873] {strides = array<i32>} : memref<31232xf32, #tpu.memory_space<vmem>>, vector<16xf32>,
      %parallel_loop3A_1875 = arith.mulf %parallel_loop3A_1870, %parallel_loop3A_1870 : vector<16xf32>
      %parallel_loop3A_1876 = arith.mulf %parallel_loop3A_1874, %parallel_loop3A_1874 : vector<16xf32>
      %parallel_loop3A_1877 = arith.addf %parallel_loop3A_1875, %parallel_loop3A_1876 : vector<16xf32>
      %parallel_loop3A_1878 = arith.constant 16 : i32
      %parallel_loop3A_1879 = vector.broadcast %parallel_loop3A_1878 : i32 to vector<16xi32>
      %parallel_loop3A_1880 = arith.muli %parallel_loop3A_1868, %parallel_loop3A_1879 : vector<16xi32>
      %parallel_loop3A_1881 = arith.addi %parallel_loop3A_1880, %iota3A : vector<16xi32>
      %parallel_loop3A_1882 = arith.constant 960 : i32
      %parallel_loop3A_1883 = vector.broadcast %parallel_loop3A_1882 : i32 to vector<16xi32>
      %parallel_loop3A_1884 = arith.addi %parallel_loop3A_1881, %parallel_loop3A_1883 : vector<16xi32>
      tpu.vector_store_idx %arg9[%parallel_loop3A_1884], %broadcast_in_dim3A_3 {add = true} : memref<1280xf32, #tpu.memory_space<vmem>>[vector<16xi32>], vector<16xf32>,
      tpu.vector_store_idx %arg10[%parallel_loop3A_1884], %parallel_loop3A_1870 {add = true} : memref<1280xf32, #tpu.memory_space<vmem>>[vector<16xi32>], vector<16xf32>,
      tpu.vector_store_idx %arg11[%parallel_loop3A_1884], %parallel_loop3A_1874 {add = true} : memref<1280xf32, #tpu.memory_space<vmem>>[vector<16xi32>], vector<16xf32>,
      tpu.vector_store_idx %arg12[%parallel_loop3A_1884], %parallel_loop3A_1877 {add = true} : memref<1280xf32, #tpu.memory_space<vmem>>[vector<16xi32>], vector<16xf32>,
      %parallel_loop3A_1885 = arith.constant 112 : i32
      %parallel_loop3A_1886 = arith.addi %parallel_loop3A_1720, %parallel_loop3A_1885 : i32
      %parallel_loop3A_1887 = arith.constant 112 : i32
      %parallel_loop3A_1888 = arith.addi %parallel_loop3A_1723, %parallel_loop3A_1887 : i32
      %parallel_loop3A_1889 = arith.index_cast %parallel_loop3A_1886 : i32 to index
      %parallel_loop3A_1890 = tpu.vector_load %arg6[%parallel_loop3A_1889] {strides = array<i32>} : memref<15616xf32, #tpu.memory_space<vmem>>, vector<16xf32>,
      %parallel_loop3A_1891 = arith.fptosi %parallel_loop3A_1890 : vector<16xf32> to vector<16xi32>
      %parallel_loop3A_1892 = arith.index_cast %parallel_loop3A_1888 : i32 to index
      %parallel_loop3A_1893 = tpu.vector_load %arg8[%parallel_loop3A_1892] {strides = array<i32>} : memref<31232xf32, #tpu.memory_space<vmem>>, vector<16xf32>,
      %parallel_loop3A_1894 = arith.constant 128 : i32
      %parallel_loop3A_1895 = arith.addi %parallel_loop3A_1888, %parallel_loop3A_1894 : i32
      %parallel_loop3A_1896 = arith.index_cast %parallel_loop3A_1895 : i32 to index
      %parallel_loop3A_1897 = tpu.vector_load %arg8[%parallel_loop3A_1896] {strides = array<i32>} : memref<31232xf32, #tpu.memory_space<vmem>>, vector<16xf32>,
      %parallel_loop3A_1898 = arith.mulf %parallel_loop3A_1893, %parallel_loop3A_1893 : vector<16xf32>
      %parallel_loop3A_1899 = arith.mulf %parallel_loop3A_1897, %parallel_loop3A_1897 : vector<16xf32>
      %parallel_loop3A_1900 = arith.addf %parallel_loop3A_1898, %parallel_loop3A_1899 : vector<16xf32>
      %parallel_loop3A_1901 = arith.constant 16 : i32
      %parallel_loop3A_1902 = vector.broadcast %parallel_loop3A_1901 : i32 to vector<16xi32>
      %parallel_loop3A_1903 = arith.muli %parallel_loop3A_1891, %parallel_loop3A_1902 : vector<16xi32>
      %parallel_loop3A_1904 = arith.addi %parallel_loop3A_1903, %iota3A : vector<16xi32>
      %parallel_loop3A_1905 = arith.constant 1120 : i32
      %parallel_loop3A_1906 = vector.broadcast %parallel_loop3A_1905 : i32 to vector<16xi32>
      %parallel_loop3A_1907 = arith.addi %parallel_loop3A_1904, %parallel_loop3A_1906 : vector<16xi32>
      tpu.vector_store_idx %arg9[%parallel_loop3A_1907], %broadcast_in_dim3A_3 {add = true} : memref<1280xf32, #tpu.memory_space<vmem>>[vector<16xi32>], vector<16xf32>,
      tpu.vector_store_idx %arg10[%parallel_loop3A_1907], %parallel_loop3A_1893 {add = true} : memref<1280xf32, #tpu.memory_space<vmem>>[vector<16xi32>], vector<16xf32>,
      tpu.vector_store_idx %arg11[%parallel_loop3A_1907], %parallel_loop3A_1897 {add = true} : memref<1280xf32, #tpu.memory_space<vmem>>[vector<16xi32>], vector<16xf32>,
      tpu.vector_store_idx %arg12[%parallel_loop3A_1907], %parallel_loop3A_1900 {add = true} : memref<1280xf32, #tpu.memory_space<vmem>>[vector<16xi32>], vector<16xf32>,
      scf.yield %parallel_loop3A_1717 : i32
    } {sc.loop_unroll_factor = 1 : i64, sc.parallel_access}
    %dma_wait3A_688 = tpu.memref_slice %arg3[%multiple_of3A_676] : memref<2000000xf32, #tpu.memory_space<hbm>> -> memref<15616xf32, #tpu.memory_space<hbm>>
    %dma_wait3A_689 = tpu.memref_slice %arg3[%multiple_of3A_676] : memref<2000000xf32, #tpu.memory_space<hbm>> -> memref<15616xf32, #tpu.memory_space<hbm>>
    tpu.wait_dma2 semaphore(%arg16 : memref<!tpu.dma_semaphore, #tpu.memory_space<semaphore_mem>>) src(%dma_wait3A_689 : memref<15616xf32, #tpu.memory_space<hbm>>) dst(%arg5 : memref<15616xf32, #tpu.memory_space<vmem>>)
    %dma_wait3A_690 = tpu.memref_slice %arg2[%mul3A_680] : memref<4000000xf32, #tpu.memory_space<hbm>> -> memref<31232xf32, #tpu.memory_space<hbm>>
    %dma_wait3A_691 = tpu.memref_slice %arg2[%mul3A_680] : memref<4000000xf32, #tpu.memory_space<hbm>> -> memref<31232xf32, #tpu.memory_space<hbm>>
    tpu.wait_dma2 semaphore(%arg16 : memref<!tpu.dma_semaphore, #tpu.memory_space<semaphore_mem>>) src(%dma_wait3A_691 : memref<31232xf32, #tpu.memory_space<hbm>>) dst(%arg7 : memref<31232xf32, #tpu.memory_space<vmem>>)
    %add3A_692 = arith.constant 46848 : i32
    %add3A_693 = arith.addi %mul3A_646, %add3A_692 : i32
    %multiple_of3A_694 = tpu.assume_multiple %add3A_693, 128 : i32
    %dma_start3A_695 = tpu.memref_slice %arg3[%multiple_of3A_694] : memref<2000000xf32, #tpu.memory_space<hbm>> -> memref<15616xf32, #tpu.memory_space<hbm>>
    %dma_start3A_696 = tpu.memref_slice %arg3[%multiple_of3A_694] : memref<2000000xf32, #tpu.memory_space<hbm>> -> memref<15616xf32, #tpu.memory_space<hbm>>
    tpu.enqueue_dma source(%dma_start3A_696 : memref<15616xf32, #tpu.memory_space<hbm>>) target(%arg6 : memref<15616xf32, #tpu.memory_space<vmem>>) target_semaphore(%arg17 : memref<!tpu.dma_semaphore, #tpu.memory_space<semaphore_mem>>)
    %mul3A_697 = arith.constant 2 : i32
    %mul3A_698 = arith.muli %mul3A_697, %multiple_of3A_694 : i32
    %dma_start3A_699 = tpu.memref_slice %arg2[%mul3A_698] : memref<4000000xf32, #tpu.memory_space<hbm>> -> memref<31232xf32, #tpu.memory_space<hbm>>
    %dma_start3A_700 = tpu.memref_slice %arg2[%mul3A_698] : memref<4000000xf32, #tpu.memory_space<hbm>> -> memref<31232xf32, #tpu.memory_space<hbm>>
    tpu.enqueue_dma source(%dma_start3A_700 : memref<31232xf32, #tpu.memory_space<hbm>>) target(%arg8 : memref<31232xf32, #tpu.memory_space<vmem>>) target_semaphore(%arg17 : memref<!tpu.dma_semaphore, #tpu.memory_space<semaphore_mem>>)
    %parallel_loop3A_701 = arith.constant 0 : i32
    %parallel_loop3A_702 = arith.constant 122 : i32
    %parallel_loop3A_703 = arith.constant 1 : i32
    %parallel_loop3A_704 = arith.constant 0 : i32
    %parallel_loop3A_705 = scf.for %parallel_loop3A_1716 = %parallel_loop3A_701 to %parallel_loop3A_702 step %parallel_loop3A_703 iter_args(%parallel_loop3A_1717 = %parallel_loop3A_704) -> (i32)  : i32 {
      %parallel_loop3A_1718 = arith.constant 128 : i32
      %parallel_loop3A_1719 = arith.muli %parallel_loop3A_1716, %parallel_loop3A_1718 : i32
      %parallel_loop3A_1720 = tpu.assume_multiple %parallel_loop3A_1719, 128 : i32
      %parallel_loop3A_1721 = arith.constant 256 : i32
      %parallel_loop3A_1722 = arith.muli %parallel_loop3A_1716, %parallel_loop3A_1721 : i32
      %parallel_loop3A_1723 = tpu.assume_multiple %parallel_loop3A_1722, 256 : i32
      %parallel_loop3A_1724 = arith.constant 0 : i32
      %parallel_loop3A_1725 = arith.addi %parallel_loop3A_1720, %parallel_loop3A_1724 : i32
      %parallel_loop3A_1726 = arith.constant 0 : i32
      %parallel_loop3A_1727 = arith.addi %parallel_loop3A_1723, %parallel_loop3A_1726 : i32
      %parallel_loop3A_1728 = arith.index_cast %parallel_loop3A_1725 : i32 to index
      %parallel_loop3A_1729 = tpu.vector_load %arg5[%parallel_loop3A_1728] {strides = array<i32>} : memref<15616xf32, #tpu.memory_space<vmem>>, vector<16xf32>,
      %parallel_loop3A_1730 = arith.fptosi %parallel_loop3A_1729 : vector<16xf32> to vector<16xi32>
      %parallel_loop3A_1731 = arith.index_cast %parallel_loop3A_1727 : i32 to index
      %parallel_loop3A_1732 = tpu.vector_load %arg7[%parallel_loop3A_1731] {strides = array<i32>} : memref<31232xf32, #tpu.memory_space<vmem>>, vector<16xf32>,
      %parallel_loop3A_1733 = arith.constant 128 : i32
      %parallel_loop3A_1734 = arith.addi %parallel_loop3A_1727, %parallel_loop3A_1733 : i32
      %parallel_loop3A_1735 = arith.index_cast %parallel_loop3A_1734 : i32 to index
      %parallel_loop3A_1736 = tpu.vector_load %arg7[%parallel_loop3A_1735] {strides = array<i32>} : memref<31232xf32, #tpu.memory_space<vmem>>, vector<16xf32>,
      %parallel_loop3A_1737 = arith.mulf %parallel_loop3A_1732, %parallel_loop3A_1732 : vector<16xf32>
      %parallel_loop3A_1738 = arith.mulf %parallel_loop3A_1736, %parallel_loop3A_1736 : vector<16xf32>
      %parallel_loop3A_1739 = arith.addf %parallel_loop3A_1737, %parallel_loop3A_1738 : vector<16xf32>
      %parallel_loop3A_1740 = arith.constant 16 : i32
      %parallel_loop3A_1741 = vector.broadcast %parallel_loop3A_1740 : i32 to vector<16xi32>
      %parallel_loop3A_1742 = arith.muli %parallel_loop3A_1730, %parallel_loop3A_1741 : vector<16xi32>
      %parallel_loop3A_1743 = arith.addi %parallel_loop3A_1742, %iota3A : vector<16xi32>
      %parallel_loop3A_1744 = arith.constant 0 : i32
      %parallel_loop3A_1745 = vector.broadcast %parallel_loop3A_1744 : i32 to vector<16xi32>
      %parallel_loop3A_1746 = arith.addi %parallel_loop3A_1743, %parallel_loop3A_1745 : vector<16xi32>
      tpu.vector_store_idx %arg9[%parallel_loop3A_1746], %broadcast_in_dim3A_3 {add = true} : memref<1280xf32, #tpu.memory_space<vmem>>[vector<16xi32>], vector<16xf32>,
      tpu.vector_store_idx %arg10[%parallel_loop3A_1746], %parallel_loop3A_1732 {add = true} : memref<1280xf32, #tpu.memory_space<vmem>>[vector<16xi32>], vector<16xf32>,
      tpu.vector_store_idx %arg11[%parallel_loop3A_1746], %parallel_loop3A_1736 {add = true} : memref<1280xf32, #tpu.memory_space<vmem>>[vector<16xi32>], vector<16xf32>,
      tpu.vector_store_idx %arg12[%parallel_loop3A_1746], %parallel_loop3A_1739 {add = true} : memref<1280xf32, #tpu.memory_space<vmem>>[vector<16xi32>], vector<16xf32>,
      %parallel_loop3A_1747 = arith.constant 16 : i32
      %parallel_loop3A_1748 = arith.addi %parallel_loop3A_1720, %parallel_loop3A_1747 : i32
      %parallel_loop3A_1749 = arith.constant 16 : i32
      %parallel_loop3A_1750 = arith.addi %parallel_loop3A_1723, %parallel_loop3A_1749 : i32
      %parallel_loop3A_1751 = arith.index_cast %parallel_loop3A_1748 : i32 to index
      %parallel_loop3A_1752 = tpu.vector_load %arg5[%parallel_loop3A_1751] {strides = array<i32>} : memref<15616xf32, #tpu.memory_space<vmem>>, vector<16xf32>,
      %parallel_loop3A_1753 = arith.fptosi %parallel_loop3A_1752 : vector<16xf32> to vector<16xi32>
      %parallel_loop3A_1754 = arith.index_cast %parallel_loop3A_1750 : i32 to index
      %parallel_loop3A_1755 = tpu.vector_load %arg7[%parallel_loop3A_1754] {strides = array<i32>} : memref<31232xf32, #tpu.memory_space<vmem>>, vector<16xf32>,
      %parallel_loop3A_1756 = arith.constant 128 : i32
      %parallel_loop3A_1757 = arith.addi %parallel_loop3A_1750, %parallel_loop3A_1756 : i32
      %parallel_loop3A_1758 = arith.index_cast %parallel_loop3A_1757 : i32 to index
      %parallel_loop3A_1759 = tpu.vector_load %arg7[%parallel_loop3A_1758] {strides = array<i32>} : memref<31232xf32, #tpu.memory_space<vmem>>, vector<16xf32>,
      %parallel_loop3A_1760 = arith.mulf %parallel_loop3A_1755, %parallel_loop3A_1755 : vector<16xf32>
      %parallel_loop3A_1761 = arith.mulf %parallel_loop3A_1759, %parallel_loop3A_1759 : vector<16xf32>
      %parallel_loop3A_1762 = arith.addf %parallel_loop3A_1760, %parallel_loop3A_1761 : vector<16xf32>
      %parallel_loop3A_1763 = arith.constant 16 : i32
      %parallel_loop3A_1764 = vector.broadcast %parallel_loop3A_1763 : i32 to vector<16xi32>
      %parallel_loop3A_1765 = arith.muli %parallel_loop3A_1753, %parallel_loop3A_1764 : vector<16xi32>
      %parallel_loop3A_1766 = arith.addi %parallel_loop3A_1765, %iota3A : vector<16xi32>
      %parallel_loop3A_1767 = arith.constant 160 : i32
      %parallel_loop3A_1768 = vector.broadcast %parallel_loop3A_1767 : i32 to vector<16xi32>
      %parallel_loop3A_1769 = arith.addi %parallel_loop3A_1766, %parallel_loop3A_1768 : vector<16xi32>
      tpu.vector_store_idx %arg9[%parallel_loop3A_1769], %broadcast_in_dim3A_3 {add = true} : memref<1280xf32, #tpu.memory_space<vmem>>[vector<16xi32>], vector<16xf32>,
      tpu.vector_store_idx %arg10[%parallel_loop3A_1769], %parallel_loop3A_1755 {add = true} : memref<1280xf32, #tpu.memory_space<vmem>>[vector<16xi32>], vector<16xf32>,
      tpu.vector_store_idx %arg11[%parallel_loop3A_1769], %parallel_loop3A_1759 {add = true} : memref<1280xf32, #tpu.memory_space<vmem>>[vector<16xi32>], vector<16xf32>,
      tpu.vector_store_idx %arg12[%parallel_loop3A_1769], %parallel_loop3A_1762 {add = true} : memref<1280xf32, #tpu.memory_space<vmem>>[vector<16xi32>], vector<16xf32>,
      %parallel_loop3A_1770 = arith.constant 32 : i32
      %parallel_loop3A_1771 = arith.addi %parallel_loop3A_1720, %parallel_loop3A_1770 : i32
      %parallel_loop3A_1772 = arith.constant 32 : i32
      %parallel_loop3A_1773 = arith.addi %parallel_loop3A_1723, %parallel_loop3A_1772 : i32
      %parallel_loop3A_1774 = arith.index_cast %parallel_loop3A_1771 : i32 to index
      %parallel_loop3A_1775 = tpu.vector_load %arg5[%parallel_loop3A_1774] {strides = array<i32>} : memref<15616xf32, #tpu.memory_space<vmem>>, vector<16xf32>,
      %parallel_loop3A_1776 = arith.fptosi %parallel_loop3A_1775 : vector<16xf32> to vector<16xi32>
      %parallel_loop3A_1777 = arith.index_cast %parallel_loop3A_1773 : i32 to index
      %parallel_loop3A_1778 = tpu.vector_load %arg7[%parallel_loop3A_1777] {strides = array<i32>} : memref<31232xf32, #tpu.memory_space<vmem>>, vector<16xf32>,
      %parallel_loop3A_1779 = arith.constant 128 : i32
      %parallel_loop3A_1780 = arith.addi %parallel_loop3A_1773, %parallel_loop3A_1779 : i32
      %parallel_loop3A_1781 = arith.index_cast %parallel_loop3A_1780 : i32 to index
      %parallel_loop3A_1782 = tpu.vector_load %arg7[%parallel_loop3A_1781] {strides = array<i32>} : memref<31232xf32, #tpu.memory_space<vmem>>, vector<16xf32>,
      %parallel_loop3A_1783 = arith.mulf %parallel_loop3A_1778, %parallel_loop3A_1778 : vector<16xf32>
      %parallel_loop3A_1784 = arith.mulf %parallel_loop3A_1782, %parallel_loop3A_1782 : vector<16xf32>
      %parallel_loop3A_1785 = arith.addf %parallel_loop3A_1783, %parallel_loop3A_1784 : vector<16xf32>
      %parallel_loop3A_1786 = arith.constant 16 : i32
      %parallel_loop3A_1787 = vector.broadcast %parallel_loop3A_1786 : i32 to vector<16xi32>
      %parallel_loop3A_1788 = arith.muli %parallel_loop3A_1776, %parallel_loop3A_1787 : vector<16xi32>
      %parallel_loop3A_1789 = arith.addi %parallel_loop3A_1788, %iota3A : vector<16xi32>
      %parallel_loop3A_1790 = arith.constant 320 : i32
      %parallel_loop3A_1791 = vector.broadcast %parallel_loop3A_1790 : i32 to vector<16xi32>
      %parallel_loop3A_1792 = arith.addi %parallel_loop3A_1789, %parallel_loop3A_1791 : vector<16xi32>
      tpu.vector_store_idx %arg9[%parallel_loop3A_1792], %broadcast_in_dim3A_3 {add = true} : memref<1280xf32, #tpu.memory_space<vmem>>[vector<16xi32>], vector<16xf32>,
      tpu.vector_store_idx %arg10[%parallel_loop3A_1792], %parallel_loop3A_1778 {add = true} : memref<1280xf32, #tpu.memory_space<vmem>>[vector<16xi32>], vector<16xf32>,
      tpu.vector_store_idx %arg11[%parallel_loop3A_1792], %parallel_loop3A_1782 {add = true} : memref<1280xf32, #tpu.memory_space<vmem>>[vector<16xi32>], vector<16xf32>,
      tpu.vector_store_idx %arg12[%parallel_loop3A_1792], %parallel_loop3A_1785 {add = true} : memref<1280xf32, #tpu.memory_space<vmem>>[vector<16xi32>], vector<16xf32>,
      %parallel_loop3A_1793 = arith.constant 48 : i32
      %parallel_loop3A_1794 = arith.addi %parallel_loop3A_1720, %parallel_loop3A_1793 : i32
      %parallel_loop3A_1795 = arith.constant 48 : i32
      %parallel_loop3A_1796 = arith.addi %parallel_loop3A_1723, %parallel_loop3A_1795 : i32
      %parallel_loop3A_1797 = arith.index_cast %parallel_loop3A_1794 : i32 to index
      %parallel_loop3A_1798 = tpu.vector_load %arg5[%parallel_loop3A_1797] {strides = array<i32>} : memref<15616xf32, #tpu.memory_space<vmem>>, vector<16xf32>,
      %parallel_loop3A_1799 = arith.fptosi %parallel_loop3A_1798 : vector<16xf32> to vector<16xi32>
      %parallel_loop3A_1800 = arith.index_cast %parallel_loop3A_1796 : i32 to index
      %parallel_loop3A_1801 = tpu.vector_load %arg7[%parallel_loop3A_1800] {strides = array<i32>} : memref<31232xf32, #tpu.memory_space<vmem>>, vector<16xf32>,
      %parallel_loop3A_1802 = arith.constant 128 : i32
      %parallel_loop3A_1803 = arith.addi %parallel_loop3A_1796, %parallel_loop3A_1802 : i32
      %parallel_loop3A_1804 = arith.index_cast %parallel_loop3A_1803 : i32 to index
      %parallel_loop3A_1805 = tpu.vector_load %arg7[%parallel_loop3A_1804] {strides = array<i32>} : memref<31232xf32, #tpu.memory_space<vmem>>, vector<16xf32>,
      %parallel_loop3A_1806 = arith.mulf %parallel_loop3A_1801, %parallel_loop3A_1801 : vector<16xf32>
      %parallel_loop3A_1807 = arith.mulf %parallel_loop3A_1805, %parallel_loop3A_1805 : vector<16xf32>
      %parallel_loop3A_1808 = arith.addf %parallel_loop3A_1806, %parallel_loop3A_1807 : vector<16xf32>
      %parallel_loop3A_1809 = arith.constant 16 : i32
      %parallel_loop3A_1810 = vector.broadcast %parallel_loop3A_1809 : i32 to vector<16xi32>
      %parallel_loop3A_1811 = arith.muli %parallel_loop3A_1799, %parallel_loop3A_1810 : vector<16xi32>
      %parallel_loop3A_1812 = arith.addi %parallel_loop3A_1811, %iota3A : vector<16xi32>
      %parallel_loop3A_1813 = arith.constant 480 : i32
      %parallel_loop3A_1814 = vector.broadcast %parallel_loop3A_1813 : i32 to vector<16xi32>
      %parallel_loop3A_1815 = arith.addi %parallel_loop3A_1812, %parallel_loop3A_1814 : vector<16xi32>
      tpu.vector_store_idx %arg9[%parallel_loop3A_1815], %broadcast_in_dim3A_3 {add = true} : memref<1280xf32, #tpu.memory_space<vmem>>[vector<16xi32>], vector<16xf32>,
      tpu.vector_store_idx %arg10[%parallel_loop3A_1815], %parallel_loop3A_1801 {add = true} : memref<1280xf32, #tpu.memory_space<vmem>>[vector<16xi32>], vector<16xf32>,
      tpu.vector_store_idx %arg11[%parallel_loop3A_1815], %parallel_loop3A_1805 {add = true} : memref<1280xf32, #tpu.memory_space<vmem>>[vector<16xi32>], vector<16xf32>,
      tpu.vector_store_idx %arg12[%parallel_loop3A_1815], %parallel_loop3A_1808 {add = true} : memref<1280xf32, #tpu.memory_space<vmem>>[vector<16xi32>], vector<16xf32>,
      %parallel_loop3A_1816 = arith.constant 64 : i32
      %parallel_loop3A_1817 = arith.addi %parallel_loop3A_1720, %parallel_loop3A_1816 : i32
      %parallel_loop3A_1818 = arith.constant 64 : i32
      %parallel_loop3A_1819 = arith.addi %parallel_loop3A_1723, %parallel_loop3A_1818 : i32
      %parallel_loop3A_1820 = arith.index_cast %parallel_loop3A_1817 : i32 to index
      %parallel_loop3A_1821 = tpu.vector_load %arg5[%parallel_loop3A_1820] {strides = array<i32>} : memref<15616xf32, #tpu.memory_space<vmem>>, vector<16xf32>,
      %parallel_loop3A_1822 = arith.fptosi %parallel_loop3A_1821 : vector<16xf32> to vector<16xi32>
      %parallel_loop3A_1823 = arith.index_cast %parallel_loop3A_1819 : i32 to index
      %parallel_loop3A_1824 = tpu.vector_load %arg7[%parallel_loop3A_1823] {strides = array<i32>} : memref<31232xf32, #tpu.memory_space<vmem>>, vector<16xf32>,
      %parallel_loop3A_1825 = arith.constant 128 : i32
      %parallel_loop3A_1826 = arith.addi %parallel_loop3A_1819, %parallel_loop3A_1825 : i32
      %parallel_loop3A_1827 = arith.index_cast %parallel_loop3A_1826 : i32 to index
      %parallel_loop3A_1828 = tpu.vector_load %arg7[%parallel_loop3A_1827] {strides = array<i32>} : memref<31232xf32, #tpu.memory_space<vmem>>, vector<16xf32>,
      %parallel_loop3A_1829 = arith.mulf %parallel_loop3A_1824, %parallel_loop3A_1824 : vector<16xf32>
      %parallel_loop3A_1830 = arith.mulf %parallel_loop3A_1828, %parallel_loop3A_1828 : vector<16xf32>
      %parallel_loop3A_1831 = arith.addf %parallel_loop3A_1829, %parallel_loop3A_1830 : vector<16xf32>
      %parallel_loop3A_1832 = arith.constant 16 : i32
      %parallel_loop3A_1833 = vector.broadcast %parallel_loop3A_1832 : i32 to vector<16xi32>
      %parallel_loop3A_1834 = arith.muli %parallel_loop3A_1822, %parallel_loop3A_1833 : vector<16xi32>
      %parallel_loop3A_1835 = arith.addi %parallel_loop3A_1834, %iota3A : vector<16xi32>
      %parallel_loop3A_1836 = arith.constant 640 : i32
      %parallel_loop3A_1837 = vector.broadcast %parallel_loop3A_1836 : i32 to vector<16xi32>
      %parallel_loop3A_1838 = arith.addi %parallel_loop3A_1835, %parallel_loop3A_1837 : vector<16xi32>
      tpu.vector_store_idx %arg9[%parallel_loop3A_1838], %broadcast_in_dim3A_3 {add = true} : memref<1280xf32, #tpu.memory_space<vmem>>[vector<16xi32>], vector<16xf32>,
      tpu.vector_store_idx %arg10[%parallel_loop3A_1838], %parallel_loop3A_1824 {add = true} : memref<1280xf32, #tpu.memory_space<vmem>>[vector<16xi32>], vector<16xf32>,
      tpu.vector_store_idx %arg11[%parallel_loop3A_1838], %parallel_loop3A_1828 {add = true} : memref<1280xf32, #tpu.memory_space<vmem>>[vector<16xi32>], vector<16xf32>,
      tpu.vector_store_idx %arg12[%parallel_loop3A_1838], %parallel_loop3A_1831 {add = true} : memref<1280xf32, #tpu.memory_space<vmem>>[vector<16xi32>], vector<16xf32>,
      %parallel_loop3A_1839 = arith.constant 80 : i32
      %parallel_loop3A_1840 = arith.addi %parallel_loop3A_1720, %parallel_loop3A_1839 : i32
      %parallel_loop3A_1841 = arith.constant 80 : i32
      %parallel_loop3A_1842 = arith.addi %parallel_loop3A_1723, %parallel_loop3A_1841 : i32
      %parallel_loop3A_1843 = arith.index_cast %parallel_loop3A_1840 : i32 to index
      %parallel_loop3A_1844 = tpu.vector_load %arg5[%parallel_loop3A_1843] {strides = array<i32>} : memref<15616xf32, #tpu.memory_space<vmem>>, vector<16xf32>,
      %parallel_loop3A_1845 = arith.fptosi %parallel_loop3A_1844 : vector<16xf32> to vector<16xi32>
      %parallel_loop3A_1846 = arith.index_cast %parallel_loop3A_1842 : i32 to index
      %parallel_loop3A_1847 = tpu.vector_load %arg7[%parallel_loop3A_1846] {strides = array<i32>} : memref<31232xf32, #tpu.memory_space<vmem>>, vector<16xf32>,
      %parallel_loop3A_1848 = arith.constant 128 : i32
      %parallel_loop3A_1849 = arith.addi %parallel_loop3A_1842, %parallel_loop3A_1848 : i32
      %parallel_loop3A_1850 = arith.index_cast %parallel_loop3A_1849 : i32 to index
      %parallel_loop3A_1851 = tpu.vector_load %arg7[%parallel_loop3A_1850] {strides = array<i32>} : memref<31232xf32, #tpu.memory_space<vmem>>, vector<16xf32>,
      %parallel_loop3A_1852 = arith.mulf %parallel_loop3A_1847, %parallel_loop3A_1847 : vector<16xf32>
      %parallel_loop3A_1853 = arith.mulf %parallel_loop3A_1851, %parallel_loop3A_1851 : vector<16xf32>
      %parallel_loop3A_1854 = arith.addf %parallel_loop3A_1852, %parallel_loop3A_1853 : vector<16xf32>
      %parallel_loop3A_1855 = arith.constant 16 : i32
      %parallel_loop3A_1856 = vector.broadcast %parallel_loop3A_1855 : i32 to vector<16xi32>
      %parallel_loop3A_1857 = arith.muli %parallel_loop3A_1845, %parallel_loop3A_1856 : vector<16xi32>
      %parallel_loop3A_1858 = arith.addi %parallel_loop3A_1857, %iota3A : vector<16xi32>
      %parallel_loop3A_1859 = arith.constant 800 : i32
      %parallel_loop3A_1860 = vector.broadcast %parallel_loop3A_1859 : i32 to vector<16xi32>
      %parallel_loop3A_1861 = arith.addi %parallel_loop3A_1858, %parallel_loop3A_1860 : vector<16xi32>
      tpu.vector_store_idx %arg9[%parallel_loop3A_1861], %broadcast_in_dim3A_3 {add = true} : memref<1280xf32, #tpu.memory_space<vmem>>[vector<16xi32>], vector<16xf32>,
      tpu.vector_store_idx %arg10[%parallel_loop3A_1861], %parallel_loop3A_1847 {add = true} : memref<1280xf32, #tpu.memory_space<vmem>>[vector<16xi32>], vector<16xf32>,
      tpu.vector_store_idx %arg11[%parallel_loop3A_1861], %parallel_loop3A_1851 {add = true} : memref<1280xf32, #tpu.memory_space<vmem>>[vector<16xi32>], vector<16xf32>,
      tpu.vector_store_idx %arg12[%parallel_loop3A_1861], %parallel_loop3A_1854 {add = true} : memref<1280xf32, #tpu.memory_space<vmem>>[vector<16xi32>], vector<16xf32>,
      %parallel_loop3A_1862 = arith.constant 96 : i32
      %parallel_loop3A_1863 = arith.addi %parallel_loop3A_1720, %parallel_loop3A_1862 : i32
      %parallel_loop3A_1864 = arith.constant 96 : i32
      %parallel_loop3A_1865 = arith.addi %parallel_loop3A_1723, %parallel_loop3A_1864 : i32
      %parallel_loop3A_1866 = arith.index_cast %parallel_loop3A_1863 : i32 to index
      %parallel_loop3A_1867 = tpu.vector_load %arg5[%parallel_loop3A_1866] {strides = array<i32>} : memref<15616xf32, #tpu.memory_space<vmem>>, vector<16xf32>,
      %parallel_loop3A_1868 = arith.fptosi %parallel_loop3A_1867 : vector<16xf32> to vector<16xi32>
      %parallel_loop3A_1869 = arith.index_cast %parallel_loop3A_1865 : i32 to index
      %parallel_loop3A_1870 = tpu.vector_load %arg7[%parallel_loop3A_1869] {strides = array<i32>} : memref<31232xf32, #tpu.memory_space<vmem>>, vector<16xf32>,
      %parallel_loop3A_1871 = arith.constant 128 : i32
      %parallel_loop3A_1872 = arith.addi %parallel_loop3A_1865, %parallel_loop3A_1871 : i32
      %parallel_loop3A_1873 = arith.index_cast %parallel_loop3A_1872 : i32 to index
      %parallel_loop3A_1874 = tpu.vector_load %arg7[%parallel_loop3A_1873] {strides = array<i32>} : memref<31232xf32, #tpu.memory_space<vmem>>, vector<16xf32>,
      %parallel_loop3A_1875 = arith.mulf %parallel_loop3A_1870, %parallel_loop3A_1870 : vector<16xf32>
      %parallel_loop3A_1876 = arith.mulf %parallel_loop3A_1874, %parallel_loop3A_1874 : vector<16xf32>
      %parallel_loop3A_1877 = arith.addf %parallel_loop3A_1875, %parallel_loop3A_1876 : vector<16xf32>
      %parallel_loop3A_1878 = arith.constant 16 : i32
      %parallel_loop3A_1879 = vector.broadcast %parallel_loop3A_1878 : i32 to vector<16xi32>
      %parallel_loop3A_1880 = arith.muli %parallel_loop3A_1868, %parallel_loop3A_1879 : vector<16xi32>
      %parallel_loop3A_1881 = arith.addi %parallel_loop3A_1880, %iota3A : vector<16xi32>
      %parallel_loop3A_1882 = arith.constant 960 : i32
      %parallel_loop3A_1883 = vector.broadcast %parallel_loop3A_1882 : i32 to vector<16xi32>
      %parallel_loop3A_1884 = arith.addi %parallel_loop3A_1881, %parallel_loop3A_1883 : vector<16xi32>
      tpu.vector_store_idx %arg9[%parallel_loop3A_1884], %broadcast_in_dim3A_3 {add = true} : memref<1280xf32, #tpu.memory_space<vmem>>[vector<16xi32>], vector<16xf32>,
      tpu.vector_store_idx %arg10[%parallel_loop3A_1884], %parallel_loop3A_1870 {add = true} : memref<1280xf32, #tpu.memory_space<vmem>>[vector<16xi32>], vector<16xf32>,
      tpu.vector_store_idx %arg11[%parallel_loop3A_1884], %parallel_loop3A_1874 {add = true} : memref<1280xf32, #tpu.memory_space<vmem>>[vector<16xi32>], vector<16xf32>,
      tpu.vector_store_idx %arg12[%parallel_loop3A_1884], %parallel_loop3A_1877 {add = true} : memref<1280xf32, #tpu.memory_space<vmem>>[vector<16xi32>], vector<16xf32>,
      %parallel_loop3A_1885 = arith.constant 112 : i32
      %parallel_loop3A_1886 = arith.addi %parallel_loop3A_1720, %parallel_loop3A_1885 : i32
      %parallel_loop3A_1887 = arith.constant 112 : i32
      %parallel_loop3A_1888 = arith.addi %parallel_loop3A_1723, %parallel_loop3A_1887 : i32
      %parallel_loop3A_1889 = arith.index_cast %parallel_loop3A_1886 : i32 to index
      %parallel_loop3A_1890 = tpu.vector_load %arg5[%parallel_loop3A_1889] {strides = array<i32>} : memref<15616xf32, #tpu.memory_space<vmem>>, vector<16xf32>,
      %parallel_loop3A_1891 = arith.fptosi %parallel_loop3A_1890 : vector<16xf32> to vector<16xi32>
      %parallel_loop3A_1892 = arith.index_cast %parallel_loop3A_1888 : i32 to index
      %parallel_loop3A_1893 = tpu.vector_load %arg7[%parallel_loop3A_1892] {strides = array<i32>} : memref<31232xf32, #tpu.memory_space<vmem>>, vector<16xf32>,
      %parallel_loop3A_1894 = arith.constant 128 : i32
      %parallel_loop3A_1895 = arith.addi %parallel_loop3A_1888, %parallel_loop3A_1894 : i32
      %parallel_loop3A_1896 = arith.index_cast %parallel_loop3A_1895 : i32 to index
      %parallel_loop3A_1897 = tpu.vector_load %arg7[%parallel_loop3A_1896] {strides = array<i32>} : memref<31232xf32, #tpu.memory_space<vmem>>, vector<16xf32>,
      %parallel_loop3A_1898 = arith.mulf %parallel_loop3A_1893, %parallel_loop3A_1893 : vector<16xf32>
      %parallel_loop3A_1899 = arith.mulf %parallel_loop3A_1897, %parallel_loop3A_1897 : vector<16xf32>
      %parallel_loop3A_1900 = arith.addf %parallel_loop3A_1898, %parallel_loop3A_1899 : vector<16xf32>
      %parallel_loop3A_1901 = arith.constant 16 : i32
      %parallel_loop3A_1902 = vector.broadcast %parallel_loop3A_1901 : i32 to vector<16xi32>
      %parallel_loop3A_1903 = arith.muli %parallel_loop3A_1891, %parallel_loop3A_1902 : vector<16xi32>
      %parallel_loop3A_1904 = arith.addi %parallel_loop3A_1903, %iota3A : vector<16xi32>
      %parallel_loop3A_1905 = arith.constant 1120 : i32
      %parallel_loop3A_1906 = vector.broadcast %parallel_loop3A_1905 : i32 to vector<16xi32>
      %parallel_loop3A_1907 = arith.addi %parallel_loop3A_1904, %parallel_loop3A_1906 : vector<16xi32>
      tpu.vector_store_idx %arg9[%parallel_loop3A_1907], %broadcast_in_dim3A_3 {add = true} : memref<1280xf32, #tpu.memory_space<vmem>>[vector<16xi32>], vector<16xf32>,
      tpu.vector_store_idx %arg10[%parallel_loop3A_1907], %parallel_loop3A_1893 {add = true} : memref<1280xf32, #tpu.memory_space<vmem>>[vector<16xi32>], vector<16xf32>,
      tpu.vector_store_idx %arg11[%parallel_loop3A_1907], %parallel_loop3A_1897 {add = true} : memref<1280xf32, #tpu.memory_space<vmem>>[vector<16xi32>], vector<16xf32>,
      tpu.vector_store_idx %arg12[%parallel_loop3A_1907], %parallel_loop3A_1900 {add = true} : memref<1280xf32, #tpu.memory_space<vmem>>[vector<16xi32>], vector<16xf32>,
      scf.yield %parallel_loop3A_1717 : i32
    } {sc.loop_unroll_factor = 1 : i64, sc.parallel_access}
    %dma_wait3A_706 = tpu.memref_slice %arg3[%multiple_of3A_694] : memref<2000000xf32, #tpu.memory_space<hbm>> -> memref<15616xf32, #tpu.memory_space<hbm>>
    %dma_wait3A_707 = tpu.memref_slice %arg3[%multiple_of3A_694] : memref<2000000xf32, #tpu.memory_space<hbm>> -> memref<15616xf32, #tpu.memory_space<hbm>>
    tpu.wait_dma2 semaphore(%arg17 : memref<!tpu.dma_semaphore, #tpu.memory_space<semaphore_mem>>) src(%dma_wait3A_707 : memref<15616xf32, #tpu.memory_space<hbm>>) dst(%arg6 : memref<15616xf32, #tpu.memory_space<vmem>>)
    %dma_wait3A_708 = tpu.memref_slice %arg2[%mul3A_698] : memref<4000000xf32, #tpu.memory_space<hbm>> -> memref<31232xf32, #tpu.memory_space<hbm>>
    %dma_wait3A_709 = tpu.memref_slice %arg2[%mul3A_698] : memref<4000000xf32, #tpu.memory_space<hbm>> -> memref<31232xf32, #tpu.memory_space<hbm>>
    tpu.wait_dma2 semaphore(%arg17 : memref<!tpu.dma_semaphore, #tpu.memory_space<semaphore_mem>>) src(%dma_wait3A_709 : memref<31232xf32, #tpu.memory_space<hbm>>) dst(%arg8 : memref<31232xf32, #tpu.memory_space<vmem>>)
    %parallel_loop3A_710 = arith.constant 0 : i32
    %parallel_loop3A_711 = arith.constant 122 : i32
    %parallel_loop3A_712 = arith.constant 1 : i32
    %parallel_loop3A_713 = arith.constant 0 : i32
    %parallel_loop3A_714 = scf.for %parallel_loop3A_1716 = %parallel_loop3A_710 to %parallel_loop3A_711 step %parallel_loop3A_712 iter_args(%parallel_loop3A_1717 = %parallel_loop3A_713) -> (i32)  : i32 {
      %parallel_loop3A_1718 = arith.constant 128 : i32
      %parallel_loop3A_1719 = arith.muli %parallel_loop3A_1716, %parallel_loop3A_1718 : i32
      %parallel_loop3A_1720 = tpu.assume_multiple %parallel_loop3A_1719, 128 : i32
      %parallel_loop3A_1721 = arith.constant 256 : i32
      %parallel_loop3A_1722 = arith.muli %parallel_loop3A_1716, %parallel_loop3A_1721 : i32
      %parallel_loop3A_1723 = tpu.assume_multiple %parallel_loop3A_1722, 256 : i32
      %parallel_loop3A_1724 = arith.constant 0 : i32
      %parallel_loop3A_1725 = arith.addi %parallel_loop3A_1720, %parallel_loop3A_1724 : i32
      %parallel_loop3A_1726 = arith.constant 0 : i32
      %parallel_loop3A_1727 = arith.addi %parallel_loop3A_1723, %parallel_loop3A_1726 : i32
      %parallel_loop3A_1728 = arith.index_cast %parallel_loop3A_1725 : i32 to index
      %parallel_loop3A_1729 = tpu.vector_load %arg6[%parallel_loop3A_1728] {strides = array<i32>} : memref<15616xf32, #tpu.memory_space<vmem>>, vector<16xf32>,
      %parallel_loop3A_1730 = arith.fptosi %parallel_loop3A_1729 : vector<16xf32> to vector<16xi32>
      %parallel_loop3A_1731 = arith.index_cast %parallel_loop3A_1727 : i32 to index
      %parallel_loop3A_1732 = tpu.vector_load %arg8[%parallel_loop3A_1731] {strides = array<i32>} : memref<31232xf32, #tpu.memory_space<vmem>>, vector<16xf32>,
      %parallel_loop3A_1733 = arith.constant 128 : i32
      %parallel_loop3A_1734 = arith.addi %parallel_loop3A_1727, %parallel_loop3A_1733 : i32
      %parallel_loop3A_1735 = arith.index_cast %parallel_loop3A_1734 : i32 to index
      %parallel_loop3A_1736 = tpu.vector_load %arg8[%parallel_loop3A_1735] {strides = array<i32>} : memref<31232xf32, #tpu.memory_space<vmem>>, vector<16xf32>,
      %parallel_loop3A_1737 = arith.mulf %parallel_loop3A_1732, %parallel_loop3A_1732 : vector<16xf32>
      %parallel_loop3A_1738 = arith.mulf %parallel_loop3A_1736, %parallel_loop3A_1736 : vector<16xf32>
      %parallel_loop3A_1739 = arith.addf %parallel_loop3A_1737, %parallel_loop3A_1738 : vector<16xf32>
      %parallel_loop3A_1740 = arith.constant 16 : i32
      %parallel_loop3A_1741 = vector.broadcast %parallel_loop3A_1740 : i32 to vector<16xi32>
      %parallel_loop3A_1742 = arith.muli %parallel_loop3A_1730, %parallel_loop3A_1741 : vector<16xi32>
      %parallel_loop3A_1743 = arith.addi %parallel_loop3A_1742, %iota3A : vector<16xi32>
      %parallel_loop3A_1744 = arith.constant 0 : i32
      %parallel_loop3A_1745 = vector.broadcast %parallel_loop3A_1744 : i32 to vector<16xi32>
      %parallel_loop3A_1746 = arith.addi %parallel_loop3A_1743, %parallel_loop3A_1745 : vector<16xi32>
      tpu.vector_store_idx %arg9[%parallel_loop3A_1746], %broadcast_in_dim3A_3 {add = true} : memref<1280xf32, #tpu.memory_space<vmem>>[vector<16xi32>], vector<16xf32>,
      tpu.vector_store_idx %arg10[%parallel_loop3A_1746], %parallel_loop3A_1732 {add = true} : memref<1280xf32, #tpu.memory_space<vmem>>[vector<16xi32>], vector<16xf32>,
      tpu.vector_store_idx %arg11[%parallel_loop3A_1746], %parallel_loop3A_1736 {add = true} : memref<1280xf32, #tpu.memory_space<vmem>>[vector<16xi32>], vector<16xf32>,
      tpu.vector_store_idx %arg12[%parallel_loop3A_1746], %parallel_loop3A_1739 {add = true} : memref<1280xf32, #tpu.memory_space<vmem>>[vector<16xi32>], vector<16xf32>,
      %parallel_loop3A_1747 = arith.constant 16 : i32
      %parallel_loop3A_1748 = arith.addi %parallel_loop3A_1720, %parallel_loop3A_1747 : i32
      %parallel_loop3A_1749 = arith.constant 16 : i32
      %parallel_loop3A_1750 = arith.addi %parallel_loop3A_1723, %parallel_loop3A_1749 : i32
      %parallel_loop3A_1751 = arith.index_cast %parallel_loop3A_1748 : i32 to index
      %parallel_loop3A_1752 = tpu.vector_load %arg6[%parallel_loop3A_1751] {strides = array<i32>} : memref<15616xf32, #tpu.memory_space<vmem>>, vector<16xf32>,
      %parallel_loop3A_1753 = arith.fptosi %parallel_loop3A_1752 : vector<16xf32> to vector<16xi32>
      %parallel_loop3A_1754 = arith.index_cast %parallel_loop3A_1750 : i32 to index
      %parallel_loop3A_1755 = tpu.vector_load %arg8[%parallel_loop3A_1754] {strides = array<i32>} : memref<31232xf32, #tpu.memory_space<vmem>>, vector<16xf32>,
      %parallel_loop3A_1756 = arith.constant 128 : i32
      %parallel_loop3A_1757 = arith.addi %parallel_loop3A_1750, %parallel_loop3A_1756 : i32
      %parallel_loop3A_1758 = arith.index_cast %parallel_loop3A_1757 : i32 to index
      %parallel_loop3A_1759 = tpu.vector_load %arg8[%parallel_loop3A_1758] {strides = array<i32>} : memref<31232xf32, #tpu.memory_space<vmem>>, vector<16xf32>,
      %parallel_loop3A_1760 = arith.mulf %parallel_loop3A_1755, %parallel_loop3A_1755 : vector<16xf32>
      %parallel_loop3A_1761 = arith.mulf %parallel_loop3A_1759, %parallel_loop3A_1759 : vector<16xf32>
      %parallel_loop3A_1762 = arith.addf %parallel_loop3A_1760, %parallel_loop3A_1761 : vector<16xf32>
      %parallel_loop3A_1763 = arith.constant 16 : i32
      %parallel_loop3A_1764 = vector.broadcast %parallel_loop3A_1763 : i32 to vector<16xi32>
      %parallel_loop3A_1765 = arith.muli %parallel_loop3A_1753, %parallel_loop3A_1764 : vector<16xi32>
      %parallel_loop3A_1766 = arith.addi %parallel_loop3A_1765, %iota3A : vector<16xi32>
      %parallel_loop3A_1767 = arith.constant 160 : i32
      %parallel_loop3A_1768 = vector.broadcast %parallel_loop3A_1767 : i32 to vector<16xi32>
      %parallel_loop3A_1769 = arith.addi %parallel_loop3A_1766, %parallel_loop3A_1768 : vector<16xi32>
      tpu.vector_store_idx %arg9[%parallel_loop3A_1769], %broadcast_in_dim3A_3 {add = true} : memref<1280xf32, #tpu.memory_space<vmem>>[vector<16xi32>], vector<16xf32>,
      tpu.vector_store_idx %arg10[%parallel_loop3A_1769], %parallel_loop3A_1755 {add = true} : memref<1280xf32, #tpu.memory_space<vmem>>[vector<16xi32>], vector<16xf32>,
      tpu.vector_store_idx %arg11[%parallel_loop3A_1769], %parallel_loop3A_1759 {add = true} : memref<1280xf32, #tpu.memory_space<vmem>>[vector<16xi32>], vector<16xf32>,
      tpu.vector_store_idx %arg12[%parallel_loop3A_1769], %parallel_loop3A_1762 {add = true} : memref<1280xf32, #tpu.memory_space<vmem>>[vector<16xi32>], vector<16xf32>,
      %parallel_loop3A_1770 = arith.constant 32 : i32
      %parallel_loop3A_1771 = arith.addi %parallel_loop3A_1720, %parallel_loop3A_1770 : i32
      %parallel_loop3A_1772 = arith.constant 32 : i32
      %parallel_loop3A_1773 = arith.addi %parallel_loop3A_1723, %parallel_loop3A_1772 : i32
      %parallel_loop3A_1774 = arith.index_cast %parallel_loop3A_1771 : i32 to index
      %parallel_loop3A_1775 = tpu.vector_load %arg6[%parallel_loop3A_1774] {strides = array<i32>} : memref<15616xf32, #tpu.memory_space<vmem>>, vector<16xf32>,
      %parallel_loop3A_1776 = arith.fptosi %parallel_loop3A_1775 : vector<16xf32> to vector<16xi32>
      %parallel_loop3A_1777 = arith.index_cast %parallel_loop3A_1773 : i32 to index
      %parallel_loop3A_1778 = tpu.vector_load %arg8[%parallel_loop3A_1777] {strides = array<i32>} : memref<31232xf32, #tpu.memory_space<vmem>>, vector<16xf32>,
      %parallel_loop3A_1779 = arith.constant 128 : i32
      %parallel_loop3A_1780 = arith.addi %parallel_loop3A_1773, %parallel_loop3A_1779 : i32
      %parallel_loop3A_1781 = arith.index_cast %parallel_loop3A_1780 : i32 to index
      %parallel_loop3A_1782 = tpu.vector_load %arg8[%parallel_loop3A_1781] {strides = array<i32>} : memref<31232xf32, #tpu.memory_space<vmem>>, vector<16xf32>,
      %parallel_loop3A_1783 = arith.mulf %parallel_loop3A_1778, %parallel_loop3A_1778 : vector<16xf32>
      %parallel_loop3A_1784 = arith.mulf %parallel_loop3A_1782, %parallel_loop3A_1782 : vector<16xf32>
      %parallel_loop3A_1785 = arith.addf %parallel_loop3A_1783, %parallel_loop3A_1784 : vector<16xf32>
      %parallel_loop3A_1786 = arith.constant 16 : i32
      %parallel_loop3A_1787 = vector.broadcast %parallel_loop3A_1786 : i32 to vector<16xi32>
      %parallel_loop3A_1788 = arith.muli %parallel_loop3A_1776, %parallel_loop3A_1787 : vector<16xi32>
      %parallel_loop3A_1789 = arith.addi %parallel_loop3A_1788, %iota3A : vector<16xi32>
      %parallel_loop3A_1790 = arith.constant 320 : i32
      %parallel_loop3A_1791 = vector.broadcast %parallel_loop3A_1790 : i32 to vector<16xi32>
      %parallel_loop3A_1792 = arith.addi %parallel_loop3A_1789, %parallel_loop3A_1791 : vector<16xi32>
      tpu.vector_store_idx %arg9[%parallel_loop3A_1792], %broadcast_in_dim3A_3 {add = true} : memref<1280xf32, #tpu.memory_space<vmem>>[vector<16xi32>], vector<16xf32>,
      tpu.vector_store_idx %arg10[%parallel_loop3A_1792], %parallel_loop3A_1778 {add = true} : memref<1280xf32, #tpu.memory_space<vmem>>[vector<16xi32>], vector<16xf32>,
      tpu.vector_store_idx %arg11[%parallel_loop3A_1792], %parallel_loop3A_1782 {add = true} : memref<1280xf32, #tpu.memory_space<vmem>>[vector<16xi32>], vector<16xf32>,
      tpu.vector_store_idx %arg12[%parallel_loop3A_1792], %parallel_loop3A_1785 {add = true} : memref<1280xf32, #tpu.memory_space<vmem>>[vector<16xi32>], vector<16xf32>,
      %parallel_loop3A_1793 = arith.constant 48 : i32
      %parallel_loop3A_1794 = arith.addi %parallel_loop3A_1720, %parallel_loop3A_1793 : i32
      %parallel_loop3A_1795 = arith.constant 48 : i32
      %parallel_loop3A_1796 = arith.addi %parallel_loop3A_1723, %parallel_loop3A_1795 : i32
      %parallel_loop3A_1797 = arith.index_cast %parallel_loop3A_1794 : i32 to index
      %parallel_loop3A_1798 = tpu.vector_load %arg6[%parallel_loop3A_1797] {strides = array<i32>} : memref<15616xf32, #tpu.memory_space<vmem>>, vector<16xf32>,
      %parallel_loop3A_1799 = arith.fptosi %parallel_loop3A_1798 : vector<16xf32> to vector<16xi32>
      %parallel_loop3A_1800 = arith.index_cast %parallel_loop3A_1796 : i32 to index
      %parallel_loop3A_1801 = tpu.vector_load %arg8[%parallel_loop3A_1800] {strides = array<i32>} : memref<31232xf32, #tpu.memory_space<vmem>>, vector<16xf32>,
      %parallel_loop3A_1802 = arith.constant 128 : i32
      %parallel_loop3A_1803 = arith.addi %parallel_loop3A_1796, %parallel_loop3A_1802 : i32
      %parallel_loop3A_1804 = arith.index_cast %parallel_loop3A_1803 : i32 to index
      %parallel_loop3A_1805 = tpu.vector_load %arg8[%parallel_loop3A_1804] {strides = array<i32>} : memref<31232xf32, #tpu.memory_space<vmem>>, vector<16xf32>,
      %parallel_loop3A_1806 = arith.mulf %parallel_loop3A_1801, %parallel_loop3A_1801 : vector<16xf32>
      %parallel_loop3A_1807 = arith.mulf %parallel_loop3A_1805, %parallel_loop3A_1805 : vector<16xf32>
      %parallel_loop3A_1808 = arith.addf %parallel_loop3A_1806, %parallel_loop3A_1807 : vector<16xf32>
      %parallel_loop3A_1809 = arith.constant 16 : i32
      %parallel_loop3A_1810 = vector.broadcast %parallel_loop3A_1809 : i32 to vector<16xi32>
      %parallel_loop3A_1811 = arith.muli %parallel_loop3A_1799, %parallel_loop3A_1810 : vector<16xi32>
      %parallel_loop3A_1812 = arith.addi %parallel_loop3A_1811, %iota3A : vector<16xi32>
      %parallel_loop3A_1813 = arith.constant 480 : i32
      %parallel_loop3A_1814 = vector.broadcast %parallel_loop3A_1813 : i32 to vector<16xi32>
      %parallel_loop3A_1815 = arith.addi %parallel_loop3A_1812, %parallel_loop3A_1814 : vector<16xi32>
      tpu.vector_store_idx %arg9[%parallel_loop3A_1815], %broadcast_in_dim3A_3 {add = true} : memref<1280xf32, #tpu.memory_space<vmem>>[vector<16xi32>], vector<16xf32>,
      tpu.vector_store_idx %arg10[%parallel_loop3A_1815], %parallel_loop3A_1801 {add = true} : memref<1280xf32, #tpu.memory_space<vmem>>[vector<16xi32>], vector<16xf32>,
      tpu.vector_store_idx %arg11[%parallel_loop3A_1815], %parallel_loop3A_1805 {add = true} : memref<1280xf32, #tpu.memory_space<vmem>>[vector<16xi32>], vector<16xf32>,
      tpu.vector_store_idx %arg12[%parallel_loop3A_1815], %parallel_loop3A_1808 {add = true} : memref<1280xf32, #tpu.memory_space<vmem>>[vector<16xi32>], vector<16xf32>,
      %parallel_loop3A_1816 = arith.constant 64 : i32
      %parallel_loop3A_1817 = arith.addi %parallel_loop3A_1720, %parallel_loop3A_1816 : i32
      %parallel_loop3A_1818 = arith.constant 64 : i32
      %parallel_loop3A_1819 = arith.addi %parallel_loop3A_1723, %parallel_loop3A_1818 : i32
      %parallel_loop3A_1820 = arith.index_cast %parallel_loop3A_1817 : i32 to index
      %parallel_loop3A_1821 = tpu.vector_load %arg6[%parallel_loop3A_1820] {strides = array<i32>} : memref<15616xf32, #tpu.memory_space<vmem>>, vector<16xf32>,
      %parallel_loop3A_1822 = arith.fptosi %parallel_loop3A_1821 : vector<16xf32> to vector<16xi32>
      %parallel_loop3A_1823 = arith.index_cast %parallel_loop3A_1819 : i32 to index
      %parallel_loop3A_1824 = tpu.vector_load %arg8[%parallel_loop3A_1823] {strides = array<i32>} : memref<31232xf32, #tpu.memory_space<vmem>>, vector<16xf32>,
      %parallel_loop3A_1825 = arith.constant 128 : i32
      %parallel_loop3A_1826 = arith.addi %parallel_loop3A_1819, %parallel_loop3A_1825 : i32
      %parallel_loop3A_1827 = arith.index_cast %parallel_loop3A_1826 : i32 to index
      %parallel_loop3A_1828 = tpu.vector_load %arg8[%parallel_loop3A_1827] {strides = array<i32>} : memref<31232xf32, #tpu.memory_space<vmem>>, vector<16xf32>,
      %parallel_loop3A_1829 = arith.mulf %parallel_loop3A_1824, %parallel_loop3A_1824 : vector<16xf32>
      %parallel_loop3A_1830 = arith.mulf %parallel_loop3A_1828, %parallel_loop3A_1828 : vector<16xf32>
      %parallel_loop3A_1831 = arith.addf %parallel_loop3A_1829, %parallel_loop3A_1830 : vector<16xf32>
      %parallel_loop3A_1832 = arith.constant 16 : i32
      %parallel_loop3A_1833 = vector.broadcast %parallel_loop3A_1832 : i32 to vector<16xi32>
      %parallel_loop3A_1834 = arith.muli %parallel_loop3A_1822, %parallel_loop3A_1833 : vector<16xi32>
      %parallel_loop3A_1835 = arith.addi %parallel_loop3A_1834, %iota3A : vector<16xi32>
      %parallel_loop3A_1836 = arith.constant 640 : i32
      %parallel_loop3A_1837 = vector.broadcast %parallel_loop3A_1836 : i32 to vector<16xi32>
      %parallel_loop3A_1838 = arith.addi %parallel_loop3A_1835, %parallel_loop3A_1837 : vector<16xi32>
      tpu.vector_store_idx %arg9[%parallel_loop3A_1838], %broadcast_in_dim3A_3 {add = true} : memref<1280xf32, #tpu.memory_space<vmem>>[vector<16xi32>], vector<16xf32>,
      tpu.vector_store_idx %arg10[%parallel_loop3A_1838], %parallel_loop3A_1824 {add = true} : memref<1280xf32, #tpu.memory_space<vmem>>[vector<16xi32>], vector<16xf32>,
      tpu.vector_store_idx %arg11[%parallel_loop3A_1838], %parallel_loop3A_1828 {add = true} : memref<1280xf32, #tpu.memory_space<vmem>>[vector<16xi32>], vector<16xf32>,
      tpu.vector_store_idx %arg12[%parallel_loop3A_1838], %parallel_loop3A_1831 {add = true} : memref<1280xf32, #tpu.memory_space<vmem>>[vector<16xi32>], vector<16xf32>,
      %parallel_loop3A_1839 = arith.constant 80 : i32
      %parallel_loop3A_1840 = arith.addi %parallel_loop3A_1720, %parallel_loop3A_1839 : i32
      %parallel_loop3A_1841 = arith.constant 80 : i32
      %parallel_loop3A_1842 = arith.addi %parallel_loop3A_1723, %parallel_loop3A_1841 : i32
      %parallel_loop3A_1843 = arith.index_cast %parallel_loop3A_1840 : i32 to index
      %parallel_loop3A_1844 = tpu.vector_load %arg6[%parallel_loop3A_1843] {strides = array<i32>} : memref<15616xf32, #tpu.memory_space<vmem>>, vector<16xf32>,
      %parallel_loop3A_1845 = arith.fptosi %parallel_loop3A_1844 : vector<16xf32> to vector<16xi32>
      %parallel_loop3A_1846 = arith.index_cast %parallel_loop3A_1842 : i32 to index
      %parallel_loop3A_1847 = tpu.vector_load %arg8[%parallel_loop3A_1846] {strides = array<i32>} : memref<31232xf32, #tpu.memory_space<vmem>>, vector<16xf32>,
      %parallel_loop3A_1848 = arith.constant 128 : i32
      %parallel_loop3A_1849 = arith.addi %parallel_loop3A_1842, %parallel_loop3A_1848 : i32
      %parallel_loop3A_1850 = arith.index_cast %parallel_loop3A_1849 : i32 to index
      %parallel_loop3A_1851 = tpu.vector_load %arg8[%parallel_loop3A_1850] {strides = array<i32>} : memref<31232xf32, #tpu.memory_space<vmem>>, vector<16xf32>,
      %parallel_loop3A_1852 = arith.mulf %parallel_loop3A_1847, %parallel_loop3A_1847 : vector<16xf32>
      %parallel_loop3A_1853 = arith.mulf %parallel_loop3A_1851, %parallel_loop3A_1851 : vector<16xf32>
      %parallel_loop3A_1854 = arith.addf %parallel_loop3A_1852, %parallel_loop3A_1853 : vector<16xf32>
      %parallel_loop3A_1855 = arith.constant 16 : i32
      %parallel_loop3A_1856 = vector.broadcast %parallel_loop3A_1855 : i32 to vector<16xi32>
      %parallel_loop3A_1857 = arith.muli %parallel_loop3A_1845, %parallel_loop3A_1856 : vector<16xi32>
      %parallel_loop3A_1858 = arith.addi %parallel_loop3A_1857, %iota3A : vector<16xi32>
      %parallel_loop3A_1859 = arith.constant 800 : i32
      %parallel_loop3A_1860 = vector.broadcast %parallel_loop3A_1859 : i32 to vector<16xi32>
      %parallel_loop3A_1861 = arith.addi %parallel_loop3A_1858, %parallel_loop3A_1860 : vector<16xi32>
      tpu.vector_store_idx %arg9[%parallel_loop3A_1861], %broadcast_in_dim3A_3 {add = true} : memref<1280xf32, #tpu.memory_space<vmem>>[vector<16xi32>], vector<16xf32>,
      tpu.vector_store_idx %arg10[%parallel_loop3A_1861], %parallel_loop3A_1847 {add = true} : memref<1280xf32, #tpu.memory_space<vmem>>[vector<16xi32>], vector<16xf32>,
      tpu.vector_store_idx %arg11[%parallel_loop3A_1861], %parallel_loop3A_1851 {add = true} : memref<1280xf32, #tpu.memory_space<vmem>>[vector<16xi32>], vector<16xf32>,
      tpu.vector_store_idx %arg12[%parallel_loop3A_1861], %parallel_loop3A_1854 {add = true} : memref<1280xf32, #tpu.memory_space<vmem>>[vector<16xi32>], vector<16xf32>,
      %parallel_loop3A_1862 = arith.constant 96 : i32
      %parallel_loop3A_1863 = arith.addi %parallel_loop3A_1720, %parallel_loop3A_1862 : i32
      %parallel_loop3A_1864 = arith.constant 96 : i32
      %parallel_loop3A_1865 = arith.addi %parallel_loop3A_1723, %parallel_loop3A_1864 : i32
      %parallel_loop3A_1866 = arith.index_cast %parallel_loop3A_1863 : i32 to index
      %parallel_loop3A_1867 = tpu.vector_load %arg6[%parallel_loop3A_1866] {strides = array<i32>} : memref<15616xf32, #tpu.memory_space<vmem>>, vector<16xf32>,
      %parallel_loop3A_1868 = arith.fptosi %parallel_loop3A_1867 : vector<16xf32> to vector<16xi32>
      %parallel_loop3A_1869 = arith.index_cast %parallel_loop3A_1865 : i32 to index
      %parallel_loop3A_1870 = tpu.vector_load %arg8[%parallel_loop3A_1869] {strides = array<i32>} : memref<31232xf32, #tpu.memory_space<vmem>>, vector<16xf32>,
      %parallel_loop3A_1871 = arith.constant 128 : i32
      %parallel_loop3A_1872 = arith.addi %parallel_loop3A_1865, %parallel_loop3A_1871 : i32
      %parallel_loop3A_1873 = arith.index_cast %parallel_loop3A_1872 : i32 to index
      %parallel_loop3A_1874 = tpu.vector_load %arg8[%parallel_loop3A_1873] {strides = array<i32>} : memref<31232xf32, #tpu.memory_space<vmem>>, vector<16xf32>,
      %parallel_loop3A_1875 = arith.mulf %parallel_loop3A_1870, %parallel_loop3A_1870 : vector<16xf32>
      %parallel_loop3A_1876 = arith.mulf %parallel_loop3A_1874, %parallel_loop3A_1874 : vector<16xf32>
      %parallel_loop3A_1877 = arith.addf %parallel_loop3A_1875, %parallel_loop3A_1876 : vector<16xf32>
      %parallel_loop3A_1878 = arith.constant 16 : i32
      %parallel_loop3A_1879 = vector.broadcast %parallel_loop3A_1878 : i32 to vector<16xi32>
      %parallel_loop3A_1880 = arith.muli %parallel_loop3A_1868, %parallel_loop3A_1879 : vector<16xi32>
      %parallel_loop3A_1881 = arith.addi %parallel_loop3A_1880, %iota3A : vector<16xi32>
      %parallel_loop3A_1882 = arith.constant 960 : i32
      %parallel_loop3A_1883 = vector.broadcast %parallel_loop3A_1882 : i32 to vector<16xi32>
      %parallel_loop3A_1884 = arith.addi %parallel_loop3A_1881, %parallel_loop3A_1883 : vector<16xi32>
      tpu.vector_store_idx %arg9[%parallel_loop3A_1884], %broadcast_in_dim3A_3 {add = true} : memref<1280xf32, #tpu.memory_space<vmem>>[vector<16xi32>], vector<16xf32>,
      tpu.vector_store_idx %arg10[%parallel_loop3A_1884], %parallel_loop3A_1870 {add = true} : memref<1280xf32, #tpu.memory_space<vmem>>[vector<16xi32>], vector<16xf32>,
      tpu.vector_store_idx %arg11[%parallel_loop3A_1884], %parallel_loop3A_1874 {add = true} : memref<1280xf32, #tpu.memory_space<vmem>>[vector<16xi32>], vector<16xf32>,
      tpu.vector_store_idx %arg12[%parallel_loop3A_1884], %parallel_loop3A_1877 {add = true} : memref<1280xf32, #tpu.memory_space<vmem>>[vector<16xi32>], vector<16xf32>,
      %parallel_loop3A_1885 = arith.constant 112 : i32
      %parallel_loop3A_1886 = arith.addi %parallel_loop3A_1720, %parallel_loop3A_1885 : i32
      %parallel_loop3A_1887 = arith.constant 112 : i32
      %parallel_loop3A_1888 = arith.addi %parallel_loop3A_1723, %parallel_loop3A_1887 : i32
      %parallel_loop3A_1889 = arith.index_cast %parallel_loop3A_1886 : i32 to index
      %parallel_loop3A_1890 = tpu.vector_load %arg6[%parallel_loop3A_1889] {strides = array<i32>} : memref<15616xf32, #tpu.memory_space<vmem>>, vector<16xf32>,
      %parallel_loop3A_1891 = arith.fptosi %parallel_loop3A_1890 : vector<16xf32> to vector<16xi32>
      %parallel_loop3A_1892 = arith.index_cast %parallel_loop3A_1888 : i32 to index
      %parallel_loop3A_1893 = tpu.vector_load %arg8[%parallel_loop3A_1892] {strides = array<i32>} : memref<31232xf32, #tpu.memory_space<vmem>>, vector<16xf32>,
      %parallel_loop3A_1894 = arith.constant 128 : i32
      %parallel_loop3A_1895 = arith.addi %parallel_loop3A_1888, %parallel_loop3A_1894 : i32
      %parallel_loop3A_1896 = arith.index_cast %parallel_loop3A_1895 : i32 to index
      %parallel_loop3A_1897 = tpu.vector_load %arg8[%parallel_loop3A_1896] {strides = array<i32>} : memref<31232xf32, #tpu.memory_space<vmem>>, vector<16xf32>,
      %parallel_loop3A_1898 = arith.mulf %parallel_loop3A_1893, %parallel_loop3A_1893 : vector<16xf32>
      %parallel_loop3A_1899 = arith.mulf %parallel_loop3A_1897, %parallel_loop3A_1897 : vector<16xf32>
      %parallel_loop3A_1900 = arith.addf %parallel_loop3A_1898, %parallel_loop3A_1899 : vector<16xf32>
      %parallel_loop3A_1901 = arith.constant 16 : i32
      %parallel_loop3A_1902 = vector.broadcast %parallel_loop3A_1901 : i32 to vector<16xi32>
      %parallel_loop3A_1903 = arith.muli %parallel_loop3A_1891, %parallel_loop3A_1902 : vector<16xi32>
      %parallel_loop3A_1904 = arith.addi %parallel_loop3A_1903, %iota3A : vector<16xi32>
      %parallel_loop3A_1905 = arith.constant 1120 : i32
      %parallel_loop3A_1906 = vector.broadcast %parallel_loop3A_1905 : i32 to vector<16xi32>
      %parallel_loop3A_1907 = arith.addi %parallel_loop3A_1904, %parallel_loop3A_1906 : vector<16xi32>
      tpu.vector_store_idx %arg9[%parallel_loop3A_1907], %broadcast_in_dim3A_3 {add = true} : memref<1280xf32, #tpu.memory_space<vmem>>[vector<16xi32>], vector<16xf32>,
      tpu.vector_store_idx %arg10[%parallel_loop3A_1907], %parallel_loop3A_1893 {add = true} : memref<1280xf32, #tpu.memory_space<vmem>>[vector<16xi32>], vector<16xf32>,
      tpu.vector_store_idx %arg11[%parallel_loop3A_1907], %parallel_loop3A_1897 {add = true} : memref<1280xf32, #tpu.memory_space<vmem>>[vector<16xi32>], vector<16xf32>,
      tpu.vector_store_idx %arg12[%parallel_loop3A_1907], %parallel_loop3A_1900 {add = true} : memref<1280xf32, #tpu.memory_space<vmem>>[vector<16xi32>], vector<16xf32>,
      scf.yield %parallel_loop3A_1717 : i32
    } {sc.loop_unroll_factor = 1 : i64, sc.parallel_access}
    %lt3A = arith.constant 9 : i32
    %lt3A_715 = arith.cmpi slt, %add3A, %lt3A : i32
    %convert_element_type3A = arith.extui %lt3A_715 : i1 to i32
    %cond3A = arith.constant 0 : i32
    %cond3A_716 = arith.cmpi ne, %convert_element_type3A, %cond3A : i32
    scf.if %cond3A_716 {
      %add3A_1716 = arith.constant 15616 : i32
      %add3A_1717 = arith.addi %add3A_1716, %add3A : i32
      %mul3A_1718 = arith.constant 128 : i32
      %mul3A_1719 = arith.muli %add3A_1717, %mul3A_1718 : i32
      %multiple_of3A_1720 = tpu.assume_multiple %mul3A_1719, 128 : i32
      "tpu.region"() ({
        %run_scoped3A = tpu.sem_alloc : memref<!tpu.dma_semaphore, #tpu.memory_space<semaphore_mem>>
        %dma_start3A_1859 = tpu.memref_slice %arg3[%multiple_of3A_1720] : memref<2000000xf32, #tpu.memory_space<hbm>> -> memref<128xf32, #tpu.memory_space<hbm>>
        %dma_start3A_1860 = tpu.memref_slice %arg3[%multiple_of3A_1720] : memref<2000000xf32, #tpu.memory_space<hbm>> -> memref<128xf32, #tpu.memory_space<hbm>>
        tpu.enqueue_dma source(%dma_start3A_1860 : memref<128xf32, #tpu.memory_space<hbm>>) target(%arg14 : memref<128xf32, #tpu.memory_space<vmem>>) target_semaphore(%run_scoped3A : memref<!tpu.dma_semaphore, #tpu.memory_space<semaphore_mem>>)
        %dma_wait3A_1861 = tpu.memref_slice %arg3[%multiple_of3A_1720] : memref<2000000xf32, #tpu.memory_space<hbm>> -> memref<128xf32, #tpu.memory_space<hbm>>
        %dma_wait3A_1862 = tpu.memref_slice %arg3[%multiple_of3A_1720] : memref<2000000xf32, #tpu.memory_space<hbm>> -> memref<128xf32, #tpu.memory_space<hbm>>
        tpu.wait_dma2 semaphore(%run_scoped3A : memref<!tpu.dma_semaphore, #tpu.memory_space<semaphore_mem>>) src(%dma_wait3A_1862 : memref<128xf32, #tpu.memory_space<hbm>>) dst(%arg14 : memref<128xf32, #tpu.memory_space<vmem>>)
        tpu.yield
      }) : () -> ()
      %mul3A_1721 = arith.constant 2 : i32
      %mul3A_1722 = arith.muli %mul3A_1721, %multiple_of3A_1720 : i32
      "tpu.region"() ({
        %run_scoped3A = tpu.sem_alloc : memref<!tpu.dma_semaphore, #tpu.memory_space<semaphore_mem>>
        %dma_start3A_1859 = tpu.memref_slice %arg2[%mul3A_1722] : memref<4000000xf32, #tpu.memory_space<hbm>> -> memref<256xf32, #tpu.memory_space<hbm>>
        %dma_start3A_1860 = tpu.memref_slice %arg2[%mul3A_1722] : memref<4000000xf32, #tpu.memory_space<hbm>> -> memref<256xf32, #tpu.memory_space<hbm>>
        tpu.enqueue_dma source(%dma_start3A_1860 : memref<256xf32, #tpu.memory_space<hbm>>) target(%arg15 : memref<256xf32, #tpu.memory_space<vmem>>) target_semaphore(%run_scoped3A : memref<!tpu.dma_semaphore, #tpu.memory_space<semaphore_mem>>)
        %dma_wait3A_1861 = tpu.memref_slice %arg2[%mul3A_1722] : memref<4000000xf32, #tpu.memory_space<hbm>> -> memref<256xf32, #tpu.memory_space<hbm>>
        %dma_wait3A_1862 = tpu.memref_slice %arg2[%mul3A_1722] : memref<4000000xf32, #tpu.memory_space<hbm>> -> memref<256xf32, #tpu.memory_space<hbm>>
        tpu.wait_dma2 semaphore(%run_scoped3A : memref<!tpu.dma_semaphore, #tpu.memory_space<semaphore_mem>>) src(%dma_wait3A_1862 : memref<256xf32, #tpu.memory_space<hbm>>) dst(%arg15 : memref<256xf32, #tpu.memory_space<vmem>>)
        tpu.yield
      }) : () -> ()
      %get3A_1723 = arith.constant 0 : index
      %get3A_1724 = tpu.vector_load %arg14[%get3A_1723] {strides = array<i32>} : memref<128xf32, #tpu.memory_space<vmem>>, vector<16xf32>,
      %convert_element_type3A_1725 = arith.fptosi %get3A_1724 : vector<16xf32> to vector<16xi32>
      %get3A_1726 = arith.constant 0 : index
      %get3A_1727 = tpu.vector_load %arg15[%get3A_1726] {strides = array<i32>} : memref<256xf32, #tpu.memory_space<vmem>>, vector<16xf32>,
      %get3A_1728 = arith.constant 128 : index
      %get3A_1729 = tpu.vector_load %arg15[%get3A_1728] {strides = array<i32>} : memref<256xf32, #tpu.memory_space<vmem>>, vector<16xf32>,
      %mul3A_1730 = arith.mulf %get3A_1727, %get3A_1727 : vector<16xf32>
      %mul3A_1731 = arith.mulf %get3A_1729, %get3A_1729 : vector<16xf32>
      %add3A_1732 = arith.addf %mul3A_1730, %mul3A_1731 : vector<16xf32>
      %mul3A_1733 = arith.constant 16 : i32
      %mul3A_1734 = vector.broadcast %mul3A_1733 : i32 to vector<16xi32>
      %mul3A_1735 = arith.muli %convert_element_type3A_1725, %mul3A_1734 : vector<16xi32>
      %add3A_1736 = arith.addi %mul3A_1735, %iota3A : vector<16xi32>
      %add3A_1737 = arith.constant 0 : i32
      %add3A_1738 = vector.broadcast %add3A_1737 : i32 to vector<16xi32>
      %add3A_1739 = arith.addi %add3A_1736, %add3A_1738 : vector<16xi32>
      tpu.vector_store_idx %arg9[%add3A_1739], %broadcast_in_dim3A_3 {add = true} : memref<1280xf32, #tpu.memory_space<vmem>>[vector<16xi32>], vector<16xf32>,
      tpu.vector_store_idx %arg10[%add3A_1739], %get3A_1727 {add = true} : memref<1280xf32, #tpu.memory_space<vmem>>[vector<16xi32>], vector<16xf32>,
      tpu.vector_store_idx %arg11[%add3A_1739], %get3A_1729 {add = true} : memref<1280xf32, #tpu.memory_space<vmem>>[vector<16xi32>], vector<16xf32>,
      tpu.vector_store_idx %arg12[%add3A_1739], %add3A_1732 {add = true} : memref<1280xf32, #tpu.memory_space<vmem>>[vector<16xi32>], vector<16xf32>,
      %get3A_1740 = arith.constant 16 : index
      %get3A_1741 = tpu.vector_load %arg14[%get3A_1740] {strides = array<i32>} : memref<128xf32, #tpu.memory_space<vmem>>, vector<16xf32>,
      %convert_element_type3A_1742 = arith.fptosi %get3A_1741 : vector<16xf32> to vector<16xi32>
      %get3A_1743 = arith.constant 16 : index
      %get3A_1744 = tpu.vector_load %arg15[%get3A_1743] {strides = array<i32>} : memref<256xf32, #tpu.memory_space<vmem>>, vector<16xf32>,
      %get3A_1745 = arith.constant 144 : index
      %get3A_1746 = tpu.vector_load %arg15[%get3A_1745] {strides = array<i32>} : memref<256xf32, #tpu.memory_space<vmem>>, vector<16xf32>,
      %mul3A_1747 = arith.mulf %get3A_1744, %get3A_1744 : vector<16xf32>
      %mul3A_1748 = arith.mulf %get3A_1746, %get3A_1746 : vector<16xf32>
      %add3A_1749 = arith.addf %mul3A_1747, %mul3A_1748 : vector<16xf32>
      %mul3A_1750 = arith.constant 16 : i32
      %mul3A_1751 = vector.broadcast %mul3A_1750 : i32 to vector<16xi32>
      %mul3A_1752 = arith.muli %convert_element_type3A_1742, %mul3A_1751 : vector<16xi32>
      %add3A_1753 = arith.addi %mul3A_1752, %iota3A : vector<16xi32>
      %add3A_1754 = arith.constant 160 : i32
      %add3A_1755 = vector.broadcast %add3A_1754 : i32 to vector<16xi32>
      %add3A_1756 = arith.addi %add3A_1753, %add3A_1755 : vector<16xi32>
      tpu.vector_store_idx %arg9[%add3A_1756], %broadcast_in_dim3A_3 {add = true} : memref<1280xf32, #tpu.memory_space<vmem>>[vector<16xi32>], vector<16xf32>,
      tpu.vector_store_idx %arg10[%add3A_1756], %get3A_1744 {add = true} : memref<1280xf32, #tpu.memory_space<vmem>>[vector<16xi32>], vector<16xf32>,
      tpu.vector_store_idx %arg11[%add3A_1756], %get3A_1746 {add = true} : memref<1280xf32, #tpu.memory_space<vmem>>[vector<16xi32>], vector<16xf32>,
      tpu.vector_store_idx %arg12[%add3A_1756], %add3A_1749 {add = true} : memref<1280xf32, #tpu.memory_space<vmem>>[vector<16xi32>], vector<16xf32>,
      %get3A_1757 = arith.constant 32 : index
      %get3A_1758 = tpu.vector_load %arg14[%get3A_1757] {strides = array<i32>} : memref<128xf32, #tpu.memory_space<vmem>>, vector<16xf32>,
      %convert_element_type3A_1759 = arith.fptosi %get3A_1758 : vector<16xf32> to vector<16xi32>
      %get3A_1760 = arith.constant 32 : index
      %get3A_1761 = tpu.vector_load %arg15[%get3A_1760] {strides = array<i32>} : memref<256xf32, #tpu.memory_space<vmem>>, vector<16xf32>,
      %get3A_1762 = arith.constant 160 : index
      %get3A_1763 = tpu.vector_load %arg15[%get3A_1762] {strides = array<i32>} : memref<256xf32, #tpu.memory_space<vmem>>, vector<16xf32>,
      %mul3A_1764 = arith.mulf %get3A_1761, %get3A_1761 : vector<16xf32>
      %mul3A_1765 = arith.mulf %get3A_1763, %get3A_1763 : vector<16xf32>
      %add3A_1766 = arith.addf %mul3A_1764, %mul3A_1765 : vector<16xf32>
      %mul3A_1767 = arith.constant 16 : i32
      %mul3A_1768 = vector.broadcast %mul3A_1767 : i32 to vector<16xi32>
      %mul3A_1769 = arith.muli %convert_element_type3A_1759, %mul3A_1768 : vector<16xi32>
      %add3A_1770 = arith.addi %mul3A_1769, %iota3A : vector<16xi32>
      %add3A_1771 = arith.constant 320 : i32
      %add3A_1772 = vector.broadcast %add3A_1771 : i32 to vector<16xi32>
      %add3A_1773 = arith.addi %add3A_1770, %add3A_1772 : vector<16xi32>
      tpu.vector_store_idx %arg9[%add3A_1773], %broadcast_in_dim3A_3 {add = true} : memref<1280xf32, #tpu.memory_space<vmem>>[vector<16xi32>], vector<16xf32>,
      tpu.vector_store_idx %arg10[%add3A_1773], %get3A_1761 {add = true} : memref<1280xf32, #tpu.memory_space<vmem>>[vector<16xi32>], vector<16xf32>,
      tpu.vector_store_idx %arg11[%add3A_1773], %get3A_1763 {add = true} : memref<1280xf32, #tpu.memory_space<vmem>>[vector<16xi32>], vector<16xf32>,
      tpu.vector_store_idx %arg12[%add3A_1773], %add3A_1766 {add = true} : memref<1280xf32, #tpu.memory_space<vmem>>[vector<16xi32>], vector<16xf32>,
      %get3A_1774 = arith.constant 48 : index
      %get3A_1775 = tpu.vector_load %arg14[%get3A_1774] {strides = array<i32>} : memref<128xf32, #tpu.memory_space<vmem>>, vector<16xf32>,
      %convert_element_type3A_1776 = arith.fptosi %get3A_1775 : vector<16xf32> to vector<16xi32>
      %get3A_1777 = arith.constant 48 : index
      %get3A_1778 = tpu.vector_load %arg15[%get3A_1777] {strides = array<i32>} : memref<256xf32, #tpu.memory_space<vmem>>, vector<16xf32>,
      %get3A_1779 = arith.constant 176 : index
      %get3A_1780 = tpu.vector_load %arg15[%get3A_1779] {strides = array<i32>} : memref<256xf32, #tpu.memory_space<vmem>>, vector<16xf32>,
      %mul3A_1781 = arith.mulf %get3A_1778, %get3A_1778 : vector<16xf32>
      %mul3A_1782 = arith.mulf %get3A_1780, %get3A_1780 : vector<16xf32>
      %add3A_1783 = arith.addf %mul3A_1781, %mul3A_1782 : vector<16xf32>
      %mul3A_1784 = arith.constant 16 : i32
      %mul3A_1785 = vector.broadcast %mul3A_1784 : i32 to vector<16xi32>
      %mul3A_1786 = arith.muli %convert_element_type3A_1776, %mul3A_1785 : vector<16xi32>
      %add3A_1787 = arith.addi %mul3A_1786, %iota3A : vector<16xi32>
      %add3A_1788 = arith.constant 480 : i32
      %add3A_1789 = vector.broadcast %add3A_1788 : i32 to vector<16xi32>
      %add3A_1790 = arith.addi %add3A_1787, %add3A_1789 : vector<16xi32>
      tpu.vector_store_idx %arg9[%add3A_1790], %broadcast_in_dim3A_3 {add = true} : memref<1280xf32, #tpu.memory_space<vmem>>[vector<16xi32>], vector<16xf32>,
      tpu.vector_store_idx %arg10[%add3A_1790], %get3A_1778 {add = true} : memref<1280xf32, #tpu.memory_space<vmem>>[vector<16xi32>], vector<16xf32>,
      tpu.vector_store_idx %arg11[%add3A_1790], %get3A_1780 {add = true} : memref<1280xf32, #tpu.memory_space<vmem>>[vector<16xi32>], vector<16xf32>,
      tpu.vector_store_idx %arg12[%add3A_1790], %add3A_1783 {add = true} : memref<1280xf32, #tpu.memory_space<vmem>>[vector<16xi32>], vector<16xf32>,
      %get3A_1791 = arith.constant 64 : index
      %get3A_1792 = tpu.vector_load %arg14[%get3A_1791] {strides = array<i32>} : memref<128xf32, #tpu.memory_space<vmem>>, vector<16xf32>,
      %convert_element_type3A_1793 = arith.fptosi %get3A_1792 : vector<16xf32> to vector<16xi32>
      %get3A_1794 = arith.constant 64 : index
      %get3A_1795 = tpu.vector_load %arg15[%get3A_1794] {strides = array<i32>} : memref<256xf32, #tpu.memory_space<vmem>>, vector<16xf32>,
      %get3A_1796 = arith.constant 192 : index
      %get3A_1797 = tpu.vector_load %arg15[%get3A_1796] {strides = array<i32>} : memref<256xf32, #tpu.memory_space<vmem>>, vector<16xf32>,
      %mul3A_1798 = arith.mulf %get3A_1795, %get3A_1795 : vector<16xf32>
      %mul3A_1799 = arith.mulf %get3A_1797, %get3A_1797 : vector<16xf32>
      %add3A_1800 = arith.addf %mul3A_1798, %mul3A_1799 : vector<16xf32>
      %mul3A_1801 = arith.constant 16 : i32
      %mul3A_1802 = vector.broadcast %mul3A_1801 : i32 to vector<16xi32>
      %mul3A_1803 = arith.muli %convert_element_type3A_1793, %mul3A_1802 : vector<16xi32>
      %add3A_1804 = arith.addi %mul3A_1803, %iota3A : vector<16xi32>
      %add3A_1805 = arith.constant 640 : i32
      %add3A_1806 = vector.broadcast %add3A_1805 : i32 to vector<16xi32>
      %add3A_1807 = arith.addi %add3A_1804, %add3A_1806 : vector<16xi32>
      tpu.vector_store_idx %arg9[%add3A_1807], %broadcast_in_dim3A_3 {add = true} : memref<1280xf32, #tpu.memory_space<vmem>>[vector<16xi32>], vector<16xf32>,
      tpu.vector_store_idx %arg10[%add3A_1807], %get3A_1795 {add = true} : memref<1280xf32, #tpu.memory_space<vmem>>[vector<16xi32>], vector<16xf32>,
      tpu.vector_store_idx %arg11[%add3A_1807], %get3A_1797 {add = true} : memref<1280xf32, #tpu.memory_space<vmem>>[vector<16xi32>], vector<16xf32>,
      tpu.vector_store_idx %arg12[%add3A_1807], %add3A_1800 {add = true} : memref<1280xf32, #tpu.memory_space<vmem>>[vector<16xi32>], vector<16xf32>,
      %get3A_1808 = arith.constant 80 : index
      %get3A_1809 = tpu.vector_load %arg14[%get3A_1808] {strides = array<i32>} : memref<128xf32, #tpu.memory_space<vmem>>, vector<16xf32>,
      %convert_element_type3A_1810 = arith.fptosi %get3A_1809 : vector<16xf32> to vector<16xi32>
      %get3A_1811 = arith.constant 80 : index
      %get3A_1812 = tpu.vector_load %arg15[%get3A_1811] {strides = array<i32>} : memref<256xf32, #tpu.memory_space<vmem>>, vector<16xf32>,
      %get3A_1813 = arith.constant 208 : index
      %get3A_1814 = tpu.vector_load %arg15[%get3A_1813] {strides = array<i32>} : memref<256xf32, #tpu.memory_space<vmem>>, vector<16xf32>,
      %mul3A_1815 = arith.mulf %get3A_1812, %get3A_1812 : vector<16xf32>
      %mul3A_1816 = arith.mulf %get3A_1814, %get3A_1814 : vector<16xf32>
      %add3A_1817 = arith.addf %mul3A_1815, %mul3A_1816 : vector<16xf32>
      %mul3A_1818 = arith.constant 16 : i32
      %mul3A_1819 = vector.broadcast %mul3A_1818 : i32 to vector<16xi32>
      %mul3A_1820 = arith.muli %convert_element_type3A_1810, %mul3A_1819 : vector<16xi32>
      %add3A_1821 = arith.addi %mul3A_1820, %iota3A : vector<16xi32>
      %add3A_1822 = arith.constant 800 : i32
      %add3A_1823 = vector.broadcast %add3A_1822 : i32 to vector<16xi32>
      %add3A_1824 = arith.addi %add3A_1821, %add3A_1823 : vector<16xi32>
      tpu.vector_store_idx %arg9[%add3A_1824], %broadcast_in_dim3A_3 {add = true} : memref<1280xf32, #tpu.memory_space<vmem>>[vector<16xi32>], vector<16xf32>,
      tpu.vector_store_idx %arg10[%add3A_1824], %get3A_1812 {add = true} : memref<1280xf32, #tpu.memory_space<vmem>>[vector<16xi32>], vector<16xf32>,
      tpu.vector_store_idx %arg11[%add3A_1824], %get3A_1814 {add = true} : memref<1280xf32, #tpu.memory_space<vmem>>[vector<16xi32>], vector<16xf32>,
      tpu.vector_store_idx %arg12[%add3A_1824], %add3A_1817 {add = true} : memref<1280xf32, #tpu.memory_space<vmem>>[vector<16xi32>], vector<16xf32>,
      %get3A_1825 = arith.constant 96 : index
      %get3A_1826 = tpu.vector_load %arg14[%get3A_1825] {strides = array<i32>} : memref<128xf32, #tpu.memory_space<vmem>>, vector<16xf32>,
      %convert_element_type3A_1827 = arith.fptosi %get3A_1826 : vector<16xf32> to vector<16xi32>
      %get3A_1828 = arith.constant 96 : index
      %get3A_1829 = tpu.vector_load %arg15[%get3A_1828] {strides = array<i32>} : memref<256xf32, #tpu.memory_space<vmem>>, vector<16xf32>,
      %get3A_1830 = arith.constant 224 : index
      %get3A_1831 = tpu.vector_load %arg15[%get3A_1830] {strides = array<i32>} : memref<256xf32, #tpu.memory_space<vmem>>, vector<16xf32>,
      %mul3A_1832 = arith.mulf %get3A_1829, %get3A_1829 : vector<16xf32>
      %mul3A_1833 = arith.mulf %get3A_1831, %get3A_1831 : vector<16xf32>
      %add3A_1834 = arith.addf %mul3A_1832, %mul3A_1833 : vector<16xf32>
      %mul3A_1835 = arith.constant 16 : i32
      %mul3A_1836 = vector.broadcast %mul3A_1835 : i32 to vector<16xi32>
      %mul3A_1837 = arith.muli %convert_element_type3A_1827, %mul3A_1836 : vector<16xi32>
      %add3A_1838 = arith.addi %mul3A_1837, %iota3A : vector<16xi32>
      %add3A_1839 = arith.constant 960 : i32
      %add3A_1840 = vector.broadcast %add3A_1839 : i32 to vector<16xi32>
      %add3A_1841 = arith.addi %add3A_1838, %add3A_1840 : vector<16xi32>
      tpu.vector_store_idx %arg9[%add3A_1841], %broadcast_in_dim3A_3 {add = true} : memref<1280xf32, #tpu.memory_space<vmem>>[vector<16xi32>], vector<16xf32>,
      tpu.vector_store_idx %arg10[%add3A_1841], %get3A_1829 {add = true} : memref<1280xf32, #tpu.memory_space<vmem>>[vector<16xi32>], vector<16xf32>,
      tpu.vector_store_idx %arg11[%add3A_1841], %get3A_1831 {add = true} : memref<1280xf32, #tpu.memory_space<vmem>>[vector<16xi32>], vector<16xf32>,
      tpu.vector_store_idx %arg12[%add3A_1841], %add3A_1834 {add = true} : memref<1280xf32, #tpu.memory_space<vmem>>[vector<16xi32>], vector<16xf32>,
      %get3A_1842 = arith.constant 112 : index
      %get3A_1843 = tpu.vector_load %arg14[%get3A_1842] {strides = array<i32>} : memref<128xf32, #tpu.memory_space<vmem>>, vector<16xf32>,
      %convert_element_type3A_1844 = arith.fptosi %get3A_1843 : vector<16xf32> to vector<16xi32>
      %get3A_1845 = arith.constant 112 : index
      %get3A_1846 = tpu.vector_load %arg15[%get3A_1845] {strides = array<i32>} : memref<256xf32, #tpu.memory_space<vmem>>, vector<16xf32>,
      %get3A_1847 = arith.constant 240 : index
      %get3A_1848 = tpu.vector_load %arg15[%get3A_1847] {strides = array<i32>} : memref<256xf32, #tpu.memory_space<vmem>>, vector<16xf32>,
      %mul3A_1849 = arith.mulf %get3A_1846, %get3A_1846 : vector<16xf32>
      %mul3A_1850 = arith.mulf %get3A_1848, %get3A_1848 : vector<16xf32>
      %add3A_1851 = arith.addf %mul3A_1849, %mul3A_1850 : vector<16xf32>
      %mul3A_1852 = arith.constant 16 : i32
      %mul3A_1853 = vector.broadcast %mul3A_1852 : i32 to vector<16xi32>
      %mul3A_1854 = arith.muli %convert_element_type3A_1844, %mul3A_1853 : vector<16xi32>
      %add3A_1855 = arith.addi %mul3A_1854, %iota3A : vector<16xi32>
      %add3A_1856 = arith.constant 1120 : i32
      %add3A_1857 = vector.broadcast %add3A_1856 : i32 to vector<16xi32>
      %add3A_1858 = arith.addi %add3A_1855, %add3A_1857 : vector<16xi32>
      tpu.vector_store_idx %arg9[%add3A_1858], %broadcast_in_dim3A_3 {add = true} : memref<1280xf32, #tpu.memory_space<vmem>>[vector<16xi32>], vector<16xf32>,
      tpu.vector_store_idx %arg10[%add3A_1858], %get3A_1846 {add = true} : memref<1280xf32, #tpu.memory_space<vmem>>[vector<16xi32>], vector<16xf32>,
      tpu.vector_store_idx %arg11[%add3A_1858], %get3A_1848 {add = true} : memref<1280xf32, #tpu.memory_space<vmem>>[vector<16xi32>], vector<16xf32>,
      tpu.vector_store_idx %arg12[%add3A_1858], %add3A_1851 {add = true} : memref<1280xf32, #tpu.memory_space<vmem>>[vector<16xi32>], vector<16xf32>,
    } else {
    }
    %get3A = arith.constant 0 : index
    %get3A_717 = tpu.vector_load %arg9[%get3A] {strides = array<i32>} : memref<1280xf32, #tpu.memory_space<vmem>>, vector<16xf32>,
    %get3A_718 = arith.constant 160 : index
    %get3A_719 = tpu.vector_load %arg9[%get3A_718] {strides = array<i32>} : memref<1280xf32, #tpu.memory_space<vmem>>, vector<16xf32>,
    %add3A_720 = arith.addf %get3A_717, %get3A_719 : vector<16xf32>
    %get3A_721 = arith.constant 320 : index
    %get3A_722 = tpu.vector_load %arg9[%get3A_721] {strides = array<i32>} : memref<1280xf32, #tpu.memory_space<vmem>>, vector<16xf32>,
    %add3A_723 = arith.addf %add3A_720, %get3A_722 : vector<16xf32>
    %get3A_724 = arith.constant 480 : index
    %get3A_725 = tpu.vector_load %arg9[%get3A_724] {strides = array<i32>} : memref<1280xf32, #tpu.memory_space<vmem>>, vector<16xf32>,
    %add3A_726 = arith.addf %add3A_723, %get3A_725 : vector<16xf32>
    %get3A_727 = arith.constant 640 : index
    %get3A_728 = tpu.vector_load %arg9[%get3A_727] {strides = array<i32>} : memref<1280xf32, #tpu.memory_space<vmem>>, vector<16xf32>,
    %add3A_729 = arith.addf %add3A_726, %get3A_728 : vector<16xf32>
    %get3A_730 = arith.constant 800 : index
    %get3A_731 = tpu.vector_load %arg9[%get3A_730] {strides = array<i32>} : memref<1280xf32, #tpu.memory_space<vmem>>, vector<16xf32>,
    %add3A_732 = arith.addf %add3A_729, %get3A_731 : vector<16xf32>
    %get3A_733 = arith.constant 960 : index
    %get3A_734 = tpu.vector_load %arg9[%get3A_733] {strides = array<i32>} : memref<1280xf32, #tpu.memory_space<vmem>>, vector<16xf32>,
    %add3A_735 = arith.addf %add3A_732, %get3A_734 : vector<16xf32>
    %get3A_736 = arith.constant 1120 : index
    %get3A_737 = tpu.vector_load %arg9[%get3A_736] {strides = array<i32>} : memref<1280xf32, #tpu.memory_space<vmem>>, vector<16xf32>,
    %add3A_738 = arith.addf %add3A_735, %get3A_737 : vector<16xf32>
    %swap3A_739 = arith.constant 0 : index
    %swap3A_740 = tpu.vector_load %arg13[%swap3A_739] {strides = array<i32>} : memref<640xf32, #tpu.memory_space<vmem>>, vector<16xf32>,
    tpu.vector_store %arg13[%swap3A_739], %add3A_738 {strides = array<i32>} : memref<640xf32, #tpu.memory_space<vmem>>, vector<16xf32>,
    %get3A_741 = arith.constant 16 : index
    %get3A_742 = tpu.vector_load %arg9[%get3A_741] {strides = array<i32>} : memref<1280xf32, #tpu.memory_space<vmem>>, vector<16xf32>,
    %get3A_743 = arith.constant 176 : index
    %get3A_744 = tpu.vector_load %arg9[%get3A_743] {strides = array<i32>} : memref<1280xf32, #tpu.memory_space<vmem>>, vector<16xf32>,
    %add3A_745 = arith.addf %get3A_742, %get3A_744 : vector<16xf32>
    %get3A_746 = arith.constant 336 : index
    %get3A_747 = tpu.vector_load %arg9[%get3A_746] {strides = array<i32>} : memref<1280xf32, #tpu.memory_space<vmem>>, vector<16xf32>,
    %add3A_748 = arith.addf %add3A_745, %get3A_747 : vector<16xf32>
    %get3A_749 = arith.constant 496 : index
    %get3A_750 = tpu.vector_load %arg9[%get3A_749] {strides = array<i32>} : memref<1280xf32, #tpu.memory_space<vmem>>, vector<16xf32>,
    %add3A_751 = arith.addf %add3A_748, %get3A_750 : vector<16xf32>
    %get3A_752 = arith.constant 656 : index
    %get3A_753 = tpu.vector_load %arg9[%get3A_752] {strides = array<i32>} : memref<1280xf32, #tpu.memory_space<vmem>>, vector<16xf32>,
    %add3A_754 = arith.addf %add3A_751, %get3A_753 : vector<16xf32>
    %get3A_755 = arith.constant 816 : index
    %get3A_756 = tpu.vector_load %arg9[%get3A_755] {strides = array<i32>} : memref<1280xf32, #tpu.memory_space<vmem>>, vector<16xf32>,
    %add3A_757 = arith.addf %add3A_754, %get3A_756 : vector<16xf32>
    %get3A_758 = arith.constant 976 : index
    %get3A_759 = tpu.vector_load %arg9[%get3A_758] {strides = array<i32>} : memref<1280xf32, #tpu.memory_space<vmem>>, vector<16xf32>,
    %add3A_760 = arith.addf %add3A_757, %get3A_759 : vector<16xf32>
    %get3A_761 = arith.constant 1136 : index
    %get3A_762 = tpu.vector_load %arg9[%get3A_761] {strides = array<i32>} : memref<1280xf32, #tpu.memory_space<vmem>>, vector<16xf32>,
    %add3A_763 = arith.addf %add3A_760, %get3A_762 : vector<16xf32>
    %swap3A_764 = arith.constant 16 : index
    %swap3A_765 = tpu.vector_load %arg13[%swap3A_764] {strides = array<i32>} : memref<640xf32, #tpu.memory_space<vmem>>, vector<16xf32>,
    tpu.vector_store %arg13[%swap3A_764], %add3A_763 {strides = array<i32>} : memref<640xf32, #tpu.memory_space<vmem>>, vector<16xf32>,
    %get3A_766 = arith.constant 32 : index
    %get3A_767 = tpu.vector_load %arg9[%get3A_766] {strides = array<i32>} : memref<1280xf32, #tpu.memory_space<vmem>>, vector<16xf32>,
    %get3A_768 = arith.constant 192 : index
    %get3A_769 = tpu.vector_load %arg9[%get3A_768] {strides = array<i32>} : memref<1280xf32, #tpu.memory_space<vmem>>, vector<16xf32>,
    %add3A_770 = arith.addf %get3A_767, %get3A_769 : vector<16xf32>
    %get3A_771 = arith.constant 352 : index
    %get3A_772 = tpu.vector_load %arg9[%get3A_771] {strides = array<i32>} : memref<1280xf32, #tpu.memory_space<vmem>>, vector<16xf32>,
    %add3A_773 = arith.addf %add3A_770, %get3A_772 : vector<16xf32>
    %get3A_774 = arith.constant 512 : index
    %get3A_775 = tpu.vector_load %arg9[%get3A_774] {strides = array<i32>} : memref<1280xf32, #tpu.memory_space<vmem>>, vector<16xf32>,
    %add3A_776 = arith.addf %add3A_773, %get3A_775 : vector<16xf32>
    %get3A_777 = arith.constant 672 : index
    %get3A_778 = tpu.vector_load %arg9[%get3A_777] {strides = array<i32>} : memref<1280xf32, #tpu.memory_space<vmem>>, vector<16xf32>,
    %add3A_779 = arith.addf %add3A_776, %get3A_778 : vector<16xf32>
    %get3A_780 = arith.constant 832 : index
    %get3A_781 = tpu.vector_load %arg9[%get3A_780] {strides = array<i32>} : memref<1280xf32, #tpu.memory_space<vmem>>, vector<16xf32>,
    %add3A_782 = arith.addf %add3A_779, %get3A_781 : vector<16xf32>
    %get3A_783 = arith.constant 992 : index
    %get3A_784 = tpu.vector_load %arg9[%get3A_783] {strides = array<i32>} : memref<1280xf32, #tpu.memory_space<vmem>>, vector<16xf32>,
    %add3A_785 = arith.addf %add3A_782, %get3A_784 : vector<16xf32>
    %get3A_786 = arith.constant 1152 : index
    %get3A_787 = tpu.vector_load %arg9[%get3A_786] {strides = array<i32>} : memref<1280xf32, #tpu.memory_space<vmem>>, vector<16xf32>,
    %add3A_788 = arith.addf %add3A_785, %get3A_787 : vector<16xf32>
    %swap3A_789 = arith.constant 32 : index
    %swap3A_790 = tpu.vector_load %arg13[%swap3A_789] {strides = array<i32>} : memref<640xf32, #tpu.memory_space<vmem>>, vector<16xf32>,
    tpu.vector_store %arg13[%swap3A_789], %add3A_788 {strides = array<i32>} : memref<640xf32, #tpu.memory_space<vmem>>, vector<16xf32>,
    %get3A_791 = arith.constant 48 : index
    %get3A_792 = tpu.vector_load %arg9[%get3A_791] {strides = array<i32>} : memref<1280xf32, #tpu.memory_space<vmem>>, vector<16xf32>,
    %get3A_793 = arith.constant 208 : index
    %get3A_794 = tpu.vector_load %arg9[%get3A_793] {strides = array<i32>} : memref<1280xf32, #tpu.memory_space<vmem>>, vector<16xf32>,
    %add3A_795 = arith.addf %get3A_792, %get3A_794 : vector<16xf32>
    %get3A_796 = arith.constant 368 : index
    %get3A_797 = tpu.vector_load %arg9[%get3A_796] {strides = array<i32>} : memref<1280xf32, #tpu.memory_space<vmem>>, vector<16xf32>,
    %add3A_798 = arith.addf %add3A_795, %get3A_797 : vector<16xf32>
    %get3A_799 = arith.constant 528 : index
    %get3A_800 = tpu.vector_load %arg9[%get3A_799] {strides = array<i32>} : memref<1280xf32, #tpu.memory_space<vmem>>, vector<16xf32>,
    %add3A_801 = arith.addf %add3A_798, %get3A_800 : vector<16xf32>
    %get3A_802 = arith.constant 688 : index
    %get3A_803 = tpu.vector_load %arg9[%get3A_802] {strides = array<i32>} : memref<1280xf32, #tpu.memory_space<vmem>>, vector<16xf32>,
    %add3A_804 = arith.addf %add3A_801, %get3A_803 : vector<16xf32>
    %get3A_805 = arith.constant 848 : index
    %get3A_806 = tpu.vector_load %arg9[%get3A_805] {strides = array<i32>} : memref<1280xf32, #tpu.memory_space<vmem>>, vector<16xf32>,
    %add3A_807 = arith.addf %add3A_804, %get3A_806 : vector<16xf32>
    %get3A_808 = arith.constant 1008 : index
    %get3A_809 = tpu.vector_load %arg9[%get3A_808] {strides = array<i32>} : memref<1280xf32, #tpu.memory_space<vmem>>, vector<16xf32>,
    %add3A_810 = arith.addf %add3A_807, %get3A_809 : vector<16xf32>
    %get3A_811 = arith.constant 1168 : index
    %get3A_812 = tpu.vector_load %arg9[%get3A_811] {strides = array<i32>} : memref<1280xf32, #tpu.memory_space<vmem>>, vector<16xf32>,
    %add3A_813 = arith.addf %add3A_810, %get3A_812 : vector<16xf32>
    %swap3A_814 = arith.constant 48 : index
    %swap3A_815 = tpu.vector_load %arg13[%swap3A_814] {strides = array<i32>} : memref<640xf32, #tpu.memory_space<vmem>>, vector<16xf32>,
    tpu.vector_store %arg13[%swap3A_814], %add3A_813 {strides = array<i32>} : memref<640xf32, #tpu.memory_space<vmem>>, vector<16xf32>,
    %get3A_816 = arith.constant 64 : index
    %get3A_817 = tpu.vector_load %arg9[%get3A_816] {strides = array<i32>} : memref<1280xf32, #tpu.memory_space<vmem>>, vector<16xf32>,
    %get3A_818 = arith.constant 224 : index
    %get3A_819 = tpu.vector_load %arg9[%get3A_818] {strides = array<i32>} : memref<1280xf32, #tpu.memory_space<vmem>>, vector<16xf32>,
    %add3A_820 = arith.addf %get3A_817, %get3A_819 : vector<16xf32>
    %get3A_821 = arith.constant 384 : index
    %get3A_822 = tpu.vector_load %arg9[%get3A_821] {strides = array<i32>} : memref<1280xf32, #tpu.memory_space<vmem>>, vector<16xf32>,
    %add3A_823 = arith.addf %add3A_820, %get3A_822 : vector<16xf32>
    %get3A_824 = arith.constant 544 : index
    %get3A_825 = tpu.vector_load %arg9[%get3A_824] {strides = array<i32>} : memref<1280xf32, #tpu.memory_space<vmem>>, vector<16xf32>,
    %add3A_826 = arith.addf %add3A_823, %get3A_825 : vector<16xf32>
    %get3A_827 = arith.constant 704 : index
    %get3A_828 = tpu.vector_load %arg9[%get3A_827] {strides = array<i32>} : memref<1280xf32, #tpu.memory_space<vmem>>, vector<16xf32>,
    %add3A_829 = arith.addf %add3A_826, %get3A_828 : vector<16xf32>
    %get3A_830 = arith.constant 864 : index
    %get3A_831 = tpu.vector_load %arg9[%get3A_830] {strides = array<i32>} : memref<1280xf32, #tpu.memory_space<vmem>>, vector<16xf32>,
    %add3A_832 = arith.addf %add3A_829, %get3A_831 : vector<16xf32>
    %get3A_833 = arith.constant 1024 : index
    %get3A_834 = tpu.vector_load %arg9[%get3A_833] {strides = array<i32>} : memref<1280xf32, #tpu.memory_space<vmem>>, vector<16xf32>,
    %add3A_835 = arith.addf %add3A_832, %get3A_834 : vector<16xf32>
    %get3A_836 = arith.constant 1184 : index
    %get3A_837 = tpu.vector_load %arg9[%get3A_836] {strides = array<i32>} : memref<1280xf32, #tpu.memory_space<vmem>>, vector<16xf32>,
    %add3A_838 = arith.addf %add3A_835, %get3A_837 : vector<16xf32>
    %swap3A_839 = arith.constant 64 : index
    %swap3A_840 = tpu.vector_load %arg13[%swap3A_839] {strides = array<i32>} : memref<640xf32, #tpu.memory_space<vmem>>, vector<16xf32>,
    tpu.vector_store %arg13[%swap3A_839], %add3A_838 {strides = array<i32>} : memref<640xf32, #tpu.memory_space<vmem>>, vector<16xf32>,
    %get3A_841 = arith.constant 80 : index
    %get3A_842 = tpu.vector_load %arg9[%get3A_841] {strides = array<i32>} : memref<1280xf32, #tpu.memory_space<vmem>>, vector<16xf32>,
    %get3A_843 = arith.constant 240 : index
    %get3A_844 = tpu.vector_load %arg9[%get3A_843] {strides = array<i32>} : memref<1280xf32, #tpu.memory_space<vmem>>, vector<16xf32>,
    %add3A_845 = arith.addf %get3A_842, %get3A_844 : vector<16xf32>
    %get3A_846 = arith.constant 400 : index
    %get3A_847 = tpu.vector_load %arg9[%get3A_846] {strides = array<i32>} : memref<1280xf32, #tpu.memory_space<vmem>>, vector<16xf32>,
    %add3A_848 = arith.addf %add3A_845, %get3A_847 : vector<16xf32>
    %get3A_849 = arith.constant 560 : index
    %get3A_850 = tpu.vector_load %arg9[%get3A_849] {strides = array<i32>} : memref<1280xf32, #tpu.memory_space<vmem>>, vector<16xf32>,
    %add3A_851 = arith.addf %add3A_848, %get3A_850 : vector<16xf32>
    %get3A_852 = arith.constant 720 : index
    %get3A_853 = tpu.vector_load %arg9[%get3A_852] {strides = array<i32>} : memref<1280xf32, #tpu.memory_space<vmem>>, vector<16xf32>,
    %add3A_854 = arith.addf %add3A_851, %get3A_853 : vector<16xf32>
    %get3A_855 = arith.constant 880 : index
    %get3A_856 = tpu.vector_load %arg9[%get3A_855] {strides = array<i32>} : memref<1280xf32, #tpu.memory_space<vmem>>, vector<16xf32>,
    %add3A_857 = arith.addf %add3A_854, %get3A_856 : vector<16xf32>
    %get3A_858 = arith.constant 1040 : index
    %get3A_859 = tpu.vector_load %arg9[%get3A_858] {strides = array<i32>} : memref<1280xf32, #tpu.memory_space<vmem>>, vector<16xf32>,
    %add3A_860 = arith.addf %add3A_857, %get3A_859 : vector<16xf32>
    %get3A_861 = arith.constant 1200 : index
    %get3A_862 = tpu.vector_load %arg9[%get3A_861] {strides = array<i32>} : memref<1280xf32, #tpu.memory_space<vmem>>, vector<16xf32>,
    %add3A_863 = arith.addf %add3A_860, %get3A_862 : vector<16xf32>
    %swap3A_864 = arith.constant 80 : index
    %swap3A_865 = tpu.vector_load %arg13[%swap3A_864] {strides = array<i32>} : memref<640xf32, #tpu.memory_space<vmem>>, vector<16xf32>,
    tpu.vector_store %arg13[%swap3A_864], %add3A_863 {strides = array<i32>} : memref<640xf32, #tpu.memory_space<vmem>>, vector<16xf32>,
    %get3A_866 = arith.constant 96 : index
    %get3A_867 = tpu.vector_load %arg9[%get3A_866] {strides = array<i32>} : memref<1280xf32, #tpu.memory_space<vmem>>, vector<16xf32>,
    %get3A_868 = arith.constant 256 : index
    %get3A_869 = tpu.vector_load %arg9[%get3A_868] {strides = array<i32>} : memref<1280xf32, #tpu.memory_space<vmem>>, vector<16xf32>,
    %add3A_870 = arith.addf %get3A_867, %get3A_869 : vector<16xf32>
    %get3A_871 = arith.constant 416 : index
    %get3A_872 = tpu.vector_load %arg9[%get3A_871] {strides = array<i32>} : memref<1280xf32, #tpu.memory_space<vmem>>, vector<16xf32>,
    %add3A_873 = arith.addf %add3A_870, %get3A_872 : vector<16xf32>
    %get3A_874 = arith.constant 576 : index
    %get3A_875 = tpu.vector_load %arg9[%get3A_874] {strides = array<i32>} : memref<1280xf32, #tpu.memory_space<vmem>>, vector<16xf32>,
    %add3A_876 = arith.addf %add3A_873, %get3A_875 : vector<16xf32>
    %get3A_877 = arith.constant 736 : index
    %get3A_878 = tpu.vector_load %arg9[%get3A_877] {strides = array<i32>} : memref<1280xf32, #tpu.memory_space<vmem>>, vector<16xf32>,
    %add3A_879 = arith.addf %add3A_876, %get3A_878 : vector<16xf32>
    %get3A_880 = arith.constant 896 : index
    %get3A_881 = tpu.vector_load %arg9[%get3A_880] {strides = array<i32>} : memref<1280xf32, #tpu.memory_space<vmem>>, vector<16xf32>,
    %add3A_882 = arith.addf %add3A_879, %get3A_881 : vector<16xf32>
    %get3A_883 = arith.constant 1056 : index
    %get3A_884 = tpu.vector_load %arg9[%get3A_883] {strides = array<i32>} : memref<1280xf32, #tpu.memory_space<vmem>>, vector<16xf32>,
    %add3A_885 = arith.addf %add3A_882, %get3A_884 : vector<16xf32>
    %get3A_886 = arith.constant 1216 : index
    %get3A_887 = tpu.vector_load %arg9[%get3A_886] {strides = array<i32>} : memref<1280xf32, #tpu.memory_space<vmem>>, vector<16xf32>,
    %add3A_888 = arith.addf %add3A_885, %get3A_887 : vector<16xf32>
    %swap3A_889 = arith.constant 96 : index
    %swap3A_890 = tpu.vector_load %arg13[%swap3A_889] {strides = array<i32>} : memref<640xf32, #tpu.memory_space<vmem>>, vector<16xf32>,
    tpu.vector_store %arg13[%swap3A_889], %add3A_888 {strides = array<i32>} : memref<640xf32, #tpu.memory_space<vmem>>, vector<16xf32>,
    %get3A_891 = arith.constant 112 : index
    %get3A_892 = tpu.vector_load %arg9[%get3A_891] {strides = array<i32>} : memref<1280xf32, #tpu.memory_space<vmem>>, vector<16xf32>,
    %get3A_893 = arith.constant 272 : index
    %get3A_894 = tpu.vector_load %arg9[%get3A_893] {strides = array<i32>} : memref<1280xf32, #tpu.memory_space<vmem>>, vector<16xf32>,
    %add3A_895 = arith.addf %get3A_892, %get3A_894 : vector<16xf32>
    %get3A_896 = arith.constant 432 : index
    %get3A_897 = tpu.vector_load %arg9[%get3A_896] {strides = array<i32>} : memref<1280xf32, #tpu.memory_space<vmem>>, vector<16xf32>,
    %add3A_898 = arith.addf %add3A_895, %get3A_897 : vector<16xf32>
    %get3A_899 = arith.constant 592 : index
    %get3A_900 = tpu.vector_load %arg9[%get3A_899] {strides = array<i32>} : memref<1280xf32, #tpu.memory_space<vmem>>, vector<16xf32>,
    %add3A_901 = arith.addf %add3A_898, %get3A_900 : vector<16xf32>
    %get3A_902 = arith.constant 752 : index
    %get3A_903 = tpu.vector_load %arg9[%get3A_902] {strides = array<i32>} : memref<1280xf32, #tpu.memory_space<vmem>>, vector<16xf32>,
    %add3A_904 = arith.addf %add3A_901, %get3A_903 : vector<16xf32>
    %get3A_905 = arith.constant 912 : index
    %get3A_906 = tpu.vector_load %arg9[%get3A_905] {strides = array<i32>} : memref<1280xf32, #tpu.memory_space<vmem>>, vector<16xf32>,
    %add3A_907 = arith.addf %add3A_904, %get3A_906 : vector<16xf32>
    %get3A_908 = arith.constant 1072 : index
    %get3A_909 = tpu.vector_load %arg9[%get3A_908] {strides = array<i32>} : memref<1280xf32, #tpu.memory_space<vmem>>, vector<16xf32>,
    %add3A_910 = arith.addf %add3A_907, %get3A_909 : vector<16xf32>
    %get3A_911 = arith.constant 1232 : index
    %get3A_912 = tpu.vector_load %arg9[%get3A_911] {strides = array<i32>} : memref<1280xf32, #tpu.memory_space<vmem>>, vector<16xf32>,
    %add3A_913 = arith.addf %add3A_910, %get3A_912 : vector<16xf32>
    %swap3A_914 = arith.constant 112 : index
    %swap3A_915 = tpu.vector_load %arg13[%swap3A_914] {strides = array<i32>} : memref<640xf32, #tpu.memory_space<vmem>>, vector<16xf32>,
    tpu.vector_store %arg13[%swap3A_914], %add3A_913 {strides = array<i32>} : memref<640xf32, #tpu.memory_space<vmem>>, vector<16xf32>,
    %get3A_916 = arith.constant 128 : index
    %get3A_917 = tpu.vector_load %arg9[%get3A_916] {strides = array<i32>} : memref<1280xf32, #tpu.memory_space<vmem>>, vector<16xf32>,
    %get3A_918 = arith.constant 288 : index
    %get3A_919 = tpu.vector_load %arg9[%get3A_918] {strides = array<i32>} : memref<1280xf32, #tpu.memory_space<vmem>>, vector<16xf32>,
    %add3A_920 = arith.addf %get3A_917, %get3A_919 : vector<16xf32>
    %get3A_921 = arith.constant 448 : index
    %get3A_922 = tpu.vector_load %arg9[%get3A_921] {strides = array<i32>} : memref<1280xf32, #tpu.memory_space<vmem>>, vector<16xf32>,
    %add3A_923 = arith.addf %add3A_920, %get3A_922 : vector<16xf32>
    %get3A_924 = arith.constant 608 : index
    %get3A_925 = tpu.vector_load %arg9[%get3A_924] {strides = array<i32>} : memref<1280xf32, #tpu.memory_space<vmem>>, vector<16xf32>,
    %add3A_926 = arith.addf %add3A_923, %get3A_925 : vector<16xf32>
    %get3A_927 = arith.constant 768 : index
    %get3A_928 = tpu.vector_load %arg9[%get3A_927] {strides = array<i32>} : memref<1280xf32, #tpu.memory_space<vmem>>, vector<16xf32>,
    %add3A_929 = arith.addf %add3A_926, %get3A_928 : vector<16xf32>
    %get3A_930 = arith.constant 928 : index
    %get3A_931 = tpu.vector_load %arg9[%get3A_930] {strides = array<i32>} : memref<1280xf32, #tpu.memory_space<vmem>>, vector<16xf32>,
    %add3A_932 = arith.addf %add3A_929, %get3A_931 : vector<16xf32>
    %get3A_933 = arith.constant 1088 : index
    %get3A_934 = tpu.vector_load %arg9[%get3A_933] {strides = array<i32>} : memref<1280xf32, #tpu.memory_space<vmem>>, vector<16xf32>,
    %add3A_935 = arith.addf %add3A_932, %get3A_934 : vector<16xf32>
    %get3A_936 = arith.constant 1248 : index
    %get3A_937 = tpu.vector_load %arg9[%get3A_936] {strides = array<i32>} : memref<1280xf32, #tpu.memory_space<vmem>>, vector<16xf32>,
    %add3A_938 = arith.addf %add3A_935, %get3A_937 : vector<16xf32>
    %swap3A_939 = arith.constant 128 : index
    %swap3A_940 = tpu.vector_load %arg13[%swap3A_939] {strides = array<i32>} : memref<640xf32, #tpu.memory_space<vmem>>, vector<16xf32>,
    tpu.vector_store %arg13[%swap3A_939], %add3A_938 {strides = array<i32>} : memref<640xf32, #tpu.memory_space<vmem>>, vector<16xf32>,
    %get3A_941 = arith.constant 144 : index
    %get3A_942 = tpu.vector_load %arg9[%get3A_941] {strides = array<i32>} : memref<1280xf32, #tpu.memory_space<vmem>>, vector<16xf32>,
    %get3A_943 = arith.constant 304 : index
    %get3A_944 = tpu.vector_load %arg9[%get3A_943] {strides = array<i32>} : memref<1280xf32, #tpu.memory_space<vmem>>, vector<16xf32>,
    %add3A_945 = arith.addf %get3A_942, %get3A_944 : vector<16xf32>
    %get3A_946 = arith.constant 464 : index
    %get3A_947 = tpu.vector_load %arg9[%get3A_946] {strides = array<i32>} : memref<1280xf32, #tpu.memory_space<vmem>>, vector<16xf32>,
    %add3A_948 = arith.addf %add3A_945, %get3A_947 : vector<16xf32>
    %get3A_949 = arith.constant 624 : index
    %get3A_950 = tpu.vector_load %arg9[%get3A_949] {strides = array<i32>} : memref<1280xf32, #tpu.memory_space<vmem>>, vector<16xf32>,
    %add3A_951 = arith.addf %add3A_948, %get3A_950 : vector<16xf32>
    %get3A_952 = arith.constant 784 : index
    %get3A_953 = tpu.vector_load %arg9[%get3A_952] {strides = array<i32>} : memref<1280xf32, #tpu.memory_space<vmem>>, vector<16xf32>,
    %add3A_954 = arith.addf %add3A_951, %get3A_953 : vector<16xf32>
    %get3A_955 = arith.constant 944 : index
    %get3A_956 = tpu.vector_load %arg9[%get3A_955] {strides = array<i32>} : memref<1280xf32, #tpu.memory_space<vmem>>, vector<16xf32>,
    %add3A_957 = arith.addf %add3A_954, %get3A_956 : vector<16xf32>
    %get3A_958 = arith.constant 1104 : index
    %get3A_959 = tpu.vector_load %arg9[%get3A_958] {strides = array<i32>} : memref<1280xf32, #tpu.memory_space<vmem>>, vector<16xf32>,
    %add3A_960 = arith.addf %add3A_957, %get3A_959 : vector<16xf32>
    %get3A_961 = arith.constant 1264 : index
    %get3A_962 = tpu.vector_load %arg9[%get3A_961] {strides = array<i32>} : memref<1280xf32, #tpu.memory_space<vmem>>, vector<16xf32>,
    %add3A_963 = arith.addf %add3A_960, %get3A_962 : vector<16xf32>
    %swap3A_964 = arith.constant 144 : index
    %swap3A_965 = tpu.vector_load %arg13[%swap3A_964] {strides = array<i32>} : memref<640xf32, #tpu.memory_space<vmem>>, vector<16xf32>,
    tpu.vector_store %arg13[%swap3A_964], %add3A_963 {strides = array<i32>} : memref<640xf32, #tpu.memory_space<vmem>>, vector<16xf32>,
    %get3A_966 = arith.constant 0 : index
    %get3A_967 = tpu.vector_load %arg10[%get3A_966] {strides = array<i32>} : memref<1280xf32, #tpu.memory_space<vmem>>, vector<16xf32>,
    %get3A_968 = arith.constant 160 : index
    %get3A_969 = tpu.vector_load %arg10[%get3A_968] {strides = array<i32>} : memref<1280xf32, #tpu.memory_space<vmem>>, vector<16xf32>,
    %add3A_970 = arith.addf %get3A_967, %get3A_969 : vector<16xf32>
    %get3A_971 = arith.constant 320 : index
    %get3A_972 = tpu.vector_load %arg10[%get3A_971] {strides = array<i32>} : memref<1280xf32, #tpu.memory_space<vmem>>, vector<16xf32>,
    %add3A_973 = arith.addf %add3A_970, %get3A_972 : vector<16xf32>
    %get3A_974 = arith.constant 480 : index
    %get3A_975 = tpu.vector_load %arg10[%get3A_974] {strides = array<i32>} : memref<1280xf32, #tpu.memory_space<vmem>>, vector<16xf32>,
    %add3A_976 = arith.addf %add3A_973, %get3A_975 : vector<16xf32>
    %get3A_977 = arith.constant 640 : index
    %get3A_978 = tpu.vector_load %arg10[%get3A_977] {strides = array<i32>} : memref<1280xf32, #tpu.memory_space<vmem>>, vector<16xf32>,
    %add3A_979 = arith.addf %add3A_976, %get3A_978 : vector<16xf32>
    %get3A_980 = arith.constant 800 : index
    %get3A_981 = tpu.vector_load %arg10[%get3A_980] {strides = array<i32>} : memref<1280xf32, #tpu.memory_space<vmem>>, vector<16xf32>,
    %add3A_982 = arith.addf %add3A_979, %get3A_981 : vector<16xf32>
    %get3A_983 = arith.constant 960 : index
    %get3A_984 = tpu.vector_load %arg10[%get3A_983] {strides = array<i32>} : memref<1280xf32, #tpu.memory_space<vmem>>, vector<16xf32>,
    %add3A_985 = arith.addf %add3A_982, %get3A_984 : vector<16xf32>
    %get3A_986 = arith.constant 1120 : index
    %get3A_987 = tpu.vector_load %arg10[%get3A_986] {strides = array<i32>} : memref<1280xf32, #tpu.memory_space<vmem>>, vector<16xf32>,
    %add3A_988 = arith.addf %add3A_985, %get3A_987 : vector<16xf32>
    %swap3A_989 = arith.constant 160 : index
    %swap3A_990 = tpu.vector_load %arg13[%swap3A_989] {strides = array<i32>} : memref<640xf32, #tpu.memory_space<vmem>>, vector<16xf32>,
    tpu.vector_store %arg13[%swap3A_989], %add3A_988 {strides = array<i32>} : memref<640xf32, #tpu.memory_space<vmem>>, vector<16xf32>,
    %get3A_991 = arith.constant 16 : index
    %get3A_992 = tpu.vector_load %arg10[%get3A_991] {strides = array<i32>} : memref<1280xf32, #tpu.memory_space<vmem>>, vector<16xf32>,
    %get3A_993 = arith.constant 176 : index
    %get3A_994 = tpu.vector_load %arg10[%get3A_993] {strides = array<i32>} : memref<1280xf32, #tpu.memory_space<vmem>>, vector<16xf32>,
    %add3A_995 = arith.addf %get3A_992, %get3A_994 : vector<16xf32>
    %get3A_996 = arith.constant 336 : index
    %get3A_997 = tpu.vector_load %arg10[%get3A_996] {strides = array<i32>} : memref<1280xf32, #tpu.memory_space<vmem>>, vector<16xf32>,
    %add3A_998 = arith.addf %add3A_995, %get3A_997 : vector<16xf32>
    %get3A_999 = arith.constant 496 : index
    %get3A_1000 = tpu.vector_load %arg10[%get3A_999] {strides = array<i32>} : memref<1280xf32, #tpu.memory_space<vmem>>, vector<16xf32>,
    %add3A_1001 = arith.addf %add3A_998, %get3A_1000 : vector<16xf32>
    %get3A_1002 = arith.constant 656 : index
    %get3A_1003 = tpu.vector_load %arg10[%get3A_1002] {strides = array<i32>} : memref<1280xf32, #tpu.memory_space<vmem>>, vector<16xf32>,
    %add3A_1004 = arith.addf %add3A_1001, %get3A_1003 : vector<16xf32>
    %get3A_1005 = arith.constant 816 : index
    %get3A_1006 = tpu.vector_load %arg10[%get3A_1005] {strides = array<i32>} : memref<1280xf32, #tpu.memory_space<vmem>>, vector<16xf32>,
    %add3A_1007 = arith.addf %add3A_1004, %get3A_1006 : vector<16xf32>
    %get3A_1008 = arith.constant 976 : index
    %get3A_1009 = tpu.vector_load %arg10[%get3A_1008] {strides = array<i32>} : memref<1280xf32, #tpu.memory_space<vmem>>, vector<16xf32>,
    %add3A_1010 = arith.addf %add3A_1007, %get3A_1009 : vector<16xf32>
    %get3A_1011 = arith.constant 1136 : index
    %get3A_1012 = tpu.vector_load %arg10[%get3A_1011] {strides = array<i32>} : memref<1280xf32, #tpu.memory_space<vmem>>, vector<16xf32>,
    %add3A_1013 = arith.addf %add3A_1010, %get3A_1012 : vector<16xf32>
    %swap3A_1014 = arith.constant 176 : index
    %swap3A_1015 = tpu.vector_load %arg13[%swap3A_1014] {strides = array<i32>} : memref<640xf32, #tpu.memory_space<vmem>>, vector<16xf32>,
    tpu.vector_store %arg13[%swap3A_1014], %add3A_1013 {strides = array<i32>} : memref<640xf32, #tpu.memory_space<vmem>>, vector<16xf32>,
    %get3A_1016 = arith.constant 32 : index
    %get3A_1017 = tpu.vector_load %arg10[%get3A_1016] {strides = array<i32>} : memref<1280xf32, #tpu.memory_space<vmem>>, vector<16xf32>,
    %get3A_1018 = arith.constant 192 : index
    %get3A_1019 = tpu.vector_load %arg10[%get3A_1018] {strides = array<i32>} : memref<1280xf32, #tpu.memory_space<vmem>>, vector<16xf32>,
    %add3A_1020 = arith.addf %get3A_1017, %get3A_1019 : vector<16xf32>
    %get3A_1021 = arith.constant 352 : index
    %get3A_1022 = tpu.vector_load %arg10[%get3A_1021] {strides = array<i32>} : memref<1280xf32, #tpu.memory_space<vmem>>, vector<16xf32>,
    %add3A_1023 = arith.addf %add3A_1020, %get3A_1022 : vector<16xf32>
    %get3A_1024 = arith.constant 512 : index
    %get3A_1025 = tpu.vector_load %arg10[%get3A_1024] {strides = array<i32>} : memref<1280xf32, #tpu.memory_space<vmem>>, vector<16xf32>,
    %add3A_1026 = arith.addf %add3A_1023, %get3A_1025 : vector<16xf32>
    %get3A_1027 = arith.constant 672 : index
    %get3A_1028 = tpu.vector_load %arg10[%get3A_1027] {strides = array<i32>} : memref<1280xf32, #tpu.memory_space<vmem>>, vector<16xf32>,
    %add3A_1029 = arith.addf %add3A_1026, %get3A_1028 : vector<16xf32>
    %get3A_1030 = arith.constant 832 : index
    %get3A_1031 = tpu.vector_load %arg10[%get3A_1030] {strides = array<i32>} : memref<1280xf32, #tpu.memory_space<vmem>>, vector<16xf32>,
    %add3A_1032 = arith.addf %add3A_1029, %get3A_1031 : vector<16xf32>
    %get3A_1033 = arith.constant 992 : index
    %get3A_1034 = tpu.vector_load %arg10[%get3A_1033] {strides = array<i32>} : memref<1280xf32, #tpu.memory_space<vmem>>, vector<16xf32>,
    %add3A_1035 = arith.addf %add3A_1032, %get3A_1034 : vector<16xf32>
    %get3A_1036 = arith.constant 1152 : index
    %get3A_1037 = tpu.vector_load %arg10[%get3A_1036] {strides = array<i32>} : memref<1280xf32, #tpu.memory_space<vmem>>, vector<16xf32>,
    %add3A_1038 = arith.addf %add3A_1035, %get3A_1037 : vector<16xf32>
    %swap3A_1039 = arith.constant 192 : index
    %swap3A_1040 = tpu.vector_load %arg13[%swap3A_1039] {strides = array<i32>} : memref<640xf32, #tpu.memory_space<vmem>>, vector<16xf32>,
    tpu.vector_store %arg13[%swap3A_1039], %add3A_1038 {strides = array<i32>} : memref<640xf32, #tpu.memory_space<vmem>>, vector<16xf32>,
    %get3A_1041 = arith.constant 48 : index
    %get3A_1042 = tpu.vector_load %arg10[%get3A_1041] {strides = array<i32>} : memref<1280xf32, #tpu.memory_space<vmem>>, vector<16xf32>,
    %get3A_1043 = arith.constant 208 : index
    %get3A_1044 = tpu.vector_load %arg10[%get3A_1043] {strides = array<i32>} : memref<1280xf32, #tpu.memory_space<vmem>>, vector<16xf32>,
    %add3A_1045 = arith.addf %get3A_1042, %get3A_1044 : vector<16xf32>
    %get3A_1046 = arith.constant 368 : index
    %get3A_1047 = tpu.vector_load %arg10[%get3A_1046] {strides = array<i32>} : memref<1280xf32, #tpu.memory_space<vmem>>, vector<16xf32>,
    %add3A_1048 = arith.addf %add3A_1045, %get3A_1047 : vector<16xf32>
    %get3A_1049 = arith.constant 528 : index
    %get3A_1050 = tpu.vector_load %arg10[%get3A_1049] {strides = array<i32>} : memref<1280xf32, #tpu.memory_space<vmem>>, vector<16xf32>,
    %add3A_1051 = arith.addf %add3A_1048, %get3A_1050 : vector<16xf32>
    %get3A_1052 = arith.constant 688 : index
    %get3A_1053 = tpu.vector_load %arg10[%get3A_1052] {strides = array<i32>} : memref<1280xf32, #tpu.memory_space<vmem>>, vector<16xf32>,
    %add3A_1054 = arith.addf %add3A_1051, %get3A_1053 : vector<16xf32>
    %get3A_1055 = arith.constant 848 : index
    %get3A_1056 = tpu.vector_load %arg10[%get3A_1055] {strides = array<i32>} : memref<1280xf32, #tpu.memory_space<vmem>>, vector<16xf32>,
    %add3A_1057 = arith.addf %add3A_1054, %get3A_1056 : vector<16xf32>
    %get3A_1058 = arith.constant 1008 : index
    %get3A_1059 = tpu.vector_load %arg10[%get3A_1058] {strides = array<i32>} : memref<1280xf32, #tpu.memory_space<vmem>>, vector<16xf32>,
    %add3A_1060 = arith.addf %add3A_1057, %get3A_1059 : vector<16xf32>
    %get3A_1061 = arith.constant 1168 : index
    %get3A_1062 = tpu.vector_load %arg10[%get3A_1061] {strides = array<i32>} : memref<1280xf32, #tpu.memory_space<vmem>>, vector<16xf32>,
    %add3A_1063 = arith.addf %add3A_1060, %get3A_1062 : vector<16xf32>
    %swap3A_1064 = arith.constant 208 : index
    %swap3A_1065 = tpu.vector_load %arg13[%swap3A_1064] {strides = array<i32>} : memref<640xf32, #tpu.memory_space<vmem>>, vector<16xf32>,
    tpu.vector_store %arg13[%swap3A_1064], %add3A_1063 {strides = array<i32>} : memref<640xf32, #tpu.memory_space<vmem>>, vector<16xf32>,
    %get3A_1066 = arith.constant 64 : index
    %get3A_1067 = tpu.vector_load %arg10[%get3A_1066] {strides = array<i32>} : memref<1280xf32, #tpu.memory_space<vmem>>, vector<16xf32>,
    %get3A_1068 = arith.constant 224 : index
    %get3A_1069 = tpu.vector_load %arg10[%get3A_1068] {strides = array<i32>} : memref<1280xf32, #tpu.memory_space<vmem>>, vector<16xf32>,
    %add3A_1070 = arith.addf %get3A_1067, %get3A_1069 : vector<16xf32>
    %get3A_1071 = arith.constant 384 : index
    %get3A_1072 = tpu.vector_load %arg10[%get3A_1071] {strides = array<i32>} : memref<1280xf32, #tpu.memory_space<vmem>>, vector<16xf32>,
    %add3A_1073 = arith.addf %add3A_1070, %get3A_1072 : vector<16xf32>
    %get3A_1074 = arith.constant 544 : index
    %get3A_1075 = tpu.vector_load %arg10[%get3A_1074] {strides = array<i32>} : memref<1280xf32, #tpu.memory_space<vmem>>, vector<16xf32>,
    %add3A_1076 = arith.addf %add3A_1073, %get3A_1075 : vector<16xf32>
    %get3A_1077 = arith.constant 704 : index
    %get3A_1078 = tpu.vector_load %arg10[%get3A_1077] {strides = array<i32>} : memref<1280xf32, #tpu.memory_space<vmem>>, vector<16xf32>,
    %add3A_1079 = arith.addf %add3A_1076, %get3A_1078 : vector<16xf32>
    %get3A_1080 = arith.constant 864 : index
    %get3A_1081 = tpu.vector_load %arg10[%get3A_1080] {strides = array<i32>} : memref<1280xf32, #tpu.memory_space<vmem>>, vector<16xf32>,
    %add3A_1082 = arith.addf %add3A_1079, %get3A_1081 : vector<16xf32>
    %get3A_1083 = arith.constant 1024 : index
    %get3A_1084 = tpu.vector_load %arg10[%get3A_1083] {strides = array<i32>} : memref<1280xf32, #tpu.memory_space<vmem>>, vector<16xf32>,
    %add3A_1085 = arith.addf %add3A_1082, %get3A_1084 : vector<16xf32>
    %get3A_1086 = arith.constant 1184 : index
    %get3A_1087 = tpu.vector_load %arg10[%get3A_1086] {strides = array<i32>} : memref<1280xf32, #tpu.memory_space<vmem>>, vector<16xf32>,
    %add3A_1088 = arith.addf %add3A_1085, %get3A_1087 : vector<16xf32>
    %swap3A_1089 = arith.constant 224 : index
    %swap3A_1090 = tpu.vector_load %arg13[%swap3A_1089] {strides = array<i32>} : memref<640xf32, #tpu.memory_space<vmem>>, vector<16xf32>,
    tpu.vector_store %arg13[%swap3A_1089], %add3A_1088 {strides = array<i32>} : memref<640xf32, #tpu.memory_space<vmem>>, vector<16xf32>,
    %get3A_1091 = arith.constant 80 : index
    %get3A_1092 = tpu.vector_load %arg10[%get3A_1091] {strides = array<i32>} : memref<1280xf32, #tpu.memory_space<vmem>>, vector<16xf32>,
    %get3A_1093 = arith.constant 240 : index
    %get3A_1094 = tpu.vector_load %arg10[%get3A_1093] {strides = array<i32>} : memref<1280xf32, #tpu.memory_space<vmem>>, vector<16xf32>,
    %add3A_1095 = arith.addf %get3A_1092, %get3A_1094 : vector<16xf32>
    %get3A_1096 = arith.constant 400 : index
    %get3A_1097 = tpu.vector_load %arg10[%get3A_1096] {strides = array<i32>} : memref<1280xf32, #tpu.memory_space<vmem>>, vector<16xf32>,
    %add3A_1098 = arith.addf %add3A_1095, %get3A_1097 : vector<16xf32>
    %get3A_1099 = arith.constant 560 : index
    %get3A_1100 = tpu.vector_load %arg10[%get3A_1099] {strides = array<i32>} : memref<1280xf32, #tpu.memory_space<vmem>>, vector<16xf32>,
    %add3A_1101 = arith.addf %add3A_1098, %get3A_1100 : vector<16xf32>
    %get3A_1102 = arith.constant 720 : index
    %get3A_1103 = tpu.vector_load %arg10[%get3A_1102] {strides = array<i32>} : memref<1280xf32, #tpu.memory_space<vmem>>, vector<16xf32>,
    %add3A_1104 = arith.addf %add3A_1101, %get3A_1103 : vector<16xf32>
    %get3A_1105 = arith.constant 880 : index
    %get3A_1106 = tpu.vector_load %arg10[%get3A_1105] {strides = array<i32>} : memref<1280xf32, #tpu.memory_space<vmem>>, vector<16xf32>,
    %add3A_1107 = arith.addf %add3A_1104, %get3A_1106 : vector<16xf32>
    %get3A_1108 = arith.constant 1040 : index
    %get3A_1109 = tpu.vector_load %arg10[%get3A_1108] {strides = array<i32>} : memref<1280xf32, #tpu.memory_space<vmem>>, vector<16xf32>,
    %add3A_1110 = arith.addf %add3A_1107, %get3A_1109 : vector<16xf32>
    %get3A_1111 = arith.constant 1200 : index
    %get3A_1112 = tpu.vector_load %arg10[%get3A_1111] {strides = array<i32>} : memref<1280xf32, #tpu.memory_space<vmem>>, vector<16xf32>,
    %add3A_1113 = arith.addf %add3A_1110, %get3A_1112 : vector<16xf32>
    %swap3A_1114 = arith.constant 240 : index
    %swap3A_1115 = tpu.vector_load %arg13[%swap3A_1114] {strides = array<i32>} : memref<640xf32, #tpu.memory_space<vmem>>, vector<16xf32>,
    tpu.vector_store %arg13[%swap3A_1114], %add3A_1113 {strides = array<i32>} : memref<640xf32, #tpu.memory_space<vmem>>, vector<16xf32>,
    %get3A_1116 = arith.constant 96 : index
    %get3A_1117 = tpu.vector_load %arg10[%get3A_1116] {strides = array<i32>} : memref<1280xf32, #tpu.memory_space<vmem>>, vector<16xf32>,
    %get3A_1118 = arith.constant 256 : index
    %get3A_1119 = tpu.vector_load %arg10[%get3A_1118] {strides = array<i32>} : memref<1280xf32, #tpu.memory_space<vmem>>, vector<16xf32>,
    %add3A_1120 = arith.addf %get3A_1117, %get3A_1119 : vector<16xf32>
    %get3A_1121 = arith.constant 416 : index
    %get3A_1122 = tpu.vector_load %arg10[%get3A_1121] {strides = array<i32>} : memref<1280xf32, #tpu.memory_space<vmem>>, vector<16xf32>,
    %add3A_1123 = arith.addf %add3A_1120, %get3A_1122 : vector<16xf32>
    %get3A_1124 = arith.constant 576 : index
    %get3A_1125 = tpu.vector_load %arg10[%get3A_1124] {strides = array<i32>} : memref<1280xf32, #tpu.memory_space<vmem>>, vector<16xf32>,
    %add3A_1126 = arith.addf %add3A_1123, %get3A_1125 : vector<16xf32>
    %get3A_1127 = arith.constant 736 : index
    %get3A_1128 = tpu.vector_load %arg10[%get3A_1127] {strides = array<i32>} : memref<1280xf32, #tpu.memory_space<vmem>>, vector<16xf32>,
    %add3A_1129 = arith.addf %add3A_1126, %get3A_1128 : vector<16xf32>
    %get3A_1130 = arith.constant 896 : index
    %get3A_1131 = tpu.vector_load %arg10[%get3A_1130] {strides = array<i32>} : memref<1280xf32, #tpu.memory_space<vmem>>, vector<16xf32>,
    %add3A_1132 = arith.addf %add3A_1129, %get3A_1131 : vector<16xf32>
    %get3A_1133 = arith.constant 1056 : index
    %get3A_1134 = tpu.vector_load %arg10[%get3A_1133] {strides = array<i32>} : memref<1280xf32, #tpu.memory_space<vmem>>, vector<16xf32>,
    %add3A_1135 = arith.addf %add3A_1132, %get3A_1134 : vector<16xf32>
    %get3A_1136 = arith.constant 1216 : index
    %get3A_1137 = tpu.vector_load %arg10[%get3A_1136] {strides = array<i32>} : memref<1280xf32, #tpu.memory_space<vmem>>, vector<16xf32>,
    %add3A_1138 = arith.addf %add3A_1135, %get3A_1137 : vector<16xf32>
    %swap3A_1139 = arith.constant 256 : index
    %swap3A_1140 = tpu.vector_load %arg13[%swap3A_1139] {strides = array<i32>} : memref<640xf32, #tpu.memory_space<vmem>>, vector<16xf32>,
    tpu.vector_store %arg13[%swap3A_1139], %add3A_1138 {strides = array<i32>} : memref<640xf32, #tpu.memory_space<vmem>>, vector<16xf32>,
    %get3A_1141 = arith.constant 112 : index
    %get3A_1142 = tpu.vector_load %arg10[%get3A_1141] {strides = array<i32>} : memref<1280xf32, #tpu.memory_space<vmem>>, vector<16xf32>,
    %get3A_1143 = arith.constant 272 : index
    %get3A_1144 = tpu.vector_load %arg10[%get3A_1143] {strides = array<i32>} : memref<1280xf32, #tpu.memory_space<vmem>>, vector<16xf32>,
    %add3A_1145 = arith.addf %get3A_1142, %get3A_1144 : vector<16xf32>
    %get3A_1146 = arith.constant 432 : index
    %get3A_1147 = tpu.vector_load %arg10[%get3A_1146] {strides = array<i32>} : memref<1280xf32, #tpu.memory_space<vmem>>, vector<16xf32>,
    %add3A_1148 = arith.addf %add3A_1145, %get3A_1147 : vector<16xf32>
    %get3A_1149 = arith.constant 592 : index
    %get3A_1150 = tpu.vector_load %arg10[%get3A_1149] {strides = array<i32>} : memref<1280xf32, #tpu.memory_space<vmem>>, vector<16xf32>,
    %add3A_1151 = arith.addf %add3A_1148, %get3A_1150 : vector<16xf32>
    %get3A_1152 = arith.constant 752 : index
    %get3A_1153 = tpu.vector_load %arg10[%get3A_1152] {strides = array<i32>} : memref<1280xf32, #tpu.memory_space<vmem>>, vector<16xf32>,
    %add3A_1154 = arith.addf %add3A_1151, %get3A_1153 : vector<16xf32>
    %get3A_1155 = arith.constant 912 : index
    %get3A_1156 = tpu.vector_load %arg10[%get3A_1155] {strides = array<i32>} : memref<1280xf32, #tpu.memory_space<vmem>>, vector<16xf32>,
    %add3A_1157 = arith.addf %add3A_1154, %get3A_1156 : vector<16xf32>
    %get3A_1158 = arith.constant 1072 : index
    %get3A_1159 = tpu.vector_load %arg10[%get3A_1158] {strides = array<i32>} : memref<1280xf32, #tpu.memory_space<vmem>>, vector<16xf32>,
    %add3A_1160 = arith.addf %add3A_1157, %get3A_1159 : vector<16xf32>
    %get3A_1161 = arith.constant 1232 : index
    %get3A_1162 = tpu.vector_load %arg10[%get3A_1161] {strides = array<i32>} : memref<1280xf32, #tpu.memory_space<vmem>>, vector<16xf32>,
    %add3A_1163 = arith.addf %add3A_1160, %get3A_1162 : vector<16xf32>
    %swap3A_1164 = arith.constant 272 : index
    %swap3A_1165 = tpu.vector_load %arg13[%swap3A_1164] {strides = array<i32>} : memref<640xf32, #tpu.memory_space<vmem>>, vector<16xf32>,
    tpu.vector_store %arg13[%swap3A_1164], %add3A_1163 {strides = array<i32>} : memref<640xf32, #tpu.memory_space<vmem>>, vector<16xf32>,
    %get3A_1166 = arith.constant 128 : index
    %get3A_1167 = tpu.vector_load %arg10[%get3A_1166] {strides = array<i32>} : memref<1280xf32, #tpu.memory_space<vmem>>, vector<16xf32>,
    %get3A_1168 = arith.constant 288 : index
    %get3A_1169 = tpu.vector_load %arg10[%get3A_1168] {strides = array<i32>} : memref<1280xf32, #tpu.memory_space<vmem>>, vector<16xf32>,
    %add3A_1170 = arith.addf %get3A_1167, %get3A_1169 : vector<16xf32>
    %get3A_1171 = arith.constant 448 : index
    %get3A_1172 = tpu.vector_load %arg10[%get3A_1171] {strides = array<i32>} : memref<1280xf32, #tpu.memory_space<vmem>>, vector<16xf32>,
    %add3A_1173 = arith.addf %add3A_1170, %get3A_1172 : vector<16xf32>
    %get3A_1174 = arith.constant 608 : index
    %get3A_1175 = tpu.vector_load %arg10[%get3A_1174] {strides = array<i32>} : memref<1280xf32, #tpu.memory_space<vmem>>, vector<16xf32>,
    %add3A_1176 = arith.addf %add3A_1173, %get3A_1175 : vector<16xf32>
    %get3A_1177 = arith.constant 768 : index
    %get3A_1178 = tpu.vector_load %arg10[%get3A_1177] {strides = array<i32>} : memref<1280xf32, #tpu.memory_space<vmem>>, vector<16xf32>,
    %add3A_1179 = arith.addf %add3A_1176, %get3A_1178 : vector<16xf32>
    %get3A_1180 = arith.constant 928 : index
    %get3A_1181 = tpu.vector_load %arg10[%get3A_1180] {strides = array<i32>} : memref<1280xf32, #tpu.memory_space<vmem>>, vector<16xf32>,
    %add3A_1182 = arith.addf %add3A_1179, %get3A_1181 : vector<16xf32>
    %get3A_1183 = arith.constant 1088 : index
    %get3A_1184 = tpu.vector_load %arg10[%get3A_1183] {strides = array<i32>} : memref<1280xf32, #tpu.memory_space<vmem>>, vector<16xf32>,
    %add3A_1185 = arith.addf %add3A_1182, %get3A_1184 : vector<16xf32>
    %get3A_1186 = arith.constant 1248 : index
    %get3A_1187 = tpu.vector_load %arg10[%get3A_1186] {strides = array<i32>} : memref<1280xf32, #tpu.memory_space<vmem>>, vector<16xf32>,
    %add3A_1188 = arith.addf %add3A_1185, %get3A_1187 : vector<16xf32>
    %swap3A_1189 = arith.constant 288 : index
    %swap3A_1190 = tpu.vector_load %arg13[%swap3A_1189] {strides = array<i32>} : memref<640xf32, #tpu.memory_space<vmem>>, vector<16xf32>,
    tpu.vector_store %arg13[%swap3A_1189], %add3A_1188 {strides = array<i32>} : memref<640xf32, #tpu.memory_space<vmem>>, vector<16xf32>,
    %get3A_1191 = arith.constant 144 : index
    %get3A_1192 = tpu.vector_load %arg10[%get3A_1191] {strides = array<i32>} : memref<1280xf32, #tpu.memory_space<vmem>>, vector<16xf32>,
    %get3A_1193 = arith.constant 304 : index
    %get3A_1194 = tpu.vector_load %arg10[%get3A_1193] {strides = array<i32>} : memref<1280xf32, #tpu.memory_space<vmem>>, vector<16xf32>,
    %add3A_1195 = arith.addf %get3A_1192, %get3A_1194 : vector<16xf32>
    %get3A_1196 = arith.constant 464 : index
    %get3A_1197 = tpu.vector_load %arg10[%get3A_1196] {strides = array<i32>} : memref<1280xf32, #tpu.memory_space<vmem>>, vector<16xf32>,
    %add3A_1198 = arith.addf %add3A_1195, %get3A_1197 : vector<16xf32>
    %get3A_1199 = arith.constant 624 : index
    %get3A_1200 = tpu.vector_load %arg10[%get3A_1199] {strides = array<i32>} : memref<1280xf32, #tpu.memory_space<vmem>>, vector<16xf32>,
    %add3A_1201 = arith.addf %add3A_1198, %get3A_1200 : vector<16xf32>
    %get3A_1202 = arith.constant 784 : index
    %get3A_1203 = tpu.vector_load %arg10[%get3A_1202] {strides = array<i32>} : memref<1280xf32, #tpu.memory_space<vmem>>, vector<16xf32>,
    %add3A_1204 = arith.addf %add3A_1201, %get3A_1203 : vector<16xf32>
    %get3A_1205 = arith.constant 944 : index
    %get3A_1206 = tpu.vector_load %arg10[%get3A_1205] {strides = array<i32>} : memref<1280xf32, #tpu.memory_space<vmem>>, vector<16xf32>,
    %add3A_1207 = arith.addf %add3A_1204, %get3A_1206 : vector<16xf32>
    %get3A_1208 = arith.constant 1104 : index
    %get3A_1209 = tpu.vector_load %arg10[%get3A_1208] {strides = array<i32>} : memref<1280xf32, #tpu.memory_space<vmem>>, vector<16xf32>,
    %add3A_1210 = arith.addf %add3A_1207, %get3A_1209 : vector<16xf32>
    %get3A_1211 = arith.constant 1264 : index
    %get3A_1212 = tpu.vector_load %arg10[%get3A_1211] {strides = array<i32>} : memref<1280xf32, #tpu.memory_space<vmem>>, vector<16xf32>,
    %add3A_1213 = arith.addf %add3A_1210, %get3A_1212 : vector<16xf32>
    %swap3A_1214 = arith.constant 304 : index
    %swap3A_1215 = tpu.vector_load %arg13[%swap3A_1214] {strides = array<i32>} : memref<640xf32, #tpu.memory_space<vmem>>, vector<16xf32>,
    tpu.vector_store %arg13[%swap3A_1214], %add3A_1213 {strides = array<i32>} : memref<640xf32, #tpu.memory_space<vmem>>, vector<16xf32>,
    %get3A_1216 = arith.constant 0 : index
    %get3A_1217 = tpu.vector_load %arg11[%get3A_1216] {strides = array<i32>} : memref<1280xf32, #tpu.memory_space<vmem>>, vector<16xf32>,
    %get3A_1218 = arith.constant 160 : index
    %get3A_1219 = tpu.vector_load %arg11[%get3A_1218] {strides = array<i32>} : memref<1280xf32, #tpu.memory_space<vmem>>, vector<16xf32>,
    %add3A_1220 = arith.addf %get3A_1217, %get3A_1219 : vector<16xf32>
    %get3A_1221 = arith.constant 320 : index
    %get3A_1222 = tpu.vector_load %arg11[%get3A_1221] {strides = array<i32>} : memref<1280xf32, #tpu.memory_space<vmem>>, vector<16xf32>,
    %add3A_1223 = arith.addf %add3A_1220, %get3A_1222 : vector<16xf32>
    %get3A_1224 = arith.constant 480 : index
    %get3A_1225 = tpu.vector_load %arg11[%get3A_1224] {strides = array<i32>} : memref<1280xf32, #tpu.memory_space<vmem>>, vector<16xf32>,
    %add3A_1226 = arith.addf %add3A_1223, %get3A_1225 : vector<16xf32>
    %get3A_1227 = arith.constant 640 : index
    %get3A_1228 = tpu.vector_load %arg11[%get3A_1227] {strides = array<i32>} : memref<1280xf32, #tpu.memory_space<vmem>>, vector<16xf32>,
    %add3A_1229 = arith.addf %add3A_1226, %get3A_1228 : vector<16xf32>
    %get3A_1230 = arith.constant 800 : index
    %get3A_1231 = tpu.vector_load %arg11[%get3A_1230] {strides = array<i32>} : memref<1280xf32, #tpu.memory_space<vmem>>, vector<16xf32>,
    %add3A_1232 = arith.addf %add3A_1229, %get3A_1231 : vector<16xf32>
    %get3A_1233 = arith.constant 960 : index
    %get3A_1234 = tpu.vector_load %arg11[%get3A_1233] {strides = array<i32>} : memref<1280xf32, #tpu.memory_space<vmem>>, vector<16xf32>,
    %add3A_1235 = arith.addf %add3A_1232, %get3A_1234 : vector<16xf32>
    %get3A_1236 = arith.constant 1120 : index
    %get3A_1237 = tpu.vector_load %arg11[%get3A_1236] {strides = array<i32>} : memref<1280xf32, #tpu.memory_space<vmem>>, vector<16xf32>,
    %add3A_1238 = arith.addf %add3A_1235, %get3A_1237 : vector<16xf32>
    %swap3A_1239 = arith.constant 320 : index
    %swap3A_1240 = tpu.vector_load %arg13[%swap3A_1239] {strides = array<i32>} : memref<640xf32, #tpu.memory_space<vmem>>, vector<16xf32>,
    tpu.vector_store %arg13[%swap3A_1239], %add3A_1238 {strides = array<i32>} : memref<640xf32, #tpu.memory_space<vmem>>, vector<16xf32>,
    %get3A_1241 = arith.constant 16 : index
    %get3A_1242 = tpu.vector_load %arg11[%get3A_1241] {strides = array<i32>} : memref<1280xf32, #tpu.memory_space<vmem>>, vector<16xf32>,
    %get3A_1243 = arith.constant 176 : index
    %get3A_1244 = tpu.vector_load %arg11[%get3A_1243] {strides = array<i32>} : memref<1280xf32, #tpu.memory_space<vmem>>, vector<16xf32>,
    %add3A_1245 = arith.addf %get3A_1242, %get3A_1244 : vector<16xf32>
    %get3A_1246 = arith.constant 336 : index
    %get3A_1247 = tpu.vector_load %arg11[%get3A_1246] {strides = array<i32>} : memref<1280xf32, #tpu.memory_space<vmem>>, vector<16xf32>,
    %add3A_1248 = arith.addf %add3A_1245, %get3A_1247 : vector<16xf32>
    %get3A_1249 = arith.constant 496 : index
    %get3A_1250 = tpu.vector_load %arg11[%get3A_1249] {strides = array<i32>} : memref<1280xf32, #tpu.memory_space<vmem>>, vector<16xf32>,
    %add3A_1251 = arith.addf %add3A_1248, %get3A_1250 : vector<16xf32>
    %get3A_1252 = arith.constant 656 : index
    %get3A_1253 = tpu.vector_load %arg11[%get3A_1252] {strides = array<i32>} : memref<1280xf32, #tpu.memory_space<vmem>>, vector<16xf32>,
    %add3A_1254 = arith.addf %add3A_1251, %get3A_1253 : vector<16xf32>
    %get3A_1255 = arith.constant 816 : index
    %get3A_1256 = tpu.vector_load %arg11[%get3A_1255] {strides = array<i32>} : memref<1280xf32, #tpu.memory_space<vmem>>, vector<16xf32>,
    %add3A_1257 = arith.addf %add3A_1254, %get3A_1256 : vector<16xf32>
    %get3A_1258 = arith.constant 976 : index
    %get3A_1259 = tpu.vector_load %arg11[%get3A_1258] {strides = array<i32>} : memref<1280xf32, #tpu.memory_space<vmem>>, vector<16xf32>,
    %add3A_1260 = arith.addf %add3A_1257, %get3A_1259 : vector<16xf32>
    %get3A_1261 = arith.constant 1136 : index
    %get3A_1262 = tpu.vector_load %arg11[%get3A_1261] {strides = array<i32>} : memref<1280xf32, #tpu.memory_space<vmem>>, vector<16xf32>,
    %add3A_1263 = arith.addf %add3A_1260, %get3A_1262 : vector<16xf32>
    %swap3A_1264 = arith.constant 336 : index
    %swap3A_1265 = tpu.vector_load %arg13[%swap3A_1264] {strides = array<i32>} : memref<640xf32, #tpu.memory_space<vmem>>, vector<16xf32>,
    tpu.vector_store %arg13[%swap3A_1264], %add3A_1263 {strides = array<i32>} : memref<640xf32, #tpu.memory_space<vmem>>, vector<16xf32>,
    %get3A_1266 = arith.constant 32 : index
    %get3A_1267 = tpu.vector_load %arg11[%get3A_1266] {strides = array<i32>} : memref<1280xf32, #tpu.memory_space<vmem>>, vector<16xf32>,
    %get3A_1268 = arith.constant 192 : index
    %get3A_1269 = tpu.vector_load %arg11[%get3A_1268] {strides = array<i32>} : memref<1280xf32, #tpu.memory_space<vmem>>, vector<16xf32>,
    %add3A_1270 = arith.addf %get3A_1267, %get3A_1269 : vector<16xf32>
    %get3A_1271 = arith.constant 352 : index
    %get3A_1272 = tpu.vector_load %arg11[%get3A_1271] {strides = array<i32>} : memref<1280xf32, #tpu.memory_space<vmem>>, vector<16xf32>,
    %add3A_1273 = arith.addf %add3A_1270, %get3A_1272 : vector<16xf32>
    %get3A_1274 = arith.constant 512 : index
    %get3A_1275 = tpu.vector_load %arg11[%get3A_1274] {strides = array<i32>} : memref<1280xf32, #tpu.memory_space<vmem>>, vector<16xf32>,
    %add3A_1276 = arith.addf %add3A_1273, %get3A_1275 : vector<16xf32>
    %get3A_1277 = arith.constant 672 : index
    %get3A_1278 = tpu.vector_load %arg11[%get3A_1277] {strides = array<i32>} : memref<1280xf32, #tpu.memory_space<vmem>>, vector<16xf32>,
    %add3A_1279 = arith.addf %add3A_1276, %get3A_1278 : vector<16xf32>
    %get3A_1280 = arith.constant 832 : index
    %get3A_1281 = tpu.vector_load %arg11[%get3A_1280] {strides = array<i32>} : memref<1280xf32, #tpu.memory_space<vmem>>, vector<16xf32>,
    %add3A_1282 = arith.addf %add3A_1279, %get3A_1281 : vector<16xf32>
    %get3A_1283 = arith.constant 992 : index
    %get3A_1284 = tpu.vector_load %arg11[%get3A_1283] {strides = array<i32>} : memref<1280xf32, #tpu.memory_space<vmem>>, vector<16xf32>,
    %add3A_1285 = arith.addf %add3A_1282, %get3A_1284 : vector<16xf32>
    %get3A_1286 = arith.constant 1152 : index
    %get3A_1287 = tpu.vector_load %arg11[%get3A_1286] {strides = array<i32>} : memref<1280xf32, #tpu.memory_space<vmem>>, vector<16xf32>,
    %add3A_1288 = arith.addf %add3A_1285, %get3A_1287 : vector<16xf32>
    %swap3A_1289 = arith.constant 352 : index
    %swap3A_1290 = tpu.vector_load %arg13[%swap3A_1289] {strides = array<i32>} : memref<640xf32, #tpu.memory_space<vmem>>, vector<16xf32>,
    tpu.vector_store %arg13[%swap3A_1289], %add3A_1288 {strides = array<i32>} : memref<640xf32, #tpu.memory_space<vmem>>, vector<16xf32>,
    %get3A_1291 = arith.constant 48 : index
    %get3A_1292 = tpu.vector_load %arg11[%get3A_1291] {strides = array<i32>} : memref<1280xf32, #tpu.memory_space<vmem>>, vector<16xf32>,
    %get3A_1293 = arith.constant 208 : index
    %get3A_1294 = tpu.vector_load %arg11[%get3A_1293] {strides = array<i32>} : memref<1280xf32, #tpu.memory_space<vmem>>, vector<16xf32>,
    %add3A_1295 = arith.addf %get3A_1292, %get3A_1294 : vector<16xf32>
    %get3A_1296 = arith.constant 368 : index
    %get3A_1297 = tpu.vector_load %arg11[%get3A_1296] {strides = array<i32>} : memref<1280xf32, #tpu.memory_space<vmem>>, vector<16xf32>,
    %add3A_1298 = arith.addf %add3A_1295, %get3A_1297 : vector<16xf32>
    %get3A_1299 = arith.constant 528 : index
    %get3A_1300 = tpu.vector_load %arg11[%get3A_1299] {strides = array<i32>} : memref<1280xf32, #tpu.memory_space<vmem>>, vector<16xf32>,
    %add3A_1301 = arith.addf %add3A_1298, %get3A_1300 : vector<16xf32>
    %get3A_1302 = arith.constant 688 : index
    %get3A_1303 = tpu.vector_load %arg11[%get3A_1302] {strides = array<i32>} : memref<1280xf32, #tpu.memory_space<vmem>>, vector<16xf32>,
    %add3A_1304 = arith.addf %add3A_1301, %get3A_1303 : vector<16xf32>
    %get3A_1305 = arith.constant 848 : index
    %get3A_1306 = tpu.vector_load %arg11[%get3A_1305] {strides = array<i32>} : memref<1280xf32, #tpu.memory_space<vmem>>, vector<16xf32>,
    %add3A_1307 = arith.addf %add3A_1304, %get3A_1306 : vector<16xf32>
    %get3A_1308 = arith.constant 1008 : index
    %get3A_1309 = tpu.vector_load %arg11[%get3A_1308] {strides = array<i32>} : memref<1280xf32, #tpu.memory_space<vmem>>, vector<16xf32>,
    %add3A_1310 = arith.addf %add3A_1307, %get3A_1309 : vector<16xf32>
    %get3A_1311 = arith.constant 1168 : index
    %get3A_1312 = tpu.vector_load %arg11[%get3A_1311] {strides = array<i32>} : memref<1280xf32, #tpu.memory_space<vmem>>, vector<16xf32>,
    %add3A_1313 = arith.addf %add3A_1310, %get3A_1312 : vector<16xf32>
    %swap3A_1314 = arith.constant 368 : index
    %swap3A_1315 = tpu.vector_load %arg13[%swap3A_1314] {strides = array<i32>} : memref<640xf32, #tpu.memory_space<vmem>>, vector<16xf32>,
    tpu.vector_store %arg13[%swap3A_1314], %add3A_1313 {strides = array<i32>} : memref<640xf32, #tpu.memory_space<vmem>>, vector<16xf32>,
    %get3A_1316 = arith.constant 64 : index
    %get3A_1317 = tpu.vector_load %arg11[%get3A_1316] {strides = array<i32>} : memref<1280xf32, #tpu.memory_space<vmem>>, vector<16xf32>,
    %get3A_1318 = arith.constant 224 : index
    %get3A_1319 = tpu.vector_load %arg11[%get3A_1318] {strides = array<i32>} : memref<1280xf32, #tpu.memory_space<vmem>>, vector<16xf32>,
    %add3A_1320 = arith.addf %get3A_1317, %get3A_1319 : vector<16xf32>
    %get3A_1321 = arith.constant 384 : index
    %get3A_1322 = tpu.vector_load %arg11[%get3A_1321] {strides = array<i32>} : memref<1280xf32, #tpu.memory_space<vmem>>, vector<16xf32>,
    %add3A_1323 = arith.addf %add3A_1320, %get3A_1322 : vector<16xf32>
    %get3A_1324 = arith.constant 544 : index
    %get3A_1325 = tpu.vector_load %arg11[%get3A_1324] {strides = array<i32>} : memref<1280xf32, #tpu.memory_space<vmem>>, vector<16xf32>,
    %add3A_1326 = arith.addf %add3A_1323, %get3A_1325 : vector<16xf32>
    %get3A_1327 = arith.constant 704 : index
    %get3A_1328 = tpu.vector_load %arg11[%get3A_1327] {strides = array<i32>} : memref<1280xf32, #tpu.memory_space<vmem>>, vector<16xf32>,
    %add3A_1329 = arith.addf %add3A_1326, %get3A_1328 : vector<16xf32>
    %get3A_1330 = arith.constant 864 : index
    %get3A_1331 = tpu.vector_load %arg11[%get3A_1330] {strides = array<i32>} : memref<1280xf32, #tpu.memory_space<vmem>>, vector<16xf32>,
    %add3A_1332 = arith.addf %add3A_1329, %get3A_1331 : vector<16xf32>
    %get3A_1333 = arith.constant 1024 : index
    %get3A_1334 = tpu.vector_load %arg11[%get3A_1333] {strides = array<i32>} : memref<1280xf32, #tpu.memory_space<vmem>>, vector<16xf32>,
    %add3A_1335 = arith.addf %add3A_1332, %get3A_1334 : vector<16xf32>
    %get3A_1336 = arith.constant 1184 : index
    %get3A_1337 = tpu.vector_load %arg11[%get3A_1336] {strides = array<i32>} : memref<1280xf32, #tpu.memory_space<vmem>>, vector<16xf32>,
    %add3A_1338 = arith.addf %add3A_1335, %get3A_1337 : vector<16xf32>
    %swap3A_1339 = arith.constant 384 : index
    %swap3A_1340 = tpu.vector_load %arg13[%swap3A_1339] {strides = array<i32>} : memref<640xf32, #tpu.memory_space<vmem>>, vector<16xf32>,
    tpu.vector_store %arg13[%swap3A_1339], %add3A_1338 {strides = array<i32>} : memref<640xf32, #tpu.memory_space<vmem>>, vector<16xf32>,
    %get3A_1341 = arith.constant 80 : index
    %get3A_1342 = tpu.vector_load %arg11[%get3A_1341] {strides = array<i32>} : memref<1280xf32, #tpu.memory_space<vmem>>, vector<16xf32>,
    %get3A_1343 = arith.constant 240 : index
    %get3A_1344 = tpu.vector_load %arg11[%get3A_1343] {strides = array<i32>} : memref<1280xf32, #tpu.memory_space<vmem>>, vector<16xf32>,
    %add3A_1345 = arith.addf %get3A_1342, %get3A_1344 : vector<16xf32>
    %get3A_1346 = arith.constant 400 : index
    %get3A_1347 = tpu.vector_load %arg11[%get3A_1346] {strides = array<i32>} : memref<1280xf32, #tpu.memory_space<vmem>>, vector<16xf32>,
    %add3A_1348 = arith.addf %add3A_1345, %get3A_1347 : vector<16xf32>
    %get3A_1349 = arith.constant 560 : index
    %get3A_1350 = tpu.vector_load %arg11[%get3A_1349] {strides = array<i32>} : memref<1280xf32, #tpu.memory_space<vmem>>, vector<16xf32>,
    %add3A_1351 = arith.addf %add3A_1348, %get3A_1350 : vector<16xf32>
    %get3A_1352 = arith.constant 720 : index
    %get3A_1353 = tpu.vector_load %arg11[%get3A_1352] {strides = array<i32>} : memref<1280xf32, #tpu.memory_space<vmem>>, vector<16xf32>,
    %add3A_1354 = arith.addf %add3A_1351, %get3A_1353 : vector<16xf32>
    %get3A_1355 = arith.constant 880 : index
    %get3A_1356 = tpu.vector_load %arg11[%get3A_1355] {strides = array<i32>} : memref<1280xf32, #tpu.memory_space<vmem>>, vector<16xf32>,
    %add3A_1357 = arith.addf %add3A_1354, %get3A_1356 : vector<16xf32>
    %get3A_1358 = arith.constant 1040 : index
    %get3A_1359 = tpu.vector_load %arg11[%get3A_1358] {strides = array<i32>} : memref<1280xf32, #tpu.memory_space<vmem>>, vector<16xf32>,
    %add3A_1360 = arith.addf %add3A_1357, %get3A_1359 : vector<16xf32>
    %get3A_1361 = arith.constant 1200 : index
    %get3A_1362 = tpu.vector_load %arg11[%get3A_1361] {strides = array<i32>} : memref<1280xf32, #tpu.memory_space<vmem>>, vector<16xf32>,
    %add3A_1363 = arith.addf %add3A_1360, %get3A_1362 : vector<16xf32>
    %swap3A_1364 = arith.constant 400 : index
    %swap3A_1365 = tpu.vector_load %arg13[%swap3A_1364] {strides = array<i32>} : memref<640xf32, #tpu.memory_space<vmem>>, vector<16xf32>,
    tpu.vector_store %arg13[%swap3A_1364], %add3A_1363 {strides = array<i32>} : memref<640xf32, #tpu.memory_space<vmem>>, vector<16xf32>,
    %get3A_1366 = arith.constant 96 : index
    %get3A_1367 = tpu.vector_load %arg11[%get3A_1366] {strides = array<i32>} : memref<1280xf32, #tpu.memory_space<vmem>>, vector<16xf32>,
    %get3A_1368 = arith.constant 256 : index
    %get3A_1369 = tpu.vector_load %arg11[%get3A_1368] {strides = array<i32>} : memref<1280xf32, #tpu.memory_space<vmem>>, vector<16xf32>,
    %add3A_1370 = arith.addf %get3A_1367, %get3A_1369 : vector<16xf32>
    %get3A_1371 = arith.constant 416 : index
    %get3A_1372 = tpu.vector_load %arg11[%get3A_1371] {strides = array<i32>} : memref<1280xf32, #tpu.memory_space<vmem>>, vector<16xf32>,
    %add3A_1373 = arith.addf %add3A_1370, %get3A_1372 : vector<16xf32>
    %get3A_1374 = arith.constant 576 : index
    %get3A_1375 = tpu.vector_load %arg11[%get3A_1374] {strides = array<i32>} : memref<1280xf32, #tpu.memory_space<vmem>>, vector<16xf32>,
    %add3A_1376 = arith.addf %add3A_1373, %get3A_1375 : vector<16xf32>
    %get3A_1377 = arith.constant 736 : index
    %get3A_1378 = tpu.vector_load %arg11[%get3A_1377] {strides = array<i32>} : memref<1280xf32, #tpu.memory_space<vmem>>, vector<16xf32>,
    %add3A_1379 = arith.addf %add3A_1376, %get3A_1378 : vector<16xf32>
    %get3A_1380 = arith.constant 896 : index
    %get3A_1381 = tpu.vector_load %arg11[%get3A_1380] {strides = array<i32>} : memref<1280xf32, #tpu.memory_space<vmem>>, vector<16xf32>,
    %add3A_1382 = arith.addf %add3A_1379, %get3A_1381 : vector<16xf32>
    %get3A_1383 = arith.constant 1056 : index
    %get3A_1384 = tpu.vector_load %arg11[%get3A_1383] {strides = array<i32>} : memref<1280xf32, #tpu.memory_space<vmem>>, vector<16xf32>,
    %add3A_1385 = arith.addf %add3A_1382, %get3A_1384 : vector<16xf32>
    %get3A_1386 = arith.constant 1216 : index
    %get3A_1387 = tpu.vector_load %arg11[%get3A_1386] {strides = array<i32>} : memref<1280xf32, #tpu.memory_space<vmem>>, vector<16xf32>,
    %add3A_1388 = arith.addf %add3A_1385, %get3A_1387 : vector<16xf32>
    %swap3A_1389 = arith.constant 416 : index
    %swap3A_1390 = tpu.vector_load %arg13[%swap3A_1389] {strides = array<i32>} : memref<640xf32, #tpu.memory_space<vmem>>, vector<16xf32>,
    tpu.vector_store %arg13[%swap3A_1389], %add3A_1388 {strides = array<i32>} : memref<640xf32, #tpu.memory_space<vmem>>, vector<16xf32>,
    %get3A_1391 = arith.constant 112 : index
    %get3A_1392 = tpu.vector_load %arg11[%get3A_1391] {strides = array<i32>} : memref<1280xf32, #tpu.memory_space<vmem>>, vector<16xf32>,
    %get3A_1393 = arith.constant 272 : index
    %get3A_1394 = tpu.vector_load %arg11[%get3A_1393] {strides = array<i32>} : memref<1280xf32, #tpu.memory_space<vmem>>, vector<16xf32>,
    %add3A_1395 = arith.addf %get3A_1392, %get3A_1394 : vector<16xf32>
    %get3A_1396 = arith.constant 432 : index
    %get3A_1397 = tpu.vector_load %arg11[%get3A_1396] {strides = array<i32>} : memref<1280xf32, #tpu.memory_space<vmem>>, vector<16xf32>,
    %add3A_1398 = arith.addf %add3A_1395, %get3A_1397 : vector<16xf32>
    %get3A_1399 = arith.constant 592 : index
    %get3A_1400 = tpu.vector_load %arg11[%get3A_1399] {strides = array<i32>} : memref<1280xf32, #tpu.memory_space<vmem>>, vector<16xf32>,
    %add3A_1401 = arith.addf %add3A_1398, %get3A_1400 : vector<16xf32>
    %get3A_1402 = arith.constant 752 : index
    %get3A_1403 = tpu.vector_load %arg11[%get3A_1402] {strides = array<i32>} : memref<1280xf32, #tpu.memory_space<vmem>>, vector<16xf32>,
    %add3A_1404 = arith.addf %add3A_1401, %get3A_1403 : vector<16xf32>
    %get3A_1405 = arith.constant 912 : index
    %get3A_1406 = tpu.vector_load %arg11[%get3A_1405] {strides = array<i32>} : memref<1280xf32, #tpu.memory_space<vmem>>, vector<16xf32>,
    %add3A_1407 = arith.addf %add3A_1404, %get3A_1406 : vector<16xf32>
    %get3A_1408 = arith.constant 1072 : index
    %get3A_1409 = tpu.vector_load %arg11[%get3A_1408] {strides = array<i32>} : memref<1280xf32, #tpu.memory_space<vmem>>, vector<16xf32>,
    %add3A_1410 = arith.addf %add3A_1407, %get3A_1409 : vector<16xf32>
    %get3A_1411 = arith.constant 1232 : index
    %get3A_1412 = tpu.vector_load %arg11[%get3A_1411] {strides = array<i32>} : memref<1280xf32, #tpu.memory_space<vmem>>, vector<16xf32>,
    %add3A_1413 = arith.addf %add3A_1410, %get3A_1412 : vector<16xf32>
    %swap3A_1414 = arith.constant 432 : index
    %swap3A_1415 = tpu.vector_load %arg13[%swap3A_1414] {strides = array<i32>} : memref<640xf32, #tpu.memory_space<vmem>>, vector<16xf32>,
    tpu.vector_store %arg13[%swap3A_1414], %add3A_1413 {strides = array<i32>} : memref<640xf32, #tpu.memory_space<vmem>>, vector<16xf32>,
    %get3A_1416 = arith.constant 128 : index
    %get3A_1417 = tpu.vector_load %arg11[%get3A_1416] {strides = array<i32>} : memref<1280xf32, #tpu.memory_space<vmem>>, vector<16xf32>,
    %get3A_1418 = arith.constant 288 : index
    %get3A_1419 = tpu.vector_load %arg11[%get3A_1418] {strides = array<i32>} : memref<1280xf32, #tpu.memory_space<vmem>>, vector<16xf32>,
    %add3A_1420 = arith.addf %get3A_1417, %get3A_1419 : vector<16xf32>
    %get3A_1421 = arith.constant 448 : index
    %get3A_1422 = tpu.vector_load %arg11[%get3A_1421] {strides = array<i32>} : memref<1280xf32, #tpu.memory_space<vmem>>, vector<16xf32>,
    %add3A_1423 = arith.addf %add3A_1420, %get3A_1422 : vector<16xf32>
    %get3A_1424 = arith.constant 608 : index
    %get3A_1425 = tpu.vector_load %arg11[%get3A_1424] {strides = array<i32>} : memref<1280xf32, #tpu.memory_space<vmem>>, vector<16xf32>,
    %add3A_1426 = arith.addf %add3A_1423, %get3A_1425 : vector<16xf32>
    %get3A_1427 = arith.constant 768 : index
    %get3A_1428 = tpu.vector_load %arg11[%get3A_1427] {strides = array<i32>} : memref<1280xf32, #tpu.memory_space<vmem>>, vector<16xf32>,
    %add3A_1429 = arith.addf %add3A_1426, %get3A_1428 : vector<16xf32>
    %get3A_1430 = arith.constant 928 : index
    %get3A_1431 = tpu.vector_load %arg11[%get3A_1430] {strides = array<i32>} : memref<1280xf32, #tpu.memory_space<vmem>>, vector<16xf32>,
    %add3A_1432 = arith.addf %add3A_1429, %get3A_1431 : vector<16xf32>
    %get3A_1433 = arith.constant 1088 : index
    %get3A_1434 = tpu.vector_load %arg11[%get3A_1433] {strides = array<i32>} : memref<1280xf32, #tpu.memory_space<vmem>>, vector<16xf32>,
    %add3A_1435 = arith.addf %add3A_1432, %get3A_1434 : vector<16xf32>
    %get3A_1436 = arith.constant 1248 : index
    %get3A_1437 = tpu.vector_load %arg11[%get3A_1436] {strides = array<i32>} : memref<1280xf32, #tpu.memory_space<vmem>>, vector<16xf32>,
    %add3A_1438 = arith.addf %add3A_1435, %get3A_1437 : vector<16xf32>
    %swap3A_1439 = arith.constant 448 : index
    %swap3A_1440 = tpu.vector_load %arg13[%swap3A_1439] {strides = array<i32>} : memref<640xf32, #tpu.memory_space<vmem>>, vector<16xf32>,
    tpu.vector_store %arg13[%swap3A_1439], %add3A_1438 {strides = array<i32>} : memref<640xf32, #tpu.memory_space<vmem>>, vector<16xf32>,
    %get3A_1441 = arith.constant 144 : index
    %get3A_1442 = tpu.vector_load %arg11[%get3A_1441] {strides = array<i32>} : memref<1280xf32, #tpu.memory_space<vmem>>, vector<16xf32>,
    %get3A_1443 = arith.constant 304 : index
    %get3A_1444 = tpu.vector_load %arg11[%get3A_1443] {strides = array<i32>} : memref<1280xf32, #tpu.memory_space<vmem>>, vector<16xf32>,
    %add3A_1445 = arith.addf %get3A_1442, %get3A_1444 : vector<16xf32>
    %get3A_1446 = arith.constant 464 : index
    %get3A_1447 = tpu.vector_load %arg11[%get3A_1446] {strides = array<i32>} : memref<1280xf32, #tpu.memory_space<vmem>>, vector<16xf32>,
    %add3A_1448 = arith.addf %add3A_1445, %get3A_1447 : vector<16xf32>
    %get3A_1449 = arith.constant 624 : index
    %get3A_1450 = tpu.vector_load %arg11[%get3A_1449] {strides = array<i32>} : memref<1280xf32, #tpu.memory_space<vmem>>, vector<16xf32>,
    %add3A_1451 = arith.addf %add3A_1448, %get3A_1450 : vector<16xf32>
    %get3A_1452 = arith.constant 784 : index
    %get3A_1453 = tpu.vector_load %arg11[%get3A_1452] {strides = array<i32>} : memref<1280xf32, #tpu.memory_space<vmem>>, vector<16xf32>,
    %add3A_1454 = arith.addf %add3A_1451, %get3A_1453 : vector<16xf32>
    %get3A_1455 = arith.constant 944 : index
    %get3A_1456 = tpu.vector_load %arg11[%get3A_1455] {strides = array<i32>} : memref<1280xf32, #tpu.memory_space<vmem>>, vector<16xf32>,
    %add3A_1457 = arith.addf %add3A_1454, %get3A_1456 : vector<16xf32>
    %get3A_1458 = arith.constant 1104 : index
    %get3A_1459 = tpu.vector_load %arg11[%get3A_1458] {strides = array<i32>} : memref<1280xf32, #tpu.memory_space<vmem>>, vector<16xf32>,
    %add3A_1460 = arith.addf %add3A_1457, %get3A_1459 : vector<16xf32>
    %get3A_1461 = arith.constant 1264 : index
    %get3A_1462 = tpu.vector_load %arg11[%get3A_1461] {strides = array<i32>} : memref<1280xf32, #tpu.memory_space<vmem>>, vector<16xf32>,
    %add3A_1463 = arith.addf %add3A_1460, %get3A_1462 : vector<16xf32>
    %swap3A_1464 = arith.constant 464 : index
    %swap3A_1465 = tpu.vector_load %arg13[%swap3A_1464] {strides = array<i32>} : memref<640xf32, #tpu.memory_space<vmem>>, vector<16xf32>,
    tpu.vector_store %arg13[%swap3A_1464], %add3A_1463 {strides = array<i32>} : memref<640xf32, #tpu.memory_space<vmem>>, vector<16xf32>,
    %get3A_1466 = arith.constant 0 : index
    %get3A_1467 = tpu.vector_load %arg12[%get3A_1466] {strides = array<i32>} : memref<1280xf32, #tpu.memory_space<vmem>>, vector<16xf32>,
    %get3A_1468 = arith.constant 160 : index
    %get3A_1469 = tpu.vector_load %arg12[%get3A_1468] {strides = array<i32>} : memref<1280xf32, #tpu.memory_space<vmem>>, vector<16xf32>,
    %add3A_1470 = arith.addf %get3A_1467, %get3A_1469 : vector<16xf32>
    %get3A_1471 = arith.constant 320 : index
    %get3A_1472 = tpu.vector_load %arg12[%get3A_1471] {strides = array<i32>} : memref<1280xf32, #tpu.memory_space<vmem>>, vector<16xf32>,
    %add3A_1473 = arith.addf %add3A_1470, %get3A_1472 : vector<16xf32>
    %get3A_1474 = arith.constant 480 : index
    %get3A_1475 = tpu.vector_load %arg12[%get3A_1474] {strides = array<i32>} : memref<1280xf32, #tpu.memory_space<vmem>>, vector<16xf32>,
    %add3A_1476 = arith.addf %add3A_1473, %get3A_1475 : vector<16xf32>
    %get3A_1477 = arith.constant 640 : index
    %get3A_1478 = tpu.vector_load %arg12[%get3A_1477] {strides = array<i32>} : memref<1280xf32, #tpu.memory_space<vmem>>, vector<16xf32>,
    %add3A_1479 = arith.addf %add3A_1476, %get3A_1478 : vector<16xf32>
    %get3A_1480 = arith.constant 800 : index
    %get3A_1481 = tpu.vector_load %arg12[%get3A_1480] {strides = array<i32>} : memref<1280xf32, #tpu.memory_space<vmem>>, vector<16xf32>,
    %add3A_1482 = arith.addf %add3A_1479, %get3A_1481 : vector<16xf32>
    %get3A_1483 = arith.constant 960 : index
    %get3A_1484 = tpu.vector_load %arg12[%get3A_1483] {strides = array<i32>} : memref<1280xf32, #tpu.memory_space<vmem>>, vector<16xf32>,
    %add3A_1485 = arith.addf %add3A_1482, %get3A_1484 : vector<16xf32>
    %get3A_1486 = arith.constant 1120 : index
    %get3A_1487 = tpu.vector_load %arg12[%get3A_1486] {strides = array<i32>} : memref<1280xf32, #tpu.memory_space<vmem>>, vector<16xf32>,
    %add3A_1488 = arith.addf %add3A_1485, %get3A_1487 : vector<16xf32>
    %swap3A_1489 = arith.constant 480 : index
    %swap3A_1490 = tpu.vector_load %arg13[%swap3A_1489] {strides = array<i32>} : memref<640xf32, #tpu.memory_space<vmem>>, vector<16xf32>,
    tpu.vector_store %arg13[%swap3A_1489], %add3A_1488 {strides = array<i32>} : memref<640xf32, #tpu.memory_space<vmem>>, vector<16xf32>,
    %get3A_1491 = arith.constant 16 : index
    %get3A_1492 = tpu.vector_load %arg12[%get3A_1491] {strides = array<i32>} : memref<1280xf32, #tpu.memory_space<vmem>>, vector<16xf32>,
    %get3A_1493 = arith.constant 176 : index
    %get3A_1494 = tpu.vector_load %arg12[%get3A_1493] {strides = array<i32>} : memref<1280xf32, #tpu.memory_space<vmem>>, vector<16xf32>,
    %add3A_1495 = arith.addf %get3A_1492, %get3A_1494 : vector<16xf32>
    %get3A_1496 = arith.constant 336 : index
    %get3A_1497 = tpu.vector_load %arg12[%get3A_1496] {strides = array<i32>} : memref<1280xf32, #tpu.memory_space<vmem>>, vector<16xf32>,
    %add3A_1498 = arith.addf %add3A_1495, %get3A_1497 : vector<16xf32>
    %get3A_1499 = arith.constant 496 : index
    %get3A_1500 = tpu.vector_load %arg12[%get3A_1499] {strides = array<i32>} : memref<1280xf32, #tpu.memory_space<vmem>>, vector<16xf32>,
    %add3A_1501 = arith.addf %add3A_1498, %get3A_1500 : vector<16xf32>
    %get3A_1502 = arith.constant 656 : index
    %get3A_1503 = tpu.vector_load %arg12[%get3A_1502] {strides = array<i32>} : memref<1280xf32, #tpu.memory_space<vmem>>, vector<16xf32>,
    %add3A_1504 = arith.addf %add3A_1501, %get3A_1503 : vector<16xf32>
    %get3A_1505 = arith.constant 816 : index
    %get3A_1506 = tpu.vector_load %arg12[%get3A_1505] {strides = array<i32>} : memref<1280xf32, #tpu.memory_space<vmem>>, vector<16xf32>,
    %add3A_1507 = arith.addf %add3A_1504, %get3A_1506 : vector<16xf32>
    %get3A_1508 = arith.constant 976 : index
    %get3A_1509 = tpu.vector_load %arg12[%get3A_1508] {strides = array<i32>} : memref<1280xf32, #tpu.memory_space<vmem>>, vector<16xf32>,
    %add3A_1510 = arith.addf %add3A_1507, %get3A_1509 : vector<16xf32>
    %get3A_1511 = arith.constant 1136 : index
    %get3A_1512 = tpu.vector_load %arg12[%get3A_1511] {strides = array<i32>} : memref<1280xf32, #tpu.memory_space<vmem>>, vector<16xf32>,
    %add3A_1513 = arith.addf %add3A_1510, %get3A_1512 : vector<16xf32>
    %swap3A_1514 = arith.constant 496 : index
    %swap3A_1515 = tpu.vector_load %arg13[%swap3A_1514] {strides = array<i32>} : memref<640xf32, #tpu.memory_space<vmem>>, vector<16xf32>,
    tpu.vector_store %arg13[%swap3A_1514], %add3A_1513 {strides = array<i32>} : memref<640xf32, #tpu.memory_space<vmem>>, vector<16xf32>,
    %get3A_1516 = arith.constant 32 : index
    %get3A_1517 = tpu.vector_load %arg12[%get3A_1516] {strides = array<i32>} : memref<1280xf32, #tpu.memory_space<vmem>>, vector<16xf32>,
    %get3A_1518 = arith.constant 192 : index
    %get3A_1519 = tpu.vector_load %arg12[%get3A_1518] {strides = array<i32>} : memref<1280xf32, #tpu.memory_space<vmem>>, vector<16xf32>,
    %add3A_1520 = arith.addf %get3A_1517, %get3A_1519 : vector<16xf32>
    %get3A_1521 = arith.constant 352 : index
    %get3A_1522 = tpu.vector_load %arg12[%get3A_1521] {strides = array<i32>} : memref<1280xf32, #tpu.memory_space<vmem>>, vector<16xf32>,
    %add3A_1523 = arith.addf %add3A_1520, %get3A_1522 : vector<16xf32>
    %get3A_1524 = arith.constant 512 : index
    %get3A_1525 = tpu.vector_load %arg12[%get3A_1524] {strides = array<i32>} : memref<1280xf32, #tpu.memory_space<vmem>>, vector<16xf32>,
    %add3A_1526 = arith.addf %add3A_1523, %get3A_1525 : vector<16xf32>
    %get3A_1527 = arith.constant 672 : index
    %get3A_1528 = tpu.vector_load %arg12[%get3A_1527] {strides = array<i32>} : memref<1280xf32, #tpu.memory_space<vmem>>, vector<16xf32>,
    %add3A_1529 = arith.addf %add3A_1526, %get3A_1528 : vector<16xf32>
    %get3A_1530 = arith.constant 832 : index
    %get3A_1531 = tpu.vector_load %arg12[%get3A_1530] {strides = array<i32>} : memref<1280xf32, #tpu.memory_space<vmem>>, vector<16xf32>,
    %add3A_1532 = arith.addf %add3A_1529, %get3A_1531 : vector<16xf32>
    %get3A_1533 = arith.constant 992 : index
    %get3A_1534 = tpu.vector_load %arg12[%get3A_1533] {strides = array<i32>} : memref<1280xf32, #tpu.memory_space<vmem>>, vector<16xf32>,
    %add3A_1535 = arith.addf %add3A_1532, %get3A_1534 : vector<16xf32>
    %get3A_1536 = arith.constant 1152 : index
    %get3A_1537 = tpu.vector_load %arg12[%get3A_1536] {strides = array<i32>} : memref<1280xf32, #tpu.memory_space<vmem>>, vector<16xf32>,
    %add3A_1538 = arith.addf %add3A_1535, %get3A_1537 : vector<16xf32>
    %swap3A_1539 = arith.constant 512 : index
    %swap3A_1540 = tpu.vector_load %arg13[%swap3A_1539] {strides = array<i32>} : memref<640xf32, #tpu.memory_space<vmem>>, vector<16xf32>,
    tpu.vector_store %arg13[%swap3A_1539], %add3A_1538 {strides = array<i32>} : memref<640xf32, #tpu.memory_space<vmem>>, vector<16xf32>,
    %get3A_1541 = arith.constant 48 : index
    %get3A_1542 = tpu.vector_load %arg12[%get3A_1541] {strides = array<i32>} : memref<1280xf32, #tpu.memory_space<vmem>>, vector<16xf32>,
    %get3A_1543 = arith.constant 208 : index
    %get3A_1544 = tpu.vector_load %arg12[%get3A_1543] {strides = array<i32>} : memref<1280xf32, #tpu.memory_space<vmem>>, vector<16xf32>,
    %add3A_1545 = arith.addf %get3A_1542, %get3A_1544 : vector<16xf32>
    %get3A_1546 = arith.constant 368 : index
    %get3A_1547 = tpu.vector_load %arg12[%get3A_1546] {strides = array<i32>} : memref<1280xf32, #tpu.memory_space<vmem>>, vector<16xf32>,
    %add3A_1548 = arith.addf %add3A_1545, %get3A_1547 : vector<16xf32>
    %get3A_1549 = arith.constant 528 : index
    %get3A_1550 = tpu.vector_load %arg12[%get3A_1549] {strides = array<i32>} : memref<1280xf32, #tpu.memory_space<vmem>>, vector<16xf32>,
    %add3A_1551 = arith.addf %add3A_1548, %get3A_1550 : vector<16xf32>
    %get3A_1552 = arith.constant 688 : index
    %get3A_1553 = tpu.vector_load %arg12[%get3A_1552] {strides = array<i32>} : memref<1280xf32, #tpu.memory_space<vmem>>, vector<16xf32>,
    %add3A_1554 = arith.addf %add3A_1551, %get3A_1553 : vector<16xf32>
    %get3A_1555 = arith.constant 848 : index
    %get3A_1556 = tpu.vector_load %arg12[%get3A_1555] {strides = array<i32>} : memref<1280xf32, #tpu.memory_space<vmem>>, vector<16xf32>,
    %add3A_1557 = arith.addf %add3A_1554, %get3A_1556 : vector<16xf32>
    %get3A_1558 = arith.constant 1008 : index
    %get3A_1559 = tpu.vector_load %arg12[%get3A_1558] {strides = array<i32>} : memref<1280xf32, #tpu.memory_space<vmem>>, vector<16xf32>,
    %add3A_1560 = arith.addf %add3A_1557, %get3A_1559 : vector<16xf32>
    %get3A_1561 = arith.constant 1168 : index
    %get3A_1562 = tpu.vector_load %arg12[%get3A_1561] {strides = array<i32>} : memref<1280xf32, #tpu.memory_space<vmem>>, vector<16xf32>,
    %add3A_1563 = arith.addf %add3A_1560, %get3A_1562 : vector<16xf32>
    %swap3A_1564 = arith.constant 528 : index
    %swap3A_1565 = tpu.vector_load %arg13[%swap3A_1564] {strides = array<i32>} : memref<640xf32, #tpu.memory_space<vmem>>, vector<16xf32>,
    tpu.vector_store %arg13[%swap3A_1564], %add3A_1563 {strides = array<i32>} : memref<640xf32, #tpu.memory_space<vmem>>, vector<16xf32>,
    %get3A_1566 = arith.constant 64 : index
    %get3A_1567 = tpu.vector_load %arg12[%get3A_1566] {strides = array<i32>} : memref<1280xf32, #tpu.memory_space<vmem>>, vector<16xf32>,
    %get3A_1568 = arith.constant 224 : index
    %get3A_1569 = tpu.vector_load %arg12[%get3A_1568] {strides = array<i32>} : memref<1280xf32, #tpu.memory_space<vmem>>, vector<16xf32>,
    %add3A_1570 = arith.addf %get3A_1567, %get3A_1569 : vector<16xf32>
    %get3A_1571 = arith.constant 384 : index
    %get3A_1572 = tpu.vector_load %arg12[%get3A_1571] {strides = array<i32>} : memref<1280xf32, #tpu.memory_space<vmem>>, vector<16xf32>,
    %add3A_1573 = arith.addf %add3A_1570, %get3A_1572 : vector<16xf32>
    %get3A_1574 = arith.constant 544 : index
    %get3A_1575 = tpu.vector_load %arg12[%get3A_1574] {strides = array<i32>} : memref<1280xf32, #tpu.memory_space<vmem>>, vector<16xf32>,
    %add3A_1576 = arith.addf %add3A_1573, %get3A_1575 : vector<16xf32>
    %get3A_1577 = arith.constant 704 : index
    %get3A_1578 = tpu.vector_load %arg12[%get3A_1577] {strides = array<i32>} : memref<1280xf32, #tpu.memory_space<vmem>>, vector<16xf32>,
    %add3A_1579 = arith.addf %add3A_1576, %get3A_1578 : vector<16xf32>
    %get3A_1580 = arith.constant 864 : index
    %get3A_1581 = tpu.vector_load %arg12[%get3A_1580] {strides = array<i32>} : memref<1280xf32, #tpu.memory_space<vmem>>, vector<16xf32>,
    %add3A_1582 = arith.addf %add3A_1579, %get3A_1581 : vector<16xf32>
    %get3A_1583 = arith.constant 1024 : index
    %get3A_1584 = tpu.vector_load %arg12[%get3A_1583] {strides = array<i32>} : memref<1280xf32, #tpu.memory_space<vmem>>, vector<16xf32>,
    %add3A_1585 = arith.addf %add3A_1582, %get3A_1584 : vector<16xf32>
    %get3A_1586 = arith.constant 1184 : index
    %get3A_1587 = tpu.vector_load %arg12[%get3A_1586] {strides = array<i32>} : memref<1280xf32, #tpu.memory_space<vmem>>, vector<16xf32>,
    %add3A_1588 = arith.addf %add3A_1585, %get3A_1587 : vector<16xf32>
    %swap3A_1589 = arith.constant 544 : index
    %swap3A_1590 = tpu.vector_load %arg13[%swap3A_1589] {strides = array<i32>} : memref<640xf32, #tpu.memory_space<vmem>>, vector<16xf32>,
    tpu.vector_store %arg13[%swap3A_1589], %add3A_1588 {strides = array<i32>} : memref<640xf32, #tpu.memory_space<vmem>>, vector<16xf32>,
    %get3A_1591 = arith.constant 80 : index
    %get3A_1592 = tpu.vector_load %arg12[%get3A_1591] {strides = array<i32>} : memref<1280xf32, #tpu.memory_space<vmem>>, vector<16xf32>,
    %get3A_1593 = arith.constant 240 : index
    %get3A_1594 = tpu.vector_load %arg12[%get3A_1593] {strides = array<i32>} : memref<1280xf32, #tpu.memory_space<vmem>>, vector<16xf32>,
    %add3A_1595 = arith.addf %get3A_1592, %get3A_1594 : vector<16xf32>
    %get3A_1596 = arith.constant 400 : index
    %get3A_1597 = tpu.vector_load %arg12[%get3A_1596] {strides = array<i32>} : memref<1280xf32, #tpu.memory_space<vmem>>, vector<16xf32>,
    %add3A_1598 = arith.addf %add3A_1595, %get3A_1597 : vector<16xf32>
    %get3A_1599 = arith.constant 560 : index
    %get3A_1600 = tpu.vector_load %arg12[%get3A_1599] {strides = array<i32>} : memref<1280xf32, #tpu.memory_space<vmem>>, vector<16xf32>,
    %add3A_1601 = arith.addf %add3A_1598, %get3A_1600 : vector<16xf32>
    %get3A_1602 = arith.constant 720 : index
    %get3A_1603 = tpu.vector_load %arg12[%get3A_1602] {strides = array<i32>} : memref<1280xf32, #tpu.memory_space<vmem>>, vector<16xf32>,
    %add3A_1604 = arith.addf %add3A_1601, %get3A_1603 : vector<16xf32>
    %get3A_1605 = arith.constant 880 : index
    %get3A_1606 = tpu.vector_load %arg12[%get3A_1605] {strides = array<i32>} : memref<1280xf32, #tpu.memory_space<vmem>>, vector<16xf32>,
    %add3A_1607 = arith.addf %add3A_1604, %get3A_1606 : vector<16xf32>
    %get3A_1608 = arith.constant 1040 : index
    %get3A_1609 = tpu.vector_load %arg12[%get3A_1608] {strides = array<i32>} : memref<1280xf32, #tpu.memory_space<vmem>>, vector<16xf32>,
    %add3A_1610 = arith.addf %add3A_1607, %get3A_1609 : vector<16xf32>
    %get3A_1611 = arith.constant 1200 : index
    %get3A_1612 = tpu.vector_load %arg12[%get3A_1611] {strides = array<i32>} : memref<1280xf32, #tpu.memory_space<vmem>>, vector<16xf32>,
    %add3A_1613 = arith.addf %add3A_1610, %get3A_1612 : vector<16xf32>
    %swap3A_1614 = arith.constant 560 : index
    %swap3A_1615 = tpu.vector_load %arg13[%swap3A_1614] {strides = array<i32>} : memref<640xf32, #tpu.memory_space<vmem>>, vector<16xf32>,
    tpu.vector_store %arg13[%swap3A_1614], %add3A_1613 {strides = array<i32>} : memref<640xf32, #tpu.memory_space<vmem>>, vector<16xf32>,
    %get3A_1616 = arith.constant 96 : index
    %get3A_1617 = tpu.vector_load %arg12[%get3A_1616] {strides = array<i32>} : memref<1280xf32, #tpu.memory_space<vmem>>, vector<16xf32>,
    %get3A_1618 = arith.constant 256 : index
    %get3A_1619 = tpu.vector_load %arg12[%get3A_1618] {strides = array<i32>} : memref<1280xf32, #tpu.memory_space<vmem>>, vector<16xf32>,
    %add3A_1620 = arith.addf %get3A_1617, %get3A_1619 : vector<16xf32>
    %get3A_1621 = arith.constant 416 : index
    %get3A_1622 = tpu.vector_load %arg12[%get3A_1621] {strides = array<i32>} : memref<1280xf32, #tpu.memory_space<vmem>>, vector<16xf32>,
    %add3A_1623 = arith.addf %add3A_1620, %get3A_1622 : vector<16xf32>
    %get3A_1624 = arith.constant 576 : index
    %get3A_1625 = tpu.vector_load %arg12[%get3A_1624] {strides = array<i32>} : memref<1280xf32, #tpu.memory_space<vmem>>, vector<16xf32>,
    %add3A_1626 = arith.addf %add3A_1623, %get3A_1625 : vector<16xf32>
    %get3A_1627 = arith.constant 736 : index
    %get3A_1628 = tpu.vector_load %arg12[%get3A_1627] {strides = array<i32>} : memref<1280xf32, #tpu.memory_space<vmem>>, vector<16xf32>,
    %add3A_1629 = arith.addf %add3A_1626, %get3A_1628 : vector<16xf32>
    %get3A_1630 = arith.constant 896 : index
    %get3A_1631 = tpu.vector_load %arg12[%get3A_1630] {strides = array<i32>} : memref<1280xf32, #tpu.memory_space<vmem>>, vector<16xf32>,
    %add3A_1632 = arith.addf %add3A_1629, %get3A_1631 : vector<16xf32>
    %get3A_1633 = arith.constant 1056 : index
    %get3A_1634 = tpu.vector_load %arg12[%get3A_1633] {strides = array<i32>} : memref<1280xf32, #tpu.memory_space<vmem>>, vector<16xf32>,
    %add3A_1635 = arith.addf %add3A_1632, %get3A_1634 : vector<16xf32>
    %get3A_1636 = arith.constant 1216 : index
    %get3A_1637 = tpu.vector_load %arg12[%get3A_1636] {strides = array<i32>} : memref<1280xf32, #tpu.memory_space<vmem>>, vector<16xf32>,
    %add3A_1638 = arith.addf %add3A_1635, %get3A_1637 : vector<16xf32>
    %swap3A_1639 = arith.constant 576 : index
    %swap3A_1640 = tpu.vector_load %arg13[%swap3A_1639] {strides = array<i32>} : memref<640xf32, #tpu.memory_space<vmem>>, vector<16xf32>,
    tpu.vector_store %arg13[%swap3A_1639], %add3A_1638 {strides = array<i32>} : memref<640xf32, #tpu.memory_space<vmem>>, vector<16xf32>,
    %get3A_1641 = arith.constant 112 : index
    %get3A_1642 = tpu.vector_load %arg12[%get3A_1641] {strides = array<i32>} : memref<1280xf32, #tpu.memory_space<vmem>>, vector<16xf32>,
    %get3A_1643 = arith.constant 272 : index
    %get3A_1644 = tpu.vector_load %arg12[%get3A_1643] {strides = array<i32>} : memref<1280xf32, #tpu.memory_space<vmem>>, vector<16xf32>,
    %add3A_1645 = arith.addf %get3A_1642, %get3A_1644 : vector<16xf32>
    %get3A_1646 = arith.constant 432 : index
    %get3A_1647 = tpu.vector_load %arg12[%get3A_1646] {strides = array<i32>} : memref<1280xf32, #tpu.memory_space<vmem>>, vector<16xf32>,
    %add3A_1648 = arith.addf %add3A_1645, %get3A_1647 : vector<16xf32>
    %get3A_1649 = arith.constant 592 : index
    %get3A_1650 = tpu.vector_load %arg12[%get3A_1649] {strides = array<i32>} : memref<1280xf32, #tpu.memory_space<vmem>>, vector<16xf32>,
    %add3A_1651 = arith.addf %add3A_1648, %get3A_1650 : vector<16xf32>
    %get3A_1652 = arith.constant 752 : index
    %get3A_1653 = tpu.vector_load %arg12[%get3A_1652] {strides = array<i32>} : memref<1280xf32, #tpu.memory_space<vmem>>, vector<16xf32>,
    %add3A_1654 = arith.addf %add3A_1651, %get3A_1653 : vector<16xf32>
    %get3A_1655 = arith.constant 912 : index
    %get3A_1656 = tpu.vector_load %arg12[%get3A_1655] {strides = array<i32>} : memref<1280xf32, #tpu.memory_space<vmem>>, vector<16xf32>,
    %add3A_1657 = arith.addf %add3A_1654, %get3A_1656 : vector<16xf32>
    %get3A_1658 = arith.constant 1072 : index
    %get3A_1659 = tpu.vector_load %arg12[%get3A_1658] {strides = array<i32>} : memref<1280xf32, #tpu.memory_space<vmem>>, vector<16xf32>,
    %add3A_1660 = arith.addf %add3A_1657, %get3A_1659 : vector<16xf32>
    %get3A_1661 = arith.constant 1232 : index
    %get3A_1662 = tpu.vector_load %arg12[%get3A_1661] {strides = array<i32>} : memref<1280xf32, #tpu.memory_space<vmem>>, vector<16xf32>,
    %add3A_1663 = arith.addf %add3A_1660, %get3A_1662 : vector<16xf32>
    %swap3A_1664 = arith.constant 592 : index
    %swap3A_1665 = tpu.vector_load %arg13[%swap3A_1664] {strides = array<i32>} : memref<640xf32, #tpu.memory_space<vmem>>, vector<16xf32>,
    tpu.vector_store %arg13[%swap3A_1664], %add3A_1663 {strides = array<i32>} : memref<640xf32, #tpu.memory_space<vmem>>, vector<16xf32>,
    %get3A_1666 = arith.constant 128 : index
    %get3A_1667 = tpu.vector_load %arg12[%get3A_1666] {strides = array<i32>} : memref<1280xf32, #tpu.memory_space<vmem>>, vector<16xf32>,
    %get3A_1668 = arith.constant 288 : index
    %get3A_1669 = tpu.vector_load %arg12[%get3A_1668] {strides = array<i32>} : memref<1280xf32, #tpu.memory_space<vmem>>, vector<16xf32>,
    %add3A_1670 = arith.addf %get3A_1667, %get3A_1669 : vector<16xf32>
    %get3A_1671 = arith.constant 448 : index
    %get3A_1672 = tpu.vector_load %arg12[%get3A_1671] {strides = array<i32>} : memref<1280xf32, #tpu.memory_space<vmem>>, vector<16xf32>,
    %add3A_1673 = arith.addf %add3A_1670, %get3A_1672 : vector<16xf32>
    %get3A_1674 = arith.constant 608 : index
    %get3A_1675 = tpu.vector_load %arg12[%get3A_1674] {strides = array<i32>} : memref<1280xf32, #tpu.memory_space<vmem>>, vector<16xf32>,
    %add3A_1676 = arith.addf %add3A_1673, %get3A_1675 : vector<16xf32>
    %get3A_1677 = arith.constant 768 : index
    %get3A_1678 = tpu.vector_load %arg12[%get3A_1677] {strides = array<i32>} : memref<1280xf32, #tpu.memory_space<vmem>>, vector<16xf32>,
    %add3A_1679 = arith.addf %add3A_1676, %get3A_1678 : vector<16xf32>
    %get3A_1680 = arith.constant 928 : index
    %get3A_1681 = tpu.vector_load %arg12[%get3A_1680] {strides = array<i32>} : memref<1280xf32, #tpu.memory_space<vmem>>, vector<16xf32>,
    %add3A_1682 = arith.addf %add3A_1679, %get3A_1681 : vector<16xf32>
    %get3A_1683 = arith.constant 1088 : index
    %get3A_1684 = tpu.vector_load %arg12[%get3A_1683] {strides = array<i32>} : memref<1280xf32, #tpu.memory_space<vmem>>, vector<16xf32>,
    %add3A_1685 = arith.addf %add3A_1682, %get3A_1684 : vector<16xf32>
    %get3A_1686 = arith.constant 1248 : index
    %get3A_1687 = tpu.vector_load %arg12[%get3A_1686] {strides = array<i32>} : memref<1280xf32, #tpu.memory_space<vmem>>, vector<16xf32>,
    %add3A_1688 = arith.addf %add3A_1685, %get3A_1687 : vector<16xf32>
    %swap3A_1689 = arith.constant 608 : index
    %swap3A_1690 = tpu.vector_load %arg13[%swap3A_1689] {strides = array<i32>} : memref<640xf32, #tpu.memory_space<vmem>>, vector<16xf32>,
    tpu.vector_store %arg13[%swap3A_1689], %add3A_1688 {strides = array<i32>} : memref<640xf32, #tpu.memory_space<vmem>>, vector<16xf32>,
    %get3A_1691 = arith.constant 144 : index
    %get3A_1692 = tpu.vector_load %arg12[%get3A_1691] {strides = array<i32>} : memref<1280xf32, #tpu.memory_space<vmem>>, vector<16xf32>,
    %get3A_1693 = arith.constant 304 : index
    %get3A_1694 = tpu.vector_load %arg12[%get3A_1693] {strides = array<i32>} : memref<1280xf32, #tpu.memory_space<vmem>>, vector<16xf32>,
    %add3A_1695 = arith.addf %get3A_1692, %get3A_1694 : vector<16xf32>
    %get3A_1696 = arith.constant 464 : index
    %get3A_1697 = tpu.vector_load %arg12[%get3A_1696] {strides = array<i32>} : memref<1280xf32, #tpu.memory_space<vmem>>, vector<16xf32>,
    %add3A_1698 = arith.addf %add3A_1695, %get3A_1697 : vector<16xf32>
    %get3A_1699 = arith.constant 624 : index
    %get3A_1700 = tpu.vector_load %arg12[%get3A_1699] {strides = array<i32>} : memref<1280xf32, #tpu.memory_space<vmem>>, vector<16xf32>,
    %add3A_1701 = arith.addf %add3A_1698, %get3A_1700 : vector<16xf32>
    %get3A_1702 = arith.constant 784 : index
    %get3A_1703 = tpu.vector_load %arg12[%get3A_1702] {strides = array<i32>} : memref<1280xf32, #tpu.memory_space<vmem>>, vector<16xf32>,
    %add3A_1704 = arith.addf %add3A_1701, %get3A_1703 : vector<16xf32>
    %get3A_1705 = arith.constant 944 : index
    %get3A_1706 = tpu.vector_load %arg12[%get3A_1705] {strides = array<i32>} : memref<1280xf32, #tpu.memory_space<vmem>>, vector<16xf32>,
    %add3A_1707 = arith.addf %add3A_1704, %get3A_1706 : vector<16xf32>
    %get3A_1708 = arith.constant 1104 : index
    %get3A_1709 = tpu.vector_load %arg12[%get3A_1708] {strides = array<i32>} : memref<1280xf32, #tpu.memory_space<vmem>>, vector<16xf32>,
    %add3A_1710 = arith.addf %add3A_1707, %get3A_1709 : vector<16xf32>
    %get3A_1711 = arith.constant 1264 : index
    %get3A_1712 = tpu.vector_load %arg12[%get3A_1711] {strides = array<i32>} : memref<1280xf32, #tpu.memory_space<vmem>>, vector<16xf32>,
    %add3A_1713 = arith.addf %add3A_1710, %get3A_1712 : vector<16xf32>
    %swap3A_1714 = arith.constant 624 : index
    %swap3A_1715 = tpu.vector_load %arg13[%swap3A_1714] {strides = array<i32>} : memref<640xf32, #tpu.memory_space<vmem>>, vector<16xf32>,
    tpu.vector_store %arg13[%swap3A_1714], %add3A_1713 {strides = array<i32>} : memref<640xf32, #tpu.memory_space<vmem>>, vector<16xf32>,
    "tpu.region"() ({
      %run_scoped3A = tpu.sem_alloc : memref<!tpu.dma_semaphore, #tpu.memory_space<semaphore_mem>>
      %dma_start3A_1716 = arith.constant 0 : i32
      %dma_start3A_1717 = tpu.memref_slice %arg4[%add3A, %dma_start3A_1716] : memref<32x640xf32, #tpu.memory_space<hbm>> -> memref<1x640xf32, #tpu.memory_space<hbm>>
      %dma_start3A_1718 = tpu.memref_squeeze %dma_start3A_1717 : memref<1x640xf32, #tpu.memory_space<hbm>> -> memref<640xf32, #tpu.memory_space<hbm>>
      %dma_start3A_1719 = arith.constant 0 : i32
      %dma_start3A_1720 = tpu.memref_slice %arg4[%add3A, %dma_start3A_1719] : memref<32x640xf32, #tpu.memory_space<hbm>> -> memref<1x640xf32, #tpu.memory_space<hbm>>
      %dma_start3A_1721 = tpu.memref_squeeze %dma_start3A_1720 : memref<1x640xf32, #tpu.memory_space<hbm>> -> memref<640xf32, #tpu.memory_space<hbm>>
      tpu.enqueue_dma source(%arg13 : memref<640xf32, #tpu.memory_space<vmem>>) target(%dma_start3A_1721 : memref<640xf32, #tpu.memory_space<hbm>>) target_semaphore(%run_scoped3A : memref<!tpu.dma_semaphore, #tpu.memory_space<semaphore_mem>>)
      %dma_wait3A_1722 = arith.constant 0 : i32
      %dma_wait3A_1723 = tpu.memref_slice %arg4[%add3A, %dma_wait3A_1722] : memref<32x640xf32, #tpu.memory_space<hbm>> -> memref<1x640xf32, #tpu.memory_space<hbm>>
      %dma_wait3A_1724 = tpu.memref_squeeze %dma_wait3A_1723 : memref<1x640xf32, #tpu.memory_space<hbm>> -> memref<640xf32, #tpu.memory_space<hbm>>
      %dma_wait3A_1725 = arith.constant 0 : i32
      %dma_wait3A_1726 = tpu.memref_slice %arg4[%add3A, %dma_wait3A_1725] : memref<32x640xf32, #tpu.memory_space<hbm>> -> memref<1x640xf32, #tpu.memory_space<hbm>>
      %dma_wait3A_1727 = tpu.memref_squeeze %dma_wait3A_1726 : memref<1x640xf32, #tpu.memory_space<hbm>> -> memref<640xf32, #tpu.memory_space<hbm>>
      tpu.wait_dma2 semaphore(%run_scoped3A : memref<!tpu.dma_semaphore, #tpu.memory_space<semaphore_mem>>) src(%arg13 : memref<640xf32, #tpu.memory_space<vmem>>) dst(%dma_wait3A_1727 : memref<640xf32, #tpu.memory_space<hbm>>)
      tpu.yield
    }) : () -> ()
    return
  }
}

</mosaic_0001>

<sc_bundles>
// kernel: _centerloss.3.cloned.1.call-start
scs
__scs_entry_jumppad:
0x0: {  	(pc) =	sbr.rel $0x88, $3  }
0x1: {  	(tag) =	ssettag $0x0;
	lr =	simm.s32 $0x1  }
0x2: {  	[smem:$0x3F9D] =	sst lr;
	_ =	strace $0xD0000000  }
0x3: {  	_ = 	snop  }
0x4: {  	_ = 	snop  }
0x5: {  	_ = 	snop  }
0x6: {  	_ = 	snop  }
0x7: {  	_ = 	snop  }
__scs_overlays_trampoline_lowered:
0x8: {  	[smem:$0x3FAC] =	sst s0  }
0x9: {  	[smem:$0x3FAD] =	sst s1  }
0xa: {  	[smem:$0x3FAE] =	sst s2  }
0xb: {  	[smem:$0x3FAF] =	sst s3  }
0xc: {  	[smem:$0x3FB0] =	sst s4  }
0xd: {  	[smem:$0x3FB1] =	sst s5  }
0xe: {  	[smem:$0x3FB2] =	sst s6  }
0xf: {  	[smem:$0x3FB3] =	sst s7  }
0x10: {  	[smem:$0x3FB4] =	sst s8  }
0x11: {  	[smem:$0x3FB5] =	sst s9;
	s0 =	simm.s32 @!p0 $0x0  }
0x12: {  	s1 =	sld [smem:$0x3F9B];
	s0 =	simm.s32 @p0 $0x1  }
0x13: {  	[smem:$0x3FB6] =	sst s0;
	s0 =	simm.s32 @!p1 $0x0  }
0x14: {  	s2 =	sld [smem:$0x3F9A];
	s0 =	simm.s32 @p1 $0x1  }
0x15: {  	[smem:$0x3FB7] =	sst s0;
	s0 =	simm.s32 @!p2 $0x0  }
0x16: {  	s3 =	sld [smem:$0x3FDB];
	s0 =	simm.s32 @p2 $0x1  }
0x17: {  	s4 =	simm.s32 $0x1BF5;
	[smem:$0x3FB9] =	sst s0  }
0x18: {  	s0 =	sld [smem:$0x3F9C];
	_ =	swait.ge [sflag:s4], $0x0  }
0x19: {  	s7 =	sld [smem:$0x3F9D]  }
0x1a: {  	s8 =	sadd.s32 $0xFFFFE003, lr  }
0x1b: {  	s9 =	sadd.s32 $0xFFFFFEF7, lr;
	s5 =	simm.s32 $0xFFFFFFFF;
	p2 =	slt.u32 s8, $0xFFFFF086  }
0x1c: {  	p1 =	slt.u32 s9, $0xF7A;
	s5 =	simm.s32 @!p2 $0x0  }
0x1d: {  	s5 =	simm.s32 @p1 $0x1;
	p0 =	seq.s32 s7, s2  }
0x1e: {  	s7 =	smul.u32 @!p0 $0xF7A, s2;
	p2 =	seq.s32 @!p0 s5, $0x0  }
0x1f: {  	s9 =	smul.u32 $0xF7A, s1;
	s8 =	simm.s32 @!p0 $0x1BF5;
	p2 =	por !p2, p0  }
0x20: {  	[sflag:s8] =	ssyncset.s32 @!p0 $0xFFFFF086;
	s6 =	sadd.s32 @!p0 s3, s7;
	s7 =	simm.s32 @!p0 $0x108  }
0x21: {  	s3 =	sadd.s32 s3, s9;
	s6 =	sadd.s32 @!p0 $0x88, s6;
	s7 =	simm.s32 @p2 $0x1082  }
0x22: {  	[simem:s7], [sflag:s8] =	dma.local @!p0 [hbm:s6], $0xF7A  }
0x23: {  	s9 =	sor.u32 $0xD0000000, s2;
	s6 =	simm.s32 $0x108;
	_ =	swait.ge @!p0 [sflag:s8], $0x0  }
0x24: {  	s3 =	sadd.s32 $0x88, s3;
	s6 =	simm.s32 @!p1 $0x1082;
	[sflag:s4] =	ssyncset.s32 $0xFFFFF086  }
0x25: {  	[simem:s6], [sflag:s4] =	dma.local [hbm:s3], $0xF7A  }
0x26: {  	[smem:$0x3F9D] =	sst s1;
	(tag) =	ssettag s2;
	_ =	strace s9  }
0x27: {  	s1 =	sld [smem:$0x3FAD]  }
0x28: {  	s2 =	sld [smem:$0x3FAE]  }
0x29: {  	s4 =	sld [smem:$0x3FB0]  }
0x2a: {  	p0 =	seq.s32 s5, $0x0;
	s5 =	sld [smem:$0x3FB1]  }
0x2b: {  	s6 =	sld [smem:$0x3FB2]  }
0x2c: {  	s7 =	sld [smem:$0x3FB3]  }
0x2d: {  	s3 =	simm.s32 $0x108;
	s8 =	sld [smem:$0x3FB4]  }
0x2e: {  	s3 =	simm.s32 @!p0 $0x1082;
	s9 =	sld [smem:$0x3FB5]  }
0x2f: {  	lr =	sadd.s32 s0, s3;
	s0 =	sld [smem:$0x3FAC]  }
0x30: {  	s3 =	sld [smem:$0x3FAF]  }
0x31: {  	[smem:$0x3FB8] =	sst s10  }
0x32: {  	s10 =	sld [smem:$0x3FB6];
	_ =	sdelay $0x3  }
0x33: {  	p0 =	seq.s32 s10, $0x1;
	s10 =	sld [smem:$0x3FB8];
	_ =	sdelay $0x3  }
0x34: {  	[smem:$0x3FB8] =	sst s10  }
0x35: {  	s10 =	sld [smem:$0x3FB7];
	_ =	sdelay $0x3  }
0x36: {  	p1 =	seq.s32 s10, $0x1;
	s10 =	sld [smem:$0x3FB8];
	_ =	sdelay $0x3  }
0x37: {  	[smem:$0x3FB8] =	sst s10  }
0x38: {  	s10 =	sld [smem:$0x3FB9]  }
0x39: {  	_ = 	snop;
	(pc) =	sbr.ind lr, $3  }
0x3a: {  	_ = 	snop  }
0x3b: {  	_ = 	snop  }
0x3c: {  	p2 =	seq.s32 s10, $0x1;
	s10 =	sld [smem:$0x3FB8]  }
0x3d: {  	_ =	shalt  }
0x3e: {  	_ =	shalt  }
0x3f: {  	_ =	shalt  }
0x40: {  	_ =	shalt  }
0x41: {  	_ =	shalt  }
0x42: {  	_ =	shalt  }
0x43: {  	_ =	shalt  }
0x44: {  	_ =	shalt  }
0x45: {  	_ =	shalt  }
0x46: {  	_ =	shalt  }
0x47: {  	_ =	shalt  }
0x48: {  	_ =	shalt  }
0x49: {  	_ =	shalt  }
0x4a: {  	_ =	shalt  }
0x4b: {  	_ =	shalt  }
0x4c: {  	_ =	shalt  }
0x4d: {  	_ =	shalt  }
0x4e: {  	_ =	shalt  }
0x4f: {  	_ =	shalt  }
0x50: {  	_ =	shalt  }
0x51: {  	_ =	shalt  }
0x52: {  	_ =	shalt  }
0x53: {  	_ =	shalt  }
0x54: {  	_ =	shalt  }
0x55: {  	_ =	shalt  }
0x56: {  	_ =	shalt  }
0x57: {  	_ =	shalt  }
0x58: {  	_ =	shalt  }
0x59: {  	_ =	shalt  }
0x5a: {  	_ =	shalt  }
0x5b: {  	_ =	shalt  }
0x5c: {  	_ =	shalt  }
0x5d: {  	_ =	shalt  }
0x5e: {  	_ =	shalt  }
0x5f: {  	_ =	shalt  }
0x60: {  	_ =	shalt  }
0x61: {  	_ =	shalt  }
0x62: {  	_ =	shalt  }
0x63: {  	_ =	shalt  }
0x64: {  	_ =	shalt  }
0x65: {  	_ =	shalt  }
0x66: {  	_ =	shalt  }
0x67: {  	_ =	shalt  }
0x68: {  	_ =	shalt  }
0x69: {  	_ =	shalt  }
0x6a: {  	_ =	shalt  }
0x6b: {  	_ =	shalt  }
0x6c: {  	_ =	shalt  }
0x6d: {  	_ =	shalt  }
0x6e: {  	_ =	shalt  }
0x6f: {  	_ =	shalt  }
0x70: {  	_ =	shalt  }
0x71: {  	_ =	shalt  }
0x72: {  	_ =	shalt  }
0x73: {  	_ =	shalt  }
0x74: {  	_ =	shalt  }
0x75: {  	_ =	shalt  }
0x76: {  	_ =	shalt  }
0x77: {  	_ =	shalt  }
0x78: {  	_ =	shalt  }
0x79: {  	_ =	shalt  }
0x7a: {  	_ =	shalt  }
0x7b: {  	_ =	shalt  }
0x7c: {  	_ =	shalt  }
0x7d: {  	_ =	shalt  }
0x7e: {  	_ =	shalt  }
0x7f: {  	_ =	shalt  }
0x80: {  	_ =	shalt  }
0x81: {  	_ =	shalt  }
0x82: {  	_ =	shalt  }
0x83: {  	_ =	shalt  }
0x84: {  	_ =	shalt  }
0x85: {  	_ =	shalt  }
0x86: {  	_ =	shalt  }
0x87: {  	_ =	shalt  }
.Lfunc_end0:
.L_simem_size_0:
called_computation_lowered:
.L_overlay_start_0:
0x88: {  	s2 =	sld [smem:$0x3FD9]  }
0x89: {  	s3 =	sld [smem:$0x3FFE];
	_ =	sdelay $0x1  }
0x8a: {  	s1 =	srdreg.scid  }
0x8b: {  	s0 =	sand.u32 $0x1, s1  }
0x8c: {  	s17 =	sshll.u32 s0, $0xA;
	s2 =	sadd.s32 s3, s2  }
0x8d: {  	s2 =	sadd.s32 s2, s17  }
0x8e: {  	[smem:$0x3FC4] =	sst s2  }
0x8f: {  	_ = 	snop  }
0x90: {  	s2 =	sld [smem:$0x3FC8];
	(tm) =	ssettm $0x1  }
0x91: {  	s18 =	sld [smem:$0x3FFB];
	_ =	sdelay $0x3  }
0x92: {  	_ =	strace s18  }
0x93: {  	s3 =	sld [smem:$0x3FFC];
	_ =	sdelay $0x3  }
0x94: {  	_ =	strace s3  }
0x95: {  	s3 =	sld [smem:$0x3FFD];
	_ =	sdelay $0x3  }
0x96: {  	_ =	strace s3  }
0x97: {  	_ =	strace $0x8FFFFFFF  }
0x98: {  	s19 =	sld [smem:$0x3FDB];
	_ =	sdelay $0x1  }
0x99: {  	s4 =	simm.s32 $_scs_section_size  }
0x9a: {  	s5 =	simm.s32 $_size__tile_overlayer_lowered;
	s6 =	simm.s32 $_tile_overlayer_lowered  }
0x9b: {  	s22 =	simm.s32 $0x1BFF;
	s21 =	sshll.u32 s6, $0x1;
	s3 =	sadd.s32 s4, s19  }
0x9c: {  	s7 =	simm.s32 $0x0;
	s20 =	sshll.u32 s5, $0x1;
	s5 =	sadd.s32 s21, s3  }
0x9d: {  	[timem:s7], [sflag:s22] =	dma.local [hbm:s5], s20  }
0x9e: {  	_ =	swait.ge [sflag:s22], s20  }
0x9f: {  	s4 =	ssub.s32 $0x0, s20;
	[sflag:s22] =	ssyncset.done $0x0  }
0xa0: {  	[sflag:s22] =	ssyncadd.s32 s4;
	_ =	sdelay $0x1  }
0xa1: {  	s23 =	simm.s32 $0x1B8B  }
0xa2: {  	_ =	swait.ge [sflag:s23], $0x1  }
0xa3: {  	[sflag:s23] =	ssyncset.done $0x0  }
0xa4: {  	s25 =	simm.s32 $0x1B8E;
	s24 =	sld [smem:$0x3FFE];
	[sflag:s23] =	ssyncadd.s32 $0xFFFFFFFF  }
0xa5: {  	s26 =	simm.s32 $execute0_lowered;
	[smem:$0x3FD2] =	sst s25  }
0xa6: {  	s5 =	sshll.u32 s26, $0x1;
	_ =	strace $0x80000046;
	[dreg:$0x1] =	wrdreg $0xFFFFFFFF  }
0xa7: {  	s28 =	simm.s32 $_size_execute0_lowered;
	s3 =	sadd.s32 s3, s5;
	[dreg:$0x0] =	wrdreg $0x0  }
0xa8: {  	s5 =	sshll.u32 s28, $0x1;
	[dreg:$0x2] =	wrdreg s3  }
0xa9: {  	[dreg:$0x3] =	wrdreg s5  }
0xaa: {  	[dreg:$0x4] =	wrdreg $0xC0  }
0xab: {  	_ =	task [dreg:s7], $0x5FFFF  }
0xac: {  	[dreg:$0x1] =	wrdreg $0xFFFFFFFF  }
0xad: {  	[dreg:$0x0] =	wrdreg $0x60  }
0xae: {  	[dreg:$0x2] =	wrdreg s24  }
0xaf: {  	[dreg:$0x3] =	wrdreg s2  }
0xb0: {  	[dreg:$0x4] =	wrdreg $0x9  }
0xb1: {  	_ =	task.clear_ibuf [dreg:s7], $0x5FFFF;
	_ =	strace $0x90000046  }
0xb2: {  	s29 =	simm.s32 $0x9;
	_ =	strace $0x80000048  }
0xb3: {  	_ =	swait.ge [sflag:s29], $0x1  }
0xb4: {  	[sflag:s29] =	ssyncadd.s32 $0xFFFFFFFF  }
0xb5: {  	_ =	strace $0x90000048  }
0xb6: {  	_ =	sfence  }
0xb7: {  	s30 =	sld [smem:$0x0];
	_ =	sdelay $0x2  }
0xb8: {  	s31 =	sshll.u32 s1, $0xD;
	s1 =	sshrl.u32 s1, $0x2  }
0xb9: {  	s3 =	sand.u32 $0x4000, s31;
	s1 =	sadd.s32 s1, s30  }
0xba: {  	s0 =	sor.u32 s3, s0;
	s1 =	sshll.u32 s1, $0x11  }
0xbb: {  	s0 =	sor.u32 s1, s0  }
0xbc: {  	s0 =	sadd.s32 $0x8F2B, s0  }
0xbd: {  	[sflag:s0] =	ssyncadd.remote.s32 $0x1  }
0xbe: {  	_ =	sfence.sel $0xFFFF  }
0xbf: {  	[dreg:$0x0] =	wrdreg $0xFFFFFFFF;
	(pc) =	sbr.abs _section_cstart, $3  }
0xc0: {  	[dreg:$0x1] =	wrdreg $0xFFFFFFFF  }
0xc1: {  	_ =	task.clear_ibuf [dreg:s7], $0x2FFFF;
	_ =	strace $0x9FFFFFFF  }
0xc2: {  	(tm) =	ssettm $0x7FFFFFFF  }
0xc3: {  	_ =	shalt  }
tec
execute0_lowered:
.L_overlay_start_1:
0x0: {  	(tag) =	ssettag $0x1  }
0x1: {  	s0 =	srdreg.scid;
	s11 =	rddreg [dreg:$0x0]  }
0x2: {  	s2 =	stileid.u32;
	s12 =	rddreg [dreg:$0x1];
	s16 =	simm.s32 $0x1  }
0x3: {  	s17 =	simm.s32 $0x3D00;
	s18 =	simm.s32 $0xF400;
	s19 =	simm.s32 $0x16E00  }
0x4: {  	s20 =	simm.s32 $0x17300;
	s21 =	simm.s32 $0x17800;
	s22 =	simm.s32 $0x17D00  }
0x5: {  	s23 =	simm.s32 $0x2;
	s0 =	sand.u32 $0x1, s0;
	s1 =	sshll.u32 s2, $0x1  }
0x6: {  	s31 =	simm.s32 $0x0;
	s2 =	sshrl.u32 s2, $0x2;
	s1 =	sor.u32 s0, s1  }
0x7: {  	s3 =	smul.u32 $0x1400, s2;
	s2 =	simm.s32 $0x0;
	s0 =	ssub.s32 $0x2, s0  }
0x8: {  	s10 =	sshll.u32 s1, $0x7;
	[smem:$0x7FF] =	sst s2;
	s7 =	smul.u32 $0xF400, s1  }
0x9: {  	s25 =	sshrl.u32 s0, $0x1;
	s5 =	smul.u32 $0x3D00, s1;
	p0 =	sgt.u32 s1, $0x8  }
0xa: {  	s4 =	sand.u32 $0x380, s10;
	_ =	strace $0x80000047;
	s0 =	ssub.s32 s0, s25  }
0xb: {  	s15 =	sor.u32 $0x1E8000, s10;
	s25 =	simm.s32 $0x3;
	s3 =	sor.u32 s3, s4  }
0xc: {  	s26 =	sshrl.u32 s7, $0x3;
	s6 =	sadd.s32 $0x3D00, s7;
	s4 =	sadd.s32 s11, s5  }
0xd: {  	s8 =	sadd.s32 $0x7A00, s7;
	s14 =	sadd.s32 $0xB700, s7;
	s30 =	sshrl.u32 s15, $0x3  }
0xe: {  	s15 =	sshrl.u32 s15, $0x2;
	s3 =	sshrl.u32 s3, $0x3;
	s28 =	sshrl.u32 s6, $0x3  }
0xf: {  	s6 =	sshrl.u32 s6, $0x2;
	s9 =	sshrl.u32 s8, $0x3;
	s8 =	sshrl.u32 s8, $0x2  }
0x10: {  	s29 =	sshrl.u32 s14, $0x3;
	s14 =	sshrl.u32 s14, $0x2;
	s13 =	sadd.s32 s3, s11  }
.Ltmp0:
0x11: {  	s3 =	sadd.s32 s12, s26;
	s5 =	sadd.s32 s12, s28;
	(pc) =	sbr.rel .LBB2_1-.Ltmp0, $4  }
0x12: {  	v0 =	vlaneseq.u32;
	s6 =	sadd.s32 s11, s6;
	s7 =	sadd.s32 s12, s9;
	s8 =	sadd.s32 s11, s8  }
0x13: {  	v47 =	vimm.f32 $0.0e+00;
	v2 =	vimm.f32 $1.000000000e+00;
	v3 =	vor.u32 $0xA0, v0;
	s9 =	sadd.s32 s12, s29;
	s10 =	sadd.s32 s11, s14;
	s12 =	sadd.s32 s12, s30  }
0x14: {  	v4 =	vor.u32 $0x140, v0;
	v5 =	vor.u32 $0x1E0, v0;
	v6 =	vor.u32 $0x280, v0;
	s11 =	sadd.s32 s11, s15;
	s14 =	smax.u32 s0, $0x1;
	[dreg:$0x3] =	wrdreg s12  }
0x15: {  	v7 =	vor.u32 $0x320, v0;
	v8 =	vor.u32 $0x3C0, v0;
	v9 =	vor.u32 $0x460, v0;
	s15 =	simm.s32 $0x7A00;
	[dreg:$0x4] =	wrdreg s11;
	s13 =	sadd.s32 $0x7A200, s13  }
.LBB2_11:
0x16: {  	v63 =	vld [tilespmem:$0x17210];
	_ =	sdelay $0x4  }
0x17: {  	[tilespmem:$0x1F4B0] =	vst v63;
	v63 =	vld [tilespmem:$0x172E0];
	_ =	sdelay $0x4  }
0x18: {  	[tilespmem:$0x1F640] =	vst v63;
	v63 =	vld [tilespmem:$0x174E0];
	_ =	sdelay $0x4  }
0x19: {  	[tilespmem:$0x1F5A0] =	vst v63;
	v63 =	vld [tilespmem:$0x17630];
	_ =	sdelay $0x4  }
0x1a: {  	[tilespmem:$0x1F630] =	vst v63;
	v63 =	vld [tilespmem:$0x176D0];
	_ =	sdelay $0x4  }
0x1b: {  	[tilespmem:$0x1F670] =	vst v63;
	v63 =	vld [tilespmem:$0x17770];
	_ =	sdelay $0x4  }
0x1c: {  	[tilespmem:$0x1F6B0] =	vst v63;
	v63 =	vld [tilespmem:$0x17320];
	_ =	sdelay $0x4  }
0x1d: {  	[tilespmem:$0x1F690] =	vst v63;
	v63 =	vld [tilespmem:$0x173C0];
	_ =	sdelay $0x4  }
0x1e: {  	[tilespmem:$0x1F6A0] =	vst v63;
	v63 =	vld [tilespmem:$0x17460];
	_ =	sdelay $0x4  }
0x1f: {  	[tilespmem:$0x1F6E0] =	vst v63;
	v63 =	vld [tilespmem:$0x17500];
	_ =	sdelay $0x4  }
0x20: {  	[tilespmem:$0x1F730] =	vst v63;
	v63 =	vld [tilespmem:$0x175A0];
	_ =	sdelay $0x4  }
0x21: {  	[tilespmem:$0x1F770] =	vst v63;
	v63 =	vld [tilespmem:$0x17640];
	_ =	sdelay $0x4  }
0x22: {  	[tilespmem:$0x1F7B0] =	vst v63;
	v63 =	vld [tilespmem:$0x176E0];
	_ =	sdelay $0x4  }
0x23: {  	[tilespmem:$0x1F7F0] =	vst v63;
	v63 =	vld [tilespmem:$0x17780];
	_ =	sdelay $0x4  }
0x24: {  	[tilespmem:$0x1F830] =	vst v63;
	v63 =	vld [tilespmem:$0x17330];
	_ =	sdelay $0x4  }
0x25: {  	[tilespmem:$0x1F6C0] =	vst v63;
	v63 =	vld [tilespmem:$0x173D0];
	_ =	sdelay $0x4  }
0x26: {  	[tilespmem:$0x1F6D0] =	vst v63;
	v63 =	vld [tilespmem:$0x17470];
	_ =	sdelay $0x4  }
0x27: {  	[tilespmem:$0x1F710] =	vst v63;
	v63 =	vld [tilespmem:$0x17510];
	_ =	sdelay $0x4  }
0x28: {  	[tilespmem:$0x1F750] =	vst v63;
	v63 =	vld [tilespmem:$0x175B0];
	_ =	sdelay $0x4  }
0x29: {  	[tilespmem:$0x1F790] =	vst v63;
	v63 =	vld [tilespmem:$0x17650];
	_ =	sdelay $0x4  }
0x2a: {  	[tilespmem:$0x1F7D0] =	vst v63;
	v63 =	vld [tilespmem:$0x176F0];
	_ =	sdelay $0x4  }
0x2b: {  	[tilespmem:$0x1F810] =	vst v63;
	v63 =	vld [tilespmem:$0x17790];
	_ =	sdelay $0x4  }
0x2c: {  	[tilespmem:$0x1F850] =	vst v63;
	v63 =	vld [tilespmem:$0x17340];
	_ =	sdelay $0x4  }
0x2d: {  	[tilespmem:$0x1F6F0] =	vst v63;
	v63 =	vld [tilespmem:$0x173E0];
	_ =	sdelay $0x4  }
0x2e: {  	[tilespmem:$0x1F700] =	vst v63;
	v63 =	vld [tilespmem:$0x17480];
	_ =	sdelay $0x4  }
0x2f: {  	[tilespmem:$0x1F740] =	vst v63;
	v63 =	vld [tilespmem:$0x17520];
	_ =	sdelay $0x4  }
0x30: {  	[tilespmem:$0x1F780] =	vst v63;
	v63 =	vld [tilespmem:$0x175C0];
	_ =	sdelay $0x4  }
0x31: {  	[tilespmem:$0x1F7C0] =	vst v63;
	v63 =	vld [tilespmem:$0x17660];
	_ =	sdelay $0x4  }
0x32: {  	[tilespmem:$0x1F800] =	vst v63;
	v63 =	vld [tilespmem:$0x17700];
	_ =	sdelay $0x4  }
0x33: {  	[tilespmem:$0x1F840] =	vst v63;
	v63 =	vld [tilespmem:$0x177A0];
	_ =	sdelay $0x4  }
0x34: {  	[tilespmem:$0x1F870] =	vst v63;
	v63 =	vld [tilespmem:$0x17350];
	_ =	sdelay $0x4  }
0x35: {  	[tilespmem:$0x1F720] =	vst v63;
	v63 =	vld [tilespmem:$0x17490];
	_ =	sdelay $0x4  }
0x36: {  	[tilespmem:$0x1F760] =	vst v63;
	v63 =	vld [tilespmem:$0x17530];
	_ =	sdelay $0x4  }
0x37: {  	[tilespmem:$0x1F7A0] =	vst v63;
	v63 =	vld [tilespmem:$0x175D0];
	_ =	sdelay $0x4  }
0x38: {  	[tilespmem:$0x1F7E0] =	vst v63;
	v63 =	vld [tilespmem:$0x17670];
	_ =	sdelay $0x4  }
0x39: {  	[tilespmem:$0x1F820] =	vst v63;
	v63 =	vld [tilespmem:$0x17710];
	_ =	sdelay $0x4  }
0x3a: {  	[tilespmem:$0x1F860] =	vst v63;
	v63 =	vld [tilespmem:$0x177B0];
	_ =	sdelay $0x4  }
0x3b: {  	[tilespmem:$0x1F8A0] =	vst v63;
	v63 =	vld [tilespmem:$0x17360];
	_ =	sdelay $0x4  }
0x3c: {  	[tilespmem:$0x1F880] =	vst v63;
	v63 =	vld [tilespmem:$0x17400];
	_ =	sdelay $0x2  }
0x3d: {  	v28 =	vld [tilespmem:$0x16E00]  }
0x3e: {  	v26 =	vld [tilespmem:$0x16EA0]  }
0x3f: {  	[tilespmem:$0x1F890] =	vst v63;
	v63 =	vld [tilespmem:$0x174A0]  }
0x40: {  	v30 =	vld [tilespmem:$0x16F40]  }
0x41: {  	v41 =	vld [tilespmem:$0x16FE0]  }
0x42: {  	v53 =	vld [tilespmem:$0x17080]  }
0x43: {  	v1 =	vld [tilespmem:$0x17120]  }
0x44: {  	[tilespmem:$0x1F8D0] =	vst v63;
	v63 =	vld [tilespmem:$0x17540]  }
0x45: {  	v20 =	vld [tilespmem:$0x16E10]  }
0x46: {  	v18 =	vld [tilespmem:$0x16EB0]  }
0x47: {  	v21 =	vld [tilespmem:$0x16F50]  }
0x48: {  	v29 =	vld [tilespmem:$0x16FF0]  }
0x49: {  	[tilespmem:$0x1F930] =	vst v63;
	v63 =	vld [tilespmem:$0x175E0]  }
0x4a: {  	v40 =	vld [tilespmem:$0x17090]  }
0x4b: {  	v51 =	vld [tilespmem:$0x17130]  }
0x4c: {  	v14 =	vld [tilespmem:$0x16E20]  }
0x4d: {  	v12 =	vld [tilespmem:$0x16EC0]  }
0x4e: {  	[tilespmem:$0x1F970] =	vst v63;
	v63 =	vld [tilespmem:$0x17680]  }
0x4f: {  	v15 =	vld [tilespmem:$0x16F60]  }
0x50: {  	v22 =	vld [tilespmem:$0x17000]  }
0x51: {  	v34 =	vld [tilespmem:$0x170A0]  }
0x52: {  	v43 =	vld [tilespmem:$0x17140]  }
0x53: {  	[tilespmem:$0x1F9B0] =	vst v63;
	v63 =	vld [tilespmem:$0x17720]  }
0x54: {  	v57 =	vld [tilespmem:$0x171E0]  }
0x55: {  	v11 =	vld [tilespmem:$0x16E30]  }
0x56: {  	v10 =	vld [tilespmem:$0x16ED0]  }
0x57: {  	v13 =	vld [tilespmem:$0x16F70]  }
0x58: {  	[tilespmem:$0x1F9F0] =	vst v63;
	v63 =	vld [tilespmem:$0x177C0]  }
0x59: {  	v16 =	vld [tilespmem:$0x17010]  }
0x5a: {  	v23 =	vld [tilespmem:$0x170B0]  }
0x5b: {  	v35 =	vld [tilespmem:$0x17150]  }
0x5c: {  	v44 =	vld [tilespmem:$0x171F0]  }
0x5d: {  	[tilespmem:$0x1FA30] =	vst v63;
	v63 =	vld [tilespmem:$0x17370]  }
0x5e: {  	v52 =	vld [tilespmem:$0x17290]  }
0x5f: {  	v49 =	vld [tilespmem:$0x16E40]  }
0x60: {  	v55 =	vld [tilespmem:$0x16F80]  }
0x61: {  	v17 =	vld [tilespmem:$0x17020]  }
0x62: {  	[tilespmem:$0x1F8B0] =	vst v63;
	v63 =	vld [tilespmem:$0x17410]  }
0x63: {  	v56 =	vld [tilespmem:$0x170C0]  }
0x64: {  	v58 =	vld [tilespmem:$0x17160]  }
0x65: {  	v59 =	vld [tilespmem:$0x17200]  }
0x66: {  	v60 =	vld [tilespmem:$0x172A0]  }
0x67: {  	[tilespmem:$0x1F8C0] =	vst v63;
	v63 =	vld [tilespmem:$0x174B0]  }
0x68: {  	v37 =	vld [tilespmem:$0x16E50]  }
0x69: {  	v36 =	vld [tilespmem:$0x16EF0]  }
0x6a: {  	v39 =	vld [tilespmem:$0x16F90]  }
0x6b: {  	v54 =	vld [tilespmem:$0x17030]  }
0x6c: {  	[tilespmem:$0x1F900] =	vst v63;
	v63 =	vld [tilespmem:$0x17550]  }
0x6d: {  	v61 =	vld [tilespmem:$0x170D0]  }
0x6e: {  	v62 =	vld [tilespmem:$0x17170]  }
0x6f: {  	v24 =	vld [tilespmem:$0x172B0]  }
0x70: {  	v27 =	vld [tilespmem:$0x16E60]  }
0x71: {  	[tilespmem:$0x1F950] =	vst v63;
	v63 =	vld [tilespmem:$0x175F0]  }
0x72: {  	v31 =	vld [tilespmem:$0x16FA0]  }
0x73: {  	v48 =	vld [tilespmem:$0x17040]  }
0x74: {  	v25 =	vld [tilespmem:$0x17180]  }
0x75: {  	v32 =	vld [tilespmem:$0x17220]  }
0x76: {  	[tilespmem:$0x1F990] =	vst v63;
	v63 =	vld [tilespmem:$0x17690]  }
0x77: {  	v33 =	vld [tilespmem:$0x172C0]  }
0x78: {  	v19 =	vld [tilespmem:$0x16E70]  }
0x79: {  	v42 =	vld [tilespmem:$0x170F0]  }
0x7a: {  	v38 =	vld [tilespmem:$0x172D0]  }
0x7b: {  	[tilespmem:$0x1F9D0] =	vst v63;
	v63 =	vld [tilespmem:$0x17730]  }
0x7c: {  	v45 =	vld [tilespmem:$0x16E80]  }
0x7d: {  	v46 =	vld [tilespmem:$0x16F20]  }
0x7e: {  	v50 =	vld [tilespmem:$0x16FC0];
	[tilespmem:$0x1F3E0] =	vst v1  }
0x7f: {  	v1 =	vld [tilespmem:$0x171C0];
	[tilespmem:$0x1F440] =	vst v17  }
0x80: {  	[tilespmem:$0x1FA10] =	vst v63;
	v63 =	vld [tilespmem:$0x177D0]  }
0x81: {  	[tilespmem:$0x1F4E0] =	vst v24;
	v24 =	vld [tilespmem:$0x16F00]  }
0x82: {  	[tilespmem:$0x1F4C0] =	vst v60;
	v60 =	vld [tilespmem:$0x170E0]  }
0x83: {  	[tilespmem:$0x1F450] =	vst v56;
	v17 =	vld [tilespmem:$0x16F10]  }
0x84: {  	[tilespmem:$0x1F4A0] =	vst v25;
	v25 =	vld [tilespmem:$0x16FB0]  }
0x85: {  	[tilespmem:$0x1FA50] =	vst v63;
	v63 =	vld [tilespmem:$0x17380]  }
0x86: {  	[tilespmem:$0x1F4D0] =	vst v32;
	v32 =	vld [tilespmem:$0x17050]  }
0x87: {  	[tilespmem:$0x1F460] =	vst v61;
	v61 =	vld [tilespmem:$0x17190]  }
0x88: {  	[tilespmem:$0x1F500] =	vst v33;
	v33 =	vld [tilespmem:$0x17230]  }
0x89: {  	[tilespmem:$0x1F470] =	vst v58;
	v56 =	vld [tilespmem:$0x17060]  }
0x8a: {  	[tilespmem:$0x1F8E0] =	vst v63;
	v63 =	vld [tilespmem:$0x17420]  }
0x8b: {  	[tilespmem:$0x1F490] =	vst v59;
	v58 =	vld [tilespmem:$0x17100]  }
0x8c: {  	[tilespmem:$0x1F480] =	vst v62;
	v59 =	vld [tilespmem:$0x171A0]  }
0x8d: {  	[tilespmem:$0x1F530] =	vst v38;
	v62 =	vld [tilespmem:$0x17240]  }
0x8e: {  	[tilespmem:$0x1F510] =	vst v45;
	v38 =	vld [tilespmem:$0x16E90]  }
0x8f: {  	[tilespmem:$0x1F8F0] =	vst v63;
	v63 =	vld [tilespmem:$0x174C0]  }
0x90: {  	[tilespmem:$0x1F520] =	vst v46;
	v45 =	vld [tilespmem:$0x16FD0]  }
0x91: {  	[tilespmem:$0x1F550] =	vst v50;
	v46 =	vld [tilespmem:$0x17070]  }
0x92: {  	v50 =	vld [tilespmem:$0x17110];
	[tilespmem:$0x1F3F0] =	vst v1  }
0x93: {  	v1 =	vld [tilespmem:$0x17260];
	[tilespmem:$0x1F4F0] =	vst v33  }
0x94: {  	[tilespmem:$0x1F940] =	vst v63;
	v63 =	vld [tilespmem:$0x17560]  }
0x95: {  	[tilespmem:$0x1F600] =	vst v62;
	v62 =	vld [tilespmem:$0x16F30]  }
0x96: {  	[tilespmem:$0x1F570] =	vst v56;
	v56 =	vld [tilespmem:$0x171B0]  }
0x97: {  	[tilespmem:$0x1F590] =	vst v58;
	v58 =	vld [tilespmem:$0x17250]  }
0x98: {  	[tilespmem:$0x1F5C0] =	vst v59;
	v59 =	vld [tilespmem:$0x172F0]  }
0x99: {  	[tilespmem:$0x1F980] =	vst v63;
	v63 =	vld [tilespmem:$0x17600]  }
0x9a: {  	[tilespmem:$0x1F5B0] =	vst v50;
	v50 =	vld [tilespmem:$0x17300]  }
0x9b: {  	[tilespmem:$0x1F560] =	vst v45;
	v45 =	vld [tilespmem:$0x173A0]  }
0x9c: {  	[tilespmem:$0x1F540] =	vst v38;
	v38 =	vld [tilespmem:$0x17580]  }
0x9d: {  	[tilespmem:$0x1F410] =	vst v1;
	v1 =	vld [tilespmem:$0x171D0]  }
0x9e: {  	[tilespmem:$0x1F9C0] =	vst v63;
	v63 =	vld [tilespmem:$0x176A0]  }
0x9f: {  	[tilespmem:$0x1F580] =	vst v46;
	v46 =	vld [tilespmem:$0x17620]  }
0xa0: {  	v33 =	vld [tilespmem:$0x173B0];
	[tilespmem:$0x1F5E0] =	vst v56  }
0xa1: {  	[tilespmem:$0x1F660] =	vst v59;
	v59 =	vld [tilespmem:$0x17760]  }
0xa2: {  	[tilespmem:$0x1F400] =	vst v1;
	v1 =	vld [tilespmem:$0x17270]  }
0xa3: {  	[tilespmem:$0x1FA00] =	vst v63;
	v63 =	vld [tilespmem:$0x17740]  }
0xa4: {  	[tilespmem:$0x1F620] =	vst v58;
	v56 =	vld [tilespmem:$0x17440]  }
0xa5: {  	[tilespmem:$0x1F5D0] =	vst v38;
	v58 =	vld [tilespmem:$0x176C0]  }
0xa6: {  	[tilespmem:$0x1F680] =	vst v59;
	v59 =	vld [tilespmem:$0x17590]  }
0xa7: {  	[tilespmem:$0x1F420] =	vst v1;
	v1 =	vld [tilespmem:$0x17280]  }
0xa8: {  	[tilespmem:$0x1FA40] =	vst v63;
	v63 =	vld [tilespmem:$0x177E0]  }
0xa9: {  	[tilespmem:$0x1F610] =	vst v46;
	v38 =	vld [tilespmem:$0x17310]  }
0xaa: {  	v46 =	vld [tilespmem:$0x17450];
	[tilespmem:$0x1F650] =	vst v58  }
0xab: {  	v58 =	vld [tilespmem:$0x174F0];
	[tilespmem:$0x1F5F0] =	vst v59  }
0xac: {  	v59 =	vld [tilespmem:$0x173F0];
	[tilespmem:$0x1F430] =	vst v1  }
0xad: {  	v1 =	vld [tilespmem:$0x16EE0];
	[tilespmem:$0x1FA70] =	vst v63  }
0xae: {  	v63 =	vld [tilespmem:$0x17390];
	_ =	sdelay $0x4  }
0xaf: {  	[tilespmem:$0x1F910] =	vst v63;
	v63 =	vld [tilespmem:$0x17430];
	_ =	sdelay $0x4  }
0xb0: {  	[tilespmem:$0x1F920] =	vst v63;
	v63 =	vld [tilespmem:$0x174D0];
	_ =	sdelay $0x4  }
0xb1: {  	[tilespmem:$0x1F960] =	vst v63;
	v63 =	vld [tilespmem:$0x17570];
	_ =	sdelay $0x4  }
0xb2: {  	[tilespmem:$0x1F9A0] =	vst v63;
	v63 =	vld [tilespmem:$0x17610];
	_ =	sdelay $0x4  }
0xb3: {  	[tilespmem:$0x1F9E0] =	vst v63;
	v63 =	vld [tilespmem:$0x176B0];
	_ =	sdelay $0x4  }
0xb4: {  	[tilespmem:$0x1FA20] =	vst v63;
	v63 =	vld [tilespmem:$0x17750];
	_ =	sdelay $0x4  }
0xb5: {  	[tilespmem:$0x1FA60] =	vst v63;
	v63 =	vld [tilespmem:$0x177F0];
	_ =	sdelay $0x4  }
0xb6: {  	[tilespmem:$0x1FAA0] =	vst v63;
	v63 =	vld [tilespmem:$0x17800];
	_ =	sdelay $0x4  }
0xb7: {  	[tilespmem:$0x1FA80] =	vst v63;
	v63 =	vld [tilespmem:$0x178A0];
	_ =	sdelay $0x4  }
0xb8: {  	[tilespmem:$0x1FA90] =	vst v63;
	v63 =	vld [tilespmem:$0x17940];
	_ =	sdelay $0x4  }
0xb9: {  	[tilespmem:$0x1FAD0] =	vst v63;
	v63 =	vld [tilespmem:$0x179E0];
	_ =	sdelay $0x4  }
0xba: {  	[tilespmem:$0x1FB30] =	vst v63;
	v63 =	vld [tilespmem:$0x17A80];
	_ =	sdelay $0x4  }
0xbb: {  	[tilespmem:$0x1FB70] =	vst v63;
	v63 =	vld [tilespmem:$0x17B20];
	_ =	sdelay $0x4  }
0xbc: {  	[tilespmem:$0x1FBB0] =	vst v63;
	v63 =	vld [tilespmem:$0x17BC0];
	_ =	sdelay $0x4  }
0xbd: {  	[tilespmem:$0x1FBE0] =	vst v63;
	v63 =	vld [tilespmem:$0x17C60];
	_ =	sdelay $0x4  }
0xbe: {  	[tilespmem:$0x1FC20] =	vst v63;
	v63 =	vld [tilespmem:$0x17810];
	_ =	sdelay $0x4  }
0xbf: {  	[tilespmem:$0x1FAB0] =	vst v63;
	v63 =	vld [tilespmem:$0x178B0];
	_ =	sdelay $0x4  }
0xc0: {  	[tilespmem:$0x1FAC0] =	vst v63;
	v63 =	vld [tilespmem:$0x17950];
	_ =	sdelay $0x4  }
0xc1: {  	[tilespmem:$0x1FB00] =	vst v63;
	v63 =	vld [tilespmem:$0x179F0];
	_ =	sdelay $0x4  }
0xc2: {  	[tilespmem:$0x1FB50] =	vst v63;
	v63 =	vld [tilespmem:$0x17A90];
	_ =	sdelay $0x4  }
0xc3: {  	[tilespmem:$0x1FB90] =	vst v63;
	v63 =	vld [tilespmem:$0x17B30];
	_ =	sdelay $0x4  }
0xc4: {  	[tilespmem:$0x1FBD0] =	vst v63;
	v63 =	vld [tilespmem:$0x17BD0];
	_ =	sdelay $0x4  }
0xc5: {  	[tilespmem:$0x1FC00] =	vst v63;
	v63 =	vld [tilespmem:$0x17C70];
	_ =	sdelay $0x4  }
0xc6: {  	[tilespmem:$0x1FC40] =	vst v63;
	v63 =	vld [tilespmem:$0x17820];
	_ =	sdelay $0x4  }
0xc7: {  	[tilespmem:$0x1FAE0] =	vst v63;
	v63 =	vld [tilespmem:$0x178C0];
	_ =	sdelay $0x4  }
0xc8: {  	[tilespmem:$0x1FAF0] =	vst v63;
	v63 =	vld [tilespmem:$0x17960];
	_ =	sdelay $0x4  }
0xc9: {  	[tilespmem:$0x1FB40] =	vst v63;
	v63 =	vld [tilespmem:$0x17A00];
	_ =	sdelay $0x4  }
0xca: {  	[tilespmem:$0x1FB80] =	vst v63;
	v63 =	vld [tilespmem:$0x17AA0];
	_ =	sdelay $0x4  }
0xcb: {  	[tilespmem:$0x1FBC0] =	vst v63;
	v63 =	vld [tilespmem:$0x17B40];
	_ =	sdelay $0x4  }
0xcc: {  	[tilespmem:$0x1FBF0] =	vst v63;
	v63 =	vld [tilespmem:$0x17BE0];
	_ =	sdelay $0x4  }
0xcd: {  	[tilespmem:$0x1FC30] =	vst v63;
	v63 =	vld [tilespmem:$0x17C80]  }
0xce: {  	v26 =	vadd.f32 v26, v28;
	v28 =	vld [tilespmem:$0x17830]  }
0xcf: {  	v10 =	vadd.f32 v10, v11;
	v11 =	vld [tilespmem:$0x17970];
	_ =	sdelay $0x1  }
0xd0: {  	v18 =	vadd.f32 v18, v20  }
0xd1: {  	[tilespmem:$0x1FC50] =	vst v63;
	v63 =	vadd.f32 v30, v26  }
0xd2: {  	[tilespmem:$0x1FB10] =	vst v28;
	v28 =	vadd.f32 v21, v18;
	v18 =	vld [tilespmem:$0x1F3E0]  }
0xd3: {  	v12 =	vadd.f32 v12, v14;
	[tilespmem:$0x1FB60] =	vst v11;
	v11 =	vadd.f32 v41, v63  }
0xd4: {  	v21 =	vld [tilespmem:$0x1F3F0]  }
0xd5: {  	v12 =	vadd.f32 v15, v12;
	v41 =	vld [tilespmem:$0x17B50];
	v11 =	vadd.f32 v53, v11  }
0xd6: {  	v10 =	vadd.f32 v13, v10;
	v14 =	vadd.f32 v29, v28;
	v28 =	vld [tilespmem:$0x1F410]  }
0xd7: {  	v12 =	vadd.f32 v22, v12;
	v11 =	vadd.f32 v18, v11  }
0xd8: {  	v10 =	vadd.f32 v16, v10  }
0xd9: {  	v12 =	vadd.f32 v34, v12;
	v11 =	vadd.f32 v21, v11  }
0xda: {  	v10 =	vadd.f32 v23, v10;
	[tilespmem:$0x1FC10] =	vst v41;
	v41 =	vld [tilespmem:$0x1F430]  }
0xdb: {  	v12 =	vadd.f32 v43, v12;
	v11 =	vadd.f32 v28, v11;
	_ =	sdelay $0x1  }
0xdc: {  	v10 =	vadd.f32 v35, v10;
	[tilespmem:$0x1FE30] =	vst v11;
	v11 =	vadd.f32 v57, v12;
	_ =	sdelay $0x1  }
0xdd: {  	v10 =	vadd.f32 v44, v10;
	v11 =	vadd.f32 v41, v11;
	_ =	sdelay $0x1  }
0xde: {  	[tilespmem:$0x1FE70] =	vst v11;
	v11 =	vadd.f32 v1, v49;
	v1 =	vadd.f32 v52, v10;
	_ =	sdelay $0x1  }
0xdf: {  	[tilespmem:$0x1FE90] =	vst v1;
	v1 =	vld [tilespmem:$0x17850];
	_ =	sdelay $0x4  }
0xe0: {  	[tilespmem:$0x1FC80] =	vst v1;
	v1 =	vld [tilespmem:$0x1F440];
	_ =	sdelay $0x2  }
0xe1: {  	v11 =	vadd.f32 v55, v11;
	_ =	sdelay $0x1  }
0xe2: {  	v11 =	vadd.f32 v1, v11;
	v1 =	vld [tilespmem:$0x178F0];
	_ =	sdelay $0x4  }
0xe3: {  	[tilespmem:$0x1FC90] =	vst v1;
	v1 =	vld [tilespmem:$0x17990];
	_ =	sdelay $0x4  }
0xe4: {  	[tilespmem:$0x1FCD0] =	vst v1;
	v1 =	vld [tilespmem:$0x1F450];
	_ =	sdelay $0x4  }
0xe5: {  	v11 =	vadd.f32 v1, v11;
	v1 =	vld [tilespmem:$0x17A30];
	_ =	sdelay $0x3  }
0xe6: {  	v10 =	vadd.f32 v36, v37  }
0xe7: {  	[tilespmem:$0x1FD00] =	vst v1;
	v1 =	vld [tilespmem:$0x1F460]  }
0xe8: {  	v10 =	vadd.f32 v39, v10;
	_ =	sdelay $0x1  }
0xe9: {  	v10 =	vadd.f32 v54, v10;
	_ =	sdelay $0x1  }
0xea: {  	v10 =	vadd.f32 v1, v10;
	v1 =	vld [tilespmem:$0x17AD0];
	_ =	sdelay $0x4  }
0xeb: {  	[tilespmem:$0x1FD30] =	vst v1;
	v1 =	vld [tilespmem:$0x1F470];
	_ =	sdelay $0x4  }
0xec: {  	v11 =	vadd.f32 v1, v11;
	v1 =	vld [tilespmem:$0x17B70];
	_ =	sdelay $0x4  }
0xed: {  	[tilespmem:$0x1FD50] =	vst v1;
	v1 =	vld [tilespmem:$0x1F480];
	_ =	sdelay $0x3  }
0xee: {  	v23 =	vld [tilespmem:$0x1F400]  }
0xef: {  	v10 =	vadd.f32 v1, v10;
	v1 =	vld [tilespmem:$0x17C10]  }
0xf0: {  	v53 =	vadd.f32 v40, v14  }
0xf1: {  	v35 =	vld [tilespmem:$0x1F420]  }
0xf2: {  	v13 =	vadd.f32 v51, v53;
	_ =	sdelay $0x1  }
0xf3: {  	v13 =	vadd.f32 v23, v13;
	[tilespmem:$0x1FD70] =	vst v1;
	v1 =	vld [tilespmem:$0x1F490];
	_ =	sdelay $0x1  }
0xf4: {  	v43 =	vadd.f32 v24, v27;
	v12 =	vadd.f32 v35, v13;
	_ =	sdelay $0x1  }
0xf5: {  	[tilespmem:$0x1FE50] =	vst v12;
	v12 =	vadd.f32 v31, v43  }
0xf6: {  	v11 =	vadd.f32 v1, v11;
	v1 =	vld [tilespmem:$0x1F4A0]  }
0xf7: {  	v12 =	vadd.f32 v48, v12;
	_ =	sdelay $0x1  }
0xf8: {  	v12 =	vadd.f32 v60, v12;
	_ =	sdelay $0x1  }
0xf9: {  	v12 =	vadd.f32 v1, v12;
	v1 =	vld [tilespmem:$0x17CB0];
	_ =	sdelay $0x4  }
0xfa: {  	[tilespmem:$0x1FDA0] =	vst v1;
	v1 =	vld [tilespmem:$0x1F4B0];
	_ =	sdelay $0x4  }
0xfb: {  	v10 =	vadd.f32 v1, v10;
	v1 =	vld [tilespmem:$0x17860];
	_ =	sdelay $0x4  }
0xfc: {  	[tilespmem:$0x1FCB0] =	vst v1;
	v1 =	vld [tilespmem:$0x1F4C0];
	_ =	sdelay $0x4  }
0xfd: {  	v1 =	vadd.f32 v1, v11;
	_ =	sdelay $0x1  }
0xfe: {  	[tilespmem:$0x1FEB0] =	vst v1;
	v1 =	vld [tilespmem:$0x1F4D0];
	_ =	sdelay $0x4  }
0xff: {  	v11 =	vadd.f32 v1, v12;
	v1 =	vld [tilespmem:$0x17900];
	_ =	sdelay $0x4  }
0x100: {  	[tilespmem:$0x1FCC0] =	vst v1;
	v1 =	vld [tilespmem:$0x1F4E0];
	_ =	sdelay $0x1  }
0x101: {  	v44 =	vadd.f32 v17, v19;
	_ =	sdelay $0x1  }
0x102: {  	v13 =	vadd.f32 v25, v44  }
0x103: {  	v1 =	vadd.f32 v1, v10  }
0x104: {  	v13 =	vadd.f32 v32, v13  }
0x105: {  	[tilespmem:$0x1FED0] =	vst v1;
	v1 =	vld [tilespmem:$0x1F4F0]  }
0x106: {  	v13 =	vadd.f32 v42, v13;
	_ =	sdelay $0x1  }
0x107: {  	v13 =	vadd.f32 v61, v13;
	_ =	sdelay $0x1  }
0x108: {  	v10 =	vadd.f32 v1, v13;
	v1 =	vld [tilespmem:$0x179A0];
	_ =	sdelay $0x4  }
0x109: {  	[tilespmem:$0x1FCF0] =	vst v1;
	v1 =	vld [tilespmem:$0x1F500];
	_ =	sdelay $0x4  }
0x10a: {  	v1 =	vadd.f32 v1, v11  }
0x10b: {  	v11 =	vld [tilespmem:$0x1F520]  }
0x10c: {  	[tilespmem:$0x1FEF0] =	vst v1;
	v1 =	vld [tilespmem:$0x1F510];
	_ =	sdelay $0x4  }
0x10d: {  	v11 =	vadd.f32 v11, v1;
	v1 =	vld [tilespmem:$0x17A40];
	_ =	sdelay $0x4  }
0x10e: {  	[tilespmem:$0x1FD20] =	vst v1;
	v1 =	vld [tilespmem:$0x1F530];
	_ =	sdelay $0x4  }
0x10f: {  	v1 =	vadd.f32 v1, v10;
	_ =	sdelay $0x1  }
0x110: {  	[tilespmem:$0x1FF10] =	vst v1;
	v1 =	vld [tilespmem:$0x1F540];
	_ =	sdelay $0x4  }
0x111: {  	v10 =	vadd.f32 v62, v1;
	v1 =	vld [tilespmem:$0x17AE0];
	_ =	sdelay $0x4  }
0x112: {  	[tilespmem:$0x1FD40] =	vst v1;
	v1 =	vld [tilespmem:$0x1F550];
	_ =	sdelay $0x4  }
0x113: {  	v11 =	vadd.f32 v1, v11;
	v1 =	vld [tilespmem:$0x17B80];
	_ =	sdelay $0x4  }
0x114: {  	[tilespmem:$0x1FD60] =	vst v1;
	v1 =	vld [tilespmem:$0x1F560];
	_ =	sdelay $0x4  }
0x115: {  	v10 =	vadd.f32 v1, v10;
	v1 =	vld [tilespmem:$0x17C20];
	_ =	sdelay $0x4  }
0x116: {  	[tilespmem:$0x1FD90] =	vst v1;
	v1 =	vld [tilespmem:$0x1F570];
	_ =	sdelay $0x4  }
0x117: {  	v11 =	vadd.f32 v1, v11;
	v1 =	vld [tilespmem:$0x17CC0];
	_ =	sdelay $0x4  }
0x118: {  	[tilespmem:$0x1FDC0] =	vst v1;
	v1 =	vld [tilespmem:$0x1F580];
	_ =	sdelay $0x4  }
0x119: {  	v10 =	vadd.f32 v1, v10;
	v1 =	vld [tilespmem:$0x1F590];
	_ =	sdelay $0x4  }
0x11a: {  	v11 =	vadd.f32 v1, v11;
	v1 =	vld [tilespmem:$0x1F5A0]  }
0x11b: {  	v48 =	vadd.f32 v45, v50;
	_ =	sdelay $0x1  }
0x11c: {  	v12 =	vadd.f32 v56, v48;
	_ =	sdelay $0x1  }
0x11d: {  	v12 =	vadd.f32 v1, v12;
	v1 =	vld [tilespmem:$0x1F5B0];
	_ =	sdelay $0x4  }
0x11e: {  	v10 =	vadd.f32 v1, v10;
	v1 =	vld [tilespmem:$0x1F5C0];
	_ =	sdelay $0x4  }
0x11f: {  	v11 =	vadd.f32 v1, v11;
	v1 =	vld [tilespmem:$0x1F5D0];
	_ =	sdelay $0x4  }
0x120: {  	v12 =	vadd.f32 v1, v12;
	v1 =	vld [tilespmem:$0x1F5E0];
	_ =	sdelay $0x3  }
0x121: {  	v49 =	vadd.f32 v33, v38  }
0x122: {  	v10 =	vadd.f32 v1, v10;
	v1 =	vld [tilespmem:$0x1F5F0]  }
0x123: {  	v13 =	vadd.f32 v46, v49;
	_ =	sdelay $0x1  }
0x124: {  	v13 =	vadd.f32 v58, v13;
	_ =	sdelay $0x1  }
0x125: {  	v13 =	vadd.f32 v1, v13;
	v1 =	vld [tilespmem:$0x1F600];
	_ =	sdelay $0x4  }
0x126: {  	v11 =	vadd.f32 v1, v11;
	v1 =	vld [tilespmem:$0x1F610];
	_ =	sdelay $0x4  }
0x127: {  	v12 =	vadd.f32 v1, v12;
	v1 =	vld [tilespmem:$0x17B90];
	_ =	sdelay $0x4  }
0x128: {  	[tilespmem:$0x1FD80] =	vst v1;
	v1 =	vld [tilespmem:$0x1F620];
	_ =	sdelay $0x4  }
0x129: {  	v10 =	vadd.f32 v1, v10;
	v1 =	vld [tilespmem:$0x1F630];
	_ =	sdelay $0x4  }
0x12a: {  	v13 =	vadd.f32 v1, v13;
	v1 =	vld [tilespmem:$0x17C30];
	_ =	sdelay $0x4  }
0x12b: {  	[tilespmem:$0x1FDB0] =	vst v1;
	v1 =	vld [tilespmem:$0x1F640];
	_ =	sdelay $0x4  }
0x12c: {  	v1 =	vadd.f32 v1, v11;
	_ =	sdelay $0x1  }
0x12d: {  	[tilespmem:$0x1FF30] =	vst v1;
	v1 =	vld [tilespmem:$0x1F650];
	_ =	sdelay $0x4  }
0x12e: {  	v11 =	vadd.f32 v1, v12;
	v1 =	vld [tilespmem:$0x17CD0];
	_ =	sdelay $0x4  }
0x12f: {  	[tilespmem:$0x1FDF0] =	vst v1;
	v1 =	vld [tilespmem:$0x1F660];
	_ =	sdelay $0x4  }
0x130: {  	v1 =	vadd.f32 v1, v10;
	_ =	sdelay $0x1  }
0x131: {  	[tilespmem:$0x1FF50] =	vst v1;
	v1 =	vld [tilespmem:$0x1F670];
	_ =	sdelay $0x4  }
0x132: {  	v10 =	vadd.f32 v1, v13;
	v1 =	vld [tilespmem:$0x17880];
	_ =	sdelay $0x4  }
0x133: {  	[tilespmem:$0x1FDD0] =	vst v1;
	v1 =	vld [tilespmem:$0x1F680];
	_ =	sdelay $0x4  }
0x134: {  	v1 =	vadd.f32 v1, v11  }
0x135: {  	v11 =	vld [tilespmem:$0x1F6A0]  }
0x136: {  	[tilespmem:$0x1FF60] =	vst v1;
	v1 =	vld [tilespmem:$0x1F690];
	_ =	sdelay $0x4  }
0x137: {  	v11 =	vadd.f32 v11, v1;
	v1 =	vld [tilespmem:$0x17920];
	_ =	sdelay $0x4  }
0x138: {  	[tilespmem:$0x1FDE0] =	vst v1;
	v1 =	vld [tilespmem:$0x1F6B0];
	_ =	sdelay $0x4  }
0x139: {  	v1 =	vadd.f32 v1, v10  }
0x13a: {  	v10 =	vld [tilespmem:$0x1F6D0]  }
0x13b: {  	[tilespmem:$0x1FF70] =	vst v1;
	v1 =	vld [tilespmem:$0x1F6C0];
	_ =	sdelay $0x4  }
0x13c: {  	v10 =	vadd.f32 v10, v1;
	v1 =	vld [tilespmem:$0x179C0];
	_ =	sdelay $0x4  }
0x13d: {  	[tilespmem:$0x1FE00] =	vst v1;
	v1 =	vld [tilespmem:$0x1F6E0];
	_ =	sdelay $0x3  }
0x13e: {  	v50 =	vld [tilespmem:$0x1F700]  }
0x13f: {  	v11 =	vadd.f32 v1, v11;
	v1 =	vld [tilespmem:$0x1F6F0];
	_ =	sdelay $0x4  }
0x140: {  	v12 =	vadd.f32 v50, v1;
	v1 =	vld [tilespmem:$0x17A60];
	_ =	sdelay $0x4  }
0x141: {  	[tilespmem:$0x1FE10] =	vst v1;
	v1 =	vld [tilespmem:$0x1F710];
	_ =	sdelay $0x4  }
0x142: {  	v10 =	vadd.f32 v1, v10;
	v1 =	vld [tilespmem:$0x1F720];
	_ =	sdelay $0x4  }
0x143: {  	v51 =	vadd.f32 v59, v1;
	v1 =	vld [tilespmem:$0x17B00];
	_ =	sdelay $0x4  }
0x144: {  	[tilespmem:$0x1FE40] =	vst v1;
	v1 =	vld [tilespmem:$0x1F730];
	_ =	sdelay $0x4  }
0x145: {  	v11 =	vadd.f32 v1, v11;
	v1 =	vld [tilespmem:$0x1F740];
	_ =	sdelay $0x4  }
0x146: {  	v12 =	vadd.f32 v1, v12;
	v1 =	vld [tilespmem:$0x17BA0];
	_ =	sdelay $0x4  }
0x147: {  	[tilespmem:$0x1FE80] =	vst v1;
	v1 =	vld [tilespmem:$0x1F750];
	_ =	sdelay $0x4  }
0x148: {  	v10 =	vadd.f32 v1, v10;
	v1 =	vld [tilespmem:$0x1F760];
	_ =	sdelay $0x4  }
0x149: {  	v13 =	vadd.f32 v1, v51;
	v1 =	vld [tilespmem:$0x17C40];
	_ =	sdelay $0x4  }
0x14a: {  	[tilespmem:$0x1FEC0] =	vst v1;
	v1 =	vld [tilespmem:$0x1F770];
	_ =	sdelay $0x4  }
0x14b: {  	v11 =	vadd.f32 v1, v11;
	v1 =	vld [tilespmem:$0x1F780];
	_ =	sdelay $0x4  }
0x14c: {  	v12 =	vadd.f32 v1, v12;
	v1 =	vld [tilespmem:$0x17CE0];
	_ =	sdelay $0x4  }
0x14d: {  	[tilespmem:$0x1FF00] =	vst v1;
	v1 =	vld [tilespmem:$0x1F790];
	_ =	sdelay $0x4  }
0x14e: {  	v10 =	vadd.f32 v1, v10;
	v1 =	vld [tilespmem:$0x1F7A0];
	_ =	sdelay $0x4  }
0x14f: {  	v13 =	vadd.f32 v1, v13;
	v1 =	vld [tilespmem:$0x1F7B0];
	_ =	sdelay $0x4  }
0x150: {  	v11 =	vadd.f32 v1, v11;
	v1 =	vld [tilespmem:$0x1F7C0];
	_ =	sdelay $0x4  }
0x151: {  	v12 =	vadd.f32 v1, v12;
	v1 =	vld [tilespmem:$0x1F7D0];
	_ =	sdelay $0x4  }
0x152: {  	v10 =	vadd.f32 v1, v10;
	v1 =	vld [tilespmem:$0x1F7E0];
	_ =	sdelay $0x4  }
0x153: {  	v13 =	vadd.f32 v1, v13;
	v1 =	vld [tilespmem:$0x1F7F0];
	_ =	sdelay $0x4  }
0x154: {  	v11 =	vadd.f32 v1, v11;
	v1 =	vld [tilespmem:$0x1F800];
	_ =	sdelay $0x4  }
0x155: {  	v12 =	vadd.f32 v1, v12;
	v1 =	vld [tilespmem:$0x17A70];
	_ =	sdelay $0x4  }
0x156: {  	[tilespmem:$0x1FE20] =	vst v1;
	v1 =	vld [tilespmem:$0x1F810];
	_ =	sdelay $0x4  }
0x157: {  	v10 =	vadd.f32 v1, v10;
	v1 =	vld [tilespmem:$0x1F820];
	_ =	sdelay $0x4  }
0x158: {  	v13 =	vadd.f32 v1, v13;
	v1 =	vld [tilespmem:$0x17B10];
	_ =	sdelay $0x4  }
0x159: {  	[tilespmem:$0x1FE60] =	vst v1;
	v1 =	vld [tilespmem:$0x1F830];
	_ =	sdelay $0x4  }
0x15a: {  	v1 =	vadd.f32 v1, v11;
	_ =	sdelay $0x1  }
0x15b: {  	[tilespmem:$0x1FF80] =	vst v1;
	v1 =	vld [tilespmem:$0x1F840];
	_ =	sdelay $0x4  }
0x15c: {  	v11 =	vadd.f32 v1, v12;
	v1 =	vld [tilespmem:$0x17BB0];
	_ =	sdelay $0x4  }
0x15d: {  	[tilespmem:$0x1FEA0] =	vst v1;
	v1 =	vld [tilespmem:$0x1F850];
	_ =	sdelay $0x4  }
0x15e: {  	v1 =	vadd.f32 v1, v10;
	_ =	sdelay $0x1  }
0x15f: {  	[tilespmem:$0x1FF90] =	vst v1;
	v1 =	vld [tilespmem:$0x1F860];
	_ =	sdelay $0x4  }
0x160: {  	v10 =	vadd.f32 v1, v13;
	v1 =	vld [tilespmem:$0x17C50];
	_ =	sdelay $0x4  }
0x161: {  	[tilespmem:$0x1FEE0] =	vst v1;
	v1 =	vld [tilespmem:$0x1F870];
	_ =	sdelay $0x4  }
0x162: {  	v1 =	vadd.f32 v1, v11  }
0x163: {  	v11 =	vld [tilespmem:$0x1F890]  }
0x164: {  	[tilespmem:$0x1FFA0] =	vst v1;
	v1 =	vld [tilespmem:$0x1F880];
	_ =	sdelay $0x4  }
0x165: {  	v11 =	vadd.f32 v11, v1;
	v1 =	vld [tilespmem:$0x17CF0];
	_ =	sdelay $0x4  }
0x166: {  	[tilespmem:$0x1FF20] =	vst v1;
	v1 =	vld [tilespmem:$0x1F8A0];
	_ =	sdelay $0x4  }
0x167: {  	v1 =	vadd.f32 v1, v10  }
0x168: {  	v10 =	vld [tilespmem:$0x1F8C0]  }
0x169: {  	[tilespmem:$0x1FFB0] =	vst v1;
	v1 =	vld [tilespmem:$0x1F8B0];
	_ =	sdelay $0x4  }
0x16a: {  	v10 =	vadd.f32 v10, v1;
	v1 =	vld [tilespmem:$0x1F8D0];
	_ =	sdelay $0x3  }
0x16b: {  	v55 =	vld [tilespmem:$0x1F8F0]  }
0x16c: {  	v11 =	vadd.f32 v1, v11;
	v1 =	vld [tilespmem:$0x1F8E0];
	_ =	sdelay $0x4  }
0x16d: {  	v57 =	vadd.f32 v55, v1;
	v1 =	vld [tilespmem:$0x1F900];
	_ =	sdelay $0x3  }
0x16e: {  	v59 =	vld [tilespmem:$0x1F920]  }
0x16f: {  	v10 =	vadd.f32 v1, v10;
	v1 =	vld [tilespmem:$0x1F910];
	_ =	sdelay $0x4  }
0x170: {  	v60 =	vadd.f32 v59, v1;
	v1 =	vld [tilespmem:$0x1F930];
	_ =	sdelay $0x4  }
0x171: {  	v11 =	vadd.f32 v1, v11;
	v1 =	vld [tilespmem:$0x1F940];
	_ =	sdelay $0x4  }
0x172: {  	v61 =	vadd.f32 v1, v57;
	v1 =	vld [tilespmem:$0x1F950];
	_ =	sdelay $0x4  }
0x173: {  	v10 =	vadd.f32 v1, v10;
	v1 =	vld [tilespmem:$0x1F960];
	_ =	sdelay $0x4  }
0x174: {  	v15 =	vadd.f32 v1, v60;
	v1 =	vld [tilespmem:$0x1F970];
	_ =	sdelay $0x4  }
0x175: {  	v11 =	vadd.f32 v1, v11;
	v1 =	vld [tilespmem:$0x1F980];
	_ =	sdelay $0x4  }
0x176: {  	v18 =	vadd.f32 v1, v61;
	v1 =	vld [tilespmem:$0x1F990];
	_ =	sdelay $0x4  }
0x177: {  	v10 =	vadd.f32 v1, v10;
	v1 =	vld [tilespmem:$0x1F9A0];
	_ =	sdelay $0x4  }
0x178: {  	v15 =	vadd.f32 v1, v15;
	v1 =	vld [tilespmem:$0x1F9B0];
	_ =	sdelay $0x4  }
0x179: {  	v11 =	vadd.f32 v1, v11;
	v1 =	vld [tilespmem:$0x1F9C0];
	_ =	sdelay $0x4  }
0x17a: {  	v18 =	vadd.f32 v1, v18;
	v1 =	vld [tilespmem:$0x18160];
	_ =	sdelay $0x4  }
0x17b: {  	[tilespmem:$0x1FF40] =	vst v1;
	v1 =	vld [tilespmem:$0x1F9D0];
	_ =	sdelay $0x4  }
0x17c: {  	v10 =	vadd.f32 v1, v10;
	v1 =	vld [tilespmem:$0x1F9E0];
	_ =	sdelay $0x4  }
0x17d: {  	v15 =	vadd.f32 v1, v15;
	v1 =	vld [tilespmem:$0x1F9F0];
	_ =	sdelay $0x4  }
0x17e: {  	v11 =	vadd.f32 v1, v11;
	v1 =	vld [tilespmem:$0x1FA00];
	_ =	sdelay $0x4  }
0x17f: {  	v18 =	vadd.f32 v1, v18;
	v1 =	vld [tilespmem:$0x1FA10];
	_ =	sdelay $0x4  }
0x180: {  	v10 =	vadd.f32 v1, v10;
	v1 =	vld [tilespmem:$0x1FA20];
	_ =	sdelay $0x4  }
0x181: {  	v15 =	vadd.f32 v1, v15;
	v1 =	vld [tilespmem:$0x1FA30];
	_ =	sdelay $0x4  }
0x182: {  	v1 =	vadd.f32 v1, v11;
	_ =	sdelay $0x1  }
0x183: {  	[tilespmem:$0x1FFC0] =	vst v1;
	v1 =	vld [tilespmem:$0x1FA40];
	_ =	sdelay $0x4  }
0x184: {  	v11 =	vadd.f32 v1, v18;
	v1 =	vld [tilespmem:$0x1FA50];
	_ =	sdelay $0x4  }
0x185: {  	v1 =	vadd.f32 v1, v10;
	_ =	sdelay $0x1  }
0x186: {  	[tilespmem:$0x1FFD0] =	vst v1;
	v1 =	vld [tilespmem:$0x1FA60];
	_ =	sdelay $0x4  }
0x187: {  	v10 =	vadd.f32 v1, v15;
	v1 =	vld [tilespmem:$0x1FA70];
	_ =	sdelay $0x4  }
0x188: {  	v1 =	vadd.f32 v1, v11  }
0x189: {  	v11 =	vld [tilespmem:$0x1FA90]  }
0x18a: {  	[tilespmem:$0x1FFE0] =	vst v1;
	v1 =	vld [tilespmem:$0x1FA80];
	_ =	sdelay $0x4  }
0x18b: {  	v11 =	vadd.f32 v11, v1;
	v1 =	vld [tilespmem:$0x1FAA0];
	_ =	sdelay $0x4  }
0x18c: {  	v1 =	vadd.f32 v1, v10  }
0x18d: {  	v10 =	vld [tilespmem:$0x1FAC0]  }
0x18e: {  	[tilespmem:$0x1FFF0] =	vst v1;
	v1 =	vld [tilespmem:$0x1FAB0];
	_ =	sdelay $0x4  }
0x18f: {  	v12 =	vadd.f32 v10, v1;
	v1 =	vld [tilespmem:$0x1FAD0];
	_ =	sdelay $0x3  }
0x190: {  	v10 =	vld [tilespmem:$0x1FAF0]  }
0x191: {  	v11 =	vadd.f32 v1, v11;
	v1 =	vld [tilespmem:$0x1FAE0];
	_ =	sdelay $0x2  }
0x192: {  	v26 =	vld [tilespmem:$0x178D0];
	_ =	sdelay $0x1  }
0x193: {  	v13 =	vadd.f32 v10, v1;
	v1 =	vld [tilespmem:$0x1FB00];
	_ =	sdelay $0x2  }
0x194: {  	[tilespmem:$0x1FB20] =	vst v26  }
0x195: {  	v10 =	vld [tilespmem:$0x1FB20]  }
0x196: {  	v18 =	vadd.f32 v1, v12;
	v1 =	vld [tilespmem:$0x1FB10];
	_ =	sdelay $0x4  }
0x197: {  	v15 =	vadd.f32 v10, v1;
	v1 =	vld [tilespmem:$0x1FB30];
	_ =	sdelay $0x4  }
0x198: {  	v11 =	vadd.f32 v1, v11;
	v1 =	vld [tilespmem:$0x1FB40];
	_ =	sdelay $0x4  }
0x199: {  	v25 =	vadd.f32 v1, v13;
	v1 =	vld [tilespmem:$0x1FB50];
	_ =	sdelay $0x4  }
0x19a: {  	v18 =	vadd.f32 v1, v18;
	v1 =	vld [tilespmem:$0x1FB60];
	_ =	sdelay $0x4  }
0x19b: {  	v27 =	vadd.f32 v1, v15;
	v1 =	vld [tilespmem:$0x1FB70];
	_ =	sdelay $0x4  }
0x19c: {  	v16 =	vadd.f32 v1, v11;
	v1 =	vld [tilespmem:$0x1FB80];
	_ =	sdelay $0x3  }
0x19d: {  	v30 =	vld [tilespmem:$0x17A10]  }
0x19e: {  	v25 =	vadd.f32 v1, v25;
	v1 =	vld [tilespmem:$0x1FB90];
	_ =	sdelay $0x3  }
0x19f: {  	[tilespmem:$0x1FBA0] =	vst v30  }
0x1a0: {  	v18 =	vadd.f32 v1, v18;
	v1 =	vld [tilespmem:$0x1FBA0];
	_ =	sdelay $0x4  }
0x1a1: {  	v27 =	vadd.f32 v1, v27;
	v1 =	vld [tilespmem:$0x1FBB0];
	_ =	sdelay $0x4  }
0x1a2: {  	v33 =	vadd.f32 v1, v16;
	v1 =	vld [tilespmem:$0x1FBC0];
	_ =	sdelay $0x4  }
0x1a3: {  	v19 =	vadd.f32 v1, v25;
	v1 =	vld [tilespmem:$0x1FBD0];
	_ =	sdelay $0x4  }
0x1a4: {  	v35 =	vadd.f32 v1, v18;
	v1 =	vld [tilespmem:$0x1FBE0];
	_ =	sdelay $0x4  }
0x1a5: {  	v33 =	vadd.f32 v1, v33;
	v1 =	vld [tilespmem:$0x1FBF0];
	_ =	sdelay $0x4  }
0x1a6: {  	v25 =	vadd.f32 v1, v19;
	v1 =	vld [tilespmem:$0x1FC00];
	_ =	sdelay $0x2  }
0x1a7: {  	v63 =	vld [tilespmem:$0x17AB0];
	_ =	sdelay $0x1  }
0x1a8: {  	v35 =	vadd.f32 v1, v35;
	v1 =	vld [tilespmem:$0x1FC10];
	_ =	sdelay $0x2  }
0x1a9: {  	v24 =	vadd.f32 v63, v27;
	_ =	sdelay $0x1  }
0x1aa: {  	v61 =	vadd.f32 v1, v24;
	v1 =	vld [tilespmem:$0x1FC20];
	_ =	sdelay $0x4  }
0x1ab: {  	v55 =	vadd.f32 v1, v33;
	v1 =	vld [tilespmem:$0x1FC30];
	_ =	sdelay $0x4  }
0x1ac: {  	v63 =	vadd.f32 v1, v25;
	v1 =	vld [tilespmem:$0x1FC40];
	_ =	sdelay $0x2  }
0x1ad: {  	v22 =	vld [tilespmem:$0x178E0]  }
0x1ae: {  	v20 =	vld [tilespmem:$0x17840]  }
0x1af: {  	v35 =	vadd.f32 v1, v35;
	v1 =	vld [tilespmem:$0x1FC50];
	_ =	sdelay $0x2  }
0x1b0: {  	[tilespmem:$0x1FC70] =	vst v22  }
0x1b1: {  	[tilespmem:$0x1FC60] =	vst v20;
	v10 =	vld [tilespmem:$0x1FC70]  }
0x1b2: {  	v63 =	vadd.f32 v1, v63;
	v1 =	vld [tilespmem:$0x1FC60];
	_ =	sdelay $0x2  }
0x1b3: {  	v26 =	vld [tilespmem:$0x17980]  }
0x1b4: {  	v11 =	vld [tilespmem:$0x1FC90]  }
0x1b5: {  	v1 =	vadd.f32 v10, v1;
	v10 =	vld [tilespmem:$0x1FC80];
	_ =	sdelay $0x3  }
0x1b6: {  	[tilespmem:$0x1FCA0] =	vst v26  }
0x1b7: {  	v10 =	vadd.f32 v11, v10;
	v11 =	vld [tilespmem:$0x1FCA0]  }
0x1b8: {  	v30 =	vld [tilespmem:$0x17BF0]  }
0x1b9: {  	v34 =	vld [tilespmem:$0x17A20]  }
0x1ba: {  	v29 =	vld [tilespmem:$0x17C90]  }
0x1bb: {  	v27 =	vld [tilespmem:$0x1FCC0]  }
0x1bc: {  	v1 =	vadd.f32 v11, v1;
	v11 =	vld [tilespmem:$0x1FCB0]  }
0x1bd: {  	v40 =	vld [tilespmem:$0x17AC0];
	v61 =	vadd.f32 v30, v61  }
0x1be: {  	v59 =	vld [tilespmem:$0x1FCF0]  }
0x1bf: {  	v61 =	vadd.f32 v29, v61;
	v29 =	vld [tilespmem:$0x1FCD0];
	_ =	sdelay $0x1  }
0x1c0: {  	v11 =	vadd.f32 v27, v11;
	v27 =	vld [tilespmem:$0x1FD00]  }
0x1c1: {  	[tilespmem:$0x1FCE0] =	vst v34;
	v14 =	vld [tilespmem:$0x17B60]  }
0x1c2: {  	v33 =	vld [tilespmem:$0x1FCE0]  }
0x1c3: {  	[tilespmem:$0x1FD10] =	vst v40;
	v10 =	vadd.f32 v29, v10;
	v11 =	vadd.f32 v59, v11;
	v59 =	vld [tilespmem:$0x1FD20]  }
0x1c4: {  	v29 =	vld [tilespmem:$0x1FD10]  }
0x1c5: {  	v10 =	vadd.f32 v27, v10;
	v27 =	vld [tilespmem:$0x1FD30]  }
0x1c6: {  	v53 =	vld [tilespmem:$0x17870]  }
0x1c7: {  	v21 =	vld [tilespmem:$0x17C00];
	v1 =	vadd.f32 v33, v1  }
0x1c8: {  	v11 =	vadd.f32 v59, v11;
	v59 =	vld [tilespmem:$0x1FD50]  }
0x1c9: {  	v23 =	vld [tilespmem:$0x17CA0];
	v1 =	vadd.f32 v29, v1  }
0x1ca: {  	v10 =	vadd.f32 v27, v10;
	v27 =	vld [tilespmem:$0x1FD70]  }
0x1cb: {  	v29 =	vld [tilespmem:$0x1FD40];
	v1 =	vadd.f32 v14, v1  }
0x1cc: {  	v56 =	vld [tilespmem:$0x17910]  }
0x1cd: {  	v1 =	vadd.f32 v21, v1;
	v21 =	vld [tilespmem:$0x1FD60];
	v10 =	vadd.f32 v59, v10  }
0x1ce: {  	v54 =	vld [tilespmem:$0x179B0]  }
0x1cf: {  	v10 =	vadd.f32 v27, v10;
	v27 =	vadd.f32 v23, v1;
	v1 =	vld [tilespmem:$0x1FD90]  }
0x1d0: {  	v52 =	vld [tilespmem:$0x17A50];
	v11 =	vadd.f32 v29, v11  }
0x1d1: {  	v53 =	vadd.f32 v56, v53  }
0x1d2: {  	v49 =	vld [tilespmem:$0x17AF0];
	v11 =	vadd.f32 v21, v11  }
0x1d3: {  	v53 =	vadd.f32 v54, v53;
	v29 =	vld [tilespmem:$0x1FD80]  }
0x1d4: {  	v11 =	vadd.f32 v1, v11;
	v1 =	vld [tilespmem:$0x1FDA0]  }
0x1d5: {  	v52 =	vadd.f32 v52, v53;
	_ =	sdelay $0x1  }
0x1d6: {  	v49 =	vadd.f32 v49, v52;
	_ =	sdelay $0x1  }
0x1d7: {  	v49 =	vadd.f32 v29, v49;
	v29 =	vadd.f32 v1, v10;
	v1 =	vld [tilespmem:$0x1FDB0];
	_ =	sdelay $0x3  }
0x1d8: {  	v62 =	vld [tilespmem:$0x17890]  }
0x1d9: {  	v49 =	vadd.f32 v1, v49;
	v1 =	vld [tilespmem:$0x1FDC0]  }
0x1da: {  	v51 =	vld [tilespmem:$0x17930]  }
0x1db: {  	v59 =	vld [tilespmem:$0x1FDF0]  }
0x1dc: {  	v58 =	vld [tilespmem:$0x179D0]  }
0x1dd: {  	v10 =	vld [tilespmem:$0x1FDE0]  }
0x1de: {  	v11 =	vadd.f32 v1, v11;
	v1 =	vld [tilespmem:$0x1FDD0];
	_ =	sdelay $0x1  }
0x1df: {  	v51 =	vadd.f32 v51, v62;
	v49 =	vadd.f32 v59, v49;
	v59 =	vld [tilespmem:$0x1FE00];
	_ =	sdelay $0x1  }
0x1e0: {  	v51 =	vadd.f32 v58, v51;
	v58 =	vld [tilespmem:$0x1FE10]  }
0x1e1: {  	v1 =	vadd.f32 v10, v1;
	_ =	sdelay $0x1  }
0x1e2: {  	v1 =	vadd.f32 v59, v1;
	_ =	sdelay $0x1  }
0x1e3: {  	v1 =	vadd.f32 v58, v1;
	v58 =	vld [tilespmem:$0x1FE20];
	_ =	sdelay $0x4  }
0x1e4: {  	v51 =	vadd.f32 v58, v51;
	v58 =	vld [tilespmem:$0x1FE30];
	_ =	sdelay $0x2  }
0x1e5: {  	v17 =	vld [tilespmem:$0x17DB0]  }
0x1e6: {  	v22 =	vld [tilespmem:$0x17D10]  }
0x1e7: {  	[tilespmem:$0x18200] =	vst v58;
	v58 =	vld [tilespmem:$0x1FE40];
	_ =	sdelay $0x1  }
0x1e8: {  	v20 =	vld [tilespmem:$0x17E50];
	_ =	sdelay $0x1  }
0x1e9: {  	v34 =	vld [tilespmem:$0x17DA0]  }
0x1ea: {  	v17 =	vadd.f32 v17, v22;
	v1 =	vadd.f32 v58, v1;
	v58 =	vld [tilespmem:$0x1FE50]  }
0x1eb: {  	v22 =	vld [tilespmem:$0x17FD0]  }
0x1ec: {  	v17 =	vadd.f32 v20, v17;
	v20 =	vld [tilespmem:$0x18110]  }
0x1ed: {  	v40 =	vld [tilespmem:$0x17D00]  }
0x1ee: {  	v26 =	vld [tilespmem:$0x17EF0]  }
0x1ef: {  	[tilespmem:$0x18210] =	vst v58;
	v58 =	vld [tilespmem:$0x1FE60]  }
0x1f0: {  	v28 =	vld [tilespmem:$0x17F90]  }
0x1f1: {  	v44 =	vld [tilespmem:$0x17FA0]  }
0x1f2: {  	v43 =	vld [tilespmem:$0x17EE0]  }
0x1f3: {  	v32 =	vld [tilespmem:$0x18030]  }
0x1f4: {  	v51 =	vadd.f32 v58, v51;
	v58 =	vld [tilespmem:$0x1FE70]  }
0x1f5: {  	v41 =	vld [tilespmem:$0x18170]  }
0x1f6: {  	v31 =	vld [tilespmem:$0x17DC0]  }
0x1f7: {  	v34 =	vadd.f32 v34, v40;
	v40 =	vld [tilespmem:$0x17F30]  }
0x1f8: {  	v17 =	vadd.f32 v26, v17;
	v26 =	vld [tilespmem:$0x17D60]  }
0x1f9: {  	[tilespmem:$0x18220] =	vst v58;
	v58 =	vld [tilespmem:$0x1FE80]  }
0x1fa: {  	v45 =	vld [tilespmem:$0x17F80]  }
0x1fb: {  	v38 =	vld [tilespmem:$0x180D0]  }
0x1fc: {  	v36 =	vld [tilespmem:$0x17D20]  }
0x1fd: {  	v37 =	vld [tilespmem:$0x17E60]  }
0x1fe: {  	v1 =	vadd.f32 v58, v1;
	v58 =	vld [tilespmem:$0x1FE90]  }
0x1ff: {  	v42 =	vld [tilespmem:$0x17F00]  }
0x200: {  	v17 =	vadd.f32 v28, v17;
	v39 =	vld [tilespmem:$0x17E40]  }
0x201: {  	v28 =	vld [tilespmem:$0x17EA0]  }
0x202: {  	v17 =	vadd.f32 v32, v17;
	v32 =	vld [tilespmem:$0x17FE0]  }
0x203: {  	[tilespmem:$0x18230] =	vst v58;
	v58 =	vld [tilespmem:$0x1FEA0]  }
0x204: {  	v17 =	vadd.f32 v38, v17;
	v38 =	vld [tilespmem:$0x18120];
	v31 =	vadd.f32 v31, v36  }
0x205: {  	v34 =	vadd.f32 v39, v34;
	v39 =	vld [tilespmem:$0x18070]  }
0x206: {  	v31 =	vadd.f32 v37, v31;
	v37 =	vld [tilespmem:$0x17E10]  }
0x207: {  	v48 =	vld [tilespmem:$0x18020]  }
0x208: {  	v34 =	vadd.f32 v43, v34;
	v51 =	vadd.f32 v58, v51;
	v58 =	vld [tilespmem:$0x1FEB0]  }
0x209: {  	v43 =	vld [tilespmem:$0x181B0]  }
0x20a: {  	v34 =	vadd.f32 v45, v34;
	v45 =	vld [tilespmem:$0x17E00]  }
0x20b: {  	v56 =	vld [tilespmem:$0x180F0]  }
0x20c: {  	v34 =	vadd.f32 v48, v34;
	v48 =	vld [tilespmem:$0x17F40]  }
0x20d: {  	[tilespmem:$0x18240] =	vst v58;
	v58 =	vld [tilespmem:$0x1FEC0]  }
0x20e: {  	v54 =	vld [tilespmem:$0x17D40]  }
0x20f: {  	v53 =	vld [tilespmem:$0x17E80]  }
0x210: {  	v46 =	vld [tilespmem:$0x18040]  }
0x211: {  	v52 =	vld [tilespmem:$0x17FC0]  }
0x212: {  	v1 =	vadd.f32 v58, v1;
	v58 =	vld [tilespmem:$0x1FED0]  }
0x213: {  	v50 =	vld [tilespmem:$0x180E0]  }
0x214: {  	v17 =	vadd.f32 v41, v17;
	v41 =	vld [tilespmem:$0x1FF80]  }
0x215: {  	v57 =	vld [tilespmem:$0x180C0]  }
0x216: {  	v62 =	vld [tilespmem:$0x17E90]  }
0x217: {  	[tilespmem:$0x18250] =	vst v58;
	v58 =	vld [tilespmem:$0x1FEE0]  }
0x218: {  	v13 =	vld [tilespmem:$0x17DE0]  }
0x219: {  	[tilespmem:$0x182C0] =	vst v41;
	v41 =	vld [tilespmem:$0x17E30]  }
0x21a: {  	v34 =	vadd.f32 v57, v34;
	v57 =	vld [tilespmem:$0x18080]  }
0x21b: {  	v60 =	vld [tilespmem:$0x18180]  }
0x21c: {  	v51 =	vadd.f32 v58, v51;
	v58 =	vld [tilespmem:$0x1FEF0]  }
0x21d: {  	v12 =	vld [tilespmem:$0x17D50];
	v13 =	vadd.f32 v13, v54  }
0x21e: {  	v54 =	vadd.f32 v42, v31;
	v31 =	vld [tilespmem:$0x17F50]  }
0x21f: {  	v13 =	vadd.f32 v53, v13;
	v53 =	vld [tilespmem:$0x1FFD0]  }
0x220: {  	v16 =	vld [tilespmem:$0x17DD0]  }
0x221: {  	[tilespmem:$0x18260] =	vst v58;
	v58 =	vld [tilespmem:$0x1FF00]  }
0x222: {  	v18 =	vld [tilespmem:$0x17D30]  }
0x223: {  	v42 =	vld [tilespmem:$0x17EC0]  }
0x224: {  	v19 =	vld [tilespmem:$0x17E70]  }
0x225: {  	v15 =	vld [tilespmem:$0x18060]  }
0x226: {  	v1 =	vadd.f32 v58, v1;
	v58 =	vld [tilespmem:$0x1FF10]  }
0x227: {  	[tilespmem:$0x18310] =	vst v53;
	v53 =	vld [tilespmem:$0x18000];
	v16 =	vadd.f32 v16, v18  }
0x228: {  	v18 =	vld [tilespmem:$0x17D70]  }
0x229: {  	v16 =	vadd.f32 v19, v16;
	v19 =	vadd.f32 v44, v54;
	v44 =	vld [tilespmem:$0x1FFC0]  }
0x22a: {  	v54 =	vld [tilespmem:$0x17D80]  }
0x22b: {  	[tilespmem:$0x18270] =	vst v58;
	v58 =	vld [tilespmem:$0x1FF20]  }
0x22c: {  	v19 =	vadd.f32 v46, v19;
	v46 =	vld [tilespmem:$0x17F60]  }
0x22d: {  	v24 =	vld [tilespmem:$0x17F10]  }
0x22e: {  	v19 =	vadd.f32 v50, v19;
	v50 =	vld [tilespmem:$0x17F70]  }
0x22f: {  	[tilespmem:$0x18300] =	vst v44;
	v44 =	vadd.f32 v45, v26;
	v45 =	vld [tilespmem:$0x17ED0]  }
0x230: {  	v51 =	vadd.f32 v58, v51;
	v58 =	vld [tilespmem:$0x1FF30]  }
0x231: {  	v30 =	vld [tilespmem:$0x18050]  }
0x232: {  	v16 =	vadd.f32 v24, v16;
	v24 =	vld [tilespmem:$0x17FF0]  }
0x233: {  	v10 =	vld [tilespmem:$0x17DF0]  }
0x234: {  	v25 =	vld [tilespmem:$0x17FB0]  }
0x235: {  	[tilespmem:$0x18280] =	vst v58;
	v58 =	vld [tilespmem:$0x1FF40]  }
0x236: {  	v33 =	vld [tilespmem:$0x18190]  }
0x237: {  	v59 =	vld [tilespmem:$0x1FF70]  }
0x238: {  	v14 =	vld [tilespmem:$0x17F20];
	v10 =	vadd.f32 v10, v12  }
0x239: {  	v21 =	vld [tilespmem:$0x18100]  }
0x23a: {  	v10 =	vadd.f32 v62, v10;
	v34 =	vadd.f32 v58, v34;
	v58 =	vld [tilespmem:$0x1FF50]  }
0x23b: {  	v23 =	vld [tilespmem:$0x181A0]  }
0x23c: {  	v19 =	vadd.f32 v60, v19;
	[tilespmem:$0x182B0] =	vst v59;
	v59 =	vld [tilespmem:$0x1FFA0];
	v10 =	vadd.f32 v40, v10  }
0x23d: {  	[tilespmem:$0x183F0] =	vst v17;
	v13 =	vadd.f32 v14, v13;
	v12 =	vld [tilespmem:$0x17EB0]  }
0x23e: {  	[tilespmem:$0x18400] =	vst v19;
	v16 =	vadd.f32 v25, v16;
	v62 =	vld [tilespmem:$0x1FFB0];
	v10 =	vadd.f32 v22, v10  }
0x23f: {  	v13 =	vadd.f32 v52, v13;
	[tilespmem:$0x18290] =	vst v58;
	v58 =	vld [tilespmem:$0x1FF60]  }
0x240: {  	[tilespmem:$0x18370] =	vst v61;
	v16 =	vadd.f32 v30, v16;
	v10 =	vadd.f32 v39, v10;
	v39 =	vld [tilespmem:$0x17D90]  }
0x241: {  	v13 =	vadd.f32 v15, v13;
	[tilespmem:$0x182E0] =	vst v59;
	v59 =	vld [tilespmem:$0x17E20]  }
0x242: {  	v18 =	vadd.f32 v37, v18;
	[tilespmem:$0x18340] =	vst v55;
	v25 =	vld [tilespmem:$0x18130];
	v16 =	vadd.f32 v56, v16  }
0x243: {  	[tilespmem:$0x18350] =	vst v35;
	v14 =	vld [tilespmem:$0x18090];
	v13 =	vadd.f32 v21, v13  }
0x244: {  	v16 =	vadd.f32 v33, v16;
	v12 =	vadd.f32 v12, v18;
	[tilespmem:$0x182A0] =	vst v58;
	v58 =	vld [tilespmem:$0x1FF90]  }
0x245: {  	v13 =	vadd.f32 v23, v13;
	[tilespmem:$0x182F0] =	vst v62;
	v62 =	vld [tilespmem:$0x1FFF0];
	v52 =	vadd.f32 v41, v39  }
0x246: {  	[tilespmem:$0x18360] =	vst v63;
	v12 =	vadd.f32 v31, v12;
	v15 =	vadd.f32 v59, v54;
	v54 =	vld [tilespmem:$0x18010]  }
0x247: {  	v56 =	vld [tilespmem:$0x180B0];
	[tilespmem:$0x18410] =	vst v16;
	v23 =	vadd.f32 v28, v44;
	v18 =	vadd.f32 v45, v52  }
0x248: {  	[tilespmem:$0x183A0] =	vst v11;
	v40 =	vld [tilespmem:$0x181D0];
	v12 =	vadd.f32 v24, v12;
	v10 =	vadd.f32 v20, v10  }
0x249: {  	v11 =	vadd.f32 v48, v23;
	v18 =	vadd.f32 v50, v18;
	[tilespmem:$0x182D0] =	vst v58;
	v58 =	vld [tilespmem:$0x1FFE0]  }
0x24a: {  	[tilespmem:$0x18380] =	vst v27;
	v12 =	vadd.f32 v14, v12;
	v10 =	vadd.f32 v43, v10;
	v59 =	vld [tilespmem:$0x18150]  }
0x24b: {  	v55 =	vld [tilespmem:$0x180A0];
	[tilespmem:$0x18330] =	vst v62;
	v15 =	vadd.f32 v42, v15;
	v60 =	vadd.f32 v54, v18  }
0x24c: {  	v62 =	vld [tilespmem:$0x181F0];
	v12 =	vadd.f32 v25, v12;
	[tilespmem:$0x183C0] =	vst v1;
	v1 =	vadd.f32 v32, v11  }
0x24d: {  	v36 =	vld [tilespmem:$0x181C0];
	[tilespmem:$0x18430] =	vst v10;
	v14 =	vadd.f32 v56, v60;
	v11 =	vadd.f32 v46, v15  }
0x24e: {  	v10 =	vadd.f32 v40, v12;
	v1 =	vadd.f32 v57, v1;
	[tilespmem:$0x18320] =	vst v58;
	v58 =	vld [tilespmem:$0x18140]  }
0x24f: {  	[tilespmem:$0x18420] =	vst v13;
	v63 =	vadd.f32 v59, v14;
	v11 =	vadd.f32 v53, v11  }
0x250: {  	v61 =	vld [tilespmem:$0x181E0];
	[tilespmem:$0x18390] =	vst v29;
	v1 =	vadd.f32 v38, v1  }
0x251: {  	[tilespmem:$0x18450] =	vst v10;
	v10 =	vadd.f32 v62, v63;
	v11 =	vadd.f32 v55, v11  }
0x252: {  	[tilespmem:$0x183B0] =	vst v49;
	v1 =	vadd.f32 v36, v1  }
0x253: {  	[tilespmem:$0x18470] =	vst v10;
	v11 =	vadd.f32 v58, v11  }
0x254: {  	[tilespmem:$0x18440] =	vst v1  }
0x255: {  	s31 =	sadd.s32 $0x1, s31;
	[tilespmem:$0x183D0] =	vst v51;
	v1 =	vadd.f32 v61, v11  }
0x256: {  	s0 =	simm.s32 $0x80;
	p1 =	sne.s32 s31, s14;
	[tilespmem:$0x183E0] =	vst v34  }
.Ltmp1:
0x257: {  	s1 =	simm.s32 $0x400;
	s11 =	simm.s32 $0x18200;
	[tilespmem:$0x18460] =	vst v1;
	(pc) =	sbr.rel @!p1 .LBB2_12-.Ltmp1, $4  }
0x258: {  	[hbm4b:s13+s0] =	stream.strided.scatter [tilespmem:s11], [sflag:$0x3], $0x280, s1, s0, $0x38;
	[tilespmem:$0x18600] =	vst v63  }
0x259: {  	_ =	swait.ge [sflag:s25], $0x280  }
0x25a: {  	[sflag:s25] =	ssyncset.done $0x0  }
0x25b: {  	[sflag:s25] =	ssyncadd.s32 $0xFFFFFD80  }
.LBB2_1:
0x25c: {  	[tilespmem:$0x16E00] =	vst v47  }
0x25d: {  	[tilespmem:$0x17300] =	vst v47  }
0x25e: {  	[tilespmem:$0x17800] =	vst v47  }
0x25f: {  	[tilespmem:$0x17D00] =	vst v47  }
0x260: {  	[tilespmem:$0x16E10] =	vst v47  }
0x261: {  	[tilespmem:$0x17310] =	vst v47  }
0x262: {  	[tilespmem:$0x17810] =	vst v47  }
0x263: {  	[tilespmem:$0x17D10] =	vst v47  }
0x264: {  	[tilespmem:$0x16E20] =	vst v47  }
0x265: {  	[tilespmem:$0x17320] =	vst v47  }
0x266: {  	[tilespmem:$0x17820] =	vst v47  }
0x267: {  	[tilespmem:$0x17D20] =	vst v47  }
0x268: {  	[tilespmem:$0x16E30] =	vst v47  }
0x269: {  	[tilespmem:$0x17330] =	vst v47  }
0x26a: {  	[tilespmem:$0x17830] =	vst v47  }
0x26b: {  	[tilespmem:$0x17D30] =	vst v47  }
0x26c: {  	[tilespmem:$0x16E40] =	vst v47  }
0x26d: {  	[tilespmem:$0x17340] =	vst v47  }
0x26e: {  	[tilespmem:$0x17840] =	vst v47  }
0x26f: {  	[tilespmem:$0x17D40] =	vst v47  }
0x270: {  	[tilespmem:$0x16E50] =	vst v47  }
0x271: {  	[tilespmem:$0x17350] =	vst v47  }
0x272: {  	[tilespmem:$0x17850] =	vst v47  }
0x273: {  	[tilespmem:$0x17D50] =	vst v47  }
0x274: {  	[tilespmem:$0x16E60] =	vst v47  }
0x275: {  	[tilespmem:$0x17360] =	vst v47  }
0x276: {  	[tilespmem:$0x17860] =	vst v47  }
0x277: {  	[tilespmem:$0x17D60] =	vst v47  }
0x278: {  	[tilespmem:$0x16E70] =	vst v47  }
0x279: {  	[tilespmem:$0x17370] =	vst v47  }
0x27a: {  	[tilespmem:$0x17870] =	vst v47  }
0x27b: {  	[tilespmem:$0x17D70] =	vst v47  }
0x27c: {  	[tilespmem:$0x16E80] =	vst v47  }
0x27d: {  	[tilespmem:$0x17380] =	vst v47  }
0x27e: {  	[tilespmem:$0x17880] =	vst v47  }
0x27f: {  	[tilespmem:$0x17D80] =	vst v47  }
0x280: {  	[tilespmem:$0x16E90] =	vst v47  }
0x281: {  	[tilespmem:$0x17390] =	vst v47  }
0x282: {  	[tilespmem:$0x17890] =	vst v47  }
0x283: {  	[tilespmem:$0x17D90] =	vst v47  }
0x284: {  	[tilespmem:$0x16EA0] =	vst v47  }
0x285: {  	[tilespmem:$0x173A0] =	vst v47  }
0x286: {  	[tilespmem:$0x178A0] =	vst v47  }
0x287: {  	[tilespmem:$0x17DA0] =	vst v47  }
0x288: {  	[tilespmem:$0x16EB0] =	vst v47  }
0x289: {  	[tilespmem:$0x173B0] =	vst v47  }
0x28a: {  	[tilespmem:$0x178B0] =	vst v47  }
0x28b: {  	[tilespmem:$0x17DB0] =	vst v47  }
0x28c: {  	[tilespmem:$0x16EC0] =	vst v47  }
0x28d: {  	[tilespmem:$0x173C0] =	vst v47  }
0x28e: {  	[tilespmem:$0x178C0] =	vst v47  }
0x28f: {  	[tilespmem:$0x17DC0] =	vst v47  }
0x290: {  	[tilespmem:$0x16ED0] =	vst v47  }
0x291: {  	[tilespmem:$0x173D0] =	vst v47  }
0x292: {  	[tilespmem:$0x178D0] =	vst v47  }
0x293: {  	[tilespmem:$0x17DD0] =	vst v47  }
0x294: {  	[tilespmem:$0x16EE0] =	vst v47  }
0x295: {  	[tilespmem:$0x173E0] =	vst v47  }
0x296: {  	[tilespmem:$0x178E0] =	vst v47  }
0x297: {  	[tilespmem:$0x17DE0] =	vst v47  }
0x298: {  	[tilespmem:$0x16EF0] =	vst v47  }
0x299: {  	[tilespmem:$0x173F0] =	vst v47  }
0x29a: {  	[tilespmem:$0x178F0] =	vst v47  }
0x29b: {  	[tilespmem:$0x17DF0] =	vst v47  }
0x29c: {  	[tilespmem:$0x16F00] =	vst v47  }
0x29d: {  	[tilespmem:$0x17400] =	vst v47  }
0x29e: {  	[tilespmem:$0x17900] =	vst v47  }
0x29f: {  	[tilespmem:$0x17E00] =	vst v47  }
0x2a0: {  	[tilespmem:$0x16F10] =	vst v47  }
0x2a1: {  	[tilespmem:$0x17410] =	vst v47  }
0x2a2: {  	[tilespmem:$0x17910] =	vst v47  }
0x2a3: {  	[tilespmem:$0x17E10] =	vst v47  }
0x2a4: {  	[tilespmem:$0x16F20] =	vst v47  }
0x2a5: {  	[tilespmem:$0x17420] =	vst v47  }
0x2a6: {  	[tilespmem:$0x17920] =	vst v47  }
0x2a7: {  	[tilespmem:$0x17E20] =	vst v47  }
0x2a8: {  	[tilespmem:$0x16F30] =	vst v47  }
0x2a9: {  	[tilespmem:$0x17430] =	vst v47  }
0x2aa: {  	[tilespmem:$0x17930] =	vst v47  }
0x2ab: {  	[tilespmem:$0x17E30] =	vst v47  }
0x2ac: {  	[tilespmem:$0x16F40] =	vst v47  }
0x2ad: {  	[tilespmem:$0x17440] =	vst v47  }
0x2ae: {  	[tilespmem:$0x17940] =	vst v47  }
0x2af: {  	[tilespmem:$0x17E40] =	vst v47  }
0x2b0: {  	[tilespmem:$0x16F50] =	vst v47  }
0x2b1: {  	[tilespmem:$0x17450] =	vst v47  }
0x2b2: {  	[tilespmem:$0x17950] =	vst v47  }
0x2b3: {  	[tilespmem:$0x17E50] =	vst v47  }
0x2b4: {  	[tilespmem:$0x16F60] =	vst v47  }
0x2b5: {  	[tilespmem:$0x17460] =	vst v47  }
0x2b6: {  	[tilespmem:$0x17960] =	vst v47  }
0x2b7: {  	[tilespmem:$0x17E60] =	vst v47  }
0x2b8: {  	[tilespmem:$0x16F70] =	vst v47  }
0x2b9: {  	[tilespmem:$0x17470] =	vst v47  }
0x2ba: {  	[tilespmem:$0x17970] =	vst v47  }
0x2bb: {  	[tilespmem:$0x17E70] =	vst v47  }
0x2bc: {  	[tilespmem:$0x16F80] =	vst v47  }
0x2bd: {  	[tilespmem:$0x17480] =	vst v47  }
0x2be: {  	[tilespmem:$0x17980] =	vst v47  }
0x2bf: {  	[tilespmem:$0x17E80] =	vst v47  }
0x2c0: {  	[tilespmem:$0x16F90] =	vst v47  }
0x2c1: {  	[tilespmem:$0x17490] =	vst v47  }
0x2c2: {  	[tilespmem:$0x17990] =	vst v47  }
0x2c3: {  	[tilespmem:$0x17E90] =	vst v47  }
0x2c4: {  	[tilespmem:$0x16FA0] =	vst v47  }
0x2c5: {  	[tilespmem:$0x174A0] =	vst v47  }
0x2c6: {  	[tilespmem:$0x179A0] =	vst v47  }
0x2c7: {  	[tilespmem:$0x17EA0] =	vst v47  }
0x2c8: {  	[tilespmem:$0x16FB0] =	vst v47  }
0x2c9: {  	[tilespmem:$0x174B0] =	vst v47  }
0x2ca: {  	[tilespmem:$0x179B0] =	vst v47  }
0x2cb: {  	[tilespmem:$0x17EB0] =	vst v47  }
0x2cc: {  	[tilespmem:$0x16FC0] =	vst v47  }
0x2cd: {  	[tilespmem:$0x174C0] =	vst v47  }
0x2ce: {  	[tilespmem:$0x179C0] =	vst v47  }
0x2cf: {  	[tilespmem:$0x17EC0] =	vst v47  }
0x2d0: {  	[tilespmem:$0x16FD0] =	vst v47  }
0x2d1: {  	[tilespmem:$0x174D0] =	vst v47  }
0x2d2: {  	[tilespmem:$0x179D0] =	vst v47  }
0x2d3: {  	[tilespmem:$0x17ED0] =	vst v47  }
0x2d4: {  	[tilespmem:$0x16FE0] =	vst v47  }
0x2d5: {  	[tilespmem:$0x174E0] =	vst v47  }
0x2d6: {  	[tilespmem:$0x179E0] =	vst v47  }
0x2d7: {  	[tilespmem:$0x17EE0] =	vst v47  }
0x2d8: {  	[tilespmem:$0x16FF0] =	vst v47  }
0x2d9: {  	[tilespmem:$0x174F0] =	vst v47  }
0x2da: {  	[tilespmem:$0x179F0] =	vst v47  }
0x2db: {  	[tilespmem:$0x17EF0] =	vst v47  }
0x2dc: {  	[tilespmem:$0x17000] =	vst v47  }
0x2dd: {  	[tilespmem:$0x17500] =	vst v47  }
0x2de: {  	[tilespmem:$0x17A00] =	vst v47  }
0x2df: {  	[tilespmem:$0x17F00] =	vst v47  }
0x2e0: {  	[tilespmem:$0x17010] =	vst v47  }
0x2e1: {  	[tilespmem:$0x17510] =	vst v47  }
0x2e2: {  	[tilespmem:$0x17A10] =	vst v47  }
0x2e3: {  	[tilespmem:$0x17F10] =	vst v47  }
0x2e4: {  	[tilespmem:$0x17020] =	vst v47  }
0x2e5: {  	[tilespmem:$0x17520] =	vst v47  }
0x2e6: {  	[tilespmem:$0x17A20] =	vst v47  }
0x2e7: {  	[tilespmem:$0x17F20] =	vst v47  }
0x2e8: {  	[tilespmem:$0x17030] =	vst v47  }
0x2e9: {  	[tilespmem:$0x17530] =	vst v47  }
0x2ea: {  	[tilespmem:$0x17A30] =	vst v47  }
0x2eb: {  	[tilespmem:$0x17F30] =	vst v47  }
0x2ec: {  	[tilespmem:$0x17040] =	vst v47  }
0x2ed: {  	[tilespmem:$0x17540] =	vst v47  }
0x2ee: {  	[tilespmem:$0x17A40] =	vst v47  }
0x2ef: {  	[tilespmem:$0x17F40] =	vst v47  }
0x2f0: {  	[tilespmem:$0x17050] =	vst v47  }
0x2f1: {  	[tilespmem:$0x17550] =	vst v47  }
0x2f2: {  	[tilespmem:$0x17A50] =	vst v47  }
0x2f3: {  	[tilespmem:$0x17F50] =	vst v47  }
0x2f4: {  	[tilespmem:$0x17060] =	vst v47  }
0x2f5: {  	[tilespmem:$0x17560] =	vst v47  }
0x2f6: {  	[tilespmem:$0x17A60] =	vst v47  }
0x2f7: {  	[tilespmem:$0x17F60] =	vst v47  }
0x2f8: {  	[tilespmem:$0x17070] =	vst v47  }
0x2f9: {  	[tilespmem:$0x17570] =	vst v47  }
0x2fa: {  	[tilespmem:$0x17A70] =	vst v47  }
0x2fb: {  	[tilespmem:$0x17F70] =	vst v47  }
0x2fc: {  	[tilespmem:$0x17080] =	vst v47  }
0x2fd: {  	[tilespmem:$0x17580] =	vst v47  }
0x2fe: {  	[tilespmem:$0x17A80] =	vst v47  }
0x2ff: {  	[tilespmem:$0x17F80] =	vst v47  }
0x300: {  	[tilespmem:$0x17090] =	vst v47  }
0x301: {  	[tilespmem:$0x17590] =	vst v47  }
0x302: {  	[tilespmem:$0x17A90] =	vst v47  }
0x303: {  	[tilespmem:$0x17F90] =	vst v47  }
0x304: {  	[tilespmem:$0x170A0] =	vst v47  }
0x305: {  	[tilespmem:$0x175A0] =	vst v47  }
0x306: {  	[tilespmem:$0x17AA0] =	vst v47  }
0x307: {  	[tilespmem:$0x17FA0] =	vst v47  }
0x308: {  	[tilespmem:$0x170B0] =	vst v47  }
0x309: {  	[tilespmem:$0x175B0] =	vst v47  }
0x30a: {  	[tilespmem:$0x17AB0] =	vst v47  }
0x30b: {  	[tilespmem:$0x17FB0] =	vst v47  }
0x30c: {  	[tilespmem:$0x170C0] =	vst v47  }
0x30d: {  	[tilespmem:$0x175C0] =	vst v47  }
0x30e: {  	[tilespmem:$0x17AC0] =	vst v47  }
0x30f: {  	[tilespmem:$0x17FC0] =	vst v47  }
0x310: {  	[tilespmem:$0x170D0] =	vst v47  }
0x311: {  	[tilespmem:$0x175D0] =	vst v47  }
0x312: {  	[tilespmem:$0x17AD0] =	vst v47  }
0x313: {  	[tilespmem:$0x17FD0] =	vst v47  }
0x314: {  	[tilespmem:$0x170E0] =	vst v47  }
0x315: {  	[tilespmem:$0x175E0] =	vst v47  }
0x316: {  	[tilespmem:$0x17AE0] =	vst v47  }
0x317: {  	[tilespmem:$0x17FE0] =	vst v47  }
0x318: {  	[tilespmem:$0x170F0] =	vst v47  }
0x319: {  	[tilespmem:$0x175F0] =	vst v47  }
0x31a: {  	[tilespmem:$0x17AF0] =	vst v47  }
0x31b: {  	[tilespmem:$0x17FF0] =	vst v47  }
0x31c: {  	[tilespmem:$0x17100] =	vst v47  }
0x31d: {  	[tilespmem:$0x17600] =	vst v47  }
0x31e: {  	[tilespmem:$0x17B00] =	vst v47  }
0x31f: {  	[tilespmem:$0x18000] =	vst v47  }
0x320: {  	[tilespmem:$0x17110] =	vst v47  }
0x321: {  	[tilespmem:$0x17610] =	vst v47  }
0x322: {  	[tilespmem:$0x17B10] =	vst v47  }
0x323: {  	[tilespmem:$0x18010] =	vst v47  }
0x324: {  	[tilespmem:$0x17120] =	vst v47  }
0x325: {  	[tilespmem:$0x17620] =	vst v47  }
0x326: {  	[tilespmem:$0x17B20] =	vst v47  }
0x327: {  	[tilespmem:$0x18020] =	vst v47  }
0x328: {  	[tilespmem:$0x17130] =	vst v47  }
0x329: {  	[tilespmem:$0x17630] =	vst v47  }
0x32a: {  	[tilespmem:$0x17B30] =	vst v47  }
0x32b: {  	[tilespmem:$0x18030] =	vst v47  }
0x32c: {  	[tilespmem:$0x17140] =	vst v47  }
0x32d: {  	[tilespmem:$0x17640] =	vst v47  }
0x32e: {  	[tilespmem:$0x17B40] =	vst v47  }
0x32f: {  	[tilespmem:$0x18040] =	vst v47  }
0x330: {  	[tilespmem:$0x17150] =	vst v47  }
0x331: {  	[tilespmem:$0x17650] =	vst v47  }
0x332: {  	[tilespmem:$0x17B50] =	vst v47  }
0x333: {  	[tilespmem:$0x18050] =	vst v47  }
0x334: {  	[tilespmem:$0x17160] =	vst v47  }
0x335: {  	[tilespmem:$0x17660] =	vst v47  }
0x336: {  	[tilespmem:$0x17B60] =	vst v47  }
0x337: {  	[tilespmem:$0x18060] =	vst v47  }
0x338: {  	[tilespmem:$0x17170] =	vst v47  }
0x339: {  	[tilespmem:$0x17670] =	vst v47  }
0x33a: {  	[tilespmem:$0x17B70] =	vst v47  }
0x33b: {  	[tilespmem:$0x18070] =	vst v47  }
0x33c: {  	[tilespmem:$0x17180] =	vst v47  }
0x33d: {  	[tilespmem:$0x17680] =	vst v47  }
0x33e: {  	[tilespmem:$0x17B80] =	vst v47  }
0x33f: {  	[tilespmem:$0x18080] =	vst v47  }
0x340: {  	[tilespmem:$0x17190] =	vst v47  }
0x341: {  	[tilespmem:$0x17690] =	vst v47  }
0x342: {  	[tilespmem:$0x17B90] =	vst v47  }
0x343: {  	[tilespmem:$0x18090] =	vst v47  }
0x344: {  	[tilespmem:$0x171A0] =	vst v47  }
0x345: {  	[tilespmem:$0x176A0] =	vst v47  }
0x346: {  	[tilespmem:$0x17BA0] =	vst v47  }
0x347: {  	[tilespmem:$0x180A0] =	vst v47  }
0x348: {  	[tilespmem:$0x171B0] =	vst v47  }
0x349: {  	[tilespmem:$0x176B0] =	vst v47  }
0x34a: {  	[tilespmem:$0x17BB0] =	vst v47  }
0x34b: {  	[tilespmem:$0x180B0] =	vst v47  }
0x34c: {  	[tilespmem:$0x171C0] =	vst v47  }
0x34d: {  	[tilespmem:$0x176C0] =	vst v47  }
0x34e: {  	[tilespmem:$0x17BC0] =	vst v47  }
0x34f: {  	[tilespmem:$0x180C0] =	vst v47  }
0x350: {  	[tilespmem:$0x171D0] =	vst v47  }
0x351: {  	[tilespmem:$0x176D0] =	vst v47  }
0x352: {  	[tilespmem:$0x17BD0] =	vst v47  }
0x353: {  	[tilespmem:$0x180D0] =	vst v47  }
0x354: {  	[tilespmem:$0x171E0] =	vst v47  }
0x355: {  	[tilespmem:$0x176E0] =	vst v47  }
0x356: {  	[tilespmem:$0x17BE0] =	vst v47  }
0x357: {  	[tilespmem:$0x180E0] =	vst v47  }
0x358: {  	[tilespmem:$0x171F0] =	vst v47  }
0x359: {  	[tilespmem:$0x176F0] =	vst v47  }
0x35a: {  	[tilespmem:$0x17BF0] =	vst v47  }
0x35b: {  	[tilespmem:$0x180F0] =	vst v47  }
0x35c: {  	[tilespmem:$0x17200] =	vst v47  }
0x35d: {  	[tilespmem:$0x17700] =	vst v47  }
0x35e: {  	[tilespmem:$0x17C00] =	vst v47  }
0x35f: {  	[tilespmem:$0x18100] =	vst v47  }
0x360: {  	[tilespmem:$0x17210] =	vst v47  }
0x361: {  	[tilespmem:$0x17710] =	vst v47  }
0x362: {  	[tilespmem:$0x17C10] =	vst v47  }
0x363: {  	[tilespmem:$0x18110] =	vst v47  }
0x364: {  	[tilespmem:$0x17220] =	vst v47  }
0x365: {  	[tilespmem:$0x17720] =	vst v47  }
0x366: {  	[tilespmem:$0x17C20] =	vst v47  }
0x367: {  	[tilespmem:$0x18120] =	vst v47  }
0x368: {  	[tilespmem:$0x17230] =	vst v47  }
0x369: {  	[tilespmem:$0x17730] =	vst v47  }
0x36a: {  	[tilespmem:$0x17C30] =	vst v47  }
0x36b: {  	[tilespmem:$0x18130] =	vst v47  }
0x36c: {  	[tilespmem:$0x17240] =	vst v47  }
0x36d: {  	[tilespmem:$0x17740] =	vst v47  }
0x36e: {  	[tilespmem:$0x17C40] =	vst v47  }
0x36f: {  	[tilespmem:$0x18140] =	vst v47  }
0x370: {  	[tilespmem:$0x17250] =	vst v47  }
0x371: {  	[tilespmem:$0x17750] =	vst v47  }
0x372: {  	[tilespmem:$0x17C50] =	vst v47  }
0x373: {  	[tilespmem:$0x18150] =	vst v47  }
0x374: {  	[tilespmem:$0x17260] =	vst v47  }
0x375: {  	[tilespmem:$0x17760] =	vst v47  }
0x376: {  	[tilespmem:$0x17C60] =	vst v47  }
0x377: {  	[tilespmem:$0x18160] =	vst v47  }
0x378: {  	[tilespmem:$0x17270] =	vst v47  }
0x379: {  	[tilespmem:$0x17770] =	vst v47  }
0x37a: {  	[tilespmem:$0x17C70] =	vst v47  }
0x37b: {  	[tilespmem:$0x18170] =	vst v47  }
0x37c: {  	[tilespmem:$0x17280] =	vst v47  }
0x37d: {  	[tilespmem:$0x17780] =	vst v47  }
0x37e: {  	[tilespmem:$0x17C80] =	vst v47  }
0x37f: {  	[tilespmem:$0x18180] =	vst v47  }
0x380: {  	[tilespmem:$0x17290] =	vst v47  }
0x381: {  	[tilespmem:$0x17790] =	vst v47  }
0x382: {  	[tilespmem:$0x17C90] =	vst v47  }
0x383: {  	[tilespmem:$0x18190] =	vst v47  }
0x384: {  	[tilespmem:$0x172A0] =	vst v47  }
0x385: {  	[tilespmem:$0x177A0] =	vst v47  }
0x386: {  	[tilespmem:$0x17CA0] =	vst v47  }
0x387: {  	[tilespmem:$0x181A0] =	vst v47  }
0x388: {  	[tilespmem:$0x172B0] =	vst v47  }
0x389: {  	[tilespmem:$0x177B0] =	vst v47  }
0x38a: {  	[tilespmem:$0x17CB0] =	vst v47  }
0x38b: {  	[tilespmem:$0x181B0] =	vst v47  }
0x38c: {  	[tilespmem:$0x172C0] =	vst v47  }
0x38d: {  	[tilespmem:$0x177C0] =	vst v47  }
0x38e: {  	[tilespmem:$0x17CC0] =	vst v47  }
0x38f: {  	[tilespmem:$0x181C0] =	vst v47  }
0x390: {  	[tilespmem:$0x172D0] =	vst v47  }
0x391: {  	[tilespmem:$0x177D0] =	vst v47  }
0x392: {  	[tilespmem:$0x17CD0] =	vst v47  }
0x393: {  	[tilespmem:$0x181D0] =	vst v47  }
0x394: {  	[tilespmem:$0x172E0] =	vst v47  }
0x395: {  	[tilespmem:$0x177E0] =	vst v47  }
0x396: {  	[tilespmem:$0x17CE0] =	vst v47  }
0x397: {  	[tilespmem:$0x181E0] =	vst v47  }
0x398: {  	[tilespmem:$0x172F0] =	vst v47  }
0x399: {  	[tilespmem:$0x177F0] =	vst v47  }
0x39a: {  	[tilespmem:$0x17CF0] =	vst v47  }
0x39b: {  	[tilespmem:$0x181F0] =	vst v47  }
0x39c: {  	[tilespmem:s2], [sflag:$0x1] =	stream.linear.gather [hbm4b:s3+s2], $0x3D00, $0x38;
	[tilespmem:$0x18600] =	vst v63  }
0x39d: {  	_ = 	snop  }
0x39e: {  	[tilespmem:s15], [sflag:$0x1] =	stream.linear.gather [hbm4b:s4+s2], $0x7A00, $0x38;
	[tilespmem:$0x18600] =	vst v63  }
0x39f: {  	_ =	swait.ge [sflag:s16], $0x3D00  }
0x3a0: {  	[sflag:s16] =	ssyncset.done $0x0  }
0x3a1: {  	[sflag:s16] =	ssyncadd.s32 $0xFFFFC300  }
0x3a2: {  	_ =	swait.ge [sflag:s16], $0x7A00  }
0x3a3: {  	[sflag:s16] =	ssyncset.done $0x0  }
0x3a4: {  	[sflag:s16] =	ssyncadd.s32 $0xFFFF8600  }
0x3a5: {  	[tilespmem:s17], [sflag:$0x2] =	stream.linear.gather [hbm4b:s5+s2], $0x3D00, $0x38;
	[tilespmem:$0x18600] =	vst v63  }
0x3a6: {  	s24 =	simm.s32 $0x0  }
0x3a7: {  	[tilespmem:s18], [sflag:$0x2] =	stream.linear.gather [hbm4b:s6+s2], $0x7A00, $0x38;
	[tilespmem:$0x18600] =	vst v63  }
0x3a8: {  	v10 =	vld [tilespmem:s24+$0x0];
	_ =	sdelay $0x4  }
0x3a9: {  	v10 =	vtrunc.f32 v10  }
0x3aa: {  	s0 =	simm.s32 $0x7A80;
	v10 =	vcvt.f32.s32 v10  }
0x3ab: {  	v11 =	vld [tilespmem:s0+$0xFFFFFF80]  }
0x3ac: {  	v12 =	vld [tilespmem:s0+$0x0];
	v10 =	vshll.u32 v10, $0x4  }
0x3ad: {  	v10 =	vor.u32 v0, v10;
	_ =	sdelay $0x3  }
0x3ae: {  	v13 =	vmul.f32 v12, v12;
	v14 =	vmul.f32 v11, v11  }
0x3af: {  	[tilespmem:v10+s19+$0x0] =	vst.idx.add.f32.msk $0xffff, v2  }
0x3b0: {  	v13 =	vadd.f32 v13, v14;
	[tilespmem:v10+s20+$0x0] =	vst.idx.add.f32.msk $0xffff, v11  }
0x3b1: {  	[tilespmem:v10+s21+$0x0] =	vst.idx.add.f32.msk $0xffff, v12  }
0x3b2: {  	[tilespmem:v10+s22+$0x0] =	vst.idx.add.f32.msk $0xffff, v13  }
0x3b3: {  	v10 =	vld [tilespmem:s24+$0x10];
	_ =	sdelay $0x4  }
0x3b4: {  	v10 =	vtrunc.f32 v10  }
0x3b5: {  	v10 =	vcvt.f32.s32 v10;
	_ =	sdelay $0x1  }
0x3b6: {  	v11 =	vld [tilespmem:s0+$0x10];
	v10 =	vshll.u32 v10, $0x4  }
0x3b7: {  	v12 =	vld [tilespmem:s0+$0xFFFFFF90];
	v10 =	vadd.s32 v3, v10;
	_ =	sdelay $0x4  }
0x3b8: {  	v13 =	vmul.f32 v12, v12;
	v14 =	vmul.f32 v11, v11;
	[tilespmem:v10+s19+$0x0] =	vst.idx.add.f32.msk $0xffff, v2  }
0x3b9: {  	[tilespmem:v10+s20+$0x0] =	vst.idx.add.f32.msk $0xffff, v12  }
0x3ba: {  	s26 =	simm.s32 $0x80;
	v13 =	vadd.f32 v14, v13;
	[tilespmem:v10+s21+$0x0] =	vst.idx.add.f32.msk $0xffff, v11  }
0x3bb: {  	v11 =	vld [tilespmem:s26+$0x0]  }
0x3bc: {  	[tilespmem:v10+s22+$0x0] =	vst.idx.add.f32.msk $0xffff, v13  }
0x3bd: {  	v10 =	vld [tilespmem:s24+$0x20];
	_ =	sdelay $0x2  }
0x3be: {  	v11 =	vtrunc.f32 v11  }
0x3bf: {  	v11 =	vcvt.f32.s32 v11  }
0x3c0: {  	s1 =	simm.s32 $0x7B80;
	v10 =	vtrunc.f32 v10  }
0x3c1: {  	v12 =	vld [tilespmem:s1+$0xFFFFFF80];
	v10 =	vcvt.f32.s32 v10;
	v11 =	vshll.u32 v11, $0x4  }
0x3c2: {  	v13 =	vld [tilespmem:s1+$0x0];
	v11 =	vor.u32 v0, v11  }
0x3c3: {  	v10 =	vshll.u32 v10, $0x4  }
0x3c4: {  	v10 =	vadd.s32 v4, v10  }
0x3c5: {  	v14 =	vld [tilespmem:s0+$0x20]  }
0x3c6: {  	v15 =	vld [tilespmem:s0+$0xFFFFFFA0]  }
0x3c7: {  	v17 =	vmul.f32 v12, v12;
	v16 =	vmul.f32 v13, v13;
	[tilespmem:v11+s19+$0x0] =	vst.idx.add.f32.msk $0xffff, v2  }
0x3c8: {  	[tilespmem:v11+s20+$0x0] =	vst.idx.add.f32.msk $0xffff, v12  }
0x3c9: {  	v16 =	vadd.f32 v16, v17;
	[tilespmem:v10+s19+$0x0] =	vst.idx.add.f32.msk $0xffff, v2  }
0x3ca: {  	[tilespmem:v11+s21+$0x0] =	vst.idx.add.f32.msk $0xffff, v13  }
0x3cb: {  	v12 =	vmul.f32 v15, v15;
	v13 =	vmul.f32 v14, v14;
	[tilespmem:v11+s22+$0x0] =	vst.idx.add.f32.msk $0xffff, v16  }
0x3cc: {  	[tilespmem:v10+s20+$0x0] =	vst.idx.add.f32.msk $0xffff, v15  }
0x3cd: {  	v11 =	vld [tilespmem:s26+$0x10];
	v12 =	vadd.f32 v13, v12  }
0x3ce: {  	[tilespmem:v10+s21+$0x0] =	vst.idx.add.f32.msk $0xffff, v14  }
0x3cf: {  	[tilespmem:v10+s22+$0x0] =	vst.idx.add.f32.msk $0xffff, v12  }
0x3d0: {  	v10 =	vld [tilespmem:s24+$0x30];
	_ =	sdelay $0x2  }
0x3d1: {  	v11 =	vtrunc.f32 v11  }
0x3d2: {  	v11 =	vcvt.f32.s32 v11  }
0x3d3: {  	v10 =	vtrunc.f32 v10  }
0x3d4: {  	v12 =	vld [tilespmem:s1+$0xFFFFFF90];
	v11 =	vshll.u32 v11, $0x4;
	v10 =	vcvt.f32.s32 v10  }
0x3d5: {  	v13 =	vld [tilespmem:s0+$0x30];
	v11 =	vadd.s32 v3, v11  }
0x3d6: {  	v14 =	vld [tilespmem:s0+$0xFFFFFFB0];
	v10 =	vshll.u32 v10, $0x4  }
0x3d7: {  	s29 =	simm.s32 $0x100;
	v10 =	vadd.s32 v5, v10  }
0x3d8: {  	v16 =	vld [tilespmem:s29+$0x0]  }
0x3d9: {  	v15 =	vld [tilespmem:s1+$0x10]  }
0x3da: {  	[tilespmem:v11+s19+$0x0] =	vst.idx.add.f32.msk $0xffff, v2  }
0x3db: {  	v17 =	vmul.f32 v14, v14;
	v18 =	vmul.f32 v13, v13;
	[tilespmem:v11+s20+$0x0] =	vst.idx.add.f32.msk $0xffff, v12  }
0x3dc: {  	[tilespmem:v10+s19+$0x0] =	vst.idx.add.f32.msk $0xffff, v2  }
0x3dd: {  	v17 =	vadd.f32 v18, v17;
	[tilespmem:v10+s20+$0x0] =	vst.idx.add.f32.msk $0xffff, v14  }
0x3de: {  	[tilespmem:v10+s21+$0x0] =	vst.idx.add.f32.msk $0xffff, v13  }
0x3df: {  	v12 =	vmul.f32 v12, v12;
	[tilespmem:v10+s22+$0x0] =	vst.idx.add.f32.msk $0xffff, v17;
	v10 =	vtrunc.f32 v16  }
0x3e0: {  	s28 =	simm.s32 $0x7C80;
	v13 =	vmul.f32 v15, v15;
	v10 =	vcvt.f32.s32 v10;
	v14 =	vld [tilespmem:s24+$0x40]  }
0x3e1: {  	v16 =	vld [tilespmem:s28+$0xFFFFFF80]  }
0x3e2: {  	v12 =	vadd.f32 v13, v12;
	v13 =	vld [tilespmem:s28+$0x0];
	v10 =	vshll.u32 v10, $0x4  }
0x3e3: {  	[tilespmem:v11+s21+$0x0] =	vst.idx.add.f32.msk $0xffff, v15;
	v10 =	vor.u32 v0, v10  }
0x3e4: {  	v15 =	vld [tilespmem:s0+$0x40]  }
0x3e5: {  	[tilespmem:v11+s22+$0x0] =	vst.idx.add.f32.msk $0xffff, v12;
	v12 =	vtrunc.f32 v14  }
0x3e6: {  	v11 =	vld [tilespmem:s26+$0x20];
	v12 =	vcvt.f32.s32 v12  }
0x3e7: {  	v18 =	vmul.f32 v16, v16;
	v14 =	vld [tilespmem:s0+$0xFFFFFFC0];
	v17 =	vmul.f32 v13, v13  }
0x3e8: {  	[tilespmem:v10+s19+$0x0] =	vst.idx.add.f32.msk $0xffff, v2;
	v12 =	vshll.u32 v12, $0x4  }
0x3e9: {  	v17 =	vadd.f32 v17, v18;
	[tilespmem:v10+s20+$0x0] =	vst.idx.add.f32.msk $0xffff, v16;
	v12 =	vadd.s32 v6, v12  }
0x3ea: {  	[tilespmem:v10+s21+$0x0] =	vst.idx.add.f32.msk $0xffff, v13  }
0x3eb: {  	[tilespmem:v10+s22+$0x0] =	vst.idx.add.f32.msk $0xffff, v17  }
0x3ec: {  	v10 =	vtrunc.f32 v11;
	v11 =	vld [tilespmem:s29+$0x10]  }
0x3ed: {  	v13 =	vld [tilespmem:s1+$0xFFFFFFA0];
	v16 =	vmul.f32 v14, v14  }
0x3ee: {  	v17 =	vmul.f32 v15, v15;
	v10 =	vcvt.f32.s32 v10;
	[tilespmem:v12+s19+$0x0] =	vst.idx.add.f32.msk $0xffff, v2  }
0x3ef: {  	[tilespmem:v12+s20+$0x0] =	vst.idx.add.f32.msk $0xffff, v14  }
0x3f0: {  	v16 =	vadd.f32 v17, v16;
	v10 =	vshll.u32 v10, $0x4;
	[tilespmem:v12+s21+$0x0] =	vst.idx.add.f32.msk $0xffff, v15  }
0x3f1: {  	v14 =	vadd.s32 v4, v10;
	v15 =	vld [tilespmem:s28+$0xFFFFFF90];
	v10 =	vtrunc.f32 v11  }
0x3f2: {  	[tilespmem:v12+s22+$0x0] =	vst.idx.add.f32.msk $0xffff, v16;
	v10 =	vcvt.f32.s32 v10  }
0x3f3: {  	v12 =	vld [tilespmem:s28+$0x10]  }
0x3f4: {  	v16 =	vld [tilespmem:s1+$0x20];
	v10 =	vshll.u32 v10, $0x4  }
0x3f5: {  	v11 =	vld [tilespmem:s24+$0x50];
	v10 =	vadd.s32 v3, v10  }
0x3f6: {  	v17 =	vld [tilespmem:s0+$0xFFFFFFD0]  }
0x3f7: {  	v18 =	vld [tilespmem:s0+$0x50]  }
0x3f8: {  	[tilespmem:v14+s19+$0x0] =	vst.idx.add.f32.msk $0xffff, v2  }
0x3f9: {  	v19 =	vmul.f32 v15, v15;
	[tilespmem:v14+s20+$0x0] =	vst.idx.add.f32.msk $0xffff, v13;
	v20 =	vmul.f32 v12, v12  }
0x3fa: {  	v11 =	vtrunc.f32 v11;
	[tilespmem:v10+s19+$0x0] =	vst.idx.add.f32.msk $0xffff, v2  }
0x3fb: {  	v11 =	vcvt.f32.s32 v11;
	v19 =	vadd.f32 v20, v19;
	[tilespmem:v10+s20+$0x0] =	vst.idx.add.f32.msk $0xffff, v15  }
0x3fc: {  	[tilespmem:v10+s21+$0x0] =	vst.idx.add.f32.msk $0xffff, v12;
	v12 =	vmul.f32 v13, v13;
	v13 =	vmul.f32 v16, v16  }
0x3fd: {  	[tilespmem:v14+s21+$0x0] =	vst.idx.add.f32.msk $0xffff, v16;
	v11 =	vshll.u32 v11, $0x4  }
0x3fe: {  	v11 =	vadd.s32 v7, v11;
	[tilespmem:v10+s22+$0x0] =	vst.idx.add.f32.msk $0xffff, v19;
	v12 =	vadd.f32 v13, v12  }
0x3ff: {  	v15 =	vld [tilespmem:s29+$0x20]  }
0x400: {  	[tilespmem:v14+s22+$0x0] =	vst.idx.add.f32.msk $0xffff, v12  }
0x401: {  	v16 =	vld [tilespmem:s26+$0x30]  }
0x402: {  	v10 =	vld [tilespmem:s28+$0x20];
	v13 =	vmul.f32 v18, v18;
	v12 =	vmul.f32 v17, v17  }
0x403: {  	[tilespmem:v11+s19+$0x0] =	vst.idx.add.f32.msk $0xffff, v2  }
0x404: {  	[tilespmem:v11+s20+$0x0] =	vst.idx.add.f32.msk $0xffff, v17;
	v12 =	vadd.f32 v13, v12  }
0x405: {  	[tilespmem:v11+s21+$0x0] =	vst.idx.add.f32.msk $0xffff, v18  }
0x406: {  	[tilespmem:v11+s22+$0x0] =	vst.idx.add.f32.msk $0xffff, v12;
	v11 =	vtrunc.f32 v15;
	v13 =	vtrunc.f32 v16  }
0x407: {  	v17 =	vld [tilespmem:s1+$0xFFFFFFB0];
	v11 =	vcvt.f32.s32 v11;
	v16 =	vcvt.f32.s32 v13  }
0x408: {  	v14 =	vld [tilespmem:s24+$0x60]  }
0x409: {  	v15 =	vld [tilespmem:s1+$0x30];
	v11 =	vshll.u32 v11, $0x4  }
0x40a: {  	v13 =	vld [tilespmem:s28+$0xFFFFFFA0];
	v11 =	vadd.s32 v4, v11  }
0x40b: {  	s30 =	simm.s32 $0x600;
	s11 =	simm.s32 $0x7D80;
	v12 =	vld [tilespmem:s0+$0xFFFFFFE0];
	v18 =	vshll.u32 v16, $0x4;
	v16 =	vmov v10  }
.LBB2_2:
0x40c: {  	s12 =	sshra.s32 s30, $0x2;
	p1 =	sne.s32 s30, $0xF200;
	s30 =	sadd.s32 $0x200, s30;
	v18 =	vadd.s32 v5, v18;
	v19 =	vld [tilespmem:s0+$0x60]  }
0x40d: {  	v14 =	vtrunc.f32 v14;
	v20 =	vld [tilespmem:s11+$0xFFFFFF80]  }
0x40e: {  	v14 =	vcvt.f32.s32 v14;
	v21 =	vld [tilespmem:s11+$0x0]  }
0x40f: {  	v16 =	vmul.f32 v16, v10;
	v22 =	vmul.f32 v13, v13;
	[tilespmem:v11+s19+$0x0] =	vst.idx.add.f32.msk $0xffff, v2  }
0x410: {  	v25 =	vmul.f32 v15, v15;
	v14 =	vshll.u32 v14, $0x4;
	v23 =	vld [tilespmem:s12+$0x0];
	v24 =	vmul.f32 v17, v17  }
0x411: {  	v14 =	vadd.s32 v8, v14;
	v22 =	vadd.f32 v16, v22;
	[tilespmem:v18+s19+$0x0] =	vst.idx.add.f32.msk $0xffff, v2  }
0x412: {  	v16 =	vadd.f32 v25, v24;
	[tilespmem:v18+s20+$0x0] =	vst.idx.add.f32.msk $0xffff, v17;
	v17 =	vmul.f32 v19, v19  }
0x413: {  	[tilespmem:v18+s21+$0x0] =	vst.idx.add.f32.msk $0xffff, v15  }
0x414: {  	[tilespmem:v18+s22+$0x0] =	vst.idx.add.f32.msk $0xffff, v16  }
0x415: {  	v15 =	vtrunc.f32 v23;
	v16 =	vld [tilespmem:s1+$0xFFFFFFC0]  }
0x416: {  	v15 =	vcvt.f32.s32 v15;
	[tilespmem:v14+s19+$0x0] =	vst.idx.add.f32.msk $0xffff, v2  }
0x417: {  	v23 =	vmul.f32 v12, v12;
	v18 =	vld [tilespmem:s1+$0x40]  }
0x418: {  	v15 =	vshll.u32 v15, $0x4;
	v24 =	vld [tilespmem:s26+$0x40]  }
0x419: {  	v17 =	vadd.f32 v17, v23;
	v15 =	vor.u32 v0, v15;
	[tilespmem:v14+s20+$0x0] =	vst.idx.add.f32.msk $0xffff, v12  }
0x41a: {  	v12 =	vmul.f32 v21, v21;
	[tilespmem:v14+s21+$0x0] =	vst.idx.add.f32.msk $0xffff, v19  }
0x41b: {  	[tilespmem:v14+s22+$0x0] =	vst.idx.add.f32.msk $0xffff, v17  }
0x41c: {  	v14 =	vld [tilespmem:s24+$0x70];
	s24 =	smov.u32 s26;
	s26 =	smov.u32 s29;
	s29 =	smov.u32 s12  }
0x41d: {  	v17 =	vmul.f32 v20, v20;
	v19 =	vtrunc.f32 v24;
	v23 =	vld [tilespmem:s0+$0xFFFFFFF0]  }
0x41e: {  	[tilespmem:v15+s19+$0x0] =	vst.idx.add.f32.msk $0xffff, v2;
	v19 =	vcvt.f32.s32 v19  }
0x41f: {  	v12 =	vadd.f32 v12, v17;
	[tilespmem:v15+s20+$0x0] =	vst.idx.add.f32.msk $0xffff, v20  }
0x420: {  	[tilespmem:v15+s21+$0x0] =	vst.idx.add.f32.msk $0xffff, v21;
	v17 =	vshll.u32 v19, $0x4  }
0x421: {  	[tilespmem:v15+s22+$0x0] =	vst.idx.add.f32.msk $0xffff, v12;
	v12 =	vadd.s32 v6, v17;
	v14 =	vtrunc.f32 v14  }
0x422: {  	v17 =	vmul.f32 v16, v16;
	v15 =	vld [tilespmem:s11+$0x10];
	v14 =	vcvt.f32.s32 v14  }
0x423: {  	v19 =	vld [tilespmem:s11+$0xFFFFFF90]  }
0x424: {  	v21 =	vmul.f32 v18, v18;
	v20 =	vld [tilespmem:s29+$0x10];
	v14 =	vshll.u32 v14, $0x4  }
0x425: {  	v24 =	vld [tilespmem:s0+$0x70];
	s0 =	smov.u32 s1;
	s1 =	smov.u32 s28;
	s28 =	smov.u32 s11  }
0x426: {  	v17 =	vadd.f32 v21, v17;
	v14 =	vadd.s32 v9, v14;
	[tilespmem:v12+s19+$0x0] =	vst.idx.add.f32.msk $0xffff, v2  }
0x427: {  	[tilespmem:v12+s20+$0x0] =	vst.idx.add.f32.msk $0xffff, v16  }
0x428: {  	[tilespmem:v12+s21+$0x0] =	vst.idx.add.f32.msk $0xffff, v18  }
0x429: {  	v16 =	vtrunc.f32 v20;
	[tilespmem:v12+s22+$0x0] =	vst.idx.add.f32.msk $0xffff, v17;
	v12 =	vmul.f32 v23, v23  }
0x42a: {  	v16 =	vcvt.f32.s32 v16;
	v17 =	vld [tilespmem:s24+$0x50];
	v18 =	vmul.f32 v24, v24  }
0x42b: {  	[tilespmem:v14+s19+$0x0] =	vst.idx.add.f32.msk $0xffff, v2  }
0x42c: {  	v16 =	vshll.u32 v16, $0x4;
	v12 =	vadd.f32 v18, v12;
	[tilespmem:v14+s20+$0x0] =	vst.idx.add.f32.msk $0xffff, v23  }
0x42d: {  	v16 =	vadd.s32 v3, v16;
	[tilespmem:v14+s21+$0x0] =	vst.idx.add.f32.msk $0xffff, v24  }
0x42e: {  	[tilespmem:v14+s22+$0x0] =	vst.idx.add.f32.msk $0xffff, v12  }
0x42f: {  	v12 =	vtrunc.f32 v17;
	v14 =	vld [tilespmem:s0+$0xFFFFFFD0]  }
0x430: {  	v12 =	vcvt.f32.s32 v12;
	v17 =	vld [tilespmem:s0+$0x50]  }
0x431: {  	v20 =	vmul.f32 v15, v15;
	v18 =	vmul.f32 v19, v19;
	[tilespmem:v11+s20+$0x0] =	vst.idx.add.f32.msk $0xffff, v13  }
0x432: {  	[tilespmem:v16+s19+$0x0] =	vst.idx.add.f32.msk $0xffff, v2;
	v12 =	vshll.u32 v12, $0x4  }
0x433: {  	v13 =	vadd.f32 v20, v18;
	[tilespmem:v16+s20+$0x0] =	vst.idx.add.f32.msk $0xffff, v19  }
0x434: {  	v12 =	vadd.s32 v7, v12;
	[tilespmem:v16+s21+$0x0] =	vst.idx.add.f32.msk $0xffff, v15  }
0x435: {  	[tilespmem:v16+s22+$0x0] =	vst.idx.add.f32.msk $0xffff, v13;
	v13 =	vmul.f32 v17, v17  }
0x436: {  	v15 =	vld [tilespmem:s29+$0x20]  }
0x437: {  	v16 =	vld [tilespmem:s11+$0x20]  }
0x438: {  	[tilespmem:v11+s21+$0x0] =	vst.idx.add.f32.msk $0xffff, v10  }
0x439: {  	[tilespmem:v12+s19+$0x0] =	vst.idx.add.f32.msk $0xffff, v2  }
0x43a: {  	v1 =	vmul.f32 v14, v14;
	[tilespmem:v11+s22+$0x0] =	vst.idx.add.f32.msk $0xffff, v22  }
0x43b: {  	v11 =	vld [tilespmem:s26+$0x30]  }
0x43c: {  	v13 =	vadd.f32 v13, v1;
	[tilespmem:v12+s20+$0x0] =	vst.idx.add.f32.msk $0xffff, v14;
	v10 =	vmov v16  }
0x43d: {  	[tilespmem:v12+s21+$0x0] =	vst.idx.add.f32.msk $0xffff, v17  }
0x43e: {  	v14 =	vtrunc.f32 v15;
	[tilespmem:v12+s22+$0x0] =	vst.idx.add.f32.msk $0xffff, v13  }
.Ltmp2:
0x43f: {  	v13 =	vcvt.f32.s32 v14;
	v14 =	vld [tilespmem:s24+$0x60];
	(pc) =	sbr.rel @p1 .LBB2_2-.Ltmp2, $4  }
0x440: {  	v11 =	vtrunc.f32 v11;
	v12 =	vld [tilespmem:s0+$0xFFFFFFE0]  }
0x441: {  	v17 =	vshll.u32 v13, $0x4;
	v18 =	vcvt.f32.s32 v11;
	v15 =	vld [tilespmem:s1+$0x30]  }
0x442: {  	v11 =	vadd.s32 v4, v17;
	v13 =	vld [tilespmem:s11+$0xFFFFFFA0]  }
0x443: {  	s11 =	sadd.s32 $0x100, s11;
	v17 =	vld [tilespmem:s1+$0xFFFFFFB0];
	v18 =	vshll.u32 v18, $0x4  }
0x444: {  	_ =	sdelay $0x2  }
0x445: {  	v16 =	vmul.f32 v16, v10;
	v19 =	vmul.f32 v13, v13  }
0x446: {  	[tilespmem:v11+s19+$0x0] =	vst.idx.add.f32.msk $0xffff, v2  }
0x447: {  	[tilespmem:v11+s20+$0x0] =	vst.idx.add.f32.msk $0xffff, v13;
	v16 =	vadd.f32 v16, v19  }
0x448: {  	[tilespmem:v11+s21+$0x0] =	vst.idx.add.f32.msk $0xffff, v10  }
0x449: {  	[tilespmem:v11+s22+$0x0] =	vst.idx.add.f32.msk $0xffff, v16  }
0x44a: {  	v10 =	vld [tilespmem:s29+$0x30];
	_ =	sdelay $0x3  }
0x44b: {  	v11 =	vadd.s32 v5, v18  }
0x44c: {  	v10 =	vtrunc.f32 v10  }
0x44d: {  	v10 =	vcvt.f32.s32 v10  }
0x44e: {  	v13 =	vld [tilespmem:s28+$0x30]  }
0x44f: {  	v16 =	vmul.f32 v17, v17;
	v18 =	vmul.f32 v15, v15;
	v19 =	vld [tilespmem:s28+$0xFFFFFFB0];
	v10 =	vshll.u32 v10, $0x4  }
0x450: {  	[tilespmem:v11+s19+$0x0] =	vst.idx.add.f32.msk $0xffff, v2;
	v10 =	vadd.s32 v5, v10  }
0x451: {  	v16 =	vadd.f32 v18, v16;
	[tilespmem:v11+s20+$0x0] =	vst.idx.add.f32.msk $0xffff, v17  }
0x452: {  	[tilespmem:v11+s21+$0x0] =	vst.idx.add.f32.msk $0xffff, v15  }
0x453: {  	[tilespmem:v11+s22+$0x0] =	vst.idx.add.f32.msk $0xffff, v16  }
0x454: {  	v15 =	vmul.f32 v19, v19;
	v16 =	vmul.f32 v13, v13;
	v11 =	vld [tilespmem:s26+$0x40]  }
0x455: {  	[tilespmem:v10+s19+$0x0] =	vst.idx.add.f32.msk $0xffff, v2  }
0x456: {  	v15 =	vadd.f32 v16, v15;
	[tilespmem:v10+s20+$0x0] =	vst.idx.add.f32.msk $0xffff, v19  }
0x457: {  	[tilespmem:v10+s21+$0x0] =	vst.idx.add.f32.msk $0xffff, v13  }
0x458: {  	[tilespmem:v10+s22+$0x0] =	vst.idx.add.f32.msk $0xffff, v15  }
0x459: {  	v10 =	vtrunc.f32 v11;
	v11 =	vld [tilespmem:s29+$0x40]  }
0x45a: {  	v10 =	vcvt.f32.s32 v10  }
0x45b: {  	v13 =	vld [tilespmem:s1+$0xFFFFFFC0]  }
0x45c: {  	v15 =	vld [tilespmem:s1+$0x40];
	v10 =	vshll.u32 v10, $0x4  }
0x45d: {  	v10 =	vadd.s32 v6, v10  }
0x45e: {  	v11 =	vtrunc.f32 v11  }
0x45f: {  	v11 =	vcvt.f32.s32 v11  }
0x460: {  	v16 =	vld [tilespmem:s28+$0xFFFFFFC0]  }
0x461: {  	v19 =	vld [tilespmem:s28+$0x40];
	v17 =	vmul.f32 v13, v13;
	v18 =	vmul.f32 v15, v15;
	v11 =	vshll.u32 v11, $0x4  }
0x462: {  	[tilespmem:v10+s19+$0x0] =	vst.idx.add.f32.msk $0xffff, v2;
	v11 =	vadd.s32 v6, v11  }
0x463: {  	v17 =	vadd.f32 v18, v17;
	[tilespmem:v10+s20+$0x0] =	vst.idx.add.f32.msk $0xffff, v13  }
0x464: {  	[tilespmem:v10+s21+$0x0] =	vst.idx.add.f32.msk $0xffff, v15  }
0x465: {  	v13 =	vtrunc.f32 v14;
	[tilespmem:v10+s22+$0x0] =	vst.idx.add.f32.msk $0xffff, v17  }
0x466: {  	v14 =	vmul.f32 v16, v16;
	v15 =	vmul.f32 v19, v19;
	v10 =	vld [tilespmem:s26+$0x50]  }
0x467: {  	v13 =	vcvt.f32.s32 v13;
	[tilespmem:v11+s19+$0x0] =	vst.idx.add.f32.msk $0xffff, v2  }
0x468: {  	v14 =	vadd.f32 v15, v14;
	[tilespmem:v11+s20+$0x0] =	vst.idx.add.f32.msk $0xffff, v16  }
0x469: {  	v13 =	vshll.u32 v13, $0x4;
	[tilespmem:v11+s21+$0x0] =	vst.idx.add.f32.msk $0xffff, v19  }
0x46a: {  	v13 =	vadd.s32 v8, v13;
	[tilespmem:v11+s22+$0x0] =	vst.idx.add.f32.msk $0xffff, v14  }
0x46b: {  	v10 =	vtrunc.f32 v10;
	v11 =	vld [tilespmem:s29+$0x50]  }
0x46c: {  	v15 =	vld [tilespmem:s1+$0xFFFFFFD0];
	v10 =	vcvt.f32.s32 v10  }
0x46d: {  	v16 =	vld [tilespmem:s1+$0x50]  }
0x46e: {  	v14 =	vld [tilespmem:s0+$0x60];
	v10 =	vshll.u32 v10, $0x4  }
0x46f: {  	[tilespmem:v13+s19+$0x0] =	vst.idx.add.f32.msk $0xffff, v2;
	v10 =	vadd.s32 v7, v10  }
0x470: {  	v17 =	vld [tilespmem:s28+$0xFFFFFFD0];
	v11 =	vtrunc.f32 v11  }
0x471: {  	v20 =	vld [tilespmem:s28+$0x50];
	v11 =	vcvt.f32.s32 v11  }
0x472: {  	[tilespmem:v13+s20+$0x0] =	vst.idx.add.f32.msk $0xffff, v12  }
0x473: {  	v19 =	vmul.f32 v15, v15;
	v18 =	vmul.f32 v16, v16;
	[tilespmem:v13+s21+$0x0] =	vst.idx.add.f32.msk $0xffff, v14;
	v11 =	vshll.u32 v11, $0x4  }
0x474: {  	[tilespmem:v10+s19+$0x0] =	vst.idx.add.f32.msk $0xffff, v2;
	v11 =	vadd.s32 v7, v11  }
0x475: {  	v18 =	vadd.f32 v18, v19;
	[tilespmem:v10+s20+$0x0] =	vst.idx.add.f32.msk $0xffff, v15  }
0x476: {  	[tilespmem:v10+s21+$0x0] =	vst.idx.add.f32.msk $0xffff, v16  }
0x477: {  	[tilespmem:v10+s22+$0x0] =	vst.idx.add.f32.msk $0xffff, v18  }
0x478: {  	v15 =	vmul.f32 v20, v20;
	v16 =	vmul.f32 v17, v17;
	v10 =	vld [tilespmem:s26+$0x60]  }
0x479: {  	v12 =	vmul.f32 v12, v12;
	[tilespmem:v11+s19+$0x0] =	vst.idx.add.f32.msk $0xffff, v2  }
0x47a: {  	v14 =	vmul.f32 v14, v14;
	v15 =	vadd.f32 v15, v16;
	[tilespmem:v11+s20+$0x0] =	vst.idx.add.f32.msk $0xffff, v17  }
0x47b: {  	[tilespmem:v11+s21+$0x0] =	vst.idx.add.f32.msk $0xffff, v20  }
0x47c: {  	v12 =	vadd.f32 v14, v12;
	[tilespmem:v11+s22+$0x0] =	vst.idx.add.f32.msk $0xffff, v15  }
0x47d: {  	v10 =	vtrunc.f32 v10;
	v11 =	vld [tilespmem:s29+$0x60]  }
0x47e: {  	[tilespmem:v13+s22+$0x0] =	vst.idx.add.f32.msk $0xffff, v12;
	v10 =	vcvt.f32.s32 v10  }
0x47f: {  	v12 =	vld [tilespmem:s1+$0xFFFFFFE0]  }
0x480: {  	v13 =	vld [tilespmem:s1+$0x60];
	v10 =	vshll.u32 v10, $0x4  }
0x481: {  	v14 =	vld [tilespmem:s24+$0x70];
	v10 =	vadd.s32 v8, v10  }
0x482: {  	v16 =	vld [tilespmem:s0+$0x70];
	v11 =	vtrunc.f32 v11  }
0x483: {  	v15 =	vld [tilespmem:s0+$0xFFFFFFF0];
	v11 =	vcvt.f32.s32 v11  }
0x484: {  	v17 =	vld [tilespmem:s28+$0xFFFFFFE0]  }
0x485: {  	v18 =	vmul.f32 v13, v13;
	v19 =	vmul.f32 v12, v12;
	v20 =	vld [tilespmem:s28+$0x60];
	v11 =	vshll.u32 v11, $0x4  }
0x486: {  	[tilespmem:v10+s19+$0x0] =	vst.idx.add.f32.msk $0xffff, v2;
	v11 =	vadd.s32 v8, v11  }
0x487: {  	v14 =	vtrunc.f32 v14;
	v18 =	vadd.f32 v18, v19;
	[tilespmem:v10+s20+$0x0] =	vst.idx.add.f32.msk $0xffff, v12  }
0x488: {  	v12 =	vcvt.f32.s32 v14;
	[tilespmem:v10+s21+$0x0] =	vst.idx.add.f32.msk $0xffff, v13  }
0x489: {  	[tilespmem:v10+s22+$0x0] =	vst.idx.add.f32.msk $0xffff, v18  }
0x48a: {  	v14 =	vmul.f32 v17, v17;
	v13 =	vmul.f32 v20, v20;
	v10 =	vshll.u32 v12, $0x4;
	v12 =	vld [tilespmem:s26+$0x70]  }
0x48b: {  	v10 =	vadd.s32 v9, v10;
	[tilespmem:v11+s19+$0x0] =	vst.idx.add.f32.msk $0xffff, v2  }
0x48c: {  	v13 =	vadd.f32 v13, v14;
	[tilespmem:v11+s20+$0x0] =	vst.idx.add.f32.msk $0xffff, v17  }
0x48d: {  	[tilespmem:v11+s21+$0x0] =	vst.idx.add.f32.msk $0xffff, v20  }
0x48e: {  	[tilespmem:v11+s22+$0x0] =	vst.idx.add.f32.msk $0xffff, v13  }
0x48f: {  	v11 =	vld [tilespmem:s29+$0x70]  }
0x490: {  	v14 =	vmul.f32 v16, v16;
	[tilespmem:v10+s19+$0x0] =	vst.idx.add.f32.msk $0xffff, v2;
	v12 =	vtrunc.f32 v12  }
0x491: {  	v13 =	vmul.f32 v15, v15;
	[tilespmem:v10+s20+$0x0] =	vst.idx.add.f32.msk $0xffff, v15;
	v12 =	vcvt.f32.s32 v12  }
0x492: {  	v15 =	vld [tilespmem:s1+$0xFFFFFFF0]  }
0x493: {  	v13 =	vadd.f32 v14, v13;
	v14 =	vld [tilespmem:s1+$0x70];
	v12 =	vshll.u32 v12, $0x4  }
0x494: {  	[tilespmem:v10+s21+$0x0] =	vst.idx.add.f32.msk $0xffff, v16;
	v12 =	vadd.s32 v9, v12;
	v11 =	vtrunc.f32 v11  }
0x495: {  	[tilespmem:v10+s22+$0x0] =	vst.idx.add.f32.msk $0xffff, v13;
	v10 =	vcvt.f32.s32 v11  }
0x496: {  	v13 =	vld [tilespmem:s28+$0x70]  }
0x497: {  	v11 =	vld [tilespmem:s28+$0xFFFFFFF0];
	v10 =	vshll.u32 v10, $0x4  }
0x498: {  	v16 =	vmul.f32 v15, v15;
	v17 =	vmul.f32 v14, v14;
	v10 =	vadd.s32 v9, v10  }
0x499: {  	[tilespmem:v12+s19+$0x0] =	vst.idx.add.f32.msk $0xffff, v2  }
0x49a: {  	v16 =	vadd.f32 v17, v16;
	[tilespmem:v12+s20+$0x0] =	vst.idx.add.f32.msk $0xffff, v15  }
0x49b: {  	[tilespmem:v12+s21+$0x0] =	vst.idx.add.f32.msk $0xffff, v14  }
0x49c: {  	v14 =	vmul.f32 v13, v13;
	[tilespmem:v12+s22+$0x0] =	vst.idx.add.f32.msk $0xffff, v16;
	v12 =	vmul.f32 v11, v11  }
0x49d: {  	[tilespmem:v10+s19+$0x0] =	vst.idx.add.f32.msk $0xffff, v2  }
0x49e: {  	v12 =	vadd.f32 v14, v12;
	[tilespmem:v10+s20+$0x0] =	vst.idx.add.f32.msk $0xffff, v11  }
0x49f: {  	[tilespmem:v10+s21+$0x0] =	vst.idx.add.f32.msk $0xffff, v13  }
0x4a0: {  	[tilespmem:v10+s22+$0x0] =	vst.idx.add.f32.msk $0xffff, v12  }
0x4a1: {  	_ =	swait.ge [sflag:s23], $0x3D00  }
0x4a2: {  	[sflag:s23] =	ssyncset.done $0x0  }
0x4a3: {  	[sflag:s23] =	ssyncadd.s32 $0xFFFFC300  }
0x4a4: {  	_ =	swait.ge [sflag:s23], $0x7A00  }
0x4a5: {  	[sflag:s23] =	ssyncset.done $0x0  }
0x4a6: {  	s26 =	simm.s32 $0x0;
	[sflag:s23] =	ssyncadd.s32 $0xFFFF8600  }
0x4a7: {  	[tilespmem:s26], [sflag:$0x1] =	stream.linear.gather [hbm4b:s7+s26], $0x3D00, $0x38;
	[tilespmem:$0x18600] =	vst v63  }
0x4a8: {  	s24 =	simm.s32 $0x0  }
0x4a9: {  	[tilespmem:s15], [sflag:$0x1] =	stream.linear.gather [hbm4b:s8+s26], $0x7A00, $0x38;
	[tilespmem:$0x18600] =	vst v63  }
0x4aa: {  	v10 =	vld [tilespmem:s24+$0x3D00];
	_ =	sdelay $0x4  }
0x4ab: {  	v10 =	vtrunc.f32 v10  }
0x4ac: {  	s0 =	simm.s32 $0xF480;
	v10 =	vcvt.f32.s32 v10  }
0x4ad: {  	v11 =	vld [tilespmem:s0+$0xFFFFFF80]  }
0x4ae: {  	v12 =	vld [tilespmem:s0+$0x0];
	v10 =	vshll.u32 v10, $0x4  }
0x4af: {  	v10 =	vor.u32 v0, v10;
	_ =	sdelay $0x3  }
0x4b0: {  	v13 =	vmul.f32 v12, v12;
	v14 =	vmul.f32 v11, v11  }
0x4b1: {  	[tilespmem:v10+s19+$0x0] =	vst.idx.add.f32.msk $0xffff, v2  }
0x4b2: {  	v13 =	vadd.f32 v13, v14;
	[tilespmem:v10+s20+$0x0] =	vst.idx.add.f32.msk $0xffff, v11  }
0x4b3: {  	[tilespmem:v10+s21+$0x0] =	vst.idx.add.f32.msk $0xffff, v12  }
0x4b4: {  	[tilespmem:v10+s22+$0x0] =	vst.idx.add.f32.msk $0xffff, v13  }
0x4b5: {  	v10 =	vld [tilespmem:s24+$0x3D10];
	_ =	sdelay $0x4  }
0x4b6: {  	v10 =	vtrunc.f32 v10  }
0x4b7: {  	v10 =	vcvt.f32.s32 v10;
	_ =	sdelay $0x1  }
0x4b8: {  	v11 =	vld [tilespmem:s0+$0x10];
	v10 =	vshll.u32 v10, $0x4  }
0x4b9: {  	v12 =	vld [tilespmem:s0+$0xFFFFFF90];
	v10 =	vadd.s32 v3, v10;
	_ =	sdelay $0x4  }
0x4ba: {  	v13 =	vmul.f32 v12, v12;
	v14 =	vmul.f32 v11, v11;
	[tilespmem:v10+s19+$0x0] =	vst.idx.add.f32.msk $0xffff, v2  }
0x4bb: {  	[tilespmem:v10+s20+$0x0] =	vst.idx.add.f32.msk $0xffff, v12  }
0x4bc: {  	s26 =	simm.s32 $0x80;
	v13 =	vadd.f32 v14, v13;
	[tilespmem:v10+s21+$0x0] =	vst.idx.add.f32.msk $0xffff, v11  }
0x4bd: {  	v11 =	vld [tilespmem:s26+$0x3D00]  }
0x4be: {  	[tilespmem:v10+s22+$0x0] =	vst.idx.add.f32.msk $0xffff, v13  }
0x4bf: {  	v10 =	vld [tilespmem:s24+$0x3D20];
	_ =	sdelay $0x2  }
0x4c0: {  	v11 =	vtrunc.f32 v11  }
0x4c1: {  	v11 =	vcvt.f32.s32 v11  }
0x4c2: {  	s1 =	simm.s32 $0xF580;
	v10 =	vtrunc.f32 v10  }
0x4c3: {  	v12 =	vld [tilespmem:s1+$0xFFFFFF80];
	v10 =	vcvt.f32.s32 v10;
	v11 =	vshll.u32 v11, $0x4  }
0x4c4: {  	v13 =	vld [tilespmem:s1+$0x0];
	v11 =	vor.u32 v0, v11  }
0x4c5: {  	v10 =	vshll.u32 v10, $0x4  }
0x4c6: {  	v10 =	vadd.s32 v4, v10  }
0x4c7: {  	v14 =	vld [tilespmem:s0+$0x20]  }
0x4c8: {  	v15 =	vld [tilespmem:s0+$0xFFFFFFA0]  }
0x4c9: {  	v17 =	vmul.f32 v12, v12;
	v16 =	vmul.f32 v13, v13;
	[tilespmem:v11+s19+$0x0] =	vst.idx.add.f32.msk $0xffff, v2  }
0x4ca: {  	[tilespmem:v11+s20+$0x0] =	vst.idx.add.f32.msk $0xffff, v12  }
0x4cb: {  	v16 =	vadd.f32 v16, v17;
	[tilespmem:v10+s19+$0x0] =	vst.idx.add.f32.msk $0xffff, v2  }
0x4cc: {  	[tilespmem:v11+s21+$0x0] =	vst.idx.add.f32.msk $0xffff, v13  }
0x4cd: {  	v12 =	vmul.f32 v15, v15;
	v13 =	vmul.f32 v14, v14;
	[tilespmem:v11+s22+$0x0] =	vst.idx.add.f32.msk $0xffff, v16  }
0x4ce: {  	[tilespmem:v10+s20+$0x0] =	vst.idx.add.f32.msk $0xffff, v15  }
0x4cf: {  	v11 =	vld [tilespmem:s26+$0x3D10];
	v12 =	vadd.f32 v13, v12  }
0x4d0: {  	[tilespmem:v10+s21+$0x0] =	vst.idx.add.f32.msk $0xffff, v14  }
0x4d1: {  	[tilespmem:v10+s22+$0x0] =	vst.idx.add.f32.msk $0xffff, v12  }
0x4d2: {  	v10 =	vld [tilespmem:s24+$0x3D30];
	_ =	sdelay $0x2  }
0x4d3: {  	v11 =	vtrunc.f32 v11  }
0x4d4: {  	v11 =	vcvt.f32.s32 v11  }
0x4d5: {  	v10 =	vtrunc.f32 v10  }
0x4d6: {  	v12 =	vld [tilespmem:s1+$0xFFFFFF90];
	v11 =	vshll.u32 v11, $0x4;
	v10 =	vcvt.f32.s32 v10  }
0x4d7: {  	v13 =	vld [tilespmem:s0+$0x30];
	v11 =	vadd.s32 v3, v11  }
0x4d8: {  	v14 =	vld [tilespmem:s0+$0xFFFFFFB0];
	v10 =	vshll.u32 v10, $0x4  }
0x4d9: {  	s29 =	simm.s32 $0x100;
	v10 =	vadd.s32 v5, v10  }
0x4da: {  	v16 =	vld [tilespmem:s29+$0x3D00]  }
0x4db: {  	v15 =	vld [tilespmem:s1+$0x10]  }
0x4dc: {  	[tilespmem:v11+s19+$0x0] =	vst.idx.add.f32.msk $0xffff, v2  }
0x4dd: {  	v17 =	vmul.f32 v14, v14;
	v18 =	vmul.f32 v13, v13;
	[tilespmem:v11+s20+$0x0] =	vst.idx.add.f32.msk $0xffff, v12  }
0x4de: {  	[tilespmem:v10+s19+$0x0] =	vst.idx.add.f32.msk $0xffff, v2  }
0x4df: {  	v17 =	vadd.f32 v18, v17;
	[tilespmem:v10+s20+$0x0] =	vst.idx.add.f32.msk $0xffff, v14  }
0x4e0: {  	[tilespmem:v10+s21+$0x0] =	vst.idx.add.f32.msk $0xffff, v13  }
0x4e1: {  	v12 =	vmul.f32 v12, v12;
	[tilespmem:v10+s22+$0x0] =	vst.idx.add.f32.msk $0xffff, v17;
	v10 =	vtrunc.f32 v16  }
0x4e2: {  	s28 =	simm.s32 $0xF680;
	v13 =	vmul.f32 v15, v15;
	v10 =	vcvt.f32.s32 v10;
	v14 =	vld [tilespmem:s24+$0x3D40]  }
0x4e3: {  	v16 =	vld [tilespmem:s28+$0xFFFFFF80]  }
0x4e4: {  	v12 =	vadd.f32 v13, v12;
	v13 =	vld [tilespmem:s28+$0x0];
	v10 =	vshll.u32 v10, $0x4  }
0x4e5: {  	[tilespmem:v11+s21+$0x0] =	vst.idx.add.f32.msk $0xffff, v15;
	v10 =	vor.u32 v0, v10  }
0x4e6: {  	v15 =	vld [tilespmem:s0+$0x40]  }
0x4e7: {  	[tilespmem:v11+s22+$0x0] =	vst.idx.add.f32.msk $0xffff, v12;
	v12 =	vtrunc.f32 v14  }
0x4e8: {  	v11 =	vld [tilespmem:s26+$0x3D20];
	v12 =	vcvt.f32.s32 v12  }
0x4e9: {  	v18 =	vmul.f32 v16, v16;
	v14 =	vld [tilespmem:s0+$0xFFFFFFC0];
	v17 =	vmul.f32 v13, v13  }
0x4ea: {  	[tilespmem:v10+s19+$0x0] =	vst.idx.add.f32.msk $0xffff, v2;
	v12 =	vshll.u32 v12, $0x4  }
0x4eb: {  	v17 =	vadd.f32 v17, v18;
	[tilespmem:v10+s20+$0x0] =	vst.idx.add.f32.msk $0xffff, v16;
	v12 =	vadd.s32 v6, v12  }
0x4ec: {  	[tilespmem:v10+s21+$0x0] =	vst.idx.add.f32.msk $0xffff, v13  }
0x4ed: {  	[tilespmem:v10+s22+$0x0] =	vst.idx.add.f32.msk $0xffff, v17  }
0x4ee: {  	v10 =	vtrunc.f32 v11;
	v11 =	vld [tilespmem:s29+$0x3D10]  }
0x4ef: {  	v13 =	vld [tilespmem:s1+$0xFFFFFFA0];
	v16 =	vmul.f32 v14, v14  }
0x4f0: {  	v17 =	vmul.f32 v15, v15;
	v10 =	vcvt.f32.s32 v10;
	[tilespmem:v12+s19+$0x0] =	vst.idx.add.f32.msk $0xffff, v2  }
0x4f1: {  	[tilespmem:v12+s20+$0x0] =	vst.idx.add.f32.msk $0xffff, v14  }
0x4f2: {  	v16 =	vadd.f32 v17, v16;
	v10 =	vshll.u32 v10, $0x4;
	[tilespmem:v12+s21+$0x0] =	vst.idx.add.f32.msk $0xffff, v15  }
0x4f3: {  	v14 =	vadd.s32 v4, v10;
	v15 =	vld [tilespmem:s28+$0xFFFFFF90];
	v10 =	vtrunc.f32 v11  }
0x4f4: {  	[tilespmem:v12+s22+$0x0] =	vst.idx.add.f32.msk $0xffff, v16;
	v10 =	vcvt.f32.s32 v10  }
0x4f5: {  	v12 =	vld [tilespmem:s28+$0x10]  }
0x4f6: {  	v16 =	vld [tilespmem:s1+$0x20];
	v10 =	vshll.u32 v10, $0x4  }
0x4f7: {  	v11 =	vld [tilespmem:s24+$0x3D50];
	v10 =	vadd.s32 v3, v10  }
0x4f8: {  	v17 =	vld [tilespmem:s0+$0xFFFFFFD0]  }
0x4f9: {  	v18 =	vld [tilespmem:s0+$0x50]  }
0x4fa: {  	[tilespmem:v14+s19+$0x0] =	vst.idx.add.f32.msk $0xffff, v2  }
0x4fb: {  	v19 =	vmul.f32 v15, v15;
	[tilespmem:v14+s20+$0x0] =	vst.idx.add.f32.msk $0xffff, v13;
	v20 =	vmul.f32 v12, v12  }
0x4fc: {  	v11 =	vtrunc.f32 v11;
	[tilespmem:v10+s19+$0x0] =	vst.idx.add.f32.msk $0xffff, v2  }
0x4fd: {  	v11 =	vcvt.f32.s32 v11;
	v19 =	vadd.f32 v20, v19;
	[tilespmem:v10+s20+$0x0] =	vst.idx.add.f32.msk $0xffff, v15  }
0x4fe: {  	[tilespmem:v10+s21+$0x0] =	vst.idx.add.f32.msk $0xffff, v12;
	v12 =	vmul.f32 v13, v13;
	v13 =	vmul.f32 v16, v16  }
0x4ff: {  	[tilespmem:v14+s21+$0x0] =	vst.idx.add.f32.msk $0xffff, v16;
	v11 =	vshll.u32 v11, $0x4  }
0x500: {  	v11 =	vadd.s32 v7, v11;
	[tilespmem:v10+s22+$0x0] =	vst.idx.add.f32.msk $0xffff, v19;
	v12 =	vadd.f32 v13, v12  }
0x501: {  	v15 =	vld [tilespmem:s29+$0x3D20]  }
0x502: {  	[tilespmem:v14+s22+$0x0] =	vst.idx.add.f32.msk $0xffff, v12  }
0x503: {  	v16 =	vld [tilespmem:s26+$0x3D30]  }
0x504: {  	v10 =	vld [tilespmem:s28+$0x20];
	v13 =	vmul.f32 v18, v18;
	v12 =	vmul.f32 v17, v17  }
0x505: {  	[tilespmem:v11+s19+$0x0] =	vst.idx.add.f32.msk $0xffff, v2  }
0x506: {  	[tilespmem:v11+s20+$0x0] =	vst.idx.add.f32.msk $0xffff, v17;
	v12 =	vadd.f32 v13, v12  }
0x507: {  	[tilespmem:v11+s21+$0x0] =	vst.idx.add.f32.msk $0xffff, v18  }
0x508: {  	[tilespmem:v11+s22+$0x0] =	vst.idx.add.f32.msk $0xffff, v12;
	v11 =	vtrunc.f32 v15;
	v13 =	vtrunc.f32 v16  }
0x509: {  	v17 =	vld [tilespmem:s1+$0xFFFFFFB0];
	v11 =	vcvt.f32.s32 v11;
	v16 =	vcvt.f32.s32 v13  }
0x50a: {  	v14 =	vld [tilespmem:s24+$0x3D60]  }
0x50b: {  	v15 =	vld [tilespmem:s1+$0x30];
	v11 =	vshll.u32 v11, $0x4  }
0x50c: {  	v13 =	vld [tilespmem:s28+$0xFFFFFFA0];
	v11 =	vadd.s32 v4, v11  }
0x50d: {  	s30 =	simm.s32 $0x600;
	s11 =	simm.s32 $0xF780;
	v12 =	vld [tilespmem:s0+$0xFFFFFFE0];
	v18 =	vshll.u32 v16, $0x4;
	v16 =	vmov v10  }
.LBB2_4:
0x50e: {  	s12 =	sshra.s32 s30, $0x2;
	p1 =	sne.s32 s30, $0xF200;
	s30 =	sadd.s32 $0x200, s30;
	v18 =	vadd.s32 v5, v18;
	v19 =	vld [tilespmem:s0+$0x60]  }
0x50f: {  	v14 =	vtrunc.f32 v14;
	v20 =	vld [tilespmem:s11+$0xFFFFFF80]  }
0x510: {  	v14 =	vcvt.f32.s32 v14;
	v21 =	vld [tilespmem:s11+$0x0]  }
0x511: {  	v16 =	vmul.f32 v16, v10;
	v22 =	vmul.f32 v13, v13;
	[tilespmem:v11+s19+$0x0] =	vst.idx.add.f32.msk $0xffff, v2  }
0x512: {  	v25 =	vmul.f32 v15, v15;
	v14 =	vshll.u32 v14, $0x4;
	v23 =	vld [tilespmem:s12+$0x3D00];
	v24 =	vmul.f32 v17, v17  }
0x513: {  	v14 =	vadd.s32 v8, v14;
	v22 =	vadd.f32 v16, v22;
	[tilespmem:v18+s19+$0x0] =	vst.idx.add.f32.msk $0xffff, v2  }
0x514: {  	v16 =	vadd.f32 v25, v24;
	[tilespmem:v18+s20+$0x0] =	vst.idx.add.f32.msk $0xffff, v17;
	v17 =	vmul.f32 v19, v19  }
0x515: {  	[tilespmem:v18+s21+$0x0] =	vst.idx.add.f32.msk $0xffff, v15  }
0x516: {  	[tilespmem:v18+s22+$0x0] =	vst.idx.add.f32.msk $0xffff, v16  }
0x517: {  	v15 =	vtrunc.f32 v23;
	v16 =	vld [tilespmem:s1+$0xFFFFFFC0]  }
0x518: {  	v15 =	vcvt.f32.s32 v15;
	[tilespmem:v14+s19+$0x0] =	vst.idx.add.f32.msk $0xffff, v2  }
0x519: {  	v23 =	vmul.f32 v12, v12;
	v18 =	vld [tilespmem:s1+$0x40]  }
0x51a: {  	v15 =	vshll.u32 v15, $0x4;
	v24 =	vld [tilespmem:s26+$0x3D40]  }
0x51b: {  	v17 =	vadd.f32 v17, v23;
	v15 =	vor.u32 v0, v15;
	[tilespmem:v14+s20+$0x0] =	vst.idx.add.f32.msk $0xffff, v12  }
0x51c: {  	v12 =	vmul.f32 v21, v21;
	[tilespmem:v14+s21+$0x0] =	vst.idx.add.f32.msk $0xffff, v19  }
0x51d: {  	[tilespmem:v14+s22+$0x0] =	vst.idx.add.f32.msk $0xffff, v17  }
0x51e: {  	v14 =	vld [tilespmem:s24+$0x3D70];
	s24 =	smov.u32 s26;
	s26 =	smov.u32 s29;
	s29 =	smov.u32 s12  }
0x51f: {  	v17 =	vmul.f32 v20, v20;
	v19 =	vtrunc.f32 v24;
	v23 =	vld [tilespmem:s0+$0xFFFFFFF0]  }
0x520: {  	[tilespmem:v15+s19+$0x0] =	vst.idx.add.f32.msk $0xffff, v2;
	v19 =	vcvt.f32.s32 v19  }
0x521: {  	v12 =	vadd.f32 v12, v17;
	[tilespmem:v15+s20+$0x0] =	vst.idx.add.f32.msk $0xffff, v20  }
0x522: {  	[tilespmem:v15+s21+$0x0] =	vst.idx.add.f32.msk $0xffff, v21;
	v17 =	vshll.u32 v19, $0x4  }
0x523: {  	[tilespmem:v15+s22+$0x0] =	vst.idx.add.f32.msk $0xffff, v12;
	v12 =	vadd.s32 v6, v17;
	v14 =	vtrunc.f32 v14  }
0x524: {  	v17 =	vmul.f32 v16, v16;
	v15 =	vld [tilespmem:s11+$0x10];
	v14 =	vcvt.f32.s32 v14  }
0x525: {  	v19 =	vld [tilespmem:s11+$0xFFFFFF90]  }
0x526: {  	v21 =	vmul.f32 v18, v18;
	v20 =	vld [tilespmem:s29+$0x3D10];
	v14 =	vshll.u32 v14, $0x4  }
0x527: {  	v24 =	vld [tilespmem:s0+$0x70];
	s0 =	smov.u32 s1;
	s1 =	smov.u32 s28;
	s28 =	smov.u32 s11  }
0x528: {  	v17 =	vadd.f32 v21, v17;
	v14 =	vadd.s32 v9, v14;
	[tilespmem:v12+s19+$0x0] =	vst.idx.add.f32.msk $0xffff, v2  }
0x529: {  	[tilespmem:v12+s20+$0x0] =	vst.idx.add.f32.msk $0xffff, v16  }
0x52a: {  	[tilespmem:v12+s21+$0x0] =	vst.idx.add.f32.msk $0xffff, v18  }
0x52b: {  	v16 =	vtrunc.f32 v20;
	[tilespmem:v12+s22+$0x0] =	vst.idx.add.f32.msk $0xffff, v17;
	v12 =	vmul.f32 v23, v23  }
0x52c: {  	v16 =	vcvt.f32.s32 v16;
	v17 =	vld [tilespmem:s24+$0x3D50];
	v18 =	vmul.f32 v24, v24  }
0x52d: {  	[tilespmem:v14+s19+$0x0] =	vst.idx.add.f32.msk $0xffff, v2  }
0x52e: {  	v16 =	vshll.u32 v16, $0x4;
	v12 =	vadd.f32 v18, v12;
	[tilespmem:v14+s20+$0x0] =	vst.idx.add.f32.msk $0xffff, v23  }
0x52f: {  	v16 =	vadd.s32 v3, v16;
	[tilespmem:v14+s21+$0x0] =	vst.idx.add.f32.msk $0xffff, v24  }
0x530: {  	[tilespmem:v14+s22+$0x0] =	vst.idx.add.f32.msk $0xffff, v12  }
0x531: {  	v12 =	vtrunc.f32 v17;
	v14 =	vld [tilespmem:s0+$0xFFFFFFD0]  }
0x532: {  	v12 =	vcvt.f32.s32 v12;
	v17 =	vld [tilespmem:s0+$0x50]  }
0x533: {  	v20 =	vmul.f32 v15, v15;
	v18 =	vmul.f32 v19, v19;
	[tilespmem:v11+s20+$0x0] =	vst.idx.add.f32.msk $0xffff, v13  }
0x534: {  	[tilespmem:v16+s19+$0x0] =	vst.idx.add.f32.msk $0xffff, v2;
	v12 =	vshll.u32 v12, $0x4  }
0x535: {  	v13 =	vadd.f32 v20, v18;
	[tilespmem:v16+s20+$0x0] =	vst.idx.add.f32.msk $0xffff, v19  }
0x536: {  	v12 =	vadd.s32 v7, v12;
	[tilespmem:v16+s21+$0x0] =	vst.idx.add.f32.msk $0xffff, v15  }
0x537: {  	[tilespmem:v16+s22+$0x0] =	vst.idx.add.f32.msk $0xffff, v13;
	v13 =	vmul.f32 v17, v17  }
0x538: {  	v15 =	vld [tilespmem:s29+$0x3D20]  }
0x539: {  	v16 =	vld [tilespmem:s11+$0x20]  }
0x53a: {  	[tilespmem:v11+s21+$0x0] =	vst.idx.add.f32.msk $0xffff, v10  }
0x53b: {  	[tilespmem:v12+s19+$0x0] =	vst.idx.add.f32.msk $0xffff, v2  }
0x53c: {  	v1 =	vmul.f32 v14, v14;
	[tilespmem:v11+s22+$0x0] =	vst.idx.add.f32.msk $0xffff, v22  }
0x53d: {  	v11 =	vld [tilespmem:s26+$0x3D30]  }
0x53e: {  	v13 =	vadd.f32 v13, v1;
	[tilespmem:v12+s20+$0x0] =	vst.idx.add.f32.msk $0xffff, v14;
	v10 =	vmov v16  }
0x53f: {  	[tilespmem:v12+s21+$0x0] =	vst.idx.add.f32.msk $0xffff, v17  }
0x540: {  	v14 =	vtrunc.f32 v15;
	[tilespmem:v12+s22+$0x0] =	vst.idx.add.f32.msk $0xffff, v13  }
.Ltmp3:
0x541: {  	v13 =	vcvt.f32.s32 v14;
	v14 =	vld [tilespmem:s24+$0x3D60];
	(pc) =	sbr.rel @p1 .LBB2_4-.Ltmp3, $4  }
0x542: {  	v11 =	vtrunc.f32 v11;
	v12 =	vld [tilespmem:s0+$0xFFFFFFE0]  }
0x543: {  	v17 =	vshll.u32 v13, $0x4;
	v18 =	vcvt.f32.s32 v11;
	v15 =	vld [tilespmem:s1+$0x30]  }
0x544: {  	v11 =	vadd.s32 v4, v17;
	v13 =	vld [tilespmem:s11+$0xFFFFFFA0]  }
0x545: {  	s11 =	sadd.s32 $0x100, s11;
	v17 =	vld [tilespmem:s1+$0xFFFFFFB0];
	v18 =	vshll.u32 v18, $0x4  }
0x546: {  	_ =	sdelay $0x2  }
0x547: {  	v16 =	vmul.f32 v16, v10;
	v19 =	vmul.f32 v13, v13  }
0x548: {  	[tilespmem:v11+s19+$0x0] =	vst.idx.add.f32.msk $0xffff, v2  }
0x549: {  	[tilespmem:v11+s20+$0x0] =	vst.idx.add.f32.msk $0xffff, v13;
	v16 =	vadd.f32 v16, v19  }
0x54a: {  	[tilespmem:v11+s21+$0x0] =	vst.idx.add.f32.msk $0xffff, v10  }
0x54b: {  	[tilespmem:v11+s22+$0x0] =	vst.idx.add.f32.msk $0xffff, v16  }
0x54c: {  	v10 =	vld [tilespmem:s29+$0x3D30];
	_ =	sdelay $0x3  }
0x54d: {  	v11 =	vadd.s32 v5, v18  }
0x54e: {  	v10 =	vtrunc.f32 v10  }
0x54f: {  	v10 =	vcvt.f32.s32 v10  }
0x550: {  	v13 =	vld [tilespmem:s28+$0x30]  }
0x551: {  	v16 =	vmul.f32 v17, v17;
	v18 =	vmul.f32 v15, v15;
	v19 =	vld [tilespmem:s28+$0xFFFFFFB0];
	v10 =	vshll.u32 v10, $0x4  }
0x552: {  	[tilespmem:v11+s19+$0x0] =	vst.idx.add.f32.msk $0xffff, v2;
	v10 =	vadd.s32 v5, v10  }
0x553: {  	v16 =	vadd.f32 v18, v16;
	[tilespmem:v11+s20+$0x0] =	vst.idx.add.f32.msk $0xffff, v17  }
0x554: {  	[tilespmem:v11+s21+$0x0] =	vst.idx.add.f32.msk $0xffff, v15  }
0x555: {  	[tilespmem:v11+s22+$0x0] =	vst.idx.add.f32.msk $0xffff, v16  }
0x556: {  	v15 =	vmul.f32 v19, v19;
	v16 =	vmul.f32 v13, v13;
	v11 =	vld [tilespmem:s26+$0x3D40]  }
0x557: {  	[tilespmem:v10+s19+$0x0] =	vst.idx.add.f32.msk $0xffff, v2  }
0x558: {  	v15 =	vadd.f32 v16, v15;
	[tilespmem:v10+s20+$0x0] =	vst.idx.add.f32.msk $0xffff, v19  }
0x559: {  	[tilespmem:v10+s21+$0x0] =	vst.idx.add.f32.msk $0xffff, v13  }
0x55a: {  	[tilespmem:v10+s22+$0x0] =	vst.idx.add.f32.msk $0xffff, v15  }
0x55b: {  	v10 =	vtrunc.f32 v11;
	v11 =	vld [tilespmem:s29+$0x3D40]  }
0x55c: {  	v10 =	vcvt.f32.s32 v10  }
0x55d: {  	v13 =	vld [tilespmem:s1+$0xFFFFFFC0]  }
0x55e: {  	v15 =	vld [tilespmem:s1+$0x40];
	v10 =	vshll.u32 v10, $0x4  }
0x55f: {  	v10 =	vadd.s32 v6, v10  }
0x560: {  	v11 =	vtrunc.f32 v11  }
0x561: {  	v11 =	vcvt.f32.s32 v11  }
0x562: {  	v16 =	vld [tilespmem:s28+$0xFFFFFFC0]  }
0x563: {  	v19 =	vld [tilespmem:s28+$0x40];
	v17 =	vmul.f32 v13, v13;
	v18 =	vmul.f32 v15, v15;
	v11 =	vshll.u32 v11, $0x4  }
0x564: {  	[tilespmem:v10+s19+$0x0] =	vst.idx.add.f32.msk $0xffff, v2;
	v11 =	vadd.s32 v6, v11  }
0x565: {  	v17 =	vadd.f32 v18, v17;
	[tilespmem:v10+s20+$0x0] =	vst.idx.add.f32.msk $0xffff, v13  }
0x566: {  	[tilespmem:v10+s21+$0x0] =	vst.idx.add.f32.msk $0xffff, v15  }
0x567: {  	v13 =	vtrunc.f32 v14;
	[tilespmem:v10+s22+$0x0] =	vst.idx.add.f32.msk $0xffff, v17  }
0x568: {  	v14 =	vmul.f32 v16, v16;
	v15 =	vmul.f32 v19, v19;
	v10 =	vld [tilespmem:s26+$0x3D50]  }
0x569: {  	v13 =	vcvt.f32.s32 v13;
	[tilespmem:v11+s19+$0x0] =	vst.idx.add.f32.msk $0xffff, v2  }
0x56a: {  	v14 =	vadd.f32 v15, v14;
	[tilespmem:v11+s20+$0x0] =	vst.idx.add.f32.msk $0xffff, v16  }
0x56b: {  	v13 =	vshll.u32 v13, $0x4;
	[tilespmem:v11+s21+$0x0] =	vst.idx.add.f32.msk $0xffff, v19  }
0x56c: {  	v13 =	vadd.s32 v8, v13;
	[tilespmem:v11+s22+$0x0] =	vst.idx.add.f32.msk $0xffff, v14  }
0x56d: {  	v10 =	vtrunc.f32 v10;
	v11 =	vld [tilespmem:s29+$0x3D50]  }
0x56e: {  	v15 =	vld [tilespmem:s1+$0xFFFFFFD0];
	v10 =	vcvt.f32.s32 v10  }
0x56f: {  	v16 =	vld [tilespmem:s1+$0x50]  }
0x570: {  	v14 =	vld [tilespmem:s0+$0x60];
	v10 =	vshll.u32 v10, $0x4  }
0x571: {  	[tilespmem:v13+s19+$0x0] =	vst.idx.add.f32.msk $0xffff, v2;
	v10 =	vadd.s32 v7, v10  }
0x572: {  	v17 =	vld [tilespmem:s28+$0xFFFFFFD0];
	v11 =	vtrunc.f32 v11  }
0x573: {  	v20 =	vld [tilespmem:s28+$0x50];
	v11 =	vcvt.f32.s32 v11  }
0x574: {  	[tilespmem:v13+s20+$0x0] =	vst.idx.add.f32.msk $0xffff, v12  }
0x575: {  	v19 =	vmul.f32 v15, v15;
	v18 =	vmul.f32 v16, v16;
	[tilespmem:v13+s21+$0x0] =	vst.idx.add.f32.msk $0xffff, v14;
	v11 =	vshll.u32 v11, $0x4  }
0x576: {  	[tilespmem:v10+s19+$0x0] =	vst.idx.add.f32.msk $0xffff, v2;
	v11 =	vadd.s32 v7, v11  }
0x577: {  	v18 =	vadd.f32 v18, v19;
	[tilespmem:v10+s20+$0x0] =	vst.idx.add.f32.msk $0xffff, v15  }
0x578: {  	[tilespmem:v10+s21+$0x0] =	vst.idx.add.f32.msk $0xffff, v16  }
0x579: {  	[tilespmem:v10+s22+$0x0] =	vst.idx.add.f32.msk $0xffff, v18  }
0x57a: {  	v15 =	vmul.f32 v20, v20;
	v16 =	vmul.f32 v17, v17;
	v10 =	vld [tilespmem:s26+$0x3D60]  }
0x57b: {  	v12 =	vmul.f32 v12, v12;
	[tilespmem:v11+s19+$0x0] =	vst.idx.add.f32.msk $0xffff, v2  }
0x57c: {  	v14 =	vmul.f32 v14, v14;
	v15 =	vadd.f32 v15, v16;
	[tilespmem:v11+s20+$0x0] =	vst.idx.add.f32.msk $0xffff, v17  }
0x57d: {  	[tilespmem:v11+s21+$0x0] =	vst.idx.add.f32.msk $0xffff, v20  }
0x57e: {  	v12 =	vadd.f32 v14, v12;
	[tilespmem:v11+s22+$0x0] =	vst.idx.add.f32.msk $0xffff, v15  }
0x57f: {  	v10 =	vtrunc.f32 v10;
	v11 =	vld [tilespmem:s29+$0x3D60]  }
0x580: {  	[tilespmem:v13+s22+$0x0] =	vst.idx.add.f32.msk $0xffff, v12;
	v10 =	vcvt.f32.s32 v10  }
0x581: {  	v12 =	vld [tilespmem:s1+$0xFFFFFFE0]  }
0x582: {  	v13 =	vld [tilespmem:s1+$0x60];
	v10 =	vshll.u32 v10, $0x4  }
0x583: {  	v14 =	vld [tilespmem:s24+$0x3D70];
	v10 =	vadd.s32 v8, v10  }
0x584: {  	v16 =	vld [tilespmem:s0+$0x70];
	v11 =	vtrunc.f32 v11  }
0x585: {  	v15 =	vld [tilespmem:s0+$0xFFFFFFF0];
	v11 =	vcvt.f32.s32 v11  }
0x586: {  	v17 =	vld [tilespmem:s28+$0xFFFFFFE0]  }
0x587: {  	v18 =	vmul.f32 v13, v13;
	v19 =	vmul.f32 v12, v12;
	v20 =	vld [tilespmem:s28+$0x60];
	v11 =	vshll.u32 v11, $0x4  }
0x588: {  	[tilespmem:v10+s19+$0x0] =	vst.idx.add.f32.msk $0xffff, v2;
	v11 =	vadd.s32 v8, v11  }
0x589: {  	v14 =	vtrunc.f32 v14;
	v18 =	vadd.f32 v18, v19;
	[tilespmem:v10+s20+$0x0] =	vst.idx.add.f32.msk $0xffff, v12  }
0x58a: {  	v12 =	vcvt.f32.s32 v14;
	[tilespmem:v10+s21+$0x0] =	vst.idx.add.f32.msk $0xffff, v13  }
0x58b: {  	[tilespmem:v10+s22+$0x0] =	vst.idx.add.f32.msk $0xffff, v18  }
0x58c: {  	v14 =	vmul.f32 v17, v17;
	v13 =	vmul.f32 v20, v20;
	v10 =	vshll.u32 v12, $0x4;
	v12 =	vld [tilespmem:s26+$0x3D70]  }
0x58d: {  	v10 =	vadd.s32 v9, v10;
	[tilespmem:v11+s19+$0x0] =	vst.idx.add.f32.msk $0xffff, v2  }
0x58e: {  	v13 =	vadd.f32 v13, v14;
	[tilespmem:v11+s20+$0x0] =	vst.idx.add.f32.msk $0xffff, v17  }
0x58f: {  	[tilespmem:v11+s21+$0x0] =	vst.idx.add.f32.msk $0xffff, v20  }
0x590: {  	[tilespmem:v11+s22+$0x0] =	vst.idx.add.f32.msk $0xffff, v13  }
0x591: {  	v11 =	vld [tilespmem:s29+$0x3D70]  }
0x592: {  	v14 =	vmul.f32 v16, v16;
	[tilespmem:v10+s19+$0x0] =	vst.idx.add.f32.msk $0xffff, v2;
	v12 =	vtrunc.f32 v12  }
0x593: {  	v13 =	vmul.f32 v15, v15;
	[tilespmem:v10+s20+$0x0] =	vst.idx.add.f32.msk $0xffff, v15;
	v12 =	vcvt.f32.s32 v12  }
0x594: {  	v15 =	vld [tilespmem:s1+$0xFFFFFFF0]  }
0x595: {  	v13 =	vadd.f32 v14, v13;
	v14 =	vld [tilespmem:s1+$0x70];
	v12 =	vshll.u32 v12, $0x4  }
0x596: {  	[tilespmem:v10+s21+$0x0] =	vst.idx.add.f32.msk $0xffff, v16;
	v12 =	vadd.s32 v9, v12;
	v11 =	vtrunc.f32 v11  }
0x597: {  	[tilespmem:v10+s22+$0x0] =	vst.idx.add.f32.msk $0xffff, v13;
	v10 =	vcvt.f32.s32 v11  }
0x598: {  	v13 =	vld [tilespmem:s28+$0x70]  }
0x599: {  	v11 =	vld [tilespmem:s28+$0xFFFFFFF0];
	v10 =	vshll.u32 v10, $0x4  }
0x59a: {  	v16 =	vmul.f32 v15, v15;
	v17 =	vmul.f32 v14, v14;
	v10 =	vadd.s32 v9, v10  }
0x59b: {  	[tilespmem:v12+s19+$0x0] =	vst.idx.add.f32.msk $0xffff, v2  }
0x59c: {  	v16 =	vadd.f32 v17, v16;
	[tilespmem:v12+s20+$0x0] =	vst.idx.add.f32.msk $0xffff, v15  }
0x59d: {  	[tilespmem:v12+s21+$0x0] =	vst.idx.add.f32.msk $0xffff, v14  }
0x59e: {  	v14 =	vmul.f32 v13, v13;
	[tilespmem:v12+s22+$0x0] =	vst.idx.add.f32.msk $0xffff, v16;
	v12 =	vmul.f32 v11, v11  }
0x59f: {  	[tilespmem:v10+s19+$0x0] =	vst.idx.add.f32.msk $0xffff, v2  }
0x5a0: {  	v12 =	vadd.f32 v14, v12;
	[tilespmem:v10+s20+$0x0] =	vst.idx.add.f32.msk $0xffff, v11  }
0x5a1: {  	[tilespmem:v10+s21+$0x0] =	vst.idx.add.f32.msk $0xffff, v13  }
0x5a2: {  	[tilespmem:v10+s22+$0x0] =	vst.idx.add.f32.msk $0xffff, v12  }
0x5a3: {  	_ =	swait.ge [sflag:s16], $0x3D00  }
0x5a4: {  	[sflag:s16] =	ssyncset.done $0x0  }
0x5a5: {  	[sflag:s16] =	ssyncadd.s32 $0xFFFFC300  }
0x5a6: {  	_ =	swait.ge [sflag:s16], $0x7A00  }
0x5a7: {  	[sflag:s16] =	ssyncset.done $0x0  }
0x5a8: {  	s26 =	simm.s32 $0x0;
	[sflag:s16] =	ssyncadd.s32 $0xFFFF8600  }
0x5a9: {  	[tilespmem:s17], [sflag:$0x2] =	stream.linear.gather [hbm4b:s9+s26], $0x3D00, $0x38;
	[tilespmem:$0x18600] =	vst v63  }
0x5aa: {  	s24 =	simm.s32 $0x0  }
0x5ab: {  	[tilespmem:s18], [sflag:$0x2] =	stream.linear.gather [hbm4b:s10+s26], $0x7A00, $0x38;
	[tilespmem:$0x18600] =	vst v63  }
0x5ac: {  	v10 =	vld [tilespmem:s24+$0x0];
	_ =	sdelay $0x4  }
0x5ad: {  	v10 =	vtrunc.f32 v10  }
0x5ae: {  	s0 =	simm.s32 $0x7A80;
	v10 =	vcvt.f32.s32 v10  }
0x5af: {  	v11 =	vld [tilespmem:s0+$0xFFFFFF80]  }
0x5b0: {  	v12 =	vld [tilespmem:s0+$0x0];
	v10 =	vshll.u32 v10, $0x4  }
0x5b1: {  	v10 =	vor.u32 v0, v10;
	_ =	sdelay $0x3  }
0x5b2: {  	v13 =	vmul.f32 v12, v12;
	v14 =	vmul.f32 v11, v11  }
0x5b3: {  	[tilespmem:v10+s19+$0x0] =	vst.idx.add.f32.msk $0xffff, v2  }
0x5b4: {  	v13 =	vadd.f32 v13, v14;
	[tilespmem:v10+s20+$0x0] =	vst.idx.add.f32.msk $0xffff, v11  }
0x5b5: {  	[tilespmem:v10+s21+$0x0] =	vst.idx.add.f32.msk $0xffff, v12  }
0x5b6: {  	[tilespmem:v10+s22+$0x0] =	vst.idx.add.f32.msk $0xffff, v13  }
0x5b7: {  	v10 =	vld [tilespmem:s24+$0x10];
	_ =	sdelay $0x4  }
0x5b8: {  	v10 =	vtrunc.f32 v10  }
0x5b9: {  	v10 =	vcvt.f32.s32 v10;
	_ =	sdelay $0x1  }
0x5ba: {  	v11 =	vld [tilespmem:s0+$0x10];
	v10 =	vshll.u32 v10, $0x4  }
0x5bb: {  	v12 =	vld [tilespmem:s0+$0xFFFFFF90];
	v10 =	vadd.s32 v3, v10;
	_ =	sdelay $0x4  }
0x5bc: {  	v13 =	vmul.f32 v12, v12;
	v14 =	vmul.f32 v11, v11;
	[tilespmem:v10+s19+$0x0] =	vst.idx.add.f32.msk $0xffff, v2  }
0x5bd: {  	[tilespmem:v10+s20+$0x0] =	vst.idx.add.f32.msk $0xffff, v12  }
0x5be: {  	s26 =	simm.s32 $0x80;
	v13 =	vadd.f32 v14, v13;
	[tilespmem:v10+s21+$0x0] =	vst.idx.add.f32.msk $0xffff, v11  }
0x5bf: {  	v11 =	vld [tilespmem:s26+$0x0]  }
0x5c0: {  	[tilespmem:v10+s22+$0x0] =	vst.idx.add.f32.msk $0xffff, v13  }
0x5c1: {  	v10 =	vld [tilespmem:s24+$0x20];
	_ =	sdelay $0x2  }
0x5c2: {  	v11 =	vtrunc.f32 v11  }
0x5c3: {  	v11 =	vcvt.f32.s32 v11  }
0x5c4: {  	s1 =	simm.s32 $0x7B80;
	v10 =	vtrunc.f32 v10  }
0x5c5: {  	v12 =	vld [tilespmem:s1+$0xFFFFFF80];
	v10 =	vcvt.f32.s32 v10;
	v11 =	vshll.u32 v11, $0x4  }
0x5c6: {  	v13 =	vld [tilespmem:s1+$0x0];
	v11 =	vor.u32 v0, v11  }
0x5c7: {  	v10 =	vshll.u32 v10, $0x4  }
0x5c8: {  	v10 =	vadd.s32 v4, v10  }
0x5c9: {  	v14 =	vld [tilespmem:s0+$0x20]  }
0x5ca: {  	v15 =	vld [tilespmem:s0+$0xFFFFFFA0]  }
0x5cb: {  	v17 =	vmul.f32 v12, v12;
	v16 =	vmul.f32 v13, v13;
	[tilespmem:v11+s19+$0x0] =	vst.idx.add.f32.msk $0xffff, v2  }
0x5cc: {  	[tilespmem:v11+s20+$0x0] =	vst.idx.add.f32.msk $0xffff, v12  }
0x5cd: {  	v16 =	vadd.f32 v16, v17;
	[tilespmem:v10+s19+$0x0] =	vst.idx.add.f32.msk $0xffff, v2  }
0x5ce: {  	[tilespmem:v11+s21+$0x0] =	vst.idx.add.f32.msk $0xffff, v13  }
0x5cf: {  	v12 =	vmul.f32 v15, v15;
	v13 =	vmul.f32 v14, v14;
	[tilespmem:v11+s22+$0x0] =	vst.idx.add.f32.msk $0xffff, v16  }
0x5d0: {  	[tilespmem:v10+s20+$0x0] =	vst.idx.add.f32.msk $0xffff, v15  }
0x5d1: {  	v11 =	vld [tilespmem:s26+$0x10];
	v12 =	vadd.f32 v13, v12  }
0x5d2: {  	[tilespmem:v10+s21+$0x0] =	vst.idx.add.f32.msk $0xffff, v14  }
0x5d3: {  	[tilespmem:v10+s22+$0x0] =	vst.idx.add.f32.msk $0xffff, v12  }
0x5d4: {  	v10 =	vld [tilespmem:s24+$0x30];
	_ =	sdelay $0x2  }
0x5d5: {  	v11 =	vtrunc.f32 v11  }
0x5d6: {  	v11 =	vcvt.f32.s32 v11  }
0x5d7: {  	v10 =	vtrunc.f32 v10  }
0x5d8: {  	v12 =	vld [tilespmem:s1+$0xFFFFFF90];
	v11 =	vshll.u32 v11, $0x4;
	v10 =	vcvt.f32.s32 v10  }
0x5d9: {  	v13 =	vld [tilespmem:s0+$0x30];
	v11 =	vadd.s32 v3, v11  }
0x5da: {  	v14 =	vld [tilespmem:s0+$0xFFFFFFB0];
	v10 =	vshll.u32 v10, $0x4  }
0x5db: {  	s29 =	simm.s32 $0x100;
	v10 =	vadd.s32 v5, v10  }
0x5dc: {  	v16 =	vld [tilespmem:s29+$0x0]  }
0x5dd: {  	v15 =	vld [tilespmem:s1+$0x10]  }
0x5de: {  	[tilespmem:v11+s19+$0x0] =	vst.idx.add.f32.msk $0xffff, v2  }
0x5df: {  	v17 =	vmul.f32 v14, v14;
	v18 =	vmul.f32 v13, v13;
	[tilespmem:v11+s20+$0x0] =	vst.idx.add.f32.msk $0xffff, v12  }
0x5e0: {  	[tilespmem:v10+s19+$0x0] =	vst.idx.add.f32.msk $0xffff, v2  }
0x5e1: {  	v17 =	vadd.f32 v18, v17;
	[tilespmem:v10+s20+$0x0] =	vst.idx.add.f32.msk $0xffff, v14  }
0x5e2: {  	[tilespmem:v10+s21+$0x0] =	vst.idx.add.f32.msk $0xffff, v13  }
0x5e3: {  	v12 =	vmul.f32 v12, v12;
	[tilespmem:v10+s22+$0x0] =	vst.idx.add.f32.msk $0xffff, v17;
	v10 =	vtrunc.f32 v16  }
0x5e4: {  	s28 =	simm.s32 $0x7C80;
	v13 =	vmul.f32 v15, v15;
	v10 =	vcvt.f32.s32 v10;
	v14 =	vld [tilespmem:s24+$0x40]  }
0x5e5: {  	v16 =	vld [tilespmem:s28+$0xFFFFFF80]  }
0x5e6: {  	v12 =	vadd.f32 v13, v12;
	v13 =	vld [tilespmem:s28+$0x0];
	v10 =	vshll.u32 v10, $0x4  }
0x5e7: {  	[tilespmem:v11+s21+$0x0] =	vst.idx.add.f32.msk $0xffff, v15;
	v10 =	vor.u32 v0, v10  }
0x5e8: {  	v15 =	vld [tilespmem:s0+$0x40]  }
0x5e9: {  	[tilespmem:v11+s22+$0x0] =	vst.idx.add.f32.msk $0xffff, v12;
	v12 =	vtrunc.f32 v14  }
0x5ea: {  	v11 =	vld [tilespmem:s26+$0x20];
	v12 =	vcvt.f32.s32 v12  }
0x5eb: {  	v18 =	vmul.f32 v16, v16;
	v14 =	vld [tilespmem:s0+$0xFFFFFFC0];
	v17 =	vmul.f32 v13, v13  }
0x5ec: {  	[tilespmem:v10+s19+$0x0] =	vst.idx.add.f32.msk $0xffff, v2;
	v12 =	vshll.u32 v12, $0x4  }
0x5ed: {  	v17 =	vadd.f32 v17, v18;
	[tilespmem:v10+s20+$0x0] =	vst.idx.add.f32.msk $0xffff, v16;
	v12 =	vadd.s32 v6, v12  }
0x5ee: {  	[tilespmem:v10+s21+$0x0] =	vst.idx.add.f32.msk $0xffff, v13  }
0x5ef: {  	[tilespmem:v10+s22+$0x0] =	vst.idx.add.f32.msk $0xffff, v17  }
0x5f0: {  	v10 =	vtrunc.f32 v11;
	v11 =	vld [tilespmem:s29+$0x10]  }
0x5f1: {  	v13 =	vld [tilespmem:s1+$0xFFFFFFA0];
	v16 =	vmul.f32 v14, v14  }
0x5f2: {  	v17 =	vmul.f32 v15, v15;
	v10 =	vcvt.f32.s32 v10;
	[tilespmem:v12+s19+$0x0] =	vst.idx.add.f32.msk $0xffff, v2  }
0x5f3: {  	[tilespmem:v12+s20+$0x0] =	vst.idx.add.f32.msk $0xffff, v14  }
0x5f4: {  	v16 =	vadd.f32 v17, v16;
	v10 =	vshll.u32 v10, $0x4;
	[tilespmem:v12+s21+$0x0] =	vst.idx.add.f32.msk $0xffff, v15  }
0x5f5: {  	v14 =	vadd.s32 v4, v10;
	v15 =	vld [tilespmem:s28+$0xFFFFFF90];
	v10 =	vtrunc.f32 v11  }
0x5f6: {  	[tilespmem:v12+s22+$0x0] =	vst.idx.add.f32.msk $0xffff, v16;
	v10 =	vcvt.f32.s32 v10  }
0x5f7: {  	v12 =	vld [tilespmem:s28+$0x10]  }
0x5f8: {  	v16 =	vld [tilespmem:s1+$0x20];
	v10 =	vshll.u32 v10, $0x4  }
0x5f9: {  	v11 =	vld [tilespmem:s24+$0x50];
	v10 =	vadd.s32 v3, v10  }
0x5fa: {  	v17 =	vld [tilespmem:s0+$0xFFFFFFD0]  }
0x5fb: {  	v18 =	vld [tilespmem:s0+$0x50]  }
0x5fc: {  	[tilespmem:v14+s19+$0x0] =	vst.idx.add.f32.msk $0xffff, v2  }
0x5fd: {  	v19 =	vmul.f32 v15, v15;
	[tilespmem:v14+s20+$0x0] =	vst.idx.add.f32.msk $0xffff, v13;
	v20 =	vmul.f32 v12, v12  }
0x5fe: {  	v11 =	vtrunc.f32 v11;
	[tilespmem:v10+s19+$0x0] =	vst.idx.add.f32.msk $0xffff, v2  }
0x5ff: {  	v11 =	vcvt.f32.s32 v11;
	v19 =	vadd.f32 v20, v19;
	[tilespmem:v10+s20+$0x0] =	vst.idx.add.f32.msk $0xffff, v15  }
0x600: {  	[tilespmem:v10+s21+$0x0] =	vst.idx.add.f32.msk $0xffff, v12;
	v12 =	vmul.f32 v13, v13;
	v13 =	vmul.f32 v16, v16  }
0x601: {  	[tilespmem:v14+s21+$0x0] =	vst.idx.add.f32.msk $0xffff, v16;
	v11 =	vshll.u32 v11, $0x4  }
0x602: {  	v11 =	vadd.s32 v7, v11;
	[tilespmem:v10+s22+$0x0] =	vst.idx.add.f32.msk $0xffff, v19;
	v12 =	vadd.f32 v13, v12  }
0x603: {  	v15 =	vld [tilespmem:s29+$0x20]  }
0x604: {  	[tilespmem:v14+s22+$0x0] =	vst.idx.add.f32.msk $0xffff, v12  }
0x605: {  	v16 =	vld [tilespmem:s26+$0x30]  }
0x606: {  	v10 =	vld [tilespmem:s28+$0x20];
	v13 =	vmul.f32 v18, v18;
	v12 =	vmul.f32 v17, v17  }
0x607: {  	[tilespmem:v11+s19+$0x0] =	vst.idx.add.f32.msk $0xffff, v2  }
0x608: {  	[tilespmem:v11+s20+$0x0] =	vst.idx.add.f32.msk $0xffff, v17;
	v12 =	vadd.f32 v13, v12  }
0x609: {  	[tilespmem:v11+s21+$0x0] =	vst.idx.add.f32.msk $0xffff, v18  }
0x60a: {  	[tilespmem:v11+s22+$0x0] =	vst.idx.add.f32.msk $0xffff, v12;
	v11 =	vtrunc.f32 v15;
	v13 =	vtrunc.f32 v16  }
0x60b: {  	v17 =	vld [tilespmem:s1+$0xFFFFFFB0];
	v11 =	vcvt.f32.s32 v11;
	v16 =	vcvt.f32.s32 v13  }
0x60c: {  	v14 =	vld [tilespmem:s24+$0x60]  }
0x60d: {  	v15 =	vld [tilespmem:s1+$0x30];
	v11 =	vshll.u32 v11, $0x4  }
0x60e: {  	v13 =	vld [tilespmem:s28+$0xFFFFFFA0];
	v11 =	vadd.s32 v4, v11  }
0x60f: {  	s30 =	simm.s32 $0x600;
	s11 =	simm.s32 $0x7D80;
	v12 =	vld [tilespmem:s0+$0xFFFFFFE0];
	v18 =	vshll.u32 v16, $0x4;
	v16 =	vmov v10  }
.LBB2_6:
0x610: {  	s12 =	sshra.s32 s30, $0x2;
	p1 =	sne.s32 s30, $0xF200;
	s30 =	sadd.s32 $0x200, s30;
	v18 =	vadd.s32 v5, v18;
	v19 =	vld [tilespmem:s0+$0x60]  }
0x611: {  	v14 =	vtrunc.f32 v14;
	v20 =	vld [tilespmem:s11+$0xFFFFFF80]  }
0x612: {  	v14 =	vcvt.f32.s32 v14;
	v21 =	vld [tilespmem:s11+$0x0]  }
0x613: {  	v16 =	vmul.f32 v16, v10;
	v22 =	vmul.f32 v13, v13;
	[tilespmem:v11+s19+$0x0] =	vst.idx.add.f32.msk $0xffff, v2  }
0x614: {  	v25 =	vmul.f32 v15, v15;
	v14 =	vshll.u32 v14, $0x4;
	v23 =	vld [tilespmem:s12+$0x0];
	v24 =	vmul.f32 v17, v17  }
0x615: {  	v14 =	vadd.s32 v8, v14;
	v22 =	vadd.f32 v16, v22;
	[tilespmem:v18+s19+$0x0] =	vst.idx.add.f32.msk $0xffff, v2  }
0x616: {  	v16 =	vadd.f32 v25, v24;
	[tilespmem:v18+s20+$0x0] =	vst.idx.add.f32.msk $0xffff, v17;
	v17 =	vmul.f32 v19, v19  }
0x617: {  	[tilespmem:v18+s21+$0x0] =	vst.idx.add.f32.msk $0xffff, v15  }
0x618: {  	[tilespmem:v18+s22+$0x0] =	vst.idx.add.f32.msk $0xffff, v16  }
0x619: {  	v15 =	vtrunc.f32 v23;
	v16 =	vld [tilespmem:s1+$0xFFFFFFC0]  }
0x61a: {  	v15 =	vcvt.f32.s32 v15;
	[tilespmem:v14+s19+$0x0] =	vst.idx.add.f32.msk $0xffff, v2  }
0x61b: {  	v23 =	vmul.f32 v12, v12;
	v18 =	vld [tilespmem:s1+$0x40]  }
0x61c: {  	v15 =	vshll.u32 v15, $0x4;
	v24 =	vld [tilespmem:s26+$0x40]  }
0x61d: {  	v17 =	vadd.f32 v17, v23;
	v15 =	vor.u32 v0, v15;
	[tilespmem:v14+s20+$0x0] =	vst.idx.add.f32.msk $0xffff, v12  }
0x61e: {  	v12 =	vmul.f32 v21, v21;
	[tilespmem:v14+s21+$0x0] =	vst.idx.add.f32.msk $0xffff, v19  }
0x61f: {  	[tilespmem:v14+s22+$0x0] =	vst.idx.add.f32.msk $0xffff, v17  }
0x620: {  	v14 =	vld [tilespmem:s24+$0x70];
	s24 =	smov.u32 s26;
	s26 =	smov.u32 s29;
	s29 =	smov.u32 s12  }
0x621: {  	v17 =	vmul.f32 v20, v20;
	v19 =	vtrunc.f32 v24;
	v23 =	vld [tilespmem:s0+$0xFFFFFFF0]  }
0x622: {  	[tilespmem:v15+s19+$0x0] =	vst.idx.add.f32.msk $0xffff, v2;
	v19 =	vcvt.f32.s32 v19  }
0x623: {  	v12 =	vadd.f32 v12, v17;
	[tilespmem:v15+s20+$0x0] =	vst.idx.add.f32.msk $0xffff, v20  }
0x624: {  	[tilespmem:v15+s21+$0x0] =	vst.idx.add.f32.msk $0xffff, v21;
	v17 =	vshll.u32 v19, $0x4  }
0x625: {  	[tilespmem:v15+s22+$0x0] =	vst.idx.add.f32.msk $0xffff, v12;
	v12 =	vadd.s32 v6, v17;
	v14 =	vtrunc.f32 v14  }
0x626: {  	v17 =	vmul.f32 v16, v16;
	v15 =	vld [tilespmem:s11+$0x10];
	v14 =	vcvt.f32.s32 v14  }
0x627: {  	v19 =	vld [tilespmem:s11+$0xFFFFFF90]  }
0x628: {  	v21 =	vmul.f32 v18, v18;
	v20 =	vld [tilespmem:s29+$0x10];
	v14 =	vshll.u32 v14, $0x4  }
0x629: {  	v24 =	vld [tilespmem:s0+$0x70];
	s0 =	smov.u32 s1;
	s1 =	smov.u32 s28;
	s28 =	smov.u32 s11  }
0x62a: {  	v17 =	vadd.f32 v21, v17;
	v14 =	vadd.s32 v9, v14;
	[tilespmem:v12+s19+$0x0] =	vst.idx.add.f32.msk $0xffff, v2  }
0x62b: {  	[tilespmem:v12+s20+$0x0] =	vst.idx.add.f32.msk $0xffff, v16  }
0x62c: {  	[tilespmem:v12+s21+$0x0] =	vst.idx.add.f32.msk $0xffff, v18  }
0x62d: {  	v16 =	vtrunc.f32 v20;
	[tilespmem:v12+s22+$0x0] =	vst.idx.add.f32.msk $0xffff, v17;
	v12 =	vmul.f32 v23, v23  }
0x62e: {  	v16 =	vcvt.f32.s32 v16;
	v17 =	vld [tilespmem:s24+$0x50];
	v18 =	vmul.f32 v24, v24  }
0x62f: {  	[tilespmem:v14+s19+$0x0] =	vst.idx.add.f32.msk $0xffff, v2  }
0x630: {  	v16 =	vshll.u32 v16, $0x4;
	v12 =	vadd.f32 v18, v12;
	[tilespmem:v14+s20+$0x0] =	vst.idx.add.f32.msk $0xffff, v23  }
0x631: {  	v16 =	vadd.s32 v3, v16;
	[tilespmem:v14+s21+$0x0] =	vst.idx.add.f32.msk $0xffff, v24  }
0x632: {  	[tilespmem:v14+s22+$0x0] =	vst.idx.add.f32.msk $0xffff, v12  }
0x633: {  	v12 =	vtrunc.f32 v17;
	v14 =	vld [tilespmem:s0+$0xFFFFFFD0]  }
0x634: {  	v12 =	vcvt.f32.s32 v12;
	v17 =	vld [tilespmem:s0+$0x50]  }
0x635: {  	v20 =	vmul.f32 v15, v15;
	v18 =	vmul.f32 v19, v19;
	[tilespmem:v11+s20+$0x0] =	vst.idx.add.f32.msk $0xffff, v13  }
0x636: {  	[tilespmem:v16+s19+$0x0] =	vst.idx.add.f32.msk $0xffff, v2;
	v12 =	vshll.u32 v12, $0x4  }
0x637: {  	v13 =	vadd.f32 v20, v18;
	[tilespmem:v16+s20+$0x0] =	vst.idx.add.f32.msk $0xffff, v19  }
0x638: {  	v12 =	vadd.s32 v7, v12;
	[tilespmem:v16+s21+$0x0] =	vst.idx.add.f32.msk $0xffff, v15  }
0x639: {  	[tilespmem:v16+s22+$0x0] =	vst.idx.add.f32.msk $0xffff, v13;
	v13 =	vmul.f32 v17, v17  }
0x63a: {  	v15 =	vld [tilespmem:s29+$0x20]  }
0x63b: {  	v16 =	vld [tilespmem:s11+$0x20]  }
0x63c: {  	[tilespmem:v11+s21+$0x0] =	vst.idx.add.f32.msk $0xffff, v10  }
0x63d: {  	[tilespmem:v12+s19+$0x0] =	vst.idx.add.f32.msk $0xffff, v2  }
0x63e: {  	v1 =	vmul.f32 v14, v14;
	[tilespmem:v11+s22+$0x0] =	vst.idx.add.f32.msk $0xffff, v22  }
0x63f: {  	v11 =	vld [tilespmem:s26+$0x30]  }
0x640: {  	v13 =	vadd.f32 v13, v1;
	[tilespmem:v12+s20+$0x0] =	vst.idx.add.f32.msk $0xffff, v14;
	v10 =	vmov v16  }
0x641: {  	[tilespmem:v12+s21+$0x0] =	vst.idx.add.f32.msk $0xffff, v17  }
0x642: {  	v14 =	vtrunc.f32 v15;
	[tilespmem:v12+s22+$0x0] =	vst.idx.add.f32.msk $0xffff, v13  }
.Ltmp4:
0x643: {  	v13 =	vcvt.f32.s32 v14;
	v14 =	vld [tilespmem:s24+$0x60];
	(pc) =	sbr.rel @p1 .LBB2_6-.Ltmp4, $4  }
0x644: {  	v11 =	vtrunc.f32 v11;
	v12 =	vld [tilespmem:s0+$0xFFFFFFE0]  }
0x645: {  	v17 =	vshll.u32 v13, $0x4;
	v18 =	vcvt.f32.s32 v11;
	v15 =	vld [tilespmem:s1+$0x30]  }
0x646: {  	v11 =	vadd.s32 v4, v17;
	v13 =	vld [tilespmem:s11+$0xFFFFFFA0]  }
0x647: {  	s11 =	sadd.s32 $0x100, s11;
	v17 =	vld [tilespmem:s1+$0xFFFFFFB0];
	v18 =	vshll.u32 v18, $0x4  }
0x648: {  	_ =	sdelay $0x2  }
0x649: {  	v16 =	vmul.f32 v16, v10;
	v19 =	vmul.f32 v13, v13  }
0x64a: {  	[tilespmem:v11+s19+$0x0] =	vst.idx.add.f32.msk $0xffff, v2  }
0x64b: {  	[tilespmem:v11+s20+$0x0] =	vst.idx.add.f32.msk $0xffff, v13;
	v16 =	vadd.f32 v16, v19  }
0x64c: {  	[tilespmem:v11+s21+$0x0] =	vst.idx.add.f32.msk $0xffff, v10  }
0x64d: {  	[tilespmem:v11+s22+$0x0] =	vst.idx.add.f32.msk $0xffff, v16  }
0x64e: {  	v10 =	vld [tilespmem:s29+$0x30];
	_ =	sdelay $0x3  }
0x64f: {  	v11 =	vadd.s32 v5, v18  }
0x650: {  	v10 =	vtrunc.f32 v10  }
0x651: {  	v10 =	vcvt.f32.s32 v10  }
0x652: {  	v13 =	vld [tilespmem:s28+$0x30]  }
0x653: {  	v16 =	vmul.f32 v17, v17;
	v18 =	vmul.f32 v15, v15;
	v19 =	vld [tilespmem:s28+$0xFFFFFFB0];
	v10 =	vshll.u32 v10, $0x4  }
0x654: {  	[tilespmem:v11+s19+$0x0] =	vst.idx.add.f32.msk $0xffff, v2;
	v10 =	vadd.s32 v5, v10  }
0x655: {  	v16 =	vadd.f32 v18, v16;
	[tilespmem:v11+s20+$0x0] =	vst.idx.add.f32.msk $0xffff, v17  }
0x656: {  	[tilespmem:v11+s21+$0x0] =	vst.idx.add.f32.msk $0xffff, v15  }
0x657: {  	[tilespmem:v11+s22+$0x0] =	vst.idx.add.f32.msk $0xffff, v16  }
0x658: {  	v15 =	vmul.f32 v19, v19;
	v16 =	vmul.f32 v13, v13;
	v11 =	vld [tilespmem:s26+$0x40]  }
0x659: {  	[tilespmem:v10+s19+$0x0] =	vst.idx.add.f32.msk $0xffff, v2  }
0x65a: {  	v15 =	vadd.f32 v16, v15;
	[tilespmem:v10+s20+$0x0] =	vst.idx.add.f32.msk $0xffff, v19  }
0x65b: {  	[tilespmem:v10+s21+$0x0] =	vst.idx.add.f32.msk $0xffff, v13  }
0x65c: {  	[tilespmem:v10+s22+$0x0] =	vst.idx.add.f32.msk $0xffff, v15  }
0x65d: {  	v10 =	vtrunc.f32 v11;
	v11 =	vld [tilespmem:s29+$0x40]  }
0x65e: {  	v10 =	vcvt.f32.s32 v10  }
0x65f: {  	v13 =	vld [tilespmem:s1+$0xFFFFFFC0]  }
0x660: {  	v15 =	vld [tilespmem:s1+$0x40];
	v10 =	vshll.u32 v10, $0x4  }
0x661: {  	v10 =	vadd.s32 v6, v10  }
0x662: {  	v11 =	vtrunc.f32 v11  }
0x663: {  	v11 =	vcvt.f32.s32 v11  }
0x664: {  	v16 =	vld [tilespmem:s28+$0xFFFFFFC0]  }
0x665: {  	v19 =	vld [tilespmem:s28+$0x40];
	v17 =	vmul.f32 v13, v13;
	v18 =	vmul.f32 v15, v15;
	v11 =	vshll.u32 v11, $0x4  }
0x666: {  	[tilespmem:v10+s19+$0x0] =	vst.idx.add.f32.msk $0xffff, v2;
	v11 =	vadd.s32 v6, v11  }
0x667: {  	v17 =	vadd.f32 v18, v17;
	[tilespmem:v10+s20+$0x0] =	vst.idx.add.f32.msk $0xffff, v13  }
0x668: {  	[tilespmem:v10+s21+$0x0] =	vst.idx.add.f32.msk $0xffff, v15  }
0x669: {  	v13 =	vtrunc.f32 v14;
	[tilespmem:v10+s22+$0x0] =	vst.idx.add.f32.msk $0xffff, v17  }
0x66a: {  	v14 =	vmul.f32 v16, v16;
	v15 =	vmul.f32 v19, v19;
	v10 =	vld [tilespmem:s26+$0x50]  }
0x66b: {  	v13 =	vcvt.f32.s32 v13;
	[tilespmem:v11+s19+$0x0] =	vst.idx.add.f32.msk $0xffff, v2  }
0x66c: {  	v14 =	vadd.f32 v15, v14;
	[tilespmem:v11+s20+$0x0] =	vst.idx.add.f32.msk $0xffff, v16  }
0x66d: {  	v13 =	vshll.u32 v13, $0x4;
	[tilespmem:v11+s21+$0x0] =	vst.idx.add.f32.msk $0xffff, v19  }
0x66e: {  	v13 =	vadd.s32 v8, v13;
	[tilespmem:v11+s22+$0x0] =	vst.idx.add.f32.msk $0xffff, v14  }
0x66f: {  	v10 =	vtrunc.f32 v10;
	v11 =	vld [tilespmem:s29+$0x50]  }
0x670: {  	v15 =	vld [tilespmem:s1+$0xFFFFFFD0];
	v10 =	vcvt.f32.s32 v10  }
0x671: {  	v16 =	vld [tilespmem:s1+$0x50]  }
0x672: {  	v14 =	vld [tilespmem:s0+$0x60];
	v10 =	vshll.u32 v10, $0x4  }
0x673: {  	[tilespmem:v13+s19+$0x0] =	vst.idx.add.f32.msk $0xffff, v2;
	v10 =	vadd.s32 v7, v10  }
0x674: {  	v17 =	vld [tilespmem:s28+$0xFFFFFFD0];
	v11 =	vtrunc.f32 v11  }
0x675: {  	v20 =	vld [tilespmem:s28+$0x50];
	v11 =	vcvt.f32.s32 v11  }
0x676: {  	[tilespmem:v13+s20+$0x0] =	vst.idx.add.f32.msk $0xffff, v12  }
0x677: {  	v19 =	vmul.f32 v15, v15;
	v18 =	vmul.f32 v16, v16;
	[tilespmem:v13+s21+$0x0] =	vst.idx.add.f32.msk $0xffff, v14;
	v11 =	vshll.u32 v11, $0x4  }
0x678: {  	[tilespmem:v10+s19+$0x0] =	vst.idx.add.f32.msk $0xffff, v2;
	v11 =	vadd.s32 v7, v11  }
0x679: {  	v18 =	vadd.f32 v18, v19;
	[tilespmem:v10+s20+$0x0] =	vst.idx.add.f32.msk $0xffff, v15  }
0x67a: {  	[tilespmem:v10+s21+$0x0] =	vst.idx.add.f32.msk $0xffff, v16  }
0x67b: {  	[tilespmem:v10+s22+$0x0] =	vst.idx.add.f32.msk $0xffff, v18  }
0x67c: {  	v15 =	vmul.f32 v20, v20;
	v16 =	vmul.f32 v17, v17;
	v10 =	vld [tilespmem:s26+$0x60]  }
0x67d: {  	v12 =	vmul.f32 v12, v12;
	[tilespmem:v11+s19+$0x0] =	vst.idx.add.f32.msk $0xffff, v2  }
0x67e: {  	v14 =	vmul.f32 v14, v14;
	v15 =	vadd.f32 v15, v16;
	[tilespmem:v11+s20+$0x0] =	vst.idx.add.f32.msk $0xffff, v17  }
0x67f: {  	[tilespmem:v11+s21+$0x0] =	vst.idx.add.f32.msk $0xffff, v20  }
0x680: {  	v12 =	vadd.f32 v14, v12;
	[tilespmem:v11+s22+$0x0] =	vst.idx.add.f32.msk $0xffff, v15  }
0x681: {  	v10 =	vtrunc.f32 v10;
	v11 =	vld [tilespmem:s29+$0x60]  }
0x682: {  	[tilespmem:v13+s22+$0x0] =	vst.idx.add.f32.msk $0xffff, v12;
	v10 =	vcvt.f32.s32 v10  }
0x683: {  	v12 =	vld [tilespmem:s1+$0xFFFFFFE0]  }
0x684: {  	v13 =	vld [tilespmem:s1+$0x60];
	v10 =	vshll.u32 v10, $0x4  }
0x685: {  	v14 =	vld [tilespmem:s24+$0x70];
	v10 =	vadd.s32 v8, v10  }
0x686: {  	v16 =	vld [tilespmem:s0+$0x70];
	v11 =	vtrunc.f32 v11  }
0x687: {  	v15 =	vld [tilespmem:s0+$0xFFFFFFF0];
	v11 =	vcvt.f32.s32 v11  }
0x688: {  	v17 =	vld [tilespmem:s28+$0xFFFFFFE0]  }
0x689: {  	v18 =	vmul.f32 v13, v13;
	v19 =	vmul.f32 v12, v12;
	v20 =	vld [tilespmem:s28+$0x60];
	v11 =	vshll.u32 v11, $0x4  }
0x68a: {  	[tilespmem:v10+s19+$0x0] =	vst.idx.add.f32.msk $0xffff, v2;
	v11 =	vadd.s32 v8, v11  }
0x68b: {  	v14 =	vtrunc.f32 v14;
	v18 =	vadd.f32 v18, v19;
	[tilespmem:v10+s20+$0x0] =	vst.idx.add.f32.msk $0xffff, v12  }
0x68c: {  	v12 =	vcvt.f32.s32 v14;
	[tilespmem:v10+s21+$0x0] =	vst.idx.add.f32.msk $0xffff, v13  }
0x68d: {  	[tilespmem:v10+s22+$0x0] =	vst.idx.add.f32.msk $0xffff, v18  }
0x68e: {  	v14 =	vmul.f32 v17, v17;
	v13 =	vmul.f32 v20, v20;
	v10 =	vshll.u32 v12, $0x4;
	v12 =	vld [tilespmem:s26+$0x70]  }
0x68f: {  	v10 =	vadd.s32 v9, v10;
	[tilespmem:v11+s19+$0x0] =	vst.idx.add.f32.msk $0xffff, v2  }
0x690: {  	v13 =	vadd.f32 v13, v14;
	[tilespmem:v11+s20+$0x0] =	vst.idx.add.f32.msk $0xffff, v17  }
0x691: {  	[tilespmem:v11+s21+$0x0] =	vst.idx.add.f32.msk $0xffff, v20  }
0x692: {  	[tilespmem:v11+s22+$0x0] =	vst.idx.add.f32.msk $0xffff, v13  }
0x693: {  	v11 =	vld [tilespmem:s29+$0x70]  }
0x694: {  	v14 =	vmul.f32 v16, v16;
	[tilespmem:v10+s19+$0x0] =	vst.idx.add.f32.msk $0xffff, v2;
	v12 =	vtrunc.f32 v12  }
0x695: {  	v13 =	vmul.f32 v15, v15;
	[tilespmem:v10+s20+$0x0] =	vst.idx.add.f32.msk $0xffff, v15;
	v12 =	vcvt.f32.s32 v12  }
0x696: {  	v15 =	vld [tilespmem:s1+$0xFFFFFFF0]  }
0x697: {  	v13 =	vadd.f32 v14, v13;
	v14 =	vld [tilespmem:s1+$0x70];
	v12 =	vshll.u32 v12, $0x4  }
0x698: {  	[tilespmem:v10+s21+$0x0] =	vst.idx.add.f32.msk $0xffff, v16;
	v12 =	vadd.s32 v9, v12;
	v11 =	vtrunc.f32 v11  }
0x699: {  	[tilespmem:v10+s22+$0x0] =	vst.idx.add.f32.msk $0xffff, v13;
	v10 =	vcvt.f32.s32 v11  }
0x69a: {  	v13 =	vld [tilespmem:s28+$0x70]  }
0x69b: {  	v11 =	vld [tilespmem:s28+$0xFFFFFFF0];
	v10 =	vshll.u32 v10, $0x4  }
0x69c: {  	v16 =	vmul.f32 v15, v15;
	v17 =	vmul.f32 v14, v14;
	v10 =	vadd.s32 v9, v10  }
0x69d: {  	[tilespmem:v12+s19+$0x0] =	vst.idx.add.f32.msk $0xffff, v2  }
0x69e: {  	v16 =	vadd.f32 v17, v16;
	[tilespmem:v12+s20+$0x0] =	vst.idx.add.f32.msk $0xffff, v15  }
0x69f: {  	[tilespmem:v12+s21+$0x0] =	vst.idx.add.f32.msk $0xffff, v14  }
0x6a0: {  	v14 =	vmul.f32 v13, v13;
	[tilespmem:v12+s22+$0x0] =	vst.idx.add.f32.msk $0xffff, v16;
	v12 =	vmul.f32 v11, v11  }
0x6a1: {  	[tilespmem:v10+s19+$0x0] =	vst.idx.add.f32.msk $0xffff, v2  }
0x6a2: {  	v12 =	vadd.f32 v14, v12;
	[tilespmem:v10+s20+$0x0] =	vst.idx.add.f32.msk $0xffff, v11  }
0x6a3: {  	[tilespmem:v10+s21+$0x0] =	vst.idx.add.f32.msk $0xffff, v13  }
0x6a4: {  	[tilespmem:v10+s22+$0x0] =	vst.idx.add.f32.msk $0xffff, v12  }
0x6a5: {  	_ =	swait.ge [sflag:s23], $0x3D00  }
0x6a6: {  	[sflag:s23] =	ssyncset.done $0x0  }
0x6a7: {  	[sflag:s23] =	ssyncadd.s32 $0xFFFFC300  }
0x6a8: {  	_ =	swait.ge [sflag:s23], $0x7A00  }
0x6a9: {  	[sflag:s23] =	ssyncset.done $0x0  }
0x6aa: {  	s24 =	simm.s32 $0x0;
	[sflag:s23] =	ssyncadd.s32 $0xFFFF8600  }
0x6ab: {  	v10 =	vld [tilespmem:s24+$0x3D00];
	_ =	sdelay $0x4  }
0x6ac: {  	v10 =	vtrunc.f32 v10  }
0x6ad: {  	s0 =	simm.s32 $0xF480;
	v10 =	vcvt.f32.s32 v10  }
0x6ae: {  	v11 =	vld [tilespmem:s0+$0xFFFFFF80]  }
0x6af: {  	v12 =	vld [tilespmem:s0+$0x0];
	v10 =	vshll.u32 v10, $0x4  }
0x6b0: {  	v10 =	vor.u32 v0, v10;
	_ =	sdelay $0x3  }
0x6b1: {  	v13 =	vmul.f32 v12, v12;
	v14 =	vmul.f32 v11, v11  }
0x6b2: {  	[tilespmem:v10+s19+$0x0] =	vst.idx.add.f32.msk $0xffff, v2  }
0x6b3: {  	v13 =	vadd.f32 v13, v14;
	[tilespmem:v10+s20+$0x0] =	vst.idx.add.f32.msk $0xffff, v11  }
0x6b4: {  	[tilespmem:v10+s21+$0x0] =	vst.idx.add.f32.msk $0xffff, v12  }
0x6b5: {  	[tilespmem:v10+s22+$0x0] =	vst.idx.add.f32.msk $0xffff, v13  }
0x6b6: {  	v10 =	vld [tilespmem:s24+$0x3D10];
	_ =	sdelay $0x4  }
0x6b7: {  	v10 =	vtrunc.f32 v10  }
0x6b8: {  	v10 =	vcvt.f32.s32 v10;
	_ =	sdelay $0x1  }
0x6b9: {  	v11 =	vld [tilespmem:s0+$0x10];
	v10 =	vshll.u32 v10, $0x4  }
0x6ba: {  	v12 =	vld [tilespmem:s0+$0xFFFFFF90];
	v10 =	vadd.s32 v3, v10;
	_ =	sdelay $0x4  }
0x6bb: {  	v13 =	vmul.f32 v12, v12;
	v14 =	vmul.f32 v11, v11;
	[tilespmem:v10+s19+$0x0] =	vst.idx.add.f32.msk $0xffff, v2  }
0x6bc: {  	[tilespmem:v10+s20+$0x0] =	vst.idx.add.f32.msk $0xffff, v12  }
0x6bd: {  	s26 =	simm.s32 $0x80;
	v13 =	vadd.f32 v14, v13;
	[tilespmem:v10+s21+$0x0] =	vst.idx.add.f32.msk $0xffff, v11  }
0x6be: {  	v11 =	vld [tilespmem:s26+$0x3D00]  }
0x6bf: {  	[tilespmem:v10+s22+$0x0] =	vst.idx.add.f32.msk $0xffff, v13  }
0x6c0: {  	v10 =	vld [tilespmem:s24+$0x3D20];
	_ =	sdelay $0x2  }
0x6c1: {  	v11 =	vtrunc.f32 v11  }
0x6c2: {  	v11 =	vcvt.f32.s32 v11  }
0x6c3: {  	s1 =	simm.s32 $0xF580;
	v10 =	vtrunc.f32 v10  }
0x6c4: {  	v12 =	vld [tilespmem:s1+$0xFFFFFF80];
	v10 =	vcvt.f32.s32 v10;
	v11 =	vshll.u32 v11, $0x4  }
0x6c5: {  	v13 =	vld [tilespmem:s1+$0x0];
	v11 =	vor.u32 v0, v11  }
0x6c6: {  	v10 =	vshll.u32 v10, $0x4  }
0x6c7: {  	v10 =	vadd.s32 v4, v10  }
0x6c8: {  	v14 =	vld [tilespmem:s0+$0x20]  }
0x6c9: {  	v15 =	vld [tilespmem:s0+$0xFFFFFFA0]  }
0x6ca: {  	v17 =	vmul.f32 v12, v12;
	v16 =	vmul.f32 v13, v13;
	[tilespmem:v11+s19+$0x0] =	vst.idx.add.f32.msk $0xffff, v2  }
0x6cb: {  	[tilespmem:v11+s20+$0x0] =	vst.idx.add.f32.msk $0xffff, v12  }
0x6cc: {  	v16 =	vadd.f32 v16, v17;
	[tilespmem:v10+s19+$0x0] =	vst.idx.add.f32.msk $0xffff, v2  }
0x6cd: {  	[tilespmem:v11+s21+$0x0] =	vst.idx.add.f32.msk $0xffff, v13  }
0x6ce: {  	v12 =	vmul.f32 v15, v15;
	v13 =	vmul.f32 v14, v14;
	[tilespmem:v11+s22+$0x0] =	vst.idx.add.f32.msk $0xffff, v16  }
0x6cf: {  	[tilespmem:v10+s20+$0x0] =	vst.idx.add.f32.msk $0xffff, v15  }
0x6d0: {  	v11 =	vld [tilespmem:s26+$0x3D10];
	v12 =	vadd.f32 v13, v12  }
0x6d1: {  	[tilespmem:v10+s21+$0x0] =	vst.idx.add.f32.msk $0xffff, v14  }
0x6d2: {  	[tilespmem:v10+s22+$0x0] =	vst.idx.add.f32.msk $0xffff, v12  }
0x6d3: {  	v10 =	vld [tilespmem:s24+$0x3D30];
	_ =	sdelay $0x2  }
0x6d4: {  	v11 =	vtrunc.f32 v11  }
0x6d5: {  	v11 =	vcvt.f32.s32 v11  }
0x6d6: {  	v10 =	vtrunc.f32 v10  }
0x6d7: {  	v12 =	vld [tilespmem:s1+$0xFFFFFF90];
	v11 =	vshll.u32 v11, $0x4;
	v10 =	vcvt.f32.s32 v10  }
0x6d8: {  	v13 =	vld [tilespmem:s0+$0x30];
	v11 =	vadd.s32 v3, v11  }
0x6d9: {  	v14 =	vld [tilespmem:s0+$0xFFFFFFB0];
	v10 =	vshll.u32 v10, $0x4  }
0x6da: {  	s29 =	simm.s32 $0x100;
	v10 =	vadd.s32 v5, v10  }
0x6db: {  	v16 =	vld [tilespmem:s29+$0x3D00]  }
0x6dc: {  	v15 =	vld [tilespmem:s1+$0x10]  }
0x6dd: {  	[tilespmem:v11+s19+$0x0] =	vst.idx.add.f32.msk $0xffff, v2  }
0x6de: {  	v17 =	vmul.f32 v14, v14;
	v18 =	vmul.f32 v13, v13;
	[tilespmem:v11+s20+$0x0] =	vst.idx.add.f32.msk $0xffff, v12  }
0x6df: {  	[tilespmem:v10+s19+$0x0] =	vst.idx.add.f32.msk $0xffff, v2  }
0x6e0: {  	v17 =	vadd.f32 v18, v17;
	[tilespmem:v10+s20+$0x0] =	vst.idx.add.f32.msk $0xffff, v14  }
0x6e1: {  	[tilespmem:v10+s21+$0x0] =	vst.idx.add.f32.msk $0xffff, v13  }
0x6e2: {  	v12 =	vmul.f32 v12, v12;
	[tilespmem:v10+s22+$0x0] =	vst.idx.add.f32.msk $0xffff, v17;
	v10 =	vtrunc.f32 v16  }
0x6e3: {  	s28 =	simm.s32 $0xF680;
	v13 =	vmul.f32 v15, v15;
	v10 =	vcvt.f32.s32 v10;
	v14 =	vld [tilespmem:s24+$0x3D40]  }
0x6e4: {  	v16 =	vld [tilespmem:s28+$0xFFFFFF80]  }
0x6e5: {  	v12 =	vadd.f32 v13, v12;
	v13 =	vld [tilespmem:s28+$0x0];
	v10 =	vshll.u32 v10, $0x4  }
0x6e6: {  	[tilespmem:v11+s21+$0x0] =	vst.idx.add.f32.msk $0xffff, v15;
	v10 =	vor.u32 v0, v10  }
0x6e7: {  	v15 =	vld [tilespmem:s0+$0x40]  }
0x6e8: {  	[tilespmem:v11+s22+$0x0] =	vst.idx.add.f32.msk $0xffff, v12;
	v12 =	vtrunc.f32 v14  }
0x6e9: {  	v11 =	vld [tilespmem:s26+$0x3D20];
	v12 =	vcvt.f32.s32 v12  }
0x6ea: {  	v18 =	vmul.f32 v16, v16;
	v14 =	vld [tilespmem:s0+$0xFFFFFFC0];
	v17 =	vmul.f32 v13, v13  }
0x6eb: {  	[tilespmem:v10+s19+$0x0] =	vst.idx.add.f32.msk $0xffff, v2;
	v12 =	vshll.u32 v12, $0x4  }
0x6ec: {  	v17 =	vadd.f32 v17, v18;
	[tilespmem:v10+s20+$0x0] =	vst.idx.add.f32.msk $0xffff, v16;
	v12 =	vadd.s32 v6, v12  }
0x6ed: {  	[tilespmem:v10+s21+$0x0] =	vst.idx.add.f32.msk $0xffff, v13  }
0x6ee: {  	[tilespmem:v10+s22+$0x0] =	vst.idx.add.f32.msk $0xffff, v17  }
0x6ef: {  	v10 =	vtrunc.f32 v11;
	v11 =	vld [tilespmem:s29+$0x3D10]  }
0x6f0: {  	v13 =	vld [tilespmem:s1+$0xFFFFFFA0];
	v16 =	vmul.f32 v14, v14  }
0x6f1: {  	v17 =	vmul.f32 v15, v15;
	v10 =	vcvt.f32.s32 v10;
	[tilespmem:v12+s19+$0x0] =	vst.idx.add.f32.msk $0xffff, v2  }
0x6f2: {  	[tilespmem:v12+s20+$0x0] =	vst.idx.add.f32.msk $0xffff, v14  }
0x6f3: {  	v16 =	vadd.f32 v17, v16;
	v10 =	vshll.u32 v10, $0x4;
	[tilespmem:v12+s21+$0x0] =	vst.idx.add.f32.msk $0xffff, v15  }
0x6f4: {  	v14 =	vadd.s32 v4, v10;
	v15 =	vld [tilespmem:s28+$0xFFFFFF90];
	v10 =	vtrunc.f32 v11  }
0x6f5: {  	[tilespmem:v12+s22+$0x0] =	vst.idx.add.f32.msk $0xffff, v16;
	v10 =	vcvt.f32.s32 v10  }
0x6f6: {  	v12 =	vld [tilespmem:s28+$0x10]  }
0x6f7: {  	v16 =	vld [tilespmem:s1+$0x20];
	v10 =	vshll.u32 v10, $0x4  }
0x6f8: {  	v11 =	vld [tilespmem:s24+$0x3D50];
	v10 =	vadd.s32 v3, v10  }
0x6f9: {  	v17 =	vld [tilespmem:s0+$0xFFFFFFD0]  }
0x6fa: {  	v18 =	vld [tilespmem:s0+$0x50]  }
0x6fb: {  	[tilespmem:v14+s19+$0x0] =	vst.idx.add.f32.msk $0xffff, v2  }
0x6fc: {  	v19 =	vmul.f32 v15, v15;
	[tilespmem:v14+s20+$0x0] =	vst.idx.add.f32.msk $0xffff, v13;
	v20 =	vmul.f32 v12, v12  }
0x6fd: {  	v11 =	vtrunc.f32 v11;
	[tilespmem:v10+s19+$0x0] =	vst.idx.add.f32.msk $0xffff, v2  }
0x6fe: {  	v11 =	vcvt.f32.s32 v11;
	v19 =	vadd.f32 v20, v19;
	[tilespmem:v10+s20+$0x0] =	vst.idx.add.f32.msk $0xffff, v15  }
0x6ff: {  	[tilespmem:v10+s21+$0x0] =	vst.idx.add.f32.msk $0xffff, v12;
	v12 =	vmul.f32 v13, v13;
	v13 =	vmul.f32 v16, v16  }
0x700: {  	[tilespmem:v14+s21+$0x0] =	vst.idx.add.f32.msk $0xffff, v16;
	v11 =	vshll.u32 v11, $0x4  }
0x701: {  	v11 =	vadd.s32 v7, v11;
	[tilespmem:v10+s22+$0x0] =	vst.idx.add.f32.msk $0xffff, v19;
	v12 =	vadd.f32 v13, v12  }
0x702: {  	v15 =	vld [tilespmem:s29+$0x3D20]  }
0x703: {  	[tilespmem:v14+s22+$0x0] =	vst.idx.add.f32.msk $0xffff, v12  }
0x704: {  	v16 =	vld [tilespmem:s26+$0x3D30]  }
0x705: {  	v10 =	vld [tilespmem:s28+$0x20];
	v13 =	vmul.f32 v18, v18;
	v12 =	vmul.f32 v17, v17  }
0x706: {  	[tilespmem:v11+s19+$0x0] =	vst.idx.add.f32.msk $0xffff, v2  }
0x707: {  	[tilespmem:v11+s20+$0x0] =	vst.idx.add.f32.msk $0xffff, v17;
	v12 =	vadd.f32 v13, v12  }
0x708: {  	[tilespmem:v11+s21+$0x0] =	vst.idx.add.f32.msk $0xffff, v18  }
0x709: {  	[tilespmem:v11+s22+$0x0] =	vst.idx.add.f32.msk $0xffff, v12;
	v11 =	vtrunc.f32 v15;
	v13 =	vtrunc.f32 v16  }
0x70a: {  	v17 =	vld [tilespmem:s1+$0xFFFFFFB0];
	v11 =	vcvt.f32.s32 v11;
	v16 =	vcvt.f32.s32 v13  }
0x70b: {  	v14 =	vld [tilespmem:s24+$0x3D60]  }
0x70c: {  	v15 =	vld [tilespmem:s1+$0x30];
	v11 =	vshll.u32 v11, $0x4  }
0x70d: {  	v13 =	vld [tilespmem:s28+$0xFFFFFFA0];
	v11 =	vadd.s32 v4, v11  }
0x70e: {  	s30 =	simm.s32 $0x600;
	s11 =	simm.s32 $0xF780;
	v12 =	vld [tilespmem:s0+$0xFFFFFFE0];
	v18 =	vshll.u32 v16, $0x4;
	v16 =	vmov v10  }
.LBB2_8:
0x70f: {  	s12 =	sshra.s32 s30, $0x2;
	p1 =	sne.s32 s30, $0xF200;
	s30 =	sadd.s32 $0x200, s30;
	v18 =	vadd.s32 v5, v18;
	v19 =	vld [tilespmem:s0+$0x60]  }
0x710: {  	v14 =	vtrunc.f32 v14;
	v20 =	vld [tilespmem:s11+$0xFFFFFF80]  }
0x711: {  	v14 =	vcvt.f32.s32 v14;
	v21 =	vld [tilespmem:s11+$0x0]  }
0x712: {  	v16 =	vmul.f32 v16, v10;
	v22 =	vmul.f32 v13, v13;
	[tilespmem:v11+s19+$0x0] =	vst.idx.add.f32.msk $0xffff, v2  }
0x713: {  	v25 =	vmul.f32 v15, v15;
	v14 =	vshll.u32 v14, $0x4;
	v23 =	vld [tilespmem:s12+$0x3D00];
	v24 =	vmul.f32 v17, v17  }
0x714: {  	v14 =	vadd.s32 v8, v14;
	v22 =	vadd.f32 v16, v22;
	[tilespmem:v18+s19+$0x0] =	vst.idx.add.f32.msk $0xffff, v2  }
0x715: {  	v16 =	vadd.f32 v25, v24;
	[tilespmem:v18+s20+$0x0] =	vst.idx.add.f32.msk $0xffff, v17;
	v17 =	vmul.f32 v19, v19  }
0x716: {  	[tilespmem:v18+s21+$0x0] =	vst.idx.add.f32.msk $0xffff, v15  }
0x717: {  	[tilespmem:v18+s22+$0x0] =	vst.idx.add.f32.msk $0xffff, v16  }
0x718: {  	v15 =	vtrunc.f32 v23;
	v16 =	vld [tilespmem:s1+$0xFFFFFFC0]  }
0x719: {  	v15 =	vcvt.f32.s32 v15;
	[tilespmem:v14+s19+$0x0] =	vst.idx.add.f32.msk $0xffff, v2  }
0x71a: {  	v23 =	vmul.f32 v12, v12;
	v18 =	vld [tilespmem:s1+$0x40]  }
0x71b: {  	v15 =	vshll.u32 v15, $0x4;
	v24 =	vld [tilespmem:s26+$0x3D40]  }
0x71c: {  	v17 =	vadd.f32 v17, v23;
	v15 =	vor.u32 v0, v15;
	[tilespmem:v14+s20+$0x0] =	vst.idx.add.f32.msk $0xffff, v12  }
0x71d: {  	v12 =	vmul.f32 v21, v21;
	[tilespmem:v14+s21+$0x0] =	vst.idx.add.f32.msk $0xffff, v19  }
0x71e: {  	[tilespmem:v14+s22+$0x0] =	vst.idx.add.f32.msk $0xffff, v17  }
0x71f: {  	v14 =	vld [tilespmem:s24+$0x3D70];
	s24 =	smov.u32 s26;
	s26 =	smov.u32 s29;
	s29 =	smov.u32 s12  }
0x720: {  	v17 =	vmul.f32 v20, v20;
	v19 =	vtrunc.f32 v24;
	v23 =	vld [tilespmem:s0+$0xFFFFFFF0]  }
0x721: {  	[tilespmem:v15+s19+$0x0] =	vst.idx.add.f32.msk $0xffff, v2;
	v19 =	vcvt.f32.s32 v19  }
0x722: {  	v12 =	vadd.f32 v12, v17;
	[tilespmem:v15+s20+$0x0] =	vst.idx.add.f32.msk $0xffff, v20  }
0x723: {  	[tilespmem:v15+s21+$0x0] =	vst.idx.add.f32.msk $0xffff, v21;
	v17 =	vshll.u32 v19, $0x4  }
0x724: {  	[tilespmem:v15+s22+$0x0] =	vst.idx.add.f32.msk $0xffff, v12;
	v12 =	vadd.s32 v6, v17;
	v14 =	vtrunc.f32 v14  }
0x725: {  	v17 =	vmul.f32 v16, v16;
	v15 =	vld [tilespmem:s11+$0x10];
	v14 =	vcvt.f32.s32 v14  }
0x726: {  	v19 =	vld [tilespmem:s11+$0xFFFFFF90]  }
0x727: {  	v21 =	vmul.f32 v18, v18;
	v20 =	vld [tilespmem:s29+$0x3D10];
	v14 =	vshll.u32 v14, $0x4  }
0x728: {  	v24 =	vld [tilespmem:s0+$0x70];
	s0 =	smov.u32 s1;
	s1 =	smov.u32 s28;
	s28 =	smov.u32 s11  }
0x729: {  	v17 =	vadd.f32 v21, v17;
	v14 =	vadd.s32 v9, v14;
	[tilespmem:v12+s19+$0x0] =	vst.idx.add.f32.msk $0xffff, v2  }
0x72a: {  	[tilespmem:v12+s20+$0x0] =	vst.idx.add.f32.msk $0xffff, v16  }
0x72b: {  	[tilespmem:v12+s21+$0x0] =	vst.idx.add.f32.msk $0xffff, v18  }
0x72c: {  	v16 =	vtrunc.f32 v20;
	[tilespmem:v12+s22+$0x0] =	vst.idx.add.f32.msk $0xffff, v17;
	v12 =	vmul.f32 v23, v23  }
0x72d: {  	v16 =	vcvt.f32.s32 v16;
	v17 =	vld [tilespmem:s24+$0x3D50];
	v18 =	vmul.f32 v24, v24  }
0x72e: {  	[tilespmem:v14+s19+$0x0] =	vst.idx.add.f32.msk $0xffff, v2  }
0x72f: {  	v16 =	vshll.u32 v16, $0x4;
	v12 =	vadd.f32 v18, v12;
	[tilespmem:v14+s20+$0x0] =	vst.idx.add.f32.msk $0xffff, v23  }
0x730: {  	v16 =	vadd.s32 v3, v16;
	[tilespmem:v14+s21+$0x0] =	vst.idx.add.f32.msk $0xffff, v24  }
0x731: {  	[tilespmem:v14+s22+$0x0] =	vst.idx.add.f32.msk $0xffff, v12  }
0x732: {  	v12 =	vtrunc.f32 v17;
	v14 =	vld [tilespmem:s0+$0xFFFFFFD0]  }
0x733: {  	v12 =	vcvt.f32.s32 v12;
	v17 =	vld [tilespmem:s0+$0x50]  }
0x734: {  	v20 =	vmul.f32 v15, v15;
	v18 =	vmul.f32 v19, v19;
	[tilespmem:v11+s20+$0x0] =	vst.idx.add.f32.msk $0xffff, v13  }
0x735: {  	[tilespmem:v16+s19+$0x0] =	vst.idx.add.f32.msk $0xffff, v2;
	v12 =	vshll.u32 v12, $0x4  }
0x736: {  	v13 =	vadd.f32 v20, v18;
	[tilespmem:v16+s20+$0x0] =	vst.idx.add.f32.msk $0xffff, v19  }
0x737: {  	v12 =	vadd.s32 v7, v12;
	[tilespmem:v16+s21+$0x0] =	vst.idx.add.f32.msk $0xffff, v15  }
0x738: {  	[tilespmem:v16+s22+$0x0] =	vst.idx.add.f32.msk $0xffff, v13;
	v13 =	vmul.f32 v17, v17  }
0x739: {  	v15 =	vld [tilespmem:s29+$0x3D20]  }
0x73a: {  	v16 =	vld [tilespmem:s11+$0x20]  }
0x73b: {  	[tilespmem:v11+s21+$0x0] =	vst.idx.add.f32.msk $0xffff, v10  }
0x73c: {  	[tilespmem:v12+s19+$0x0] =	vst.idx.add.f32.msk $0xffff, v2  }
0x73d: {  	v1 =	vmul.f32 v14, v14;
	[tilespmem:v11+s22+$0x0] =	vst.idx.add.f32.msk $0xffff, v22  }
0x73e: {  	v11 =	vld [tilespmem:s26+$0x3D30]  }
0x73f: {  	v13 =	vadd.f32 v13, v1;
	[tilespmem:v12+s20+$0x0] =	vst.idx.add.f32.msk $0xffff, v14;
	v10 =	vmov v16  }
0x740: {  	[tilespmem:v12+s21+$0x0] =	vst.idx.add.f32.msk $0xffff, v17  }
0x741: {  	v14 =	vtrunc.f32 v15;
	[tilespmem:v12+s22+$0x0] =	vst.idx.add.f32.msk $0xffff, v13  }
.Ltmp5:
0x742: {  	v13 =	vcvt.f32.s32 v14;
	v14 =	vld [tilespmem:s24+$0x3D60];
	(pc) =	sbr.rel @p1 .LBB2_8-.Ltmp5, $4  }
0x743: {  	v11 =	vtrunc.f32 v11;
	v12 =	vld [tilespmem:s0+$0xFFFFFFE0]  }
0x744: {  	v17 =	vshll.u32 v13, $0x4;
	v18 =	vcvt.f32.s32 v11;
	v15 =	vld [tilespmem:s1+$0x30]  }
0x745: {  	v11 =	vadd.s32 v4, v17;
	v13 =	vld [tilespmem:s11+$0xFFFFFFA0]  }
0x746: {  	s11 =	sadd.s32 $0x100, s11;
	v17 =	vld [tilespmem:s1+$0xFFFFFFB0];
	v18 =	vshll.u32 v18, $0x4  }
0x747: {  	_ =	sdelay $0x2  }
0x748: {  	v16 =	vmul.f32 v16, v10;
	v19 =	vmul.f32 v13, v13  }
0x749: {  	[tilespmem:v11+s19+$0x0] =	vst.idx.add.f32.msk $0xffff, v2  }
0x74a: {  	[tilespmem:v11+s20+$0x0] =	vst.idx.add.f32.msk $0xffff, v13;
	v16 =	vadd.f32 v16, v19  }
0x74b: {  	[tilespmem:v11+s21+$0x0] =	vst.idx.add.f32.msk $0xffff, v10  }
0x74c: {  	[tilespmem:v11+s22+$0x0] =	vst.idx.add.f32.msk $0xffff, v16  }
0x74d: {  	v10 =	vld [tilespmem:s29+$0x3D30];
	_ =	sdelay $0x3  }
0x74e: {  	v11 =	vadd.s32 v5, v18  }
0x74f: {  	v10 =	vtrunc.f32 v10  }
0x750: {  	v10 =	vcvt.f32.s32 v10  }
0x751: {  	v13 =	vld [tilespmem:s28+$0x30]  }
0x752: {  	v22 =	vmul.f32 v15, v15;
	v21 =	vmul.f32 v17, v17;
	v23 =	vld [tilespmem:s28+$0xFFFFFFB0];
	v10 =	vshll.u32 v10, $0x4  }
0x753: {  	[tilespmem:v11+s19+$0x0] =	vst.idx.add.f32.msk $0xffff, v2;
	v10 =	vadd.s32 v5, v10  }
0x754: {  	v16 =	vadd.f32 v22, v21;
	[tilespmem:v11+s20+$0x0] =	vst.idx.add.f32.msk $0xffff, v17  }
0x755: {  	[tilespmem:v11+s21+$0x0] =	vst.idx.add.f32.msk $0xffff, v15  }
0x756: {  	[tilespmem:v11+s22+$0x0] =	vst.idx.add.f32.msk $0xffff, v16  }
0x757: {  	v24 =	vmul.f32 v23, v23;
	v25 =	vmul.f32 v13, v13;
	v11 =	vld [tilespmem:s26+$0x3D40]  }
0x758: {  	[tilespmem:v10+s19+$0x0] =	vst.idx.add.f32.msk $0xffff, v2  }
0x759: {  	v15 =	vadd.f32 v25, v24;
	[tilespmem:v10+s20+$0x0] =	vst.idx.add.f32.msk $0xffff, v23  }
0x75a: {  	[tilespmem:v10+s21+$0x0] =	vst.idx.add.f32.msk $0xffff, v13  }
0x75b: {  	[tilespmem:v10+s22+$0x0] =	vst.idx.add.f32.msk $0xffff, v15  }
0x75c: {  	v10 =	vtrunc.f32 v11;
	v11 =	vld [tilespmem:s29+$0x3D40]  }
0x75d: {  	v10 =	vcvt.f32.s32 v10  }
0x75e: {  	v26 =	vld [tilespmem:s1+$0xFFFFFFC0]  }
0x75f: {  	v27 =	vld [tilespmem:s1+$0x40];
	v10 =	vshll.u32 v10, $0x4  }
0x760: {  	v10 =	vadd.s32 v6, v10  }
0x761: {  	v11 =	vtrunc.f32 v11  }
0x762: {  	v11 =	vcvt.f32.s32 v11  }
0x763: {  	v28 =	vld [tilespmem:s28+$0xFFFFFFC0]  }
0x764: {  	v29 =	vmul.f32 v26, v26;
	v30 =	vmul.f32 v27, v27;
	v19 =	vld [tilespmem:s28+$0x40];
	v11 =	vshll.u32 v11, $0x4  }
0x765: {  	[tilespmem:v10+s19+$0x0] =	vst.idx.add.f32.msk $0xffff, v2;
	v11 =	vadd.s32 v6, v11  }
0x766: {  	v17 =	vadd.f32 v30, v29;
	[tilespmem:v10+s20+$0x0] =	vst.idx.add.f32.msk $0xffff, v26  }
0x767: {  	[tilespmem:v10+s21+$0x0] =	vst.idx.add.f32.msk $0xffff, v27  }
0x768: {  	v31 =	vtrunc.f32 v14;
	[tilespmem:v10+s22+$0x0] =	vst.idx.add.f32.msk $0xffff, v17  }
0x769: {  	v32 =	vmul.f32 v28, v28;
	v33 =	vmul.f32 v19, v19;
	v10 =	vld [tilespmem:s26+$0x3D50]  }
0x76a: {  	v13 =	vcvt.f32.s32 v31;
	[tilespmem:v11+s19+$0x0] =	vst.idx.add.f32.msk $0xffff, v2  }
0x76b: {  	v14 =	vadd.f32 v33, v32;
	[tilespmem:v11+s20+$0x0] =	vst.idx.add.f32.msk $0xffff, v28  }
0x76c: {  	v13 =	vshll.u32 v13, $0x4;
	[tilespmem:v11+s21+$0x0] =	vst.idx.add.f32.msk $0xffff, v19  }
0x76d: {  	v13 =	vadd.s32 v8, v13;
	[tilespmem:v11+s22+$0x0] =	vst.idx.add.f32.msk $0xffff, v14  }
0x76e: {  	v10 =	vtrunc.f32 v10;
	v11 =	vld [tilespmem:s29+$0x3D50]  }
0x76f: {  	v34 =	vld [tilespmem:s0+$0x60];
	v10 =	vcvt.f32.s32 v10  }
0x770: {  	v35 =	vld [tilespmem:s1+$0xFFFFFFD0]  }
0x771: {  	v36 =	vld [tilespmem:s1+$0x50];
	v10 =	vshll.u32 v10, $0x4  }
0x772: {  	[tilespmem:v13+s19+$0x0] =	vst.idx.add.f32.msk $0xffff, v2;
	v10 =	vadd.s32 v7, v10  }
0x773: {  	[tilespmem:v13+s20+$0x0] =	vst.idx.add.f32.msk $0xffff, v12;
	v11 =	vtrunc.f32 v11  }
0x774: {  	[tilespmem:v13+s21+$0x0] =	vst.idx.add.f32.msk $0xffff, v34;
	v11 =	vcvt.f32.s32 v11  }
0x775: {  	v37 =	vld [tilespmem:s28+$0xFFFFFFD0]  }
0x776: {  	v38 =	vmul.f32 v36, v36;
	v39 =	vmul.f32 v35, v35;
	v20 =	vld [tilespmem:s28+$0x50];
	v11 =	vshll.u32 v11, $0x4  }
0x777: {  	[tilespmem:v10+s19+$0x0] =	vst.idx.add.f32.msk $0xffff, v2;
	v11 =	vadd.s32 v7, v11  }
0x778: {  	v18 =	vadd.f32 v38, v39;
	[tilespmem:v10+s20+$0x0] =	vst.idx.add.f32.msk $0xffff, v35  }
0x779: {  	[tilespmem:v10+s21+$0x0] =	vst.idx.add.f32.msk $0xffff, v36  }
0x77a: {  	[tilespmem:v10+s22+$0x0] =	vst.idx.add.f32.msk $0xffff, v18  }
0x77b: {  	v40 =	vmul.f32 v20, v20;
	v41 =	vmul.f32 v37, v37;
	v10 =	vld [tilespmem:s26+$0x3D60]  }
0x77c: {  	v42 =	vmul.f32 v12, v12;
	[tilespmem:v11+s19+$0x0] =	vst.idx.add.f32.msk $0xffff, v2  }
0x77d: {  	v14 =	vmul.f32 v34, v34;
	v15 =	vadd.f32 v40, v41;
	[tilespmem:v11+s20+$0x0] =	vst.idx.add.f32.msk $0xffff, v37  }
0x77e: {  	[tilespmem:v11+s21+$0x0] =	vst.idx.add.f32.msk $0xffff, v20  }
0x77f: {  	v12 =	vadd.f32 v14, v42;
	[tilespmem:v11+s22+$0x0] =	vst.idx.add.f32.msk $0xffff, v15  }
0x780: {  	v10 =	vtrunc.f32 v10;
	v11 =	vld [tilespmem:s29+$0x3D60]  }
0x781: {  	[tilespmem:v13+s22+$0x0] =	vst.idx.add.f32.msk $0xffff, v12;
	v10 =	vcvt.f32.s32 v10  }
0x782: {  	v43 =	vld [tilespmem:s1+$0xFFFFFFE0]  }
0x783: {  	v44 =	vld [tilespmem:s1+$0x60];
	v10 =	vshll.u32 v10, $0x4  }
0x784: {  	v45 =	vld [tilespmem:s24+$0x3D70];
	v10 =	vadd.s32 v8, v10  }
0x785: {  	v46 =	vld [tilespmem:s0+$0xFFFFFFF0];
	v11 =	vtrunc.f32 v11  }
0x786: {  	v48 =	vld [tilespmem:s0+$0x70];
	v11 =	vcvt.f32.s32 v11  }
0x787: {  	v17 =	vld [tilespmem:s28+$0xFFFFFFE0]  }
0x788: {  	v49 =	vmul.f32 v44, v44;
	v50 =	vmul.f32 v43, v43;
	v20 =	vld [tilespmem:s28+$0x60];
	v11 =	vshll.u32 v11, $0x4  }
0x789: {  	[tilespmem:v10+s19+$0x0] =	vst.idx.add.f32.msk $0xffff, v2;
	v11 =	vadd.s32 v8, v11  }
0x78a: {  	v18 =	vadd.f32 v49, v50;
	[tilespmem:v10+s20+$0x0] =	vst.idx.add.f32.msk $0xffff, v43  }
0x78b: {  	v14 =	vtrunc.f32 v45;
	[tilespmem:v10+s21+$0x0] =	vst.idx.add.f32.msk $0xffff, v44  }
0x78c: {  	v51 =	vcvt.f32.s32 v14;
	[tilespmem:v10+s22+$0x0] =	vst.idx.add.f32.msk $0xffff, v18  }
0x78d: {  	v53 =	vmul.f32 v20, v20;
	v54 =	vmul.f32 v17, v17;
	v52 =	vld [tilespmem:s26+$0x3D70]  }
0x78e: {  	[tilespmem:v11+s19+$0x0] =	vst.idx.add.f32.msk $0xffff, v2  }
0x78f: {  	v13 =	vadd.f32 v53, v54;
	v10 =	vshll.u32 v51, $0x4;
	[tilespmem:v11+s20+$0x0] =	vst.idx.add.f32.msk $0xffff, v17  }
0x790: {  	v10 =	vadd.s32 v9, v10;
	[tilespmem:v11+s21+$0x0] =	vst.idx.add.f32.msk $0xffff, v20  }
0x791: {  	[tilespmem:v11+s22+$0x0] =	vst.idx.add.f32.msk $0xffff, v13  }
0x792: {  	v11 =	vld [tilespmem:s29+$0x3D70]  }
0x793: {  	v55 =	vmul.f32 v46, v46;
	v57 =	vld [tilespmem:s1+$0xFFFFFFF0];
	v12 =	vtrunc.f32 v52  }
0x794: {  	v56 =	vmul.f32 v48, v48;
	v58 =	vld [tilespmem:s1+$0x70];
	v12 =	vcvt.f32.s32 v12  }
0x795: {  	[tilespmem:v10+s19+$0x0] =	vst.idx.add.f32.msk $0xffff, v2  }
0x796: {  	v13 =	vadd.f32 v56, v55;
	[tilespmem:v10+s20+$0x0] =	vst.idx.add.f32.msk $0xffff, v46;
	v12 =	vshll.u32 v12, $0x4  }
0x797: {  	[tilespmem:v10+s21+$0x0] =	vst.idx.add.f32.msk $0xffff, v48;
	v12 =	vadd.s32 v9, v12;
	v11 =	vtrunc.f32 v11  }
0x798: {  	[tilespmem:v10+s22+$0x0] =	vst.idx.add.f32.msk $0xffff, v13;
	v10 =	vcvt.f32.s32 v11  }
0x799: {  	v59 =	vld [tilespmem:s28+$0x70]  }
0x79a: {  	v11 =	vld [tilespmem:s28+$0xFFFFFFF0];
	v10 =	vshll.u32 v10, $0x4  }
0x79b: {  	v60 =	vmul.f32 v57, v57;
	v61 =	vmul.f32 v58, v58;
	v10 =	vadd.s32 v9, v10  }
0x79c: {  	[tilespmem:v12+s19+$0x0] =	vst.idx.add.f32.msk $0xffff, v2  }
0x79d: {  	v16 =	vadd.f32 v61, v60;
	[tilespmem:v12+s20+$0x0] =	vst.idx.add.f32.msk $0xffff, v57  }
0x79e: {  	[tilespmem:v12+s21+$0x0] =	vst.idx.add.f32.msk $0xffff, v58  }
.Ltmp6:
0x79f: {  	v63 =	vmul.f32 v59, v59;
	[tilespmem:v12+s22+$0x0] =	vst.idx.add.f32.msk $0xffff, v16;
	v62 =	vmul.f32 v11, v11;
	(pc) =	sbr.rel @p0 .LBB2_11-.Ltmp6, $4  }
0x7a0: {  	[tilespmem:v10+s19+$0x0] =	vst.idx.add.f32.msk $0xffff, v2  }
0x7a1: {  	v12 =	vadd.f32 v63, v62;
	[tilespmem:v10+s20+$0x0] =	vst.idx.add.f32.msk $0xffff, v11  }
0x7a2: {  	[tilespmem:v10+s21+$0x0] =	vst.idx.add.f32.msk $0xffff, v59  }
0x7a3: {  	[tilespmem:v10+s22+$0x0] =	vst.idx.add.f32.msk $0xffff, v12  }
0x7a4: {  	s0 =	rddreg [dreg:$0x3];
	s1 =	simm.s32 $0x18480  }
0x7a5: {  	[tilespmem:s1], [sflag:$0x3] =	stream.linear.gather [hbm4b:s0+s2], $0x80, $0x38;
	[tilespmem:$0x18600] =	vst v63  }
0x7a6: {  	_ =	swait.ge [sflag:s25], $0x80  }
0x7a7: {  	[sflag:s25] =	ssyncset.done $0x0  }
0x7a8: {  	s30 =	simm.s32 $0x18500;
	s29 =	rddreg [dreg:$0x4];
	[sflag:s25] =	ssyncadd.s32 $0xFFFFFF80  }
0x7a9: {  	[tilespmem:s30], [sflag:$0x3] =	stream.linear.gather [hbm4b:s29+s2], $0x100, $0x38;
	[tilespmem:$0x18600] =	vst v63  }
0x7aa: {  	_ =	swait.ge [sflag:s25], $0x100  }
0x7ab: {  	[sflag:s25] =	ssyncset.done $0x0  }
0x7ac: {  	[sflag:s25] =	ssyncadd.s32 $0xFFFFFF00  }
0x7ad: {  	v10 =	vld [tilespmem:$0x18480];
	_ =	sdelay $0x4  }
0x7ae: {  	v10 =	vtrunc.f32 v10  }
0x7af: {  	v10 =	vcvt.f32.s32 v10  }
0x7b0: {  	v11 =	vld [tilespmem:$0x18500]  }
0x7b1: {  	v12 =	vld [tilespmem:$0x18580];
	v10 =	vshll.u32 v10, $0x4  }
0x7b2: {  	v10 =	vor.u32 v0, v10;
	_ =	sdelay $0x3  }
0x7b3: {  	v13 =	vmul.f32 v11, v11;
	v14 =	vmul.f32 v12, v12  }
0x7b4: {  	[tilespmem:v10+s19+$0x0] =	vst.idx.add.f32.msk $0xffff, v2  }
0x7b5: {  	v13 =	vadd.f32 v14, v13;
	[tilespmem:v10+s20+$0x0] =	vst.idx.add.f32.msk $0xffff, v11  }
0x7b6: {  	[tilespmem:v10+s21+$0x0] =	vst.idx.add.f32.msk $0xffff, v12  }
0x7b7: {  	[tilespmem:v10+s22+$0x0] =	vst.idx.add.f32.msk $0xffff, v13  }
0x7b8: {  	v10 =	vld [tilespmem:$0x18490];
	_ =	sdelay $0x4  }
0x7b9: {  	v10 =	vtrunc.f32 v10  }
0x7ba: {  	v10 =	vcvt.f32.s32 v10  }
0x7bb: {  	v11 =	vld [tilespmem:$0x18510]  }
0x7bc: {  	v12 =	vld [tilespmem:$0x18590];
	v10 =	vshll.u32 v10, $0x4  }
0x7bd: {  	v10 =	vadd.s32 v3, v10;
	_ =	sdelay $0x3  }
0x7be: {  	v50 =	vmul.f32 v11, v11;
	v51 =	vmul.f32 v12, v12  }
0x7bf: {  	[tilespmem:v10+s19+$0x0] =	vst.idx.add.f32.msk $0xffff, v2  }
0x7c0: {  	v13 =	vadd.f32 v51, v50;
	[tilespmem:v10+s20+$0x0] =	vst.idx.add.f32.msk $0xffff, v11  }
0x7c1: {  	[tilespmem:v10+s21+$0x0] =	vst.idx.add.f32.msk $0xffff, v12  }
0x7c2: {  	[tilespmem:v10+s22+$0x0] =	vst.idx.add.f32.msk $0xffff, v13  }
0x7c3: {  	v10 =	vld [tilespmem:$0x184A0];
	_ =	sdelay $0x4  }
0x7c4: {  	v10 =	vtrunc.f32 v10  }
0x7c5: {  	v10 =	vcvt.f32.s32 v10  }
0x7c6: {  	v11 =	vld [tilespmem:$0x18520]  }
0x7c7: {  	v12 =	vld [tilespmem:$0x185A0];
	v10 =	vshll.u32 v10, $0x4  }
0x7c8: {  	v10 =	vadd.s32 v4, v10;
	_ =	sdelay $0x3  }
0x7c9: {  	v52 =	vmul.f32 v11, v11;
	v53 =	vmul.f32 v12, v12  }
0x7ca: {  	[tilespmem:v10+s19+$0x0] =	vst.idx.add.f32.msk $0xffff, v2  }
0x7cb: {  	v13 =	vadd.f32 v53, v52;
	[tilespmem:v10+s20+$0x0] =	vst.idx.add.f32.msk $0xffff, v11  }
0x7cc: {  	[tilespmem:v10+s21+$0x0] =	vst.idx.add.f32.msk $0xffff, v12  }
0x7cd: {  	[tilespmem:v10+s22+$0x0] =	vst.idx.add.f32.msk $0xffff, v13  }
0x7ce: {  	v10 =	vld [tilespmem:$0x184B0];
	_ =	sdelay $0x4  }
0x7cf: {  	v10 =	vtrunc.f32 v10  }
0x7d0: {  	v10 =	vcvt.f32.s32 v10  }
0x7d1: {  	v11 =	vld [tilespmem:$0x18530]  }
0x7d2: {  	v12 =	vld [tilespmem:$0x185B0];
	v10 =	vshll.u32 v10, $0x4  }
0x7d3: {  	v10 =	vadd.s32 v5, v10;
	_ =	sdelay $0x3  }
0x7d4: {  	v54 =	vmul.f32 v11, v11;
	v55 =	vmul.f32 v12, v12  }
0x7d5: {  	[tilespmem:v10+s19+$0x0] =	vst.idx.add.f32.msk $0xffff, v2  }
0x7d6: {  	v13 =	vadd.f32 v55, v54;
	[tilespmem:v10+s20+$0x0] =	vst.idx.add.f32.msk $0xffff, v11  }
0x7d7: {  	[tilespmem:v10+s21+$0x0] =	vst.idx.add.f32.msk $0xffff, v12  }
0x7d8: {  	[tilespmem:v10+s22+$0x0] =	vst.idx.add.f32.msk $0xffff, v13  }
0x7d9: {  	v10 =	vld [tilespmem:$0x184C0];
	_ =	sdelay $0x4  }
0x7da: {  	v10 =	vtrunc.f32 v10  }
0x7db: {  	v10 =	vcvt.f32.s32 v10  }
0x7dc: {  	v11 =	vld [tilespmem:$0x18540]  }
0x7dd: {  	v12 =	vld [tilespmem:$0x185C0];
	v10 =	vshll.u32 v10, $0x4  }
0x7de: {  	v10 =	vadd.s32 v6, v10;
	_ =	sdelay $0x3  }
0x7df: {  	v56 =	vmul.f32 v11, v11;
	v57 =	vmul.f32 v12, v12  }
0x7e0: {  	[tilespmem:v10+s19+$0x0] =	vst.idx.add.f32.msk $0xffff, v2  }
0x7e1: {  	v13 =	vadd.f32 v57, v56;
	[tilespmem:v10+s20+$0x0] =	vst.idx.add.f32.msk $0xffff, v11  }
0x7e2: {  	[tilespmem:v10+s21+$0x0] =	vst.idx.add.f32.msk $0xffff, v12  }
0x7e3: {  	[tilespmem:v10+s22+$0x0] =	vst.idx.add.f32.msk $0xffff, v13  }
0x7e4: {  	v10 =	vld [tilespmem:$0x184D0];
	_ =	sdelay $0x4  }
0x7e5: {  	v10 =	vtrunc.f32 v10  }
0x7e6: {  	v10 =	vcvt.f32.s32 v10  }
0x7e7: {  	v11 =	vld [tilespmem:$0x18550]  }
0x7e8: {  	v12 =	vld [tilespmem:$0x185D0];
	v10 =	vshll.u32 v10, $0x4  }
0x7e9: {  	v10 =	vadd.s32 v7, v10;
	_ =	sdelay $0x3  }
0x7ea: {  	v58 =	vmul.f32 v11, v11;
	v59 =	vmul.f32 v12, v12  }
0x7eb: {  	[tilespmem:v10+s19+$0x0] =	vst.idx.add.f32.msk $0xffff, v2  }
0x7ec: {  	v13 =	vadd.f32 v59, v58;
	[tilespmem:v10+s20+$0x0] =	vst.idx.add.f32.msk $0xffff, v11  }
0x7ed: {  	[tilespmem:v10+s21+$0x0] =	vst.idx.add.f32.msk $0xffff, v12  }
0x7ee: {  	[tilespmem:v10+s22+$0x0] =	vst.idx.add.f32.msk $0xffff, v13  }
0x7ef: {  	v10 =	vld [tilespmem:$0x184E0];
	_ =	sdelay $0x4  }
0x7f0: {  	v10 =	vtrunc.f32 v10  }
0x7f1: {  	v10 =	vcvt.f32.s32 v10  }
0x7f2: {  	v11 =	vld [tilespmem:$0x18560]  }
0x7f3: {  	v12 =	vld [tilespmem:$0x185E0];
	v10 =	vshll.u32 v10, $0x4  }
0x7f4: {  	v10 =	vadd.s32 v8, v10;
	_ =	sdelay $0x3  }
0x7f5: {  	v60 =	vmul.f32 v11, v11;
	v61 =	vmul.f32 v12, v12  }
0x7f6: {  	[tilespmem:v10+s19+$0x0] =	vst.idx.add.f32.msk $0xffff, v2  }
0x7f7: {  	v13 =	vadd.f32 v61, v60;
	[tilespmem:v10+s20+$0x0] =	vst.idx.add.f32.msk $0xffff, v11  }
0x7f8: {  	[tilespmem:v10+s21+$0x0] =	vst.idx.add.f32.msk $0xffff, v12  }
0x7f9: {  	[tilespmem:v10+s22+$0x0] =	vst.idx.add.f32.msk $0xffff, v13  }
0x7fa: {  	v10 =	vld [tilespmem:$0x184F0];
	_ =	sdelay $0x4  }
0x7fb: {  	v10 =	vtrunc.f32 v10  }
0x7fc: {  	v10 =	vcvt.f32.s32 v10  }
0x7fd: {  	v11 =	vld [tilespmem:$0x18570]  }
0x7fe: {  	v12 =	vld [tilespmem:$0x185F0];
	v10 =	vshll.u32 v10, $0x4  }
0x7ff: {  	v10 =	vadd.s32 v9, v10;
	_ =	sdelay $0x3  }
.Ltmp7:
0x800: {  	v62 =	vmul.f32 v11, v11;
	v63 =	vmul.f32 v12, v12;
	(pc) =	sbr.rel .LBB2_11-.Ltmp7, $4  }
0x801: {  	[tilespmem:v10+s19+$0x0] =	vst.idx.add.f32.msk $0xffff, v2  }
0x802: {  	v13 =	vadd.f32 v63, v62;
	[tilespmem:v10+s20+$0x0] =	vst.idx.add.f32.msk $0xffff, v11  }
0x803: {  	[tilespmem:v10+s21+$0x0] =	vst.idx.add.f32.msk $0xffff, v12  }
0x804: {  	[tilespmem:v10+s22+$0x0] =	vst.idx.add.f32.msk $0xffff, v13  }
.LBB2_12:
0x805: {  	_ =	sfence.sel $0x180000  }
0x806: {  	[bflag:$0x0] =	sbarrier.arrive $0xFFFF  }
0x807: {  	_ =	strace $0x90000047  }
0x808: {  	s0 =	stileid.u32;
	[bflag:$0x2] =	sbarrier.arrive $0xFFFF  }
0x809: {  	p0 =	sne.s32 s0, $0x0;
	s0 =	rddreg [dreg:$0x2]  }
0x80a: {  	s0 =	sadd.s32 @!p0 $0x100000, s0  }
0x80b: {  	[sflag:s0] =	ssyncadd.tile.s32 @!p0 $0x1;
	_ =	shalt  }
.Lfunc_end2:
_tile_overlayer_lowered:
.L_overlay_start_2:
0x80c: {  	(tag) =	ssettag $0x2  }
0x80d: {  	s0 =	rddreg [dreg:$0x0];
	s2 =	stileid.u32  }
0x80e: {  	s1 =	rddreg [dreg:$0x1];
	p0 =	sne.s32 s2, $0x0  }
0x80f: {  	s3 =	rddreg [dreg:$0x2];
	[bflag:$0x3] =	sbarrier.arrive $0xFFFF;
	s2 =	simm.s32 @!p0 $0x1C03  }
0x810: {  	[timem:s3], [sflag:s2] =	dma.local @!p0 [hbm:s0], s1  }
0x811: {  	s0 =	simm.s32 @!p0 $0x3  }
0x812: {  	_ =	swait.ge @!p0 [sflag:s0], s1  }
0x813: {  	s1 =	ssub.s32 @!p0 $0x0, s1;
	[sflag:s0] =	ssyncset.done @!p0 $0x0  }
0x814: {  	[sflag:s0] =	ssyncadd.s32 @!p0 s1  }
0x815: {  	[bflag:$0x3] =	sbarrier.arrive $0xFFFF  }
0x816: {  	_ =	shalt  }

</sc_bundles>
